<compile_context>
chip_gen: v7x
topology: tpu7x:2x2x1
jax: 0.10.2.dev20260603
libtpu: 0.0.44.dev20260713+nightly
codegen_flags: <defaults>
</compile_context>

<pallas_src>
import functools

import jax
import jax.numpy as jnp
from jax import lax
from jax.experimental import pallas as pl
from jax.experimental.pallas import tpu as pltpu
from jax.experimental.pallas import tpu_sc as plsc

NC = 2
NS = 16
NT = NC * NS
NO = 8
OW = 8
NP = NO // NC


def _round_up(v, m):
    return ((v + m - 1) // m) * m


def _make_deg_kernel(npad, ept32):
    mesh = plsc.VectorSubcoreMesh(
        core_axis_name="c", subcore_axis_name="s", num_cores=NC,
        num_subcores=NS)

    @functools.partial(
        pl.kernel,
        out_type=jax.ShapeDtypeStruct((NT, npad), jnp.float32),
        mesh=mesh,
        compiler_params=pltpu.CompilerParams(
            needs_layout_passes=False, use_tc_tiling_on_sc=False),
        scratch_types=[
            pltpu.VMEM((ept32,), jnp.int32),
            pltpu.VMEM((npad,), jnp.float32),
        ],
    )
    def deg_kernel(col_hbm, out_hbm, col_v, acc_v):
        c = lax.axis_index("c")
        s = lax.axis_index("s")
        w = s * NC + c
        pltpu.sync_copy(col_hbm.at[w], col_v)
        zeros = jnp.zeros((16,), jnp.float32)

        def zloop(k, _):
            acc_v[pl.ds(k * 16, 16)] = zeros
            return 0

        lax.fori_loop(0, npad // 16, zloop, 0)
        ones = jnp.ones((16,), jnp.float32)

        def cloop(k, _):
            idx = col_v[pl.ds(k * 16, 16)]
            plsc.addupdate_scatter(acc_v, [idx], ones)
            return 0

        lax.fori_loop(0, ept32 // 16, cloop, 0)
        pltpu.sync_copy(acc_v, out_hbm.at[w])

    return deg_kernel


def _make_agg_kernel(npad, ept16, ch):
    rpt = npad // NS
    zch = rpt // 128
    mesh = plsc.VectorSubcoreMesh(
        core_axis_name="c", subcore_axis_name="s", num_cores=NC,
        num_subcores=NS)

    @functools.partial(
        pl.kernel,
        out_type=jax.ShapeDtypeStruct((NO * npad, OW), jnp.float32),
        mesh=mesh,
        compiler_params=pltpu.CompilerParams(
            needs_layout_passes=False, use_tc_tiling_on_sc=False),
        scratch_types=[
            pltpu.VMEM((ept16,), jnp.int32),
            pltpu.VMEM((ch, 128), jnp.int32),
            pltpu.VMEM((4, 128, OW), jnp.float32),
            pltpu.VMEM((128, OW), jnp.float32),
            pltpu.VMEM_SHARED((npad, OW), jnp.float32),
            pltpu.SemaphoreType.DMA((4,)),
        ],
    )
    def agg_kernel(tp_hbm, row_hbm, col_hbm, zeros_hbm, out_hbm,
                   row_v, col_v, msg_v, zrow_v, acc_sh, gsem):
        c = lax.axis_index("c")
        s = lax.axis_index("s")
        pltpu.sync_copy(row_hbm.at[s], row_v)
        pltpu.sync_copy(col_hbm.at[s], col_v)
        pltpu.sync_copy(zeros_hbm, zrow_v)
        base = c * (NP * npad)

        def adj0(k, _):
            row_v[pl.ds(k * 16, 16)] = row_v[pl.ds(k * 16, 16)] * NP + base
            return 0

        def adj1(k, _):
            row_v[pl.ds(k * 16, 16)] = row_v[pl.ds(k * 16, 16)] + 1
            return 0

        lax.fori_loop(0, ept16 // 16, adj0, 0)

        def z2(k, _):
            pltpu.sync_copy(zrow_v, acc_sh.at[pl.ds(s * rpt + k * 128, 128)])
            return 0

        def g_start(j, b):
            pltpu.async_copy(
                tp_hbm.at[row_v.at[pl.ds(j * 128, 128)]],
                msg_v.at[b], gsem.at[b])

        def g_wait(j, b):
            pltpu.make_async_copy(
                tp_hbm.at[row_v.at[pl.ds(j * 128, 128)]],
                msg_v.at[b], gsem.at[b]).wait()

        def ring(k, _):
            for u in range(4):
                j = k * 4 + u

                @pl.when(j + 3 < ch)
                def _(j=j):
                    g_start(j + 3, (j + 3) % 4)

                @pl.when(j < ch)
                def _(j=j, u=u):
                    g_wait(j, u)
                    pltpu.sync_copy(
                        msg_v.at[u], acc_sh.at[col_v.at[j]], add=True)
            return 0

        for p in range(NP):
            if p:
                lax.fori_loop(0, ept16 // 16, adj1, 0)
            lax.fori_loop(0, zch, z2, 0)
            plsc.subcore_barrier()
            for b in range(min(3, ch)):
                g_start(b, b)
            lax.fori_loop(0, (ch + 3) // 4, ring, 0)
            plsc.subcore_barrier()
            pltpu.sync_copy(
                acc_sh.at[pl.ds(s * rpt, rpt)],
                out_hbm.at[pl.ds((c * NP + p) * npad + s * rpt, rpt)])

    return agg_kernel


def _cat_s(s_ref):
    return jnp.concatenate([s_ref[o] for o in range(NO)], axis=1)


def _cat_tp(tp_ref):
    return jnp.concatenate([tp_ref[0], tp_ref[1]], axis=1)


def _store_tp(t, tp_ref):
    tp_ref[0] = t[:, :32]
    tp_ref[1] = t[:, 32:]


def _a_body(n, bn, x_ref, deg_ref, wemb_ref, bemb_ref, wc_ref, dinv_ref,
            tp_ref):
    xb = x_ref[...]
    h0 = jnp.dot(xb, wemb_ref[...],
                 preferred_element_type=jnp.float32) + bemb_ref[...]
    deg_col = lax.dot_general(
        deg_ref[...], jnp.ones((NT, 1), jnp.float32),
        (((0,), (0,)), ((), ())), preferred_element_type=jnp.float32)
    dinv = lax.rsqrt(deg_col + 1.0)
    dinv_ref[...] = dinv
    t = jnp.dot(h0, wc_ref[...], preferred_element_type=jnp.float32) * dinv
    rows = pl.program_id(0) * bn + lax.broadcasted_iota(jnp.int32, (bn, 1), 0)
    _store_tp(jnp.where(rows < n, t, 0.0), tp_ref)


def _b_body(n, bn, s_ref, tp_ref, dinv_ref, bc_ref, wc_ref, out_ref):
    s64 = _cat_s(s_ref)
    t64 = _cat_tp(tp_ref)
    dinv = dinv_ref[...]
    h = jnp.maximum(dinv * (s64 + t64) + bc_ref[...], 0.0)
    t = jnp.dot(h, wc_ref[...], preferred_element_type=jnp.float32) * dinv
    rows = pl.program_id(0) * bn + lax.broadcasted_iota(jnp.int32, (bn, 1), 0)
    _store_tp(jnp.where(rows < n, t, 0.0), out_ref)


def _c_body(n, bn, s_ref, tp_ref, dinv_ref, bc_ref, batch_ref, w1_ref,
            b1_ref, w2_ref, b2_ref, pred_ref, sums_ref, cnt_ref):
    i = pl.program_id(0)
    s64 = _cat_s(s_ref)
    t64 = _cat_tp(tp_ref)
    dinv = dinv_ref[...]
    h = jnp.maximum(dinv * (s64 + t64) + bc_ref[...], 0.0)
    rows = i * bn + lax.broadcasted_iota(jnp.int32, (bn, 1), 0)
    valid = rows < n
    hm = jnp.where(valid, h, 0.0)
    bcol = batch_ref[0]
    iota_g = lax.broadcasted_iota(jnp.int32, (bn, 128), 1)
    oh = jnp.where((bcol == iota_g) & valid, 1.0, 0.0)

    @pl.when(i == 0)
    def _():
        sums_ref[...] = jnp.zeros_like(sums_ref)
        cnt_ref[...] = jnp.zeros_like(cnt_ref)

    sums_ref[...] += lax.dot_general(
        oh, hm, (((0,), (0,)), ((), ())), preferred_element_type=jnp.float32)
    cnt_ref[...] += lax.dot_general(
        oh, jnp.ones((bn, 8), jnp.float32), (((0,), (0,)), ((), ())),
        preferred_element_type=jnp.float32)
    graph = sums_ref[...] / jnp.maximum(cnt_ref[...][:, 0:1], 1.0)
    p = jnp.maximum(
        jnp.dot(graph, w1_ref[...], preferred_element_type=jnp.float32)
        + b1_ref[...], 0.0)
    pred_ref[...] = jnp.dot(
        p, w2_ref[...], preferred_element_type=jnp.float32) + b2_ref[...]


def kernel(x, edge_index, batch, W_emb, b_emb, Wc, bc, W1, b1, W2, b2):
    n = x.shape[0]
    e = edge_index.shape[1]
    h = W_emb.shape[1]
    num_unit = Wc.shape[0]
    npad = _round_up(n + 1, 2048)
    e_pad = _round_up(e, 2048)
    ept16 = e_pad // NS
    ch = ept16 // 128
    ept32 = e_pad // NT
    bn = 1024
    nblk = npad // bn

    row = edge_index[0]
    col = edge_index[1]
    pad = e_pad - e
    rowp = jnp.concatenate(
        [row, jnp.full((pad,), n, jnp.int32)]).astype(jnp.int32)
    colp = jnp.concatenate(
        [col, jnp.full((pad,), n, jnp.int32)]).astype(jnp.int32)
    col32 = colp.reshape(NT, ept32)
    row16 = rowp.reshape(NS, ept16)
    col16 = colp.reshape(NS, ch, 128)
    zeros_sc = jnp.zeros((128, OW), jnp.float32)
    xp = jnp.concatenate([x, jnp.zeros((npad - n, x.shape[1]), x.dtype)])
    batch3 = jnp.concatenate(
        [batch.astype(jnp.int32), jnp.zeros((npad - n,), jnp.int32)]
    ).reshape(nblk, bn, 1)

    bemb2 = b_emb.reshape(1, h)
    bc2 = bc.reshape(num_unit, 1, h)
    b12 = b1.reshape(1, h)
    b22 = b2.reshape(1, W2.shape[1])

    deg_kernel = _make_deg_kernel(npad, ept32)
    agg_kernel = _make_agg_kernel(npad, ept16, ch)

    deg_part = deg_kernel(col32)

    full = lambda shp: pl.BlockSpec(shp, lambda i: tuple(0 for _ in shp))
    tp_spec = pl.BlockSpec((NC, bn, 32), lambda i: (0, i, 0))
    s_spec = pl.BlockSpec((NO, bn, OW), lambda i: (0, i, 0))
    dinv_spec = pl.BlockSpec((bn, 1), lambda i: (i, 0))

    dinv, tp = pl.pallas_call(
        functools.partial(_a_body, n, bn),
        grid=(nblk,),
        in_specs=[
            pl.BlockSpec((bn, 4), lambda i: (i, 0)),
            pl.BlockSpec((NT, bn), lambda i: (0, i)),
            full((4, h)),
            full((1, h)),
            full((h, h)),
        ],
        out_specs=[dinv_spec, tp_spec],
        out_shape=[
            jax.ShapeDtypeStruct((npad, 1), jnp.float32),
            jax.ShapeDtypeStruct((NC, npad, 32), jnp.float32),
        ],
    )(xp, deg_part, W_emb, bemb2, Wc[0])

    wc_shift = jnp.concatenate([Wc[1:], Wc[:1]], axis=0)
    trip = num_unit + lax.shift_right_arithmetic(row[0], 31)

    def layer_cond(carry):
        return carry[0] < trip

    def layer_step(carry):
        i, tp_c, _, _ = carry
        wc_n = lax.dynamic_index_in_dim(wc_shift, i, keepdims=False)
        bc_i = lax.dynamic_index_in_dim(bc2, i, keepdims=False)
        s3 = agg_kernel(
            tp_c.reshape(NO * npad, OW), row16, col16, zeros_sc
        ).reshape(NO, npad, OW)
        tp_n = pl.pallas_call(
            functools.partial(_b_body, n, bn),
            grid=(nblk,),
            in_specs=[
                s_spec,
                tp_spec,
                dinv_spec,
                full((1, h)),
                full((h, h)),
            ],
            out_specs=tp_spec,
            out_shape=jax.ShapeDtypeStruct((NC, npad, 32), jnp.float32),
        )(s3, tp_c, dinv, bc_i, wc_n)
        return (i + 1, tp_n, tp_c, s3)

    init = (jnp.int32(0), tp, jnp.zeros_like(tp),
            jnp.zeros((NO, npad, OW), jnp.float32))
    _, _, tp, s_agg3 = lax.while_loop(layer_cond, layer_step, init)

    pred = pl.pallas_call(
        functools.partial(_c_body, n, bn),
        grid=(nblk,),
        in_specs=[
            s_spec,
            tp_spec,
            dinv_spec,
            full((1, h)),
            pl.BlockSpec((1, bn, 1), lambda i: (i, 0, 0)),
            full((h, h)),
            full((1, h)),
            full((h, W2.shape[1])),
            full((1, W2.shape[1])),
        ],
        out_specs=pl.BlockSpec((128, W2.shape[1]), lambda i: (0, 0)),
        out_shape=jax.ShapeDtypeStruct((128, W2.shape[1]), jnp.float32),
        scratch_shapes=[
            pltpu.VMEM((128, h), jnp.float32),
            pltpu.VMEM((128, 8), jnp.float32),
        ],
    )(s_agg3, tp, dinv, bc2[num_unit - 1], batch3,
      W1, b12, W2, b22)
    return pred

# --- scband reference (transcript-rebuilt; emitter-appended) ---
"""Pipeline reference for scband-ba3-motif-net-40321152974881 (READ-ONLY COPY).

The authoritative reference and input builder live on the scoring server;
editing this copy changes nothing except your own understanding.
"""

import jax, jax.numpy as jnp
import numpy as np

N = 50000
E = 800000
G = 128
H = 64
NUM_UNIT = 4

def setup_inputs(seed: int = 0) -> dict:
    key = jax.random.key(seed)
    ks = jax.random.split(key, 12)
    x = jax.random.normal(ks[0], (N, 4), dtype=jnp.float32)
    edge_index = jax.random.randint(ks[1], (2, E), 0, N, dtype=jnp.int32)
    batch = jnp.sort(jax.random.randint(ks[2], (N,), 0, G, dtype=jnp.int32))
    W_emb = jax.random.normal(ks[3], (4, H), dtype=jnp.float32) * 0.1
    b_emb = jnp.zeros((H,), dtype=jnp.float32)
    Wc = jax.random.normal(ks[4], (NUM_UNIT, H, H), dtype=jnp.float32) * 0.1
    bc = jnp.zeros((NUM_UNIT, H), dtype=jnp.float32)
    W1 = jax.random.normal(ks[5], (H, H), dtype=jnp.float32) * 0.1
    b1 = jnp.zeros((H,), dtype=jnp.float32)
    W2 = jax.random.normal(ks[6], (H, 3), dtype=jnp.float32) * 0.1
    b2 = jnp.zeros((3,), dtype=jnp.float32)
    return {"x": x, "edge_index": edge_index, "batch": batch,
            "W_emb": W_emb, "b_emb": b_emb, "Wc": Wc, "bc": bc,
            "W1": W1, "b1": b1, "W2": W2, "b2": b2}

def reference(x, edge_index, batch, W_emb, b_emb, Wc, bc, W1, b1, W2, b2):
    n = x.shape[0]
    row, col = edge_index[0], edge_index[1]
    loop = jnp.arange(n, dtype=row.dtype)
    row_sl = jnp.concatenate([row, loop])
    col_sl = jnp.concatenate([col, loop])
    # edge_attr = ones, plus self-loop weight 1 (PyG gcn_norm with add_self_loops=True)
    ew = jnp.ones((row_sl.shape[0],), dtype=x.dtype)
    deg = jax.ops.segment_sum(ew, col_sl, num_segments=n)
    dinv = jnp.where(deg > 0, deg ** -0.5, 0.0)
    norm = dinv[row_sl] * ew * dinv[col_sl]
    # node_emb (dropout omitted: deterministic reference)
    h = x @ W_emb + b_emb
    for i in range(NUM_UNIT):
        t = h @ Wc[i]
        msg = t[row_sl] * norm[:, None]
        h = jax.ops.segment_sum(msg, col_sl, num_segments=n) + bc[i]
        h = jax.nn.relu(h)
    # global_mean_pool
    sums = jax.ops.segment_sum(h, batch, num_segments=G)
    cnt = jax.ops.segment_sum(jnp.ones((n,), x.dtype), batch, num_segments=G)
    graph_x = sums / jnp.clip(cnt, 1.0)[:, None]
    pred = jax.nn.relu(graph_x @ W1 + b1)
    pred = pred @ W2 + b2
    return pred

if __name__ == "__main__":
    import jax
    _d = setup_inputs()
    print(jax.jit(kernel)(*tuple(_d.values())))

</pallas_src>

<mosaic_0001>
#map = affine_map<(d0, d1) -> (0, 0)>
module attributes {stable_mosaic.version = 14 : i64} {
  func.func @deg_kernel(%arg0: i32, %arg1: i32, %arg2: memref<32x25024xi32, #tpu.memory_space<hbm>>, %arg3: memref<32x51200xf32, #tpu.memory_space<hbm>>, %arg4: memref<25024xi32, #tpu.memory_space<vmem>>, %arg5: memref<51200xf32, #tpu.memory_space<vmem>>) attributes {dimension_semantics = [#tpu.dimension_semantics<core_parallel>, #tpu.dimension_semantics<subcore_parallel>], iteration_bounds = array<i64: 2, 16>, scalar_prefetch = 0 : i64, scratch_operands = 2 : i64, tpu.core_type = #tpu.core_type<sc_vector_subcore>, window_params = [{transform_indices = #map}, {transform_indices = #map}]} {
    %mul3A = arith.constant 2 : i32
    %mul3A_0 = arith.muli %arg1, %mul3A : i32
    %add3A = arith.addi %mul3A_0, %arg0 : i32
    "tpu.region"() ({
      %run_scoped3A = tpu.sem_alloc : memref<!tpu.dma_semaphore, #tpu.memory_space<semaphore_mem>>
      %dma_start3A = arith.constant 0 : i32
      %dma_start3A_17 = tpu.memref_slice %arg2[%add3A, %dma_start3A] : memref<32x25024xi32, #tpu.memory_space<hbm>> -> memref<1x25024xi32, #tpu.memory_space<hbm>>
      %dma_start3A_18 = tpu.memref_squeeze %dma_start3A_17 : memref<1x25024xi32, #tpu.memory_space<hbm>> -> memref<25024xi32, #tpu.memory_space<hbm>>
      %dma_start3A_19 = arith.constant 0 : i32
      %dma_start3A_20 = tpu.memref_slice %arg2[%add3A, %dma_start3A_19] : memref<32x25024xi32, #tpu.memory_space<hbm>> -> memref<1x25024xi32, #tpu.memory_space<hbm>>
      %dma_start3A_21 = tpu.memref_squeeze %dma_start3A_20 : memref<1x25024xi32, #tpu.memory_space<hbm>> -> memref<25024xi32, #tpu.memory_space<hbm>>
      tpu.enqueue_dma source(%dma_start3A_21 : memref<25024xi32, #tpu.memory_space<hbm>>) target(%arg4 : memref<25024xi32, #tpu.memory_space<vmem>>) target_semaphore(%run_scoped3A : memref<!tpu.dma_semaphore, #tpu.memory_space<semaphore_mem>>)
      %dma_wait3A = arith.constant 0 : i32
      %dma_wait3A_22 = tpu.memref_slice %arg2[%add3A, %dma_wait3A] : memref<32x25024xi32, #tpu.memory_space<hbm>> -> memref<1x25024xi32, #tpu.memory_space<hbm>>
      %dma_wait3A_23 = tpu.memref_squeeze %dma_wait3A_22 : memref<1x25024xi32, #tpu.memory_space<hbm>> -> memref<25024xi32, #tpu.memory_space<hbm>>
      %dma_wait3A_24 = arith.constant 0 : i32
      %dma_wait3A_25 = tpu.memref_slice %arg2[%add3A, %dma_wait3A_24] : memref<32x25024xi32, #tpu.memory_space<hbm>> -> memref<1x25024xi32, #tpu.memory_space<hbm>>
      %dma_wait3A_26 = tpu.memref_squeeze %dma_wait3A_25 : memref<1x25024xi32, #tpu.memory_space<hbm>> -> memref<25024xi32, #tpu.memory_space<hbm>>
      tpu.wait_dma2 semaphore(%run_scoped3A : memref<!tpu.dma_semaphore, #tpu.memory_space<semaphore_mem>>) src(%dma_wait3A_26 : memref<25024xi32, #tpu.memory_space<hbm>>) dst(%arg4 : memref<25024xi32, #tpu.memory_space<vmem>>)
      tpu.yield
    }) : () -> ()
    %broadcast_in_dim3A = arith.constant 0.000000e+00 : f32
    %broadcast_in_dim3A_1 = vector.broadcast %broadcast_in_dim3A : f32 to vector<16xf32>
    %scan3A = arith.constant 0 : i32
    %scan3A_2 = arith.constant 0 : i32
    %scan3A_3 = arith.constant 3200 : i32
    %scan3A_4 = arith.addi %scan3A_2, %scan3A_3 : i32
    %scan3A_5 = arith.constant 1 : i32
    %scan3A_6 = scf.for %scan3A_17 = %scan3A_2 to %scan3A_4 step %scan3A_5 iter_args(%scan3A_18 = %scan3A) -> (i32)  : i32 {
      %mul3A_19 = arith.constant 16 : i32
      %mul3A_20 = arith.muli %scan3A_17, %mul3A_19 : i32
      %swap3A = arith.index_cast %mul3A_20 : i32 to index
      %swap3A_21 = tpu.vector_load %arg5[%swap3A] {strides = array<i32>} : memref<51200xf32, #tpu.memory_space<vmem>>, vector<16xf32>,
      tpu.vector_store %arg5[%swap3A], %broadcast_in_dim3A_1 {strides = array<i32>} : memref<51200xf32, #tpu.memory_space<vmem>>, vector<16xf32>,
      %scan3A_22 = arith.constant 0 : i32
      scf.yield %scan3A_22 : i32
    }
    %scan3A_7 = arith.constant 3200 : i32
    %broadcast_in_dim3A_8 = arith.constant 1.000000e+00 : f32
    %broadcast_in_dim3A_9 = vector.broadcast %broadcast_in_dim3A_8 : f32 to vector<16xf32>
    %scan3A_10 = arith.constant 0 : i32
    %scan3A_11 = arith.constant 0 : i32
    %scan3A_12 = arith.constant 1564 : i32
    %scan3A_13 = arith.addi %scan3A_11, %scan3A_12 : i32
    %scan3A_14 = arith.constant 1 : i32
    %scan3A_15 = scf.for %scan3A_17 = %scan3A_11 to %scan3A_13 step %scan3A_14 iter_args(%scan3A_18 = %scan3A_10) -> (i32)  : i32 {
      %mul3A_19 = arith.constant 16 : i32
      %mul3A_20 = arith.muli %scan3A_17, %mul3A_19 : i32
      %get3A = arith.index_cast %mul3A_20 : i32 to index
      %get3A_21 = tpu.vector_load %arg4[%get3A] {strides = array<i32>} : memref<25024xi32, #tpu.memory_space<vmem>>, vector<16xi32>,
      tpu.vector_store_idx %arg5[%get3A_21], %broadcast_in_dim3A_9 {add = true} : memref<51200xf32, #tpu.memory_space<vmem>>[vector<16xi32>], vector<16xf32>,
      %scan3A_22 = arith.constant 0 : i32
      scf.yield %scan3A_22 : i32
    }
    %scan3A_16 = arith.constant 1564 : i32
    "tpu.region"() ({
      %run_scoped3A = tpu.sem_alloc : memref<!tpu.dma_semaphore, #tpu.memory_space<semaphore_mem>>
      %dma_start3A = arith.constant 0 : i32
      %dma_start3A_17 = tpu.memref_slice %arg3[%add3A, %dma_start3A] : memref<32x51200xf32, #tpu.memory_space<hbm>> -> memref<1x51200xf32, #tpu.memory_space<hbm>>
      %dma_start3A_18 = tpu.memref_squeeze %dma_start3A_17 : memref<1x51200xf32, #tpu.memory_space<hbm>> -> memref<51200xf32, #tpu.memory_space<hbm>>
      %dma_start3A_19 = arith.constant 0 : i32
      %dma_start3A_20 = tpu.memref_slice %arg3[%add3A, %dma_start3A_19] : memref<32x51200xf32, #tpu.memory_space<hbm>> -> memref<1x51200xf32, #tpu.memory_space<hbm>>
      %dma_start3A_21 = tpu.memref_squeeze %dma_start3A_20 : memref<1x51200xf32, #tpu.memory_space<hbm>> -> memref<51200xf32, #tpu.memory_space<hbm>>
      tpu.enqueue_dma source(%arg5 : memref<51200xf32, #tpu.memory_space<vmem>>) target(%dma_start3A_21 : memref<51200xf32, #tpu.memory_space<hbm>>) target_semaphore(%run_scoped3A : memref<!tpu.dma_semaphore, #tpu.memory_space<semaphore_mem>>)
      %dma_wait3A = arith.constant 0 : i32
      %dma_wait3A_22 = tpu.memref_slice %arg3[%add3A, %dma_wait3A] : memref<32x51200xf32, #tpu.memory_space<hbm>> -> memref<1x51200xf32, #tpu.memory_space<hbm>>
      %dma_wait3A_23 = tpu.memref_squeeze %dma_wait3A_22 : memref<1x51200xf32, #tpu.memory_space<hbm>> -> memref<51200xf32, #tpu.memory_space<hbm>>
      %dma_wait3A_24 = arith.constant 0 : i32
      %dma_wait3A_25 = tpu.memref_slice %arg3[%add3A, %dma_wait3A_24] : memref<32x51200xf32, #tpu.memory_space<hbm>> -> memref<1x51200xf32, #tpu.memory_space<hbm>>
      %dma_wait3A_26 = tpu.memref_squeeze %dma_wait3A_25 : memref<1x51200xf32, #tpu.memory_space<hbm>> -> memref<51200xf32, #tpu.memory_space<hbm>>
      tpu.wait_dma2 semaphore(%run_scoped3A : memref<!tpu.dma_semaphore, #tpu.memory_space<semaphore_mem>>) src(%arg5 : memref<51200xf32, #tpu.memory_space<vmem>>) dst(%dma_wait3A_26 : memref<51200xf32, #tpu.memory_space<hbm>>)
      tpu.yield
    }) : () -> ()
    return
  }
}

#map = affine_map<(d0, d1) -> (0, 0)>
#map1 = affine_map<(d0, d1) -> (0, 0, 0)>
module attributes {stable_mosaic.version = 14 : i64} {
  func.func @agg_kernel(%arg0: i32, %arg1: i32, %arg2: memref<409600x8xf32, #tpu.memory_space<hbm>>, %arg3: memref<16x50048xi32, #tpu.memory_space<hbm>>, %arg4: memref<16x391x128xi32, #tpu.memory_space<hbm>>, %arg5: memref<128x8xf32, #tpu.memory_space<hbm>>, %arg6: memref<409600x8xf32, #tpu.memory_space<hbm>>, %arg7: memref<50048xi32, #tpu.memory_space<vmem>>, %arg8: memref<391x128xi32, #tpu.memory_space<vmem>>, %arg9: memref<4x128x8xf32, #tpu.memory_space<vmem>>, %arg10: memref<128x8xf32, #tpu.memory_space<vmem>>, %arg11: memref<51200x8xf32, #tpu.memory_space<vmem_shared>>, %arg12: memref<4x!tpu.dma_semaphore, #tpu.memory_space<semaphore_mem>>) attributes {dimension_semantics = [#tpu.dimension_semantics<core_parallel>, #tpu.dimension_semantics<subcore_parallel>], iteration_bounds = array<i64: 2, 16>, scalar_prefetch = 0 : i64, scratch_operands = 6 : i64, tpu.core_type = #tpu.core_type<sc_vector_subcore>, window_params = [{transform_indices = #map}, {transform_indices = #map}, {transform_indices = #map1}, {transform_indices = #map}, {transform_indices = #map}]} {
    "tpu.region"() ({
      %run_scoped3A = tpu.sem_alloc : memref<!tpu.dma_semaphore, #tpu.memory_space<semaphore_mem>>
      %dma_start3A_289 = arith.constant 0 : i32
      %dma_start3A_290 = tpu.memref_slice %arg3[%arg1, %dma_start3A_289] : memref<16x50048xi32, #tpu.memory_space<hbm>> -> memref<1x50048xi32, #tpu.memory_space<hbm>>
      %dma_start3A_291 = tpu.memref_squeeze %dma_start3A_290 : memref<1x50048xi32, #tpu.memory_space<hbm>> -> memref<50048xi32, #tpu.memory_space<hbm>>
      %dma_start3A_292 = arith.constant 0 : i32
      %dma_start3A_293 = tpu.memref_slice %arg3[%arg1, %dma_start3A_292] : memref<16x50048xi32, #tpu.memory_space<hbm>> -> memref<1x50048xi32, #tpu.memory_space<hbm>>
      %dma_start3A_294 = tpu.memref_squeeze %dma_start3A_293 : memref<1x50048xi32, #tpu.memory_space<hbm>> -> memref<50048xi32, #tpu.memory_space<hbm>>
      tpu.enqueue_dma source(%dma_start3A_294 : memref<50048xi32, #tpu.memory_space<hbm>>) target(%arg7 : memref<50048xi32, #tpu.memory_space<vmem>>) target_semaphore(%run_scoped3A : memref<!tpu.dma_semaphore, #tpu.memory_space<semaphore_mem>>)
      %dma_wait3A = arith.constant 0 : i32
      %dma_wait3A_295 = tpu.memref_slice %arg3[%arg1, %dma_wait3A] : memref<16x50048xi32, #tpu.memory_space<hbm>> -> memref<1x50048xi32, #tpu.memory_space<hbm>>
      %dma_wait3A_296 = tpu.memref_squeeze %dma_wait3A_295 : memref<1x50048xi32, #tpu.memory_space<hbm>> -> memref<50048xi32, #tpu.memory_space<hbm>>
      %dma_wait3A_297 = arith.constant 0 : i32
      %dma_wait3A_298 = tpu.memref_slice %arg3[%arg1, %dma_wait3A_297] : memref<16x50048xi32, #tpu.memory_space<hbm>> -> memref<1x50048xi32, #tpu.memory_space<hbm>>
      %dma_wait3A_299 = tpu.memref_squeeze %dma_wait3A_298 : memref<1x50048xi32, #tpu.memory_space<hbm>> -> memref<50048xi32, #tpu.memory_space<hbm>>
      tpu.wait_dma2 semaphore(%run_scoped3A : memref<!tpu.dma_semaphore, #tpu.memory_space<semaphore_mem>>) src(%dma_wait3A_299 : memref<50048xi32, #tpu.memory_space<hbm>>) dst(%arg7 : memref<50048xi32, #tpu.memory_space<vmem>>)
      tpu.yield
    }) : () -> ()
    "tpu.region"() ({
      %run_scoped3A = tpu.sem_alloc : memref<!tpu.dma_semaphore, #tpu.memory_space<semaphore_mem>>
      %dma_start3A_289 = arith.constant 0 : i32
      %dma_start3A_290 = arith.constant 0 : i32
      %dma_start3A_291 = tpu.memref_slice %arg4[%arg1, %dma_start3A_289, %dma_start3A_290] : memref<16x391x128xi32, #tpu.memory_space<hbm>> -> memref<1x391x128xi32, #tpu.memory_space<hbm>>
      %dma_start3A_292 = tpu.memref_squeeze %dma_start3A_291 : memref<1x391x128xi32, #tpu.memory_space<hbm>> -> memref<391x128xi32, #tpu.memory_space<hbm>>
      %dma_start3A_293 = arith.constant 0 : i32
      %dma_start3A_294 = arith.constant 0 : i32
      %dma_start3A_295 = tpu.memref_slice %arg4[%arg1, %dma_start3A_293, %dma_start3A_294] : memref<16x391x128xi32, #tpu.memory_space<hbm>> -> memref<1x391x128xi32, #tpu.memory_space<hbm>>
      %dma_start3A_296 = tpu.memref_squeeze %dma_start3A_295 : memref<1x391x128xi32, #tpu.memory_space<hbm>> -> memref<391x128xi32, #tpu.memory_space<hbm>>
      tpu.enqueue_dma source(%dma_start3A_296 : memref<391x128xi32, #tpu.memory_space<hbm>>) target(%arg8 : memref<391x128xi32, #tpu.memory_space<vmem>>) target_semaphore(%run_scoped3A : memref<!tpu.dma_semaphore, #tpu.memory_space<semaphore_mem>>)
      %dma_wait3A = arith.constant 0 : i32
      %dma_wait3A_297 = arith.constant 0 : i32
      %dma_wait3A_298 = tpu.memref_slice %arg4[%arg1, %dma_wait3A, %dma_wait3A_297] : memref<16x391x128xi32, #tpu.memory_space<hbm>> -> memref<1x391x128xi32, #tpu.memory_space<hbm>>
      %dma_wait3A_299 = tpu.memref_squeeze %dma_wait3A_298 : memref<1x391x128xi32, #tpu.memory_space<hbm>> -> memref<391x128xi32, #tpu.memory_space<hbm>>
      %dma_wait3A_300 = arith.constant 0 : i32
      %dma_wait3A_301 = arith.constant 0 : i32
      %dma_wait3A_302 = tpu.memref_slice %arg4[%arg1, %dma_wait3A_300, %dma_wait3A_301] : memref<16x391x128xi32, #tpu.memory_space<hbm>> -> memref<1x391x128xi32, #tpu.memory_space<hbm>>
      %dma_wait3A_303 = tpu.memref_squeeze %dma_wait3A_302 : memref<1x391x128xi32, #tpu.memory_space<hbm>> -> memref<391x128xi32, #tpu.memory_space<hbm>>
      tpu.wait_dma2 semaphore(%run_scoped3A : memref<!tpu.dma_semaphore, #tpu.memory_space<semaphore_mem>>) src(%dma_wait3A_303 : memref<391x128xi32, #tpu.memory_space<hbm>>) dst(%arg8 : memref<391x128xi32, #tpu.memory_space<vmem>>)
      tpu.yield
    }) : () -> ()
    "tpu.region"() ({
      %run_scoped3A = tpu.sem_alloc : memref<!tpu.dma_semaphore, #tpu.memory_space<semaphore_mem>>
      tpu.enqueue_dma source(%arg5 : memref<128x8xf32, #tpu.memory_space<hbm>>) target(%arg10 : memref<128x8xf32, #tpu.memory_space<vmem>>) target_semaphore(%run_scoped3A : memref<!tpu.dma_semaphore, #tpu.memory_space<semaphore_mem>>)
      tpu.wait_dma2 semaphore(%run_scoped3A : memref<!tpu.dma_semaphore, #tpu.memory_space<semaphore_mem>>) src(%arg5 : memref<128x8xf32, #tpu.memory_space<hbm>>) dst(%arg10 : memref<128x8xf32, #tpu.memory_space<vmem>>)
      tpu.yield
    }) : () -> ()
    %mul3A = arith.constant 204800 : i32
    %mul3A_0 = arith.muli %arg0, %mul3A : i32
    %scan3A = arith.constant 0 : i32
    %scan3A_1 = arith.constant 0 : i32
    %scan3A_2 = arith.constant 3128 : i32
    %scan3A_3 = arith.addi %scan3A_1, %scan3A_2 : i32
    %scan3A_4 = arith.constant 1 : i32
    %scan3A_5 = scf.for %scan3A_289 = %scan3A_1 to %scan3A_3 step %scan3A_4 iter_args(%scan3A_290 = %scan3A) -> (i32)  : i32 {
      %mul3A_291 = arith.constant 16 : i32
      %mul3A_292 = arith.muli %scan3A_289, %mul3A_291 : i32
      %get3A = arith.index_cast %mul3A_292 : i32 to index
      %get3A_293 = tpu.vector_load %arg7[%get3A] {strides = array<i32>} : memref<50048xi32, #tpu.memory_space<vmem>>, vector<16xi32>,
      %mul3A_294 = arith.constant 4 : i32
      %mul3A_295 = vector.broadcast %mul3A_294 : i32 to vector<16xi32>
      %mul3A_296 = arith.muli %get3A_293, %mul3A_295 : vector<16xi32>
      %add3A_297 = vector.broadcast %mul3A_0 : i32 to vector<16xi32>
      %add3A_298 = arith.addi %mul3A_296, %add3A_297 : vector<16xi32>
      %mul3A_299 = arith.constant 16 : i32
      %mul3A_300 = arith.muli %scan3A_289, %mul3A_299 : i32
      %swap3A = arith.index_cast %mul3A_300 : i32 to index
      %swap3A_301 = tpu.vector_load %arg7[%swap3A] {strides = array<i32>} : memref<50048xi32, #tpu.memory_space<vmem>>, vector<16xi32>,
      tpu.vector_store %arg7[%swap3A], %add3A_298 {strides = array<i32>} : memref<50048xi32, #tpu.memory_space<vmem>>, vector<16xi32>,
      %scan3A_302 = arith.constant 0 : i32
      scf.yield %scan3A_302 : i32
    }
    %scan3A_6 = arith.constant 3128 : i32
    %scan3A_7 = arith.constant 0 : i32
    %scan3A_8 = arith.constant 0 : i32
    %scan3A_9 = arith.constant 25 : i32
    %scan3A_10 = arith.addi %scan3A_8, %scan3A_9 : i32
    %scan3A_11 = arith.constant 1 : i32
    %scan3A_12 = scf.for %scan3A_289 = %scan3A_8 to %scan3A_10 step %scan3A_11 iter_args(%scan3A_290 = %scan3A_7) -> (i32)  : i32 {
      %mul3A_291 = arith.constant 3200 : i32
      %mul3A_292 = arith.muli %arg1, %mul3A_291 : i32
      %mul3A_293 = arith.constant 128 : i32
      %mul3A_294 = arith.muli %scan3A_289, %mul3A_293 : i32
      %add3A_295 = arith.addi %mul3A_292, %mul3A_294 : i32
      "tpu.region"() ({
        %run_scoped3A = tpu.sem_alloc : memref<!tpu.dma_semaphore, #tpu.memory_space<semaphore_mem>>
        %dma_start3A_297 = arith.constant 0 : i32
        %dma_start3A_298 = tpu.memref_slice %arg11[%add3A_295, %dma_start3A_297] : memref<51200x8xf32, #tpu.memory_space<vmem_shared>> -> memref<128x8xf32, #tpu.memory_space<vmem_shared>>
        %dma_start3A_299 = arith.constant 0 : i32
        %dma_start3A_300 = tpu.memref_slice %arg11[%add3A_295, %dma_start3A_299] : memref<51200x8xf32, #tpu.memory_space<vmem_shared>> -> memref<128x8xf32, #tpu.memory_space<vmem_shared>>
        tpu.enqueue_dma source(%arg10 : memref<128x8xf32, #tpu.memory_space<vmem>>) target(%dma_start3A_300 : memref<128x8xf32, #tpu.memory_space<vmem_shared>>) target_semaphore(%run_scoped3A : memref<!tpu.dma_semaphore, #tpu.memory_space<semaphore_mem>>)
        %dma_wait3A = arith.constant 0 : i32
        %dma_wait3A_301 = tpu.memref_slice %arg11[%add3A_295, %dma_wait3A] : memref<51200x8xf32, #tpu.memory_space<vmem_shared>> -> memref<128x8xf32, #tpu.memory_space<vmem_shared>>
        %dma_wait3A_302 = arith.constant 0 : i32
        %dma_wait3A_303 = tpu.memref_slice %arg11[%add3A_295, %dma_wait3A_302] : memref<51200x8xf32, #tpu.memory_space<vmem_shared>> -> memref<128x8xf32, #tpu.memory_space<vmem_shared>>
        tpu.wait_dma2 semaphore(%run_scoped3A : memref<!tpu.dma_semaphore, #tpu.memory_space<semaphore_mem>>) src(%arg10 : memref<128x8xf32, #tpu.memory_space<vmem>>) dst(%dma_wait3A_303 : memref<128x8xf32, #tpu.memory_space<vmem_shared>>)
        tpu.yield
      }) : () -> ()
      %scan3A_296 = arith.constant 0 : i32
      scf.yield %scan3A_296 : i32
    }
    %scan3A_13 = arith.constant 25 : i32
    %barrier3A = arith.constant 0 : index
    tpu.barrier barrier_id(%barrier3A)
    %dma_start3A = arith.constant 0 : i32
    %dma_start3A_14 = arith.constant 0 : i32
    %dma_start3A_15 = arith.constant 0 : i32
    %dma_start3A_16 = arith.constant 0 : i32
    %dma_start3A_17 = tpu.memref_slice %arg9[%dma_start3A, %dma_start3A_15, %dma_start3A_16] : memref<4x128x8xf32, #tpu.memory_space<vmem>> -> memref<1x128x8xf32, #tpu.memory_space<vmem>>
    %dma_start3A_18 = tpu.memref_squeeze %dma_start3A_17 : memref<1x128x8xf32, #tpu.memory_space<vmem>> -> memref<128x8xf32, #tpu.memory_space<vmem>>
    %dma_start3A_19 = arith.constant 0 : i32
    %dma_start3A_20 = tpu.memref_slice %arg7[%dma_start3A_19] : memref<50048xi32, #tpu.memory_space<vmem>> -> memref<128xi32, #tpu.memory_space<vmem>>
    %dma_start3A_21 = arith.constant 0 : i32
    %dma_start3A_22 = arith.constant 0 : i32
    %dma_start3A_23 = tpu.memref_slice %arg2[%dma_start3A_21, %dma_start3A_22] : memref<409600x8xf32, #tpu.memory_space<hbm>> -> memref<409600x8xf32, #tpu.memory_space<hbm>>
    %dma_start3A_24 = tpu.memref_slice %arg12[%dma_start3A_14] : memref<4x!tpu.dma_semaphore, #tpu.memory_space<semaphore_mem>> -> memref<1x!tpu.dma_semaphore, #tpu.memory_space<semaphore_mem>>
    %dma_start3A_25 = tpu.memref_squeeze %dma_start3A_24 : memref<1x!tpu.dma_semaphore, #tpu.memory_space<semaphore_mem>> -> memref<!tpu.dma_semaphore, #tpu.memory_space<semaphore_mem>>
    tpu.enqueue_indirect_dma source(%dma_start3A_23 : memref<409600x8xf32, #tpu.memory_space<hbm>>) target(%dma_start3A_18 : memref<128x8xf32, #tpu.memory_space<vmem>>) offsets(%dma_start3A_20 : memref<128xi32, #tpu.memory_space<vmem>>) semaphore(%dma_start3A_25 : memref<!tpu.dma_semaphore, #tpu.memory_space<semaphore_mem>>)
    %dma_start3A_26 = arith.constant 1 : i32
    %dma_start3A_27 = arith.constant 1 : i32
    %dma_start3A_28 = arith.constant 0 : i32
    %dma_start3A_29 = arith.constant 0 : i32
    %dma_start3A_30 = tpu.memref_slice %arg9[%dma_start3A_26, %dma_start3A_28, %dma_start3A_29] : memref<4x128x8xf32, #tpu.memory_space<vmem>> -> memref<1x128x8xf32, #tpu.memory_space<vmem>>
    %dma_start3A_31 = tpu.memref_squeeze %dma_start3A_30 : memref<1x128x8xf32, #tpu.memory_space<vmem>> -> memref<128x8xf32, #tpu.memory_space<vmem>>
    %dma_start3A_32 = arith.constant 128 : i32
    %dma_start3A_33 = tpu.memref_slice %arg7[%dma_start3A_32] : memref<50048xi32, #tpu.memory_space<vmem>> -> memref<128xi32, #tpu.memory_space<vmem>>
    %dma_start3A_34 = arith.constant 0 : i32
    %dma_start3A_35 = arith.constant 0 : i32
    %dma_start3A_36 = tpu.memref_slice %arg2[%dma_start3A_34, %dma_start3A_35] : memref<409600x8xf32, #tpu.memory_space<hbm>> -> memref<409600x8xf32, #tpu.memory_space<hbm>>
    %dma_start3A_37 = tpu.memref_slice %arg12[%dma_start3A_27] : memref<4x!tpu.dma_semaphore, #tpu.memory_space<semaphore_mem>> -> memref<1x!tpu.dma_semaphore, #tpu.memory_space<semaphore_mem>>
    %dma_start3A_38 = tpu.memref_squeeze %dma_start3A_37 : memref<1x!tpu.dma_semaphore, #tpu.memory_space<semaphore_mem>> -> memref<!tpu.dma_semaphore, #tpu.memory_space<semaphore_mem>>
    tpu.enqueue_indirect_dma source(%dma_start3A_36 : memref<409600x8xf32, #tpu.memory_space<hbm>>) target(%dma_start3A_31 : memref<128x8xf32, #tpu.memory_space<vmem>>) offsets(%dma_start3A_33 : memref<128xi32, #tpu.memory_space<vmem>>) semaphore(%dma_start3A_38 : memref<!tpu.dma_semaphore, #tpu.memory_space<semaphore_mem>>)
    %dma_start3A_39 = arith.constant 2 : i32
    %dma_start3A_40 = arith.constant 2 : i32
    %dma_start3A_41 = arith.constant 0 : i32
    %dma_start3A_42 = arith.constant 0 : i32
    %dma_start3A_43 = tpu.memref_slice %arg9[%dma_start3A_39, %dma_start3A_41, %dma_start3A_42] : memref<4x128x8xf32, #tpu.memory_space<vmem>> -> memref<1x128x8xf32, #tpu.memory_space<vmem>>
    %dma_start3A_44 = tpu.memref_squeeze %dma_start3A_43 : memref<1x128x8xf32, #tpu.memory_space<vmem>> -> memref<128x8xf32, #tpu.memory_space<vmem>>
    %dma_start3A_45 = arith.constant 256 : i32
    %dma_start3A_46 = tpu.memref_slice %arg7[%dma_start3A_45] : memref<50048xi32, #tpu.memory_space<vmem>> -> memref<128xi32, #tpu.memory_space<vmem>>
    %dma_start3A_47 = arith.constant 0 : i32
    %dma_start3A_48 = arith.constant 0 : i32
    %dma_start3A_49 = tpu.memref_slice %arg2[%dma_start3A_47, %dma_start3A_48] : memref<409600x8xf32, #tpu.memory_space<hbm>> -> memref<409600x8xf32, #tpu.memory_space<hbm>>
    %dma_start3A_50 = tpu.memref_slice %arg12[%dma_start3A_40] : memref<4x!tpu.dma_semaphore, #tpu.memory_space<semaphore_mem>> -> memref<1x!tpu.dma_semaphore, #tpu.memory_space<semaphore_mem>>
    %dma_start3A_51 = tpu.memref_squeeze %dma_start3A_50 : memref<1x!tpu.dma_semaphore, #tpu.memory_space<semaphore_mem>> -> memref<!tpu.dma_semaphore, #tpu.memory_space<semaphore_mem>>
    tpu.enqueue_indirect_dma source(%dma_start3A_49 : memref<409600x8xf32, #tpu.memory_space<hbm>>) target(%dma_start3A_44 : memref<128x8xf32, #tpu.memory_space<vmem>>) offsets(%dma_start3A_46 : memref<128xi32, #tpu.memory_space<vmem>>) semaphore(%dma_start3A_51 : memref<!tpu.dma_semaphore, #tpu.memory_space<semaphore_mem>>)
    %scan3A_52 = arith.constant 0 : i32
    %scan3A_53 = arith.constant 0 : i32
    %scan3A_54 = arith.constant 98 : i32
    %scan3A_55 = arith.addi %scan3A_53, %scan3A_54 : i32
    %scan3A_56 = arith.constant 1 : i32
    %scan3A_57 = scf.for %scan3A_289 = %scan3A_53 to %scan3A_55 step %scan3A_56 iter_args(%scan3A_290 = %scan3A_52) -> (i32)  : i32 {
      %mul3A_291 = arith.constant 4 : i32
      %mul3A_292 = arith.muli %scan3A_289, %mul3A_291 : i32
      %add3A_293 = arith.constant 0 : i32
      %add3A_294 = arith.addi %mul3A_292, %add3A_293 : i32
      %add3A_295 = arith.constant 3 : i32
      %add3A_296 = arith.addi %add3A_294, %add3A_295 : i32
      %lt3A = arith.constant 391 : i32
      %lt3A_297 = arith.cmpi slt, %add3A_296, %lt3A : i32
      %convert_element_type3A = arith.extui %lt3A_297 : i1 to i32
      %cond3A = arith.constant 0 : i32
      %cond3A_298 = arith.cmpi ne, %convert_element_type3A, %cond3A : i32
      scf.if %cond3A_298 {
        %add3A_353 = arith.constant 3 : i32
        %add3A_354 = arith.addi %add3A_294, %add3A_353 : i32
        %add3A_355 = arith.constant 3 : i32
        %add3A_356 = arith.addi %add3A_294, %add3A_355 : i32
        %jit3A = arith.constant 4 : i32
        %eq3A = arith.constant 0 : i32
        %eq3A_357 = arith.cmpi eq, %jit3A, %eq3A : i32
        %jit3A_358 = arith.constant 1 : i32
        %select_n3A = arith.select %eq3A_357, %jit3A_358, %jit3A : i32
        %rem3A = arith.remsi %add3A_356, %select_n3A : i32
        %ne3A = arith.constant 0 : i32
        %ne3A_359 = arith.cmpi ne, %rem3A, %ne3A : i32
        %lt3A_360 = arith.constant 0 : i32
        %lt3A_361 = arith.cmpi slt, %rem3A, %lt3A_360 : i32
        %lt3A_362 = arith.constant 0 : i32
        %lt3A_363 = arith.cmpi slt, %select_n3A, %lt3A_362 : i32
        %ne3A_364 = arith.xori %lt3A_361, %lt3A_363 : i1
        %and3A = arith.andi %ne3A_364, %ne3A_359 : i1
        %add3A_365 = arith.addi %rem3A, %select_n3A : i32
        %select_n3A_366 = arith.select %and3A, %add3A_365, %rem3A : i32
        %mul3A_367 = arith.constant 128 : i32
        %mul3A_368 = arith.muli %add3A_354, %mul3A_367 : i32
        %dma_start3A_369 = arith.constant 0 : i32
        %dma_start3A_370 = arith.constant 0 : i32
        %dma_start3A_371 = tpu.memref_slice %arg9[%select_n3A_366, %dma_start3A_369, %dma_start3A_370] : memref<4x128x8xf32, #tpu.memory_space<vmem>> -> memref<1x128x8xf32, #tpu.memory_space<vmem>>
        %dma_start3A_372 = tpu.memref_squeeze %dma_start3A_371 : memref<1x128x8xf32, #tpu.memory_space<vmem>> -> memref<128x8xf32, #tpu.memory_space<vmem>>
        %dma_start3A_373 = tpu.memref_slice %arg7[%mul3A_368] : memref<50048xi32, #tpu.memory_space<vmem>> -> memref<128xi32, #tpu.memory_space<vmem>>
        %dma_start3A_374 = arith.constant 0 : i32
        %dma_start3A_375 = arith.constant 0 : i32
        %dma_start3A_376 = tpu.memref_slice %arg2[%dma_start3A_374, %dma_start3A_375] : memref<409600x8xf32, #tpu.memory_space<hbm>> -> memref<409600x8xf32, #tpu.memory_space<hbm>>
        %dma_start3A_377 = tpu.memref_slice %arg12[%select_n3A_366] : memref<4x!tpu.dma_semaphore, #tpu.memory_space<semaphore_mem>> -> memref<1x!tpu.dma_semaphore, #tpu.memory_space<semaphore_mem>>
        %dma_start3A_378 = tpu.memref_squeeze %dma_start3A_377 : memref<1x!tpu.dma_semaphore, #tpu.memory_space<semaphore_mem>> -> memref<!tpu.dma_semaphore, #tpu.memory_space<semaphore_mem>>
        tpu.enqueue_indirect_dma source(%dma_start3A_376 : memref<409600x8xf32, #tpu.memory_space<hbm>>) target(%dma_start3A_372 : memref<128x8xf32, #tpu.memory_space<vmem>>) offsets(%dma_start3A_373 : memref<128xi32, #tpu.memory_space<vmem>>) semaphore(%dma_start3A_378 : memref<!tpu.dma_semaphore, #tpu.memory_space<semaphore_mem>>)
      } else {
      }
      %lt3A_299 = arith.constant 391 : i32
      %lt3A_300 = arith.cmpi slt, %add3A_294, %lt3A_299 : i32
      %convert_element_type3A_301 = arith.extui %lt3A_300 : i1 to i32
      %cond3A_302 = arith.constant 0 : i32
      %cond3A_303 = arith.cmpi ne, %convert_element_type3A_301, %cond3A_302 : i32
      scf.if %cond3A_303 {
        %mul3A_353 = arith.constant 128 : i32
        %mul3A_354 = arith.muli %add3A_294, %mul3A_353 : i32
        %dma_wait3A = arith.constant 0 : i32
        %dma_wait3A_355 = arith.constant 0 : i32
        %dma_wait3A_356 = arith.constant 0 : i32
        %dma_wait3A_357 = arith.constant 0 : i32
        %dma_wait3A_358 = tpu.memref_slice %arg9[%dma_wait3A, %dma_wait3A_356, %dma_wait3A_357] : memref<4x128x8xf32, #tpu.memory_space<vmem>> -> memref<1x128x8xf32, #tpu.memory_space<vmem>>
        %dma_wait3A_359 = tpu.memref_squeeze %dma_wait3A_358 : memref<1x128x8xf32, #tpu.memory_space<vmem>> -> memref<128x8xf32, #tpu.memory_space<vmem>>
        %dma_wait3A_360 = tpu.memref_slice %arg7[%mul3A_354] : memref<50048xi32, #tpu.memory_space<vmem>> -> memref<128xi32, #tpu.memory_space<vmem>>
        %dma_wait3A_361 = arith.constant 0 : i32
        %dma_wait3A_362 = arith.constant 0 : i32
        %dma_wait3A_363 = tpu.memref_slice %arg2[%dma_wait3A_361, %dma_wait3A_362] : memref<409600x8xf32, #tpu.memory_space<hbm>> -> memref<409600x8xf32, #tpu.memory_space<hbm>>
        %dma_wait3A_364 = tpu.memref_slice %arg12[%dma_wait3A_355] : memref<4x!tpu.dma_semaphore, #tpu.memory_space<semaphore_mem>> -> memref<1x!tpu.dma_semaphore, #tpu.memory_space<semaphore_mem>>
        %dma_wait3A_365 = tpu.memref_squeeze %dma_wait3A_364 : memref<1x!tpu.dma_semaphore, #tpu.memory_space<semaphore_mem>> -> memref<!tpu.dma_semaphore, #tpu.memory_space<semaphore_mem>>
        tpu.wait_indirect_dma semaphore(%dma_wait3A_365 : memref<!tpu.dma_semaphore, #tpu.memory_space<semaphore_mem>>) src(%dma_wait3A_363 : memref<409600x8xf32, #tpu.memory_space<hbm>>) dst(%dma_wait3A_359 : memref<128x8xf32, #tpu.memory_space<vmem>>)
        %run_scoped3A = arith.constant 0 : i32
        "tpu.region"() ({
          %run_scoped3A_366 = tpu.sem_alloc : memref<!tpu.dma_semaphore, #tpu.memory_space<semaphore_mem>>
          %dma_start3A_367 = arith.constant 0 : i32
          %dma_start3A_368 = arith.constant 0 : i32
          %dma_start3A_369 = tpu.memref_slice %arg9[%run_scoped3A, %dma_start3A_367, %dma_start3A_368] : memref<4x128x8xf32, #tpu.memory_space<vmem>> -> memref<1x128x8xf32, #tpu.memory_space<vmem>>
          %dma_start3A_370 = tpu.memref_squeeze %dma_start3A_369 : memref<1x128x8xf32, #tpu.memory_space<vmem>> -> memref<128x8xf32, #tpu.memory_space<vmem>>
          %dma_start3A_371 = arith.constant 0 : i32
          %dma_start3A_372 = tpu.memref_slice %arg8[%add3A_294, %dma_start3A_371] : memref<391x128xi32, #tpu.memory_space<vmem>> -> memref<1x128xi32, #tpu.memory_space<vmem>>
          %dma_start3A_373 = tpu.memref_squeeze %dma_start3A_372 : memref<1x128xi32, #tpu.memory_space<vmem>> -> memref<128xi32, #tpu.memory_space<vmem>>
          %dma_start3A_374 = arith.constant 0 : i32
          %dma_start3A_375 = arith.constant 0 : i32
          %dma_start3A_376 = tpu.memref_slice %arg11[%dma_start3A_374, %dma_start3A_375] : memref<51200x8xf32, #tpu.memory_space<vmem_shared>> -> memref<51200x8xf32, #tpu.memory_space<vmem_shared>>
          tpu.enqueue_indirect_dma source(%dma_start3A_370 : memref<128x8xf32, #tpu.memory_space<vmem>>) target(%dma_start3A_376 : memref<51200x8xf32, #tpu.memory_space<vmem_shared>>) offsets(%dma_start3A_373 : memref<128xi32, #tpu.memory_space<vmem>>) semaphore(%run_scoped3A_366 : memref<!tpu.dma_semaphore, #tpu.memory_space<semaphore_mem>>) {add = true}
          %dma_wait3A_377 = arith.constant 0 : i32
          %dma_wait3A_378 = arith.constant 0 : i32
          %dma_wait3A_379 = tpu.memref_slice %arg9[%run_scoped3A, %dma_wait3A_377, %dma_wait3A_378] : memref<4x128x8xf32, #tpu.memory_space<vmem>> -> memref<1x128x8xf32, #tpu.memory_space<vmem>>
          %dma_wait3A_380 = tpu.memref_squeeze %dma_wait3A_379 : memref<1x128x8xf32, #tpu.memory_space<vmem>> -> memref<128x8xf32, #tpu.memory_space<vmem>>
          %dma_wait3A_381 = arith.constant 0 : i32
          %dma_wait3A_382 = tpu.memref_slice %arg8[%add3A_294, %dma_wait3A_381] : memref<391x128xi32, #tpu.memory_space<vmem>> -> memref<1x128xi32, #tpu.memory_space<vmem>>
          %dma_wait3A_383 = tpu.memref_squeeze %dma_wait3A_382 : memref<1x128xi32, #tpu.memory_space<vmem>> -> memref<128xi32, #tpu.memory_space<vmem>>
          %dma_wait3A_384 = arith.constant 0 : i32
          %dma_wait3A_385 = arith.constant 0 : i32
          %dma_wait3A_386 = tpu.memref_slice %arg11[%dma_wait3A_384, %dma_wait3A_385] : memref<51200x8xf32, #tpu.memory_space<vmem_shared>> -> memref<51200x8xf32, #tpu.memory_space<vmem_shared>>
          tpu.wait_indirect_dma semaphore(%run_scoped3A_366 : memref<!tpu.dma_semaphore, #tpu.memory_space<semaphore_mem>>) src(%dma_wait3A_380 : memref<128x8xf32, #tpu.memory_space<vmem>>) dst(%dma_wait3A_386 : memref<51200x8xf32, #tpu.memory_space<vmem_shared>>)
          tpu.yield
        }) : () -> ()
      } else {
      }
      %mul3A_304 = arith.constant 4 : i32
      %mul3A_305 = arith.muli %scan3A_289, %mul3A_304 : i32
      %add3A_306 = arith.constant 1 : i32
      %add3A_307 = arith.addi %mul3A_305, %add3A_306 : i32
      %add3A_308 = arith.constant 3 : i32
      %add3A_309 = arith.addi %add3A_307, %add3A_308 : i32
      %lt3A_310 = arith.constant 391 : i32
      %lt3A_311 = arith.cmpi slt, %add3A_309, %lt3A_310 : i32
      %convert_element_type3A_312 = arith.extui %lt3A_311 : i1 to i32
      %cond3A_313 = arith.constant 0 : i32
      %cond3A_314 = arith.cmpi ne, %convert_element_type3A_312, %cond3A_313 : i32
      scf.if %cond3A_314 {
        %add3A_353 = arith.constant 3 : i32
        %add3A_354 = arith.addi %add3A_307, %add3A_353 : i32
        %add3A_355 = arith.constant 3 : i32
        %add3A_356 = arith.addi %add3A_307, %add3A_355 : i32
        %jit3A = arith.constant 4 : i32
        %eq3A = arith.constant 0 : i32
        %eq3A_357 = arith.cmpi eq, %jit3A, %eq3A : i32
        %jit3A_358 = arith.constant 1 : i32
        %select_n3A = arith.select %eq3A_357, %jit3A_358, %jit3A : i32
        %rem3A = arith.remsi %add3A_356, %select_n3A : i32
        %ne3A = arith.constant 0 : i32
        %ne3A_359 = arith.cmpi ne, %rem3A, %ne3A : i32
        %lt3A_360 = arith.constant 0 : i32
        %lt3A_361 = arith.cmpi slt, %rem3A, %lt3A_360 : i32
        %lt3A_362 = arith.constant 0 : i32
        %lt3A_363 = arith.cmpi slt, %select_n3A, %lt3A_362 : i32
        %ne3A_364 = arith.xori %lt3A_361, %lt3A_363 : i1
        %and3A = arith.andi %ne3A_364, %ne3A_359 : i1
        %add3A_365 = arith.addi %rem3A, %select_n3A : i32
        %select_n3A_366 = arith.select %and3A, %add3A_365, %rem3A : i32
        %mul3A_367 = arith.constant 128 : i32
        %mul3A_368 = arith.muli %add3A_354, %mul3A_367 : i32
        %dma_start3A_369 = arith.constant 0 : i32
        %dma_start3A_370 = arith.constant 0 : i32
        %dma_start3A_371 = tpu.memref_slice %arg9[%select_n3A_366, %dma_start3A_369, %dma_start3A_370] : memref<4x128x8xf32, #tpu.memory_space<vmem>> -> memref<1x128x8xf32, #tpu.memory_space<vmem>>
        %dma_start3A_372 = tpu.memref_squeeze %dma_start3A_371 : memref<1x128x8xf32, #tpu.memory_space<vmem>> -> memref<128x8xf32, #tpu.memory_space<vmem>>
        %dma_start3A_373 = tpu.memref_slice %arg7[%mul3A_368] : memref<50048xi32, #tpu.memory_space<vmem>> -> memref<128xi32, #tpu.memory_space<vmem>>
        %dma_start3A_374 = arith.constant 0 : i32
        %dma_start3A_375 = arith.constant 0 : i32
        %dma_start3A_376 = tpu.memref_slice %arg2[%dma_start3A_374, %dma_start3A_375] : memref<409600x8xf32, #tpu.memory_space<hbm>> -> memref<409600x8xf32, #tpu.memory_space<hbm>>
        %dma_start3A_377 = tpu.memref_slice %arg12[%select_n3A_366] : memref<4x!tpu.dma_semaphore, #tpu.memory_space<semaphore_mem>> -> memref<1x!tpu.dma_semaphore, #tpu.memory_space<semaphore_mem>>
        %dma_start3A_378 = tpu.memref_squeeze %dma_start3A_377 : memref<1x!tpu.dma_semaphore, #tpu.memory_space<semaphore_mem>> -> memref<!tpu.dma_semaphore, #tpu.memory_space<semaphore_mem>>
        tpu.enqueue_indirect_dma source(%dma_start3A_376 : memref<409600x8xf32, #tpu.memory_space<hbm>>) target(%dma_start3A_372 : memref<128x8xf32, #tpu.memory_space<vmem>>) offsets(%dma_start3A_373 : memref<128xi32, #tpu.memory_space<vmem>>) semaphore(%dma_start3A_378 : memref<!tpu.dma_semaphore, #tpu.memory_space<semaphore_mem>>)
      } else {
      }
      %lt3A_315 = arith.constant 391 : i32
      %lt3A_316 = arith.cmpi slt, %add3A_307, %lt3A_315 : i32
      %convert_element_type3A_317 = arith.extui %lt3A_316 : i1 to i32
      %cond3A_318 = arith.constant 0 : i32
      %cond3A_319 = arith.cmpi ne, %convert_element_type3A_317, %cond3A_318 : i32
      scf.if %cond3A_319 {
        %mul3A_353 = arith.constant 128 : i32
        %mul3A_354 = arith.muli %add3A_307, %mul3A_353 : i32
        %dma_wait3A = arith.constant 1 : i32
        %dma_wait3A_355 = arith.constant 1 : i32
        %dma_wait3A_356 = arith.constant 0 : i32
        %dma_wait3A_357 = arith.constant 0 : i32
        %dma_wait3A_358 = tpu.memref_slice %arg9[%dma_wait3A, %dma_wait3A_356, %dma_wait3A_357] : memref<4x128x8xf32, #tpu.memory_space<vmem>> -> memref<1x128x8xf32, #tpu.memory_space<vmem>>
        %dma_wait3A_359 = tpu.memref_squeeze %dma_wait3A_358 : memref<1x128x8xf32, #tpu.memory_space<vmem>> -> memref<128x8xf32, #tpu.memory_space<vmem>>
        %dma_wait3A_360 = tpu.memref_slice %arg7[%mul3A_354] : memref<50048xi32, #tpu.memory_space<vmem>> -> memref<128xi32, #tpu.memory_space<vmem>>
        %dma_wait3A_361 = arith.constant 0 : i32
        %dma_wait3A_362 = arith.constant 0 : i32
        %dma_wait3A_363 = tpu.memref_slice %arg2[%dma_wait3A_361, %dma_wait3A_362] : memref<409600x8xf32, #tpu.memory_space<hbm>> -> memref<409600x8xf32, #tpu.memory_space<hbm>>
        %dma_wait3A_364 = tpu.memref_slice %arg12[%dma_wait3A_355] : memref<4x!tpu.dma_semaphore, #tpu.memory_space<semaphore_mem>> -> memref<1x!tpu.dma_semaphore, #tpu.memory_space<semaphore_mem>>
        %dma_wait3A_365 = tpu.memref_squeeze %dma_wait3A_364 : memref<1x!tpu.dma_semaphore, #tpu.memory_space<semaphore_mem>> -> memref<!tpu.dma_semaphore, #tpu.memory_space<semaphore_mem>>
        tpu.wait_indirect_dma semaphore(%dma_wait3A_365 : memref<!tpu.dma_semaphore, #tpu.memory_space<semaphore_mem>>) src(%dma_wait3A_363 : memref<409600x8xf32, #tpu.memory_space<hbm>>) dst(%dma_wait3A_359 : memref<128x8xf32, #tpu.memory_space<vmem>>)
        %run_scoped3A = arith.constant 1 : i32
        "tpu.region"() ({
          %run_scoped3A_366 = tpu.sem_alloc : memref<!tpu.dma_semaphore, #tpu.memory_space<semaphore_mem>>
          %dma_start3A_367 = arith.constant 0 : i32
          %dma_start3A_368 = arith.constant 0 : i32
          %dma_start3A_369 = tpu.memref_slice %arg9[%run_scoped3A, %dma_start3A_367, %dma_start3A_368] : memref<4x128x8xf32, #tpu.memory_space<vmem>> -> memref<1x128x8xf32, #tpu.memory_space<vmem>>
          %dma_start3A_370 = tpu.memref_squeeze %dma_start3A_369 : memref<1x128x8xf32, #tpu.memory_space<vmem>> -> memref<128x8xf32, #tpu.memory_space<vmem>>
          %dma_start3A_371 = arith.constant 0 : i32
          %dma_start3A_372 = tpu.memref_slice %arg8[%add3A_307, %dma_start3A_371] : memref<391x128xi32, #tpu.memory_space<vmem>> -> memref<1x128xi32, #tpu.memory_space<vmem>>
          %dma_start3A_373 = tpu.memref_squeeze %dma_start3A_372 : memref<1x128xi32, #tpu.memory_space<vmem>> -> memref<128xi32, #tpu.memory_space<vmem>>
          %dma_start3A_374 = arith.constant 0 : i32
          %dma_start3A_375 = arith.constant 0 : i32
          %dma_start3A_376 = tpu.memref_slice %arg11[%dma_start3A_374, %dma_start3A_375] : memref<51200x8xf32, #tpu.memory_space<vmem_shared>> -> memref<51200x8xf32, #tpu.memory_space<vmem_shared>>
          tpu.enqueue_indirect_dma source(%dma_start3A_370 : memref<128x8xf32, #tpu.memory_space<vmem>>) target(%dma_start3A_376 : memref<51200x8xf32, #tpu.memory_space<vmem_shared>>) offsets(%dma_start3A_373 : memref<128xi32, #tpu.memory_space<vmem>>) semaphore(%run_scoped3A_366 : memref<!tpu.dma_semaphore, #tpu.memory_space<semaphore_mem>>) {add = true}
          %dma_wait3A_377 = arith.constant 0 : i32
          %dma_wait3A_378 = arith.constant 0 : i32
          %dma_wait3A_379 = tpu.memref_slice %arg9[%run_scoped3A, %dma_wait3A_377, %dma_wait3A_378] : memref<4x128x8xf32, #tpu.memory_space<vmem>> -> memref<1x128x8xf32, #tpu.memory_space<vmem>>
          %dma_wait3A_380 = tpu.memref_squeeze %dma_wait3A_379 : memref<1x128x8xf32, #tpu.memory_space<vmem>> -> memref<128x8xf32, #tpu.memory_space<vmem>>
          %dma_wait3A_381 = arith.constant 0 : i32
          %dma_wait3A_382 = tpu.memref_slice %arg8[%add3A_307, %dma_wait3A_381] : memref<391x128xi32, #tpu.memory_space<vmem>> -> memref<1x128xi32, #tpu.memory_space<vmem>>
          %dma_wait3A_383 = tpu.memref_squeeze %dma_wait3A_382 : memref<1x128xi32, #tpu.memory_space<vmem>> -> memref<128xi32, #tpu.memory_space<vmem>>
          %dma_wait3A_384 = arith.constant 0 : i32
          %dma_wait3A_385 = arith.constant 0 : i32
          %dma_wait3A_386 = tpu.memref_slice %arg11[%dma_wait3A_384, %dma_wait3A_385] : memref<51200x8xf32, #tpu.memory_space<vmem_shared>> -> memref<51200x8xf32, #tpu.memory_space<vmem_shared>>
          tpu.wait_indirect_dma semaphore(%run_scoped3A_366 : memref<!tpu.dma_semaphore, #tpu.memory_space<semaphore_mem>>) src(%dma_wait3A_380 : memref<128x8xf32, #tpu.memory_space<vmem>>) dst(%dma_wait3A_386 : memref<51200x8xf32, #tpu.memory_space<vmem_shared>>)
          tpu.yield
        }) : () -> ()
      } else {
      }
      %mul3A_320 = arith.constant 4 : i32
      %mul3A_321 = arith.muli %scan3A_289, %mul3A_320 : i32
      %add3A_322 = arith.constant 2 : i32
      %add3A_323 = arith.addi %mul3A_321, %add3A_322 : i32
      %add3A_324 = arith.constant 3 : i32
      %add3A_325 = arith.addi %add3A_323, %add3A_324 : i32
      %lt3A_326 = arith.constant 391 : i32
      %lt3A_327 = arith.cmpi slt, %add3A_325, %lt3A_326 : i32
      %convert_element_type3A_328 = arith.extui %lt3A_327 : i1 to i32
      %cond3A_329 = arith.constant 0 : i32
      %cond3A_330 = arith.cmpi ne, %convert_element_type3A_328, %cond3A_329 : i32
      scf.if %cond3A_330 {
        %add3A_353 = arith.constant 3 : i32
        %add3A_354 = arith.addi %add3A_323, %add3A_353 : i32
        %add3A_355 = arith.constant 3 : i32
        %add3A_356 = arith.addi %add3A_323, %add3A_355 : i32
        %jit3A = arith.constant 4 : i32
        %eq3A = arith.constant 0 : i32
        %eq3A_357 = arith.cmpi eq, %jit3A, %eq3A : i32
        %jit3A_358 = arith.constant 1 : i32
        %select_n3A = arith.select %eq3A_357, %jit3A_358, %jit3A : i32
        %rem3A = arith.remsi %add3A_356, %select_n3A : i32
        %ne3A = arith.constant 0 : i32
        %ne3A_359 = arith.cmpi ne, %rem3A, %ne3A : i32
        %lt3A_360 = arith.constant 0 : i32
        %lt3A_361 = arith.cmpi slt, %rem3A, %lt3A_360 : i32
        %lt3A_362 = arith.constant 0 : i32
        %lt3A_363 = arith.cmpi slt, %select_n3A, %lt3A_362 : i32
        %ne3A_364 = arith.xori %lt3A_361, %lt3A_363 : i1
        %and3A = arith.andi %ne3A_364, %ne3A_359 : i1
        %add3A_365 = arith.addi %rem3A, %select_n3A : i32
        %select_n3A_366 = arith.select %and3A, %add3A_365, %rem3A : i32
        %mul3A_367 = arith.constant 128 : i32
        %mul3A_368 = arith.muli %add3A_354, %mul3A_367 : i32
        %dma_start3A_369 = arith.constant 0 : i32
        %dma_start3A_370 = arith.constant 0 : i32
        %dma_start3A_371 = tpu.memref_slice %arg9[%select_n3A_366, %dma_start3A_369, %dma_start3A_370] : memref<4x128x8xf32, #tpu.memory_space<vmem>> -> memref<1x128x8xf32, #tpu.memory_space<vmem>>
        %dma_start3A_372 = tpu.memref_squeeze %dma_start3A_371 : memref<1x128x8xf32, #tpu.memory_space<vmem>> -> memref<128x8xf32, #tpu.memory_space<vmem>>
        %dma_start3A_373 = tpu.memref_slice %arg7[%mul3A_368] : memref<50048xi32, #tpu.memory_space<vmem>> -> memref<128xi32, #tpu.memory_space<vmem>>
        %dma_start3A_374 = arith.constant 0 : i32
        %dma_start3A_375 = arith.constant 0 : i32
        %dma_start3A_376 = tpu.memref_slice %arg2[%dma_start3A_374, %dma_start3A_375] : memref<409600x8xf32, #tpu.memory_space<hbm>> -> memref<409600x8xf32, #tpu.memory_space<hbm>>
        %dma_start3A_377 = tpu.memref_slice %arg12[%select_n3A_366] : memref<4x!tpu.dma_semaphore, #tpu.memory_space<semaphore_mem>> -> memref<1x!tpu.dma_semaphore, #tpu.memory_space<semaphore_mem>>
        %dma_start3A_378 = tpu.memref_squeeze %dma_start3A_377 : memref<1x!tpu.dma_semaphore, #tpu.memory_space<semaphore_mem>> -> memref<!tpu.dma_semaphore, #tpu.memory_space<semaphore_mem>>
        tpu.enqueue_indirect_dma source(%dma_start3A_376 : memref<409600x8xf32, #tpu.memory_space<hbm>>) target(%dma_start3A_372 : memref<128x8xf32, #tpu.memory_space<vmem>>) offsets(%dma_start3A_373 : memref<128xi32, #tpu.memory_space<vmem>>) semaphore(%dma_start3A_378 : memref<!tpu.dma_semaphore, #tpu.memory_space<semaphore_mem>>)
      } else {
      }
      %lt3A_331 = arith.constant 391 : i32
      %lt3A_332 = arith.cmpi slt, %add3A_323, %lt3A_331 : i32
      %convert_element_type3A_333 = arith.extui %lt3A_332 : i1 to i32
      %cond3A_334 = arith.constant 0 : i32
      %cond3A_335 = arith.cmpi ne, %convert_element_type3A_333, %cond3A_334 : i32
      scf.if %cond3A_335 {
        %mul3A_353 = arith.constant 128 : i32
        %mul3A_354 = arith.muli %add3A_323, %mul3A_353 : i32
        %dma_wait3A = arith.constant 2 : i32
        %dma_wait3A_355 = arith.constant 2 : i32
        %dma_wait3A_356 = arith.constant 0 : i32
        %dma_wait3A_357 = arith.constant 0 : i32
        %dma_wait3A_358 = tpu.memref_slice %arg9[%dma_wait3A, %dma_wait3A_356, %dma_wait3A_357] : memref<4x128x8xf32, #tpu.memory_space<vmem>> -> memref<1x128x8xf32, #tpu.memory_space<vmem>>
        %dma_wait3A_359 = tpu.memref_squeeze %dma_wait3A_358 : memref<1x128x8xf32, #tpu.memory_space<vmem>> -> memref<128x8xf32, #tpu.memory_space<vmem>>
        %dma_wait3A_360 = tpu.memref_slice %arg7[%mul3A_354] : memref<50048xi32, #tpu.memory_space<vmem>> -> memref<128xi32, #tpu.memory_space<vmem>>
        %dma_wait3A_361 = arith.constant 0 : i32
        %dma_wait3A_362 = arith.constant 0 : i32
        %dma_wait3A_363 = tpu.memref_slice %arg2[%dma_wait3A_361, %dma_wait3A_362] : memref<409600x8xf32, #tpu.memory_space<hbm>> -> memref<409600x8xf32, #tpu.memory_space<hbm>>
        %dma_wait3A_364 = tpu.memref_slice %arg12[%dma_wait3A_355] : memref<4x!tpu.dma_semaphore, #tpu.memory_space<semaphore_mem>> -> memref<1x!tpu.dma_semaphore, #tpu.memory_space<semaphore_mem>>
        %dma_wait3A_365 = tpu.memref_squeeze %dma_wait3A_364 : memref<1x!tpu.dma_semaphore, #tpu.memory_space<semaphore_mem>> -> memref<!tpu.dma_semaphore, #tpu.memory_space<semaphore_mem>>
        tpu.wait_indirect_dma semaphore(%dma_wait3A_365 : memref<!tpu.dma_semaphore, #tpu.memory_space<semaphore_mem>>) src(%dma_wait3A_363 : memref<409600x8xf32, #tpu.memory_space<hbm>>) dst(%dma_wait3A_359 : memref<128x8xf32, #tpu.memory_space<vmem>>)
        %run_scoped3A = arith.constant 2 : i32
        "tpu.region"() ({
          %run_scoped3A_366 = tpu.sem_alloc : memref<!tpu.dma_semaphore, #tpu.memory_space<semaphore_mem>>
          %dma_start3A_367 = arith.constant 0 : i32
          %dma_start3A_368 = arith.constant 0 : i32
          %dma_start3A_369 = tpu.memref_slice %arg9[%run_scoped3A, %dma_start3A_367, %dma_start3A_368] : memref<4x128x8xf32, #tpu.memory_space<vmem>> -> memref<1x128x8xf32, #tpu.memory_space<vmem>>
          %dma_start3A_370 = tpu.memref_squeeze %dma_start3A_369 : memref<1x128x8xf32, #tpu.memory_space<vmem>> -> memref<128x8xf32, #tpu.memory_space<vmem>>
          %dma_start3A_371 = arith.constant 0 : i32
          %dma_start3A_372 = tpu.memref_slice %arg8[%add3A_323, %dma_start3A_371] : memref<391x128xi32, #tpu.memory_space<vmem>> -> memref<1x128xi32, #tpu.memory_space<vmem>>
          %dma_start3A_373 = tpu.memref_squeeze %dma_start3A_372 : memref<1x128xi32, #tpu.memory_space<vmem>> -> memref<128xi32, #tpu.memory_space<vmem>>
          %dma_start3A_374 = arith.constant 0 : i32
          %dma_start3A_375 = arith.constant 0 : i32
          %dma_start3A_376 = tpu.memref_slice %arg11[%dma_start3A_374, %dma_start3A_375] : memref<51200x8xf32, #tpu.memory_space<vmem_shared>> -> memref<51200x8xf32, #tpu.memory_space<vmem_shared>>
          tpu.enqueue_indirect_dma source(%dma_start3A_370 : memref<128x8xf32, #tpu.memory_space<vmem>>) target(%dma_start3A_376 : memref<51200x8xf32, #tpu.memory_space<vmem_shared>>) offsets(%dma_start3A_373 : memref<128xi32, #tpu.memory_space<vmem>>) semaphore(%run_scoped3A_366 : memref<!tpu.dma_semaphore, #tpu.memory_space<semaphore_mem>>) {add = true}
          %dma_wait3A_377 = arith.constant 0 : i32
          %dma_wait3A_378 = arith.constant 0 : i32
          %dma_wait3A_379 = tpu.memref_slice %arg9[%run_scoped3A, %dma_wait3A_377, %dma_wait3A_378] : memref<4x128x8xf32, #tpu.memory_space<vmem>> -> memref<1x128x8xf32, #tpu.memory_space<vmem>>
          %dma_wait3A_380 = tpu.memref_squeeze %dma_wait3A_379 : memref<1x128x8xf32, #tpu.memory_space<vmem>> -> memref<128x8xf32, #tpu.memory_space<vmem>>
          %dma_wait3A_381 = arith.constant 0 : i32
          %dma_wait3A_382 = tpu.memref_slice %arg8[%add3A_323, %dma_wait3A_381] : memref<391x128xi32, #tpu.memory_space<vmem>> -> memref<1x128xi32, #tpu.memory_space<vmem>>
          %dma_wait3A_383 = tpu.memref_squeeze %dma_wait3A_382 : memref<1x128xi32, #tpu.memory_space<vmem>> -> memref<128xi32, #tpu.memory_space<vmem>>
          %dma_wait3A_384 = arith.constant 0 : i32
          %dma_wait3A_385 = arith.constant 0 : i32
          %dma_wait3A_386 = tpu.memref_slice %arg11[%dma_wait3A_384, %dma_wait3A_385] : memref<51200x8xf32, #tpu.memory_space<vmem_shared>> -> memref<51200x8xf32, #tpu.memory_space<vmem_shared>>
          tpu.wait_indirect_dma semaphore(%run_scoped3A_366 : memref<!tpu.dma_semaphore, #tpu.memory_space<semaphore_mem>>) src(%dma_wait3A_380 : memref<128x8xf32, #tpu.memory_space<vmem>>) dst(%dma_wait3A_386 : memref<51200x8xf32, #tpu.memory_space<vmem_shared>>)
          tpu.yield
        }) : () -> ()
      } else {
      }
      %mul3A_336 = arith.constant 4 : i32
      %mul3A_337 = arith.muli %scan3A_289, %mul3A_336 : i32
      %add3A_338 = arith.constant 3 : i32
      %add3A_339 = arith.addi %mul3A_337, %add3A_338 : i32
      %add3A_340 = arith.constant 3 : i32
      %add3A_341 = arith.addi %add3A_339, %add3A_340 : i32
      %lt3A_342 = arith.constant 391 : i32
      %lt3A_343 = arith.cmpi slt, %add3A_341, %lt3A_342 : i32
      %convert_element_type3A_344 = arith.extui %lt3A_343 : i1 to i32
      %cond3A_345 = arith.constant 0 : i32
      %cond3A_346 = arith.cmpi ne, %convert_element_type3A_344, %cond3A_345 : i32
      scf.if %cond3A_346 {
        %add3A_353 = arith.constant 3 : i32
        %add3A_354 = arith.addi %add3A_339, %add3A_353 : i32
        %add3A_355 = arith.constant 3 : i32
        %add3A_356 = arith.addi %add3A_339, %add3A_355 : i32
        %jit3A = arith.constant 4 : i32
        %eq3A = arith.constant 0 : i32
        %eq3A_357 = arith.cmpi eq, %jit3A, %eq3A : i32
        %jit3A_358 = arith.constant 1 : i32
        %select_n3A = arith.select %eq3A_357, %jit3A_358, %jit3A : i32
        %rem3A = arith.remsi %add3A_356, %select_n3A : i32
        %ne3A = arith.constant 0 : i32
        %ne3A_359 = arith.cmpi ne, %rem3A, %ne3A : i32
        %lt3A_360 = arith.constant 0 : i32
        %lt3A_361 = arith.cmpi slt, %rem3A, %lt3A_360 : i32
        %lt3A_362 = arith.constant 0 : i32
        %lt3A_363 = arith.cmpi slt, %select_n3A, %lt3A_362 : i32
        %ne3A_364 = arith.xori %lt3A_361, %lt3A_363 : i1
        %and3A = arith.andi %ne3A_364, %ne3A_359 : i1
        %add3A_365 = arith.addi %rem3A, %select_n3A : i32
        %select_n3A_366 = arith.select %and3A, %add3A_365, %rem3A : i32
        %mul3A_367 = arith.constant 128 : i32
        %mul3A_368 = arith.muli %add3A_354, %mul3A_367 : i32
        %dma_start3A_369 = arith.constant 0 : i32
        %dma_start3A_370 = arith.constant 0 : i32
        %dma_start3A_371 = tpu.memref_slice %arg9[%select_n3A_366, %dma_start3A_369, %dma_start3A_370] : memref<4x128x8xf32, #tpu.memory_space<vmem>> -> memref<1x128x8xf32, #tpu.memory_space<vmem>>
        %dma_start3A_372 = tpu.memref_squeeze %dma_start3A_371 : memref<1x128x8xf32, #tpu.memory_space<vmem>> -> memref<128x8xf32, #tpu.memory_space<vmem>>
        %dma_start3A_373 = tpu.memref_slice %arg7[%mul3A_368] : memref<50048xi32, #tpu.memory_space<vmem>> -> memref<128xi32, #tpu.memory_space<vmem>>
        %dma_start3A_374 = arith.constant 0 : i32
        %dma_start3A_375 = arith.constant 0 : i32
        %dma_start3A_376 = tpu.memref_slice %arg2[%dma_start3A_374, %dma_start3A_375] : memref<409600x8xf32, #tpu.memory_space<hbm>> -> memref<409600x8xf32, #tpu.memory_space<hbm>>
        %dma_start3A_377 = tpu.memref_slice %arg12[%select_n3A_366] : memref<4x!tpu.dma_semaphore, #tpu.memory_space<semaphore_mem>> -> memref<1x!tpu.dma_semaphore, #tpu.memory_space<semaphore_mem>>
        %dma_start3A_378 = tpu.memref_squeeze %dma_start3A_377 : memref<1x!tpu.dma_semaphore, #tpu.memory_space<semaphore_mem>> -> memref<!tpu.dma_semaphore, #tpu.memory_space<semaphore_mem>>
        tpu.enqueue_indirect_dma source(%dma_start3A_376 : memref<409600x8xf32, #tpu.memory_space<hbm>>) target(%dma_start3A_372 : memref<128x8xf32, #tpu.memory_space<vmem>>) offsets(%dma_start3A_373 : memref<128xi32, #tpu.memory_space<vmem>>) semaphore(%dma_start3A_378 : memref<!tpu.dma_semaphore, #tpu.memory_space<semaphore_mem>>)
      } else {
      }
      %lt3A_347 = arith.constant 391 : i32
      %lt3A_348 = arith.cmpi slt, %add3A_339, %lt3A_347 : i32
      %convert_element_type3A_349 = arith.extui %lt3A_348 : i1 to i32
      %cond3A_350 = arith.constant 0 : i32
      %cond3A_351 = arith.cmpi ne, %convert_element_type3A_349, %cond3A_350 : i32
      scf.if %cond3A_351 {
        %mul3A_353 = arith.constant 128 : i32
        %mul3A_354 = arith.muli %add3A_339, %mul3A_353 : i32
        %dma_wait3A = arith.constant 3 : i32
        %dma_wait3A_355 = arith.constant 3 : i32
        %dma_wait3A_356 = arith.constant 0 : i32
        %dma_wait3A_357 = arith.constant 0 : i32
        %dma_wait3A_358 = tpu.memref_slice %arg9[%dma_wait3A, %dma_wait3A_356, %dma_wait3A_357] : memref<4x128x8xf32, #tpu.memory_space<vmem>> -> memref<1x128x8xf32, #tpu.memory_space<vmem>>
        %dma_wait3A_359 = tpu.memref_squeeze %dma_wait3A_358 : memref<1x128x8xf32, #tpu.memory_space<vmem>> -> memref<128x8xf32, #tpu.memory_space<vmem>>
        %dma_wait3A_360 = tpu.memref_slice %arg7[%mul3A_354] : memref<50048xi32, #tpu.memory_space<vmem>> -> memref<128xi32, #tpu.memory_space<vmem>>
        %dma_wait3A_361 = arith.constant 0 : i32
        %dma_wait3A_362 = arith.constant 0 : i32
        %dma_wait3A_363 = tpu.memref_slice %arg2[%dma_wait3A_361, %dma_wait3A_362] : memref<409600x8xf32, #tpu.memory_space<hbm>> -> memref<409600x8xf32, #tpu.memory_space<hbm>>
        %dma_wait3A_364 = tpu.memref_slice %arg12[%dma_wait3A_355] : memref<4x!tpu.dma_semaphore, #tpu.memory_space<semaphore_mem>> -> memref<1x!tpu.dma_semaphore, #tpu.memory_space<semaphore_mem>>
        %dma_wait3A_365 = tpu.memref_squeeze %dma_wait3A_364 : memref<1x!tpu.dma_semaphore, #tpu.memory_space<semaphore_mem>> -> memref<!tpu.dma_semaphore, #tpu.memory_space<semaphore_mem>>
        tpu.wait_indirect_dma semaphore(%dma_wait3A_365 : memref<!tpu.dma_semaphore, #tpu.memory_space<semaphore_mem>>) src(%dma_wait3A_363 : memref<409600x8xf32, #tpu.memory_space<hbm>>) dst(%dma_wait3A_359 : memref<128x8xf32, #tpu.memory_space<vmem>>)
        %run_scoped3A = arith.constant 3 : i32
        "tpu.region"() ({
          %run_scoped3A_366 = tpu.sem_alloc : memref<!tpu.dma_semaphore, #tpu.memory_space<semaphore_mem>>
          %dma_start3A_367 = arith.constant 0 : i32
          %dma_start3A_368 = arith.constant 0 : i32
          %dma_start3A_369 = tpu.memref_slice %arg9[%run_scoped3A, %dma_start3A_367, %dma_start3A_368] : memref<4x128x8xf32, #tpu.memory_space<vmem>> -> memref<1x128x8xf32, #tpu.memory_space<vmem>>
          %dma_start3A_370 = tpu.memref_squeeze %dma_start3A_369 : memref<1x128x8xf32, #tpu.memory_space<vmem>> -> memref<128x8xf32, #tpu.memory_space<vmem>>
          %dma_start3A_371 = arith.constant 0 : i32
          %dma_start3A_372 = tpu.memref_slice %arg8[%add3A_339, %dma_start3A_371] : memref<391x128xi32, #tpu.memory_space<vmem>> -> memref<1x128xi32, #tpu.memory_space<vmem>>
          %dma_start3A_373 = tpu.memref_squeeze %dma_start3A_372 : memref<1x128xi32, #tpu.memory_space<vmem>> -> memref<128xi32, #tpu.memory_space<vmem>>
          %dma_start3A_374 = arith.constant 0 : i32
          %dma_start3A_375 = arith.constant 0 : i32
          %dma_start3A_376 = tpu.memref_slice %arg11[%dma_start3A_374, %dma_start3A_375] : memref<51200x8xf32, #tpu.memory_space<vmem_shared>> -> memref<51200x8xf32, #tpu.memory_space<vmem_shared>>
          tpu.enqueue_indirect_dma source(%dma_start3A_370 : memref<128x8xf32, #tpu.memory_space<vmem>>) target(%dma_start3A_376 : memref<51200x8xf32, #tpu.memory_space<vmem_shared>>) offsets(%dma_start3A_373 : memref<128xi32, #tpu.memory_space<vmem>>) semaphore(%run_scoped3A_366 : memref<!tpu.dma_semaphore, #tpu.memory_space<semaphore_mem>>) {add = true}
          %dma_wait3A_377 = arith.constant 0 : i32
          %dma_wait3A_378 = arith.constant 0 : i32
          %dma_wait3A_379 = tpu.memref_slice %arg9[%run_scoped3A, %dma_wait3A_377, %dma_wait3A_378] : memref<4x128x8xf32, #tpu.memory_space<vmem>> -> memref<1x128x8xf32, #tpu.memory_space<vmem>>
          %dma_wait3A_380 = tpu.memref_squeeze %dma_wait3A_379 : memref<1x128x8xf32, #tpu.memory_space<vmem>> -> memref<128x8xf32, #tpu.memory_space<vmem>>
          %dma_wait3A_381 = arith.constant 0 : i32
          %dma_wait3A_382 = tpu.memref_slice %arg8[%add3A_339, %dma_wait3A_381] : memref<391x128xi32, #tpu.memory_space<vmem>> -> memref<1x128xi32, #tpu.memory_space<vmem>>
          %dma_wait3A_383 = tpu.memref_squeeze %dma_wait3A_382 : memref<1x128xi32, #tpu.memory_space<vmem>> -> memref<128xi32, #tpu.memory_space<vmem>>
          %dma_wait3A_384 = arith.constant 0 : i32
          %dma_wait3A_385 = arith.constant 0 : i32
          %dma_wait3A_386 = tpu.memref_slice %arg11[%dma_wait3A_384, %dma_wait3A_385] : memref<51200x8xf32, #tpu.memory_space<vmem_shared>> -> memref<51200x8xf32, #tpu.memory_space<vmem_shared>>
          tpu.wait_indirect_dma semaphore(%run_scoped3A_366 : memref<!tpu.dma_semaphore, #tpu.memory_space<semaphore_mem>>) src(%dma_wait3A_380 : memref<128x8xf32, #tpu.memory_space<vmem>>) dst(%dma_wait3A_386 : memref<51200x8xf32, #tpu.memory_space<vmem_shared>>)
          tpu.yield
        }) : () -> ()
      } else {
      }
      %scan3A_352 = arith.constant 0 : i32
      scf.yield %scan3A_352 : i32
    }
    %scan3A_58 = arith.constant 98 : i32
    %barrier3A_59 = arith.constant 0 : index
    tpu.barrier barrier_id(%barrier3A_59)
    %mul3A_60 = arith.constant 3200 : i32
    %mul3A_61 = arith.muli %arg1, %mul3A_60 : i32
    %mul3A_62 = arith.constant 4 : i32
    %mul3A_63 = arith.muli %arg0, %mul3A_62 : i32
    %add3A = arith.constant 0 : i32
    %add3A_64 = arith.addi %mul3A_63, %add3A : i32
    %mul3A_65 = arith.constant 51200 : i32
    %mul3A_66 = arith.muli %add3A_64, %mul3A_65 : i32
    %mul3A_67 = arith.constant 3200 : i32
    %mul3A_68 = arith.muli %arg1, %mul3A_67 : i32
    %add3A_69 = arith.addi %mul3A_66, %mul3A_68 : i32
    "tpu.region"() ({
      %run_scoped3A = tpu.sem_alloc : memref<!tpu.dma_semaphore, #tpu.memory_space<semaphore_mem>>
      %dma_start3A_289 = arith.constant 0 : i32
      %dma_start3A_290 = tpu.memref_slice %arg6[%add3A_69, %dma_start3A_289] : memref<409600x8xf32, #tpu.memory_space<hbm>> -> memref<3200x8xf32, #tpu.memory_space<hbm>>
      %dma_start3A_291 = arith.constant 0 : i32
      %dma_start3A_292 = tpu.memref_slice %arg11[%mul3A_61, %dma_start3A_291] : memref<51200x8xf32, #tpu.memory_space<vmem_shared>> -> memref<3200x8xf32, #tpu.memory_space<vmem_shared>>
      tpu.enqueue_dma source(%dma_start3A_292 : memref<3200x8xf32, #tpu.memory_space<vmem_shared>>) target(%dma_start3A_290 : memref<3200x8xf32, #tpu.memory_space<hbm>>) target_semaphore(%run_scoped3A : memref<!tpu.dma_semaphore, #tpu.memory_space<semaphore_mem>>)
      %dma_wait3A = arith.constant 0 : i32
      %dma_wait3A_293 = tpu.memref_slice %arg6[%add3A_69, %dma_wait3A] : memref<409600x8xf32, #tpu.memory_space<hbm>> -> memref<3200x8xf32, #tpu.memory_space<hbm>>
      %dma_wait3A_294 = arith.constant 0 : i32
      %dma_wait3A_295 = tpu.memref_slice %arg11[%mul3A_61, %dma_wait3A_294] : memref<51200x8xf32, #tpu.memory_space<vmem_shared>> -> memref<3200x8xf32, #tpu.memory_space<vmem_shared>>
      tpu.wait_dma2 semaphore(%run_scoped3A : memref<!tpu.dma_semaphore, #tpu.memory_space<semaphore_mem>>) src(%dma_wait3A_295 : memref<3200x8xf32, #tpu.memory_space<vmem_shared>>) dst(%dma_wait3A_293 : memref<3200x8xf32, #tpu.memory_space<hbm>>)
      tpu.yield
    }) : () -> ()
    %scan3A_70 = arith.constant 0 : i32
    %scan3A_71 = arith.constant 0 : i32
    %scan3A_72 = arith.constant 3128 : i32
    %scan3A_73 = arith.addi %scan3A_71, %scan3A_72 : i32
    %scan3A_74 = arith.constant 1 : i32
    %scan3A_75 = scf.for %scan3A_289 = %scan3A_71 to %scan3A_73 step %scan3A_74 iter_args(%scan3A_290 = %scan3A_70) -> (i32)  : i32 {
      %mul3A_291 = arith.constant 16 : i32
      %mul3A_292 = arith.muli %scan3A_289, %mul3A_291 : i32
      %get3A = arith.index_cast %mul3A_292 : i32 to index
      %get3A_293 = tpu.vector_load %arg7[%get3A] {strides = array<i32>} : memref<50048xi32, #tpu.memory_space<vmem>>, vector<16xi32>,
      %add3A_294 = arith.constant 1 : i32
      %add3A_295 = vector.broadcast %add3A_294 : i32 to vector<16xi32>
      %add3A_296 = arith.addi %get3A_293, %add3A_295 : vector<16xi32>
      %mul3A_297 = arith.constant 16 : i32
      %mul3A_298 = arith.muli %scan3A_289, %mul3A_297 : i32
      %swap3A = arith.index_cast %mul3A_298 : i32 to index
      %swap3A_299 = tpu.vector_load %arg7[%swap3A] {strides = array<i32>} : memref<50048xi32, #tpu.memory_space<vmem>>, vector<16xi32>,
      tpu.vector_store %arg7[%swap3A], %add3A_296 {strides = array<i32>} : memref<50048xi32, #tpu.memory_space<vmem>>, vector<16xi32>,
      %scan3A_300 = arith.constant 0 : i32
      scf.yield %scan3A_300 : i32
    }
    %scan3A_76 = arith.constant 3128 : i32
    %scan3A_77 = arith.constant 0 : i32
    %scan3A_78 = arith.constant 0 : i32
    %scan3A_79 = arith.constant 25 : i32
    %scan3A_80 = arith.addi %scan3A_78, %scan3A_79 : i32
    %scan3A_81 = arith.constant 1 : i32
    %scan3A_82 = scf.for %scan3A_289 = %scan3A_78 to %scan3A_80 step %scan3A_81 iter_args(%scan3A_290 = %scan3A_77) -> (i32)  : i32 {
      %mul3A_291 = arith.constant 3200 : i32
      %mul3A_292 = arith.muli %arg1, %mul3A_291 : i32
      %mul3A_293 = arith.constant 128 : i32
      %mul3A_294 = arith.muli %scan3A_289, %mul3A_293 : i32
      %add3A_295 = arith.addi %mul3A_292, %mul3A_294 : i32
      "tpu.region"() ({
        %run_scoped3A = tpu.sem_alloc : memref<!tpu.dma_semaphore, #tpu.memory_space<semaphore_mem>>
        %dma_start3A_297 = arith.constant 0 : i32
        %dma_start3A_298 = tpu.memref_slice %arg11[%add3A_295, %dma_start3A_297] : memref<51200x8xf32, #tpu.memory_space<vmem_shared>> -> memref<128x8xf32, #tpu.memory_space<vmem_shared>>
        %dma_start3A_299 = arith.constant 0 : i32
        %dma_start3A_300 = tpu.memref_slice %arg11[%add3A_295, %dma_start3A_299] : memref<51200x8xf32, #tpu.memory_space<vmem_shared>> -> memref<128x8xf32, #tpu.memory_space<vmem_shared>>
        tpu.enqueue_dma source(%arg10 : memref<128x8xf32, #tpu.memory_space<vmem>>) target(%dma_start3A_300 : memref<128x8xf32, #tpu.memory_space<vmem_shared>>) target_semaphore(%run_scoped3A : memref<!tpu.dma_semaphore, #tpu.memory_space<semaphore_mem>>)
        %dma_wait3A = arith.constant 0 : i32
        %dma_wait3A_301 = tpu.memref_slice %arg11[%add3A_295, %dma_wait3A] : memref<51200x8xf32, #tpu.memory_space<vmem_shared>> -> memref<128x8xf32, #tpu.memory_space<vmem_shared>>
        %dma_wait3A_302 = arith.constant 0 : i32
        %dma_wait3A_303 = tpu.memref_slice %arg11[%add3A_295, %dma_wait3A_302] : memref<51200x8xf32, #tpu.memory_space<vmem_shared>> -> memref<128x8xf32, #tpu.memory_space<vmem_shared>>
        tpu.wait_dma2 semaphore(%run_scoped3A : memref<!tpu.dma_semaphore, #tpu.memory_space<semaphore_mem>>) src(%arg10 : memref<128x8xf32, #tpu.memory_space<vmem>>) dst(%dma_wait3A_303 : memref<128x8xf32, #tpu.memory_space<vmem_shared>>)
        tpu.yield
      }) : () -> ()
      %scan3A_296 = arith.constant 0 : i32
      scf.yield %scan3A_296 : i32
    }
    %scan3A_83 = arith.constant 25 : i32
    %barrier3A_84 = arith.constant 0 : index
    tpu.barrier barrier_id(%barrier3A_84)
    %dma_start3A_85 = arith.constant 0 : i32
    %dma_start3A_86 = arith.constant 0 : i32
    %dma_start3A_87 = arith.constant 0 : i32
    %dma_start3A_88 = arith.constant 0 : i32
    %dma_start3A_89 = tpu.memref_slice %arg9[%dma_start3A_85, %dma_start3A_87, %dma_start3A_88] : memref<4x128x8xf32, #tpu.memory_space<vmem>> -> memref<1x128x8xf32, #tpu.memory_space<vmem>>
    %dma_start3A_90 = tpu.memref_squeeze %dma_start3A_89 : memref<1x128x8xf32, #tpu.memory_space<vmem>> -> memref<128x8xf32, #tpu.memory_space<vmem>>
    %dma_start3A_91 = arith.constant 0 : i32
    %dma_start3A_92 = tpu.memref_slice %arg7[%dma_start3A_91] : memref<50048xi32, #tpu.memory_space<vmem>> -> memref<128xi32, #tpu.memory_space<vmem>>
    %dma_start3A_93 = arith.constant 0 : i32
    %dma_start3A_94 = arith.constant 0 : i32
    %dma_start3A_95 = tpu.memref_slice %arg2[%dma_start3A_93, %dma_start3A_94] : memref<409600x8xf32, #tpu.memory_space<hbm>> -> memref<409600x8xf32, #tpu.memory_space<hbm>>
    %dma_start3A_96 = tpu.memref_slice %arg12[%dma_start3A_86] : memref<4x!tpu.dma_semaphore, #tpu.memory_space<semaphore_mem>> -> memref<1x!tpu.dma_semaphore, #tpu.memory_space<semaphore_mem>>
    %dma_start3A_97 = tpu.memref_squeeze %dma_start3A_96 : memref<1x!tpu.dma_semaphore, #tpu.memory_space<semaphore_mem>> -> memref<!tpu.dma_semaphore, #tpu.memory_space<semaphore_mem>>
    tpu.enqueue_indirect_dma source(%dma_start3A_95 : memref<409600x8xf32, #tpu.memory_space<hbm>>) target(%dma_start3A_90 : memref<128x8xf32, #tpu.memory_space<vmem>>) offsets(%dma_start3A_92 : memref<128xi32, #tpu.memory_space<vmem>>) semaphore(%dma_start3A_97 : memref<!tpu.dma_semaphore, #tpu.memory_space<semaphore_mem>>)
    %dma_start3A_98 = arith.constant 1 : i32
    %dma_start3A_99 = arith.constant 1 : i32
    %dma_start3A_100 = arith.constant 0 : i32
    %dma_start3A_101 = arith.constant 0 : i32
    %dma_start3A_102 = tpu.memref_slice %arg9[%dma_start3A_98, %dma_start3A_100, %dma_start3A_101] : memref<4x128x8xf32, #tpu.memory_space<vmem>> -> memref<1x128x8xf32, #tpu.memory_space<vmem>>
    %dma_start3A_103 = tpu.memref_squeeze %dma_start3A_102 : memref<1x128x8xf32, #tpu.memory_space<vmem>> -> memref<128x8xf32, #tpu.memory_space<vmem>>
    %dma_start3A_104 = arith.constant 128 : i32
    %dma_start3A_105 = tpu.memref_slice %arg7[%dma_start3A_104] : memref<50048xi32, #tpu.memory_space<vmem>> -> memref<128xi32, #tpu.memory_space<vmem>>
    %dma_start3A_106 = arith.constant 0 : i32
    %dma_start3A_107 = arith.constant 0 : i32
    %dma_start3A_108 = tpu.memref_slice %arg2[%dma_start3A_106, %dma_start3A_107] : memref<409600x8xf32, #tpu.memory_space<hbm>> -> memref<409600x8xf32, #tpu.memory_space<hbm>>
    %dma_start3A_109 = tpu.memref_slice %arg12[%dma_start3A_99] : memref<4x!tpu.dma_semaphore, #tpu.memory_space<semaphore_mem>> -> memref<1x!tpu.dma_semaphore, #tpu.memory_space<semaphore_mem>>
    %dma_start3A_110 = tpu.memref_squeeze %dma_start3A_109 : memref<1x!tpu.dma_semaphore, #tpu.memory_space<semaphore_mem>> -> memref<!tpu.dma_semaphore, #tpu.memory_space<semaphore_mem>>
    tpu.enqueue_indirect_dma source(%dma_start3A_108 : memref<409600x8xf32, #tpu.memory_space<hbm>>) target(%dma_start3A_103 : memref<128x8xf32, #tpu.memory_space<vmem>>) offsets(%dma_start3A_105 : memref<128xi32, #tpu.memory_space<vmem>>) semaphore(%dma_start3A_110 : memref<!tpu.dma_semaphore, #tpu.memory_space<semaphore_mem>>)
    %dma_start3A_111 = arith.constant 2 : i32
    %dma_start3A_112 = arith.constant 2 : i32
    %dma_start3A_113 = arith.constant 0 : i32
    %dma_start3A_114 = arith.constant 0 : i32
    %dma_start3A_115 = tpu.memref_slice %arg9[%dma_start3A_111, %dma_start3A_113, %dma_start3A_114] : memref<4x128x8xf32, #tpu.memory_space<vmem>> -> memref<1x128x8xf32, #tpu.memory_space<vmem>>
    %dma_start3A_116 = tpu.memref_squeeze %dma_start3A_115 : memref<1x128x8xf32, #tpu.memory_space<vmem>> -> memref<128x8xf32, #tpu.memory_space<vmem>>
    %dma_start3A_117 = arith.constant 256 : i32
    %dma_start3A_118 = tpu.memref_slice %arg7[%dma_start3A_117] : memref<50048xi32, #tpu.memory_space<vmem>> -> memref<128xi32, #tpu.memory_space<vmem>>
    %dma_start3A_119 = arith.constant 0 : i32
    %dma_start3A_120 = arith.constant 0 : i32
    %dma_start3A_121 = tpu.memref_slice %arg2[%dma_start3A_119, %dma_start3A_120] : memref<409600x8xf32, #tpu.memory_space<hbm>> -> memref<409600x8xf32, #tpu.memory_space<hbm>>
    %dma_start3A_122 = tpu.memref_slice %arg12[%dma_start3A_112] : memref<4x!tpu.dma_semaphore, #tpu.memory_space<semaphore_mem>> -> memref<1x!tpu.dma_semaphore, #tpu.memory_space<semaphore_mem>>
    %dma_start3A_123 = tpu.memref_squeeze %dma_start3A_122 : memref<1x!tpu.dma_semaphore, #tpu.memory_space<semaphore_mem>> -> memref<!tpu.dma_semaphore, #tpu.memory_space<semaphore_mem>>
    tpu.enqueue_indirect_dma source(%dma_start3A_121 : memref<409600x8xf32, #tpu.memory_space<hbm>>) target(%dma_start3A_116 : memref<128x8xf32, #tpu.memory_space<vmem>>) offsets(%dma_start3A_118 : memref<128xi32, #tpu.memory_space<vmem>>) semaphore(%dma_start3A_123 : memref<!tpu.dma_semaphore, #tpu.memory_space<semaphore_mem>>)
    %scan3A_124 = arith.constant 0 : i32
    %scan3A_125 = arith.constant 0 : i32
    %scan3A_126 = arith.constant 98 : i32
    %scan3A_127 = arith.addi %scan3A_125, %scan3A_126 : i32
    %scan3A_128 = arith.constant 1 : i32
    %scan3A_129 = scf.for %scan3A_289 = %scan3A_125 to %scan3A_127 step %scan3A_128 iter_args(%scan3A_290 = %scan3A_124) -> (i32)  : i32 {
      %mul3A_291 = arith.constant 4 : i32
      %mul3A_292 = arith.muli %scan3A_289, %mul3A_291 : i32
      %add3A_293 = arith.constant 0 : i32
      %add3A_294 = arith.addi %mul3A_292, %add3A_293 : i32
      %add3A_295 = arith.constant 3 : i32
      %add3A_296 = arith.addi %add3A_294, %add3A_295 : i32
      %lt3A = arith.constant 391 : i32
      %lt3A_297 = arith.cmpi slt, %add3A_296, %lt3A : i32
      %convert_element_type3A = arith.extui %lt3A_297 : i1 to i32
      %cond3A = arith.constant 0 : i32
      %cond3A_298 = arith.cmpi ne, %convert_element_type3A, %cond3A : i32
      scf.if %cond3A_298 {
        %add3A_353 = arith.constant 3 : i32
        %add3A_354 = arith.addi %add3A_294, %add3A_353 : i32
        %add3A_355 = arith.constant 3 : i32
        %add3A_356 = arith.addi %add3A_294, %add3A_355 : i32
        %jit3A = arith.constant 4 : i32
        %eq3A = arith.constant 0 : i32
        %eq3A_357 = arith.cmpi eq, %jit3A, %eq3A : i32
        %jit3A_358 = arith.constant 1 : i32
        %select_n3A = arith.select %eq3A_357, %jit3A_358, %jit3A : i32
        %rem3A = arith.remsi %add3A_356, %select_n3A : i32
        %ne3A = arith.constant 0 : i32
        %ne3A_359 = arith.cmpi ne, %rem3A, %ne3A : i32
        %lt3A_360 = arith.constant 0 : i32
        %lt3A_361 = arith.cmpi slt, %rem3A, %lt3A_360 : i32
        %lt3A_362 = arith.constant 0 : i32
        %lt3A_363 = arith.cmpi slt, %select_n3A, %lt3A_362 : i32
        %ne3A_364 = arith.xori %lt3A_361, %lt3A_363 : i1
        %and3A = arith.andi %ne3A_364, %ne3A_359 : i1
        %add3A_365 = arith.addi %rem3A, %select_n3A : i32
        %select_n3A_366 = arith.select %and3A, %add3A_365, %rem3A : i32
        %mul3A_367 = arith.constant 128 : i32
        %mul3A_368 = arith.muli %add3A_354, %mul3A_367 : i32
        %dma_start3A_369 = arith.constant 0 : i32
        %dma_start3A_370 = arith.constant 0 : i32
        %dma_start3A_371 = tpu.memref_slice %arg9[%select_n3A_366, %dma_start3A_369, %dma_start3A_370] : memref<4x128x8xf32, #tpu.memory_space<vmem>> -> memref<1x128x8xf32, #tpu.memory_space<vmem>>
        %dma_start3A_372 = tpu.memref_squeeze %dma_start3A_371 : memref<1x128x8xf32, #tpu.memory_space<vmem>> -> memref<128x8xf32, #tpu.memory_space<vmem>>
        %dma_start3A_373 = tpu.memref_slice %arg7[%mul3A_368] : memref<50048xi32, #tpu.memory_space<vmem>> -> memref<128xi32, #tpu.memory_space<vmem>>
        %dma_start3A_374 = arith.constant 0 : i32
        %dma_start3A_375 = arith.constant 0 : i32
        %dma_start3A_376 = tpu.memref_slice %arg2[%dma_start3A_374, %dma_start3A_375] : memref<409600x8xf32, #tpu.memory_space<hbm>> -> memref<409600x8xf32, #tpu.memory_space<hbm>>
        %dma_start3A_377 = tpu.memref_slice %arg12[%select_n3A_366] : memref<4x!tpu.dma_semaphore, #tpu.memory_space<semaphore_mem>> -> memref<1x!tpu.dma_semaphore, #tpu.memory_space<semaphore_mem>>
        %dma_start3A_378 = tpu.memref_squeeze %dma_start3A_377 : memref<1x!tpu.dma_semaphore, #tpu.memory_space<semaphore_mem>> -> memref<!tpu.dma_semaphore, #tpu.memory_space<semaphore_mem>>
        tpu.enqueue_indirect_dma source(%dma_start3A_376 : memref<409600x8xf32, #tpu.memory_space<hbm>>) target(%dma_start3A_372 : memref<128x8xf32, #tpu.memory_space<vmem>>) offsets(%dma_start3A_373 : memref<128xi32, #tpu.memory_space<vmem>>) semaphore(%dma_start3A_378 : memref<!tpu.dma_semaphore, #tpu.memory_space<semaphore_mem>>)
      } else {
      }
      %lt3A_299 = arith.constant 391 : i32
      %lt3A_300 = arith.cmpi slt, %add3A_294, %lt3A_299 : i32
      %convert_element_type3A_301 = arith.extui %lt3A_300 : i1 to i32
      %cond3A_302 = arith.constant 0 : i32
      %cond3A_303 = arith.cmpi ne, %convert_element_type3A_301, %cond3A_302 : i32
      scf.if %cond3A_303 {
        %mul3A_353 = arith.constant 128 : i32
        %mul3A_354 = arith.muli %add3A_294, %mul3A_353 : i32
        %dma_wait3A = arith.constant 0 : i32
        %dma_wait3A_355 = arith.constant 0 : i32
        %dma_wait3A_356 = arith.constant 0 : i32
        %dma_wait3A_357 = arith.constant 0 : i32
        %dma_wait3A_358 = tpu.memref_slice %arg9[%dma_wait3A, %dma_wait3A_356, %dma_wait3A_357] : memref<4x128x8xf32, #tpu.memory_space<vmem>> -> memref<1x128x8xf32, #tpu.memory_space<vmem>>
        %dma_wait3A_359 = tpu.memref_squeeze %dma_wait3A_358 : memref<1x128x8xf32, #tpu.memory_space<vmem>> -> memref<128x8xf32, #tpu.memory_space<vmem>>
        %dma_wait3A_360 = tpu.memref_slice %arg7[%mul3A_354] : memref<50048xi32, #tpu.memory_space<vmem>> -> memref<128xi32, #tpu.memory_space<vmem>>
        %dma_wait3A_361 = arith.constant 0 : i32
        %dma_wait3A_362 = arith.constant 0 : i32
        %dma_wait3A_363 = tpu.memref_slice %arg2[%dma_wait3A_361, %dma_wait3A_362] : memref<409600x8xf32, #tpu.memory_space<hbm>> -> memref<409600x8xf32, #tpu.memory_space<hbm>>
        %dma_wait3A_364 = tpu.memref_slice %arg12[%dma_wait3A_355] : memref<4x!tpu.dma_semaphore, #tpu.memory_space<semaphore_mem>> -> memref<1x!tpu.dma_semaphore, #tpu.memory_space<semaphore_mem>>
        %dma_wait3A_365 = tpu.memref_squeeze %dma_wait3A_364 : memref<1x!tpu.dma_semaphore, #tpu.memory_space<semaphore_mem>> -> memref<!tpu.dma_semaphore, #tpu.memory_space<semaphore_mem>>
        tpu.wait_indirect_dma semaphore(%dma_wait3A_365 : memref<!tpu.dma_semaphore, #tpu.memory_space<semaphore_mem>>) src(%dma_wait3A_363 : memref<409600x8xf32, #tpu.memory_space<hbm>>) dst(%dma_wait3A_359 : memref<128x8xf32, #tpu.memory_space<vmem>>)
        %run_scoped3A = arith.constant 0 : i32
        "tpu.region"() ({
          %run_scoped3A_366 = tpu.sem_alloc : memref<!tpu.dma_semaphore, #tpu.memory_space<semaphore_mem>>
          %dma_start3A_367 = arith.constant 0 : i32
          %dma_start3A_368 = arith.constant 0 : i32
          %dma_start3A_369 = tpu.memref_slice %arg9[%run_scoped3A, %dma_start3A_367, %dma_start3A_368] : memref<4x128x8xf32, #tpu.memory_space<vmem>> -> memref<1x128x8xf32, #tpu.memory_space<vmem>>
          %dma_start3A_370 = tpu.memref_squeeze %dma_start3A_369 : memref<1x128x8xf32, #tpu.memory_space<vmem>> -> memref<128x8xf32, #tpu.memory_space<vmem>>
          %dma_start3A_371 = arith.constant 0 : i32
          %dma_start3A_372 = tpu.memref_slice %arg8[%add3A_294, %dma_start3A_371] : memref<391x128xi32, #tpu.memory_space<vmem>> -> memref<1x128xi32, #tpu.memory_space<vmem>>
          %dma_start3A_373 = tpu.memref_squeeze %dma_start3A_372 : memref<1x128xi32, #tpu.memory_space<vmem>> -> memref<128xi32, #tpu.memory_space<vmem>>
          %dma_start3A_374 = arith.constant 0 : i32
          %dma_start3A_375 = arith.constant 0 : i32
          %dma_start3A_376 = tpu.memref_slice %arg11[%dma_start3A_374, %dma_start3A_375] : memref<51200x8xf32, #tpu.memory_space<vmem_shared>> -> memref<51200x8xf32, #tpu.memory_space<vmem_shared>>
          tpu.enqueue_indirect_dma source(%dma_start3A_370 : memref<128x8xf32, #tpu.memory_space<vmem>>) target(%dma_start3A_376 : memref<51200x8xf32, #tpu.memory_space<vmem_shared>>) offsets(%dma_start3A_373 : memref<128xi32, #tpu.memory_space<vmem>>) semaphore(%run_scoped3A_366 : memref<!tpu.dma_semaphore, #tpu.memory_space<semaphore_mem>>) {add = true}
          %dma_wait3A_377 = arith.constant 0 : i32
          %dma_wait3A_378 = arith.constant 0 : i32
          %dma_wait3A_379 = tpu.memref_slice %arg9[%run_scoped3A, %dma_wait3A_377, %dma_wait3A_378] : memref<4x128x8xf32, #tpu.memory_space<vmem>> -> memref<1x128x8xf32, #tpu.memory_space<vmem>>
          %dma_wait3A_380 = tpu.memref_squeeze %dma_wait3A_379 : memref<1x128x8xf32, #tpu.memory_space<vmem>> -> memref<128x8xf32, #tpu.memory_space<vmem>>
          %dma_wait3A_381 = arith.constant 0 : i32
          %dma_wait3A_382 = tpu.memref_slice %arg8[%add3A_294, %dma_wait3A_381] : memref<391x128xi32, #tpu.memory_space<vmem>> -> memref<1x128xi32, #tpu.memory_space<vmem>>
          %dma_wait3A_383 = tpu.memref_squeeze %dma_wait3A_382 : memref<1x128xi32, #tpu.memory_space<vmem>> -> memref<128xi32, #tpu.memory_space<vmem>>
          %dma_wait3A_384 = arith.constant 0 : i32
          %dma_wait3A_385 = arith.constant 0 : i32
          %dma_wait3A_386 = tpu.memref_slice %arg11[%dma_wait3A_384, %dma_wait3A_385] : memref<51200x8xf32, #tpu.memory_space<vmem_shared>> -> memref<51200x8xf32, #tpu.memory_space<vmem_shared>>
          tpu.wait_indirect_dma semaphore(%run_scoped3A_366 : memref<!tpu.dma_semaphore, #tpu.memory_space<semaphore_mem>>) src(%dma_wait3A_380 : memref<128x8xf32, #tpu.memory_space<vmem>>) dst(%dma_wait3A_386 : memref<51200x8xf32, #tpu.memory_space<vmem_shared>>)
          tpu.yield
        }) : () -> ()
      } else {
      }
      %mul3A_304 = arith.constant 4 : i32
      %mul3A_305 = arith.muli %scan3A_289, %mul3A_304 : i32
      %add3A_306 = arith.constant 1 : i32
      %add3A_307 = arith.addi %mul3A_305, %add3A_306 : i32
      %add3A_308 = arith.constant 3 : i32
      %add3A_309 = arith.addi %add3A_307, %add3A_308 : i32
      %lt3A_310 = arith.constant 391 : i32
      %lt3A_311 = arith.cmpi slt, %add3A_309, %lt3A_310 : i32
      %convert_element_type3A_312 = arith.extui %lt3A_311 : i1 to i32
      %cond3A_313 = arith.constant 0 : i32
      %cond3A_314 = arith.cmpi ne, %convert_element_type3A_312, %cond3A_313 : i32
      scf.if %cond3A_314 {
        %add3A_353 = arith.constant 3 : i32
        %add3A_354 = arith.addi %add3A_307, %add3A_353 : i32
        %add3A_355 = arith.constant 3 : i32
        %add3A_356 = arith.addi %add3A_307, %add3A_355 : i32
        %jit3A = arith.constant 4 : i32
        %eq3A = arith.constant 0 : i32
        %eq3A_357 = arith.cmpi eq, %jit3A, %eq3A : i32
        %jit3A_358 = arith.constant 1 : i32
        %select_n3A = arith.select %eq3A_357, %jit3A_358, %jit3A : i32
        %rem3A = arith.remsi %add3A_356, %select_n3A : i32
        %ne3A = arith.constant 0 : i32
        %ne3A_359 = arith.cmpi ne, %rem3A, %ne3A : i32
        %lt3A_360 = arith.constant 0 : i32
        %lt3A_361 = arith.cmpi slt, %rem3A, %lt3A_360 : i32
        %lt3A_362 = arith.constant 0 : i32
        %lt3A_363 = arith.cmpi slt, %select_n3A, %lt3A_362 : i32
        %ne3A_364 = arith.xori %lt3A_361, %lt3A_363 : i1
        %and3A = arith.andi %ne3A_364, %ne3A_359 : i1
        %add3A_365 = arith.addi %rem3A, %select_n3A : i32
        %select_n3A_366 = arith.select %and3A, %add3A_365, %rem3A : i32
        %mul3A_367 = arith.constant 128 : i32
        %mul3A_368 = arith.muli %add3A_354, %mul3A_367 : i32
        %dma_start3A_369 = arith.constant 0 : i32
        %dma_start3A_370 = arith.constant 0 : i32
        %dma_start3A_371 = tpu.memref_slice %arg9[%select_n3A_366, %dma_start3A_369, %dma_start3A_370] : memref<4x128x8xf32, #tpu.memory_space<vmem>> -> memref<1x128x8xf32, #tpu.memory_space<vmem>>
        %dma_start3A_372 = tpu.memref_squeeze %dma_start3A_371 : memref<1x128x8xf32, #tpu.memory_space<vmem>> -> memref<128x8xf32, #tpu.memory_space<vmem>>
        %dma_start3A_373 = tpu.memref_slice %arg7[%mul3A_368] : memref<50048xi32, #tpu.memory_space<vmem>> -> memref<128xi32, #tpu.memory_space<vmem>>
        %dma_start3A_374 = arith.constant 0 : i32
        %dma_start3A_375 = arith.constant 0 : i32
        %dma_start3A_376 = tpu.memref_slice %arg2[%dma_start3A_374, %dma_start3A_375] : memref<409600x8xf32, #tpu.memory_space<hbm>> -> memref<409600x8xf32, #tpu.memory_space<hbm>>
        %dma_start3A_377 = tpu.memref_slice %arg12[%select_n3A_366] : memref<4x!tpu.dma_semaphore, #tpu.memory_space<semaphore_mem>> -> memref<1x!tpu.dma_semaphore, #tpu.memory_space<semaphore_mem>>
        %dma_start3A_378 = tpu.memref_squeeze %dma_start3A_377 : memref<1x!tpu.dma_semaphore, #tpu.memory_space<semaphore_mem>> -> memref<!tpu.dma_semaphore, #tpu.memory_space<semaphore_mem>>
        tpu.enqueue_indirect_dma source(%dma_start3A_376 : memref<409600x8xf32, #tpu.memory_space<hbm>>) target(%dma_start3A_372 : memref<128x8xf32, #tpu.memory_space<vmem>>) offsets(%dma_start3A_373 : memref<128xi32, #tpu.memory_space<vmem>>) semaphore(%dma_start3A_378 : memref<!tpu.dma_semaphore, #tpu.memory_space<semaphore_mem>>)
      } else {
      }
      %lt3A_315 = arith.constant 391 : i32
      %lt3A_316 = arith.cmpi slt, %add3A_307, %lt3A_315 : i32
      %convert_element_type3A_317 = arith.extui %lt3A_316 : i1 to i32
      %cond3A_318 = arith.constant 0 : i32
      %cond3A_319 = arith.cmpi ne, %convert_element_type3A_317, %cond3A_318 : i32
      scf.if %cond3A_319 {
        %mul3A_353 = arith.constant 128 : i32
        %mul3A_354 = arith.muli %add3A_307, %mul3A_353 : i32
        %dma_wait3A = arith.constant 1 : i32
        %dma_wait3A_355 = arith.constant 1 : i32
        %dma_wait3A_356 = arith.constant 0 : i32
        %dma_wait3A_357 = arith.constant 0 : i32
        %dma_wait3A_358 = tpu.memref_slice %arg9[%dma_wait3A, %dma_wait3A_356, %dma_wait3A_357] : memref<4x128x8xf32, #tpu.memory_space<vmem>> -> memref<1x128x8xf32, #tpu.memory_space<vmem>>
        %dma_wait3A_359 = tpu.memref_squeeze %dma_wait3A_358 : memref<1x128x8xf32, #tpu.memory_space<vmem>> -> memref<128x8xf32, #tpu.memory_space<vmem>>
        %dma_wait3A_360 = tpu.memref_slice %arg7[%mul3A_354] : memref<50048xi32, #tpu.memory_space<vmem>> -> memref<128xi32, #tpu.memory_space<vmem>>
        %dma_wait3A_361 = arith.constant 0 : i32
        %dma_wait3A_362 = arith.constant 0 : i32
        %dma_wait3A_363 = tpu.memref_slice %arg2[%dma_wait3A_361, %dma_wait3A_362] : memref<409600x8xf32, #tpu.memory_space<hbm>> -> memref<409600x8xf32, #tpu.memory_space<hbm>>
        %dma_wait3A_364 = tpu.memref_slice %arg12[%dma_wait3A_355] : memref<4x!tpu.dma_semaphore, #tpu.memory_space<semaphore_mem>> -> memref<1x!tpu.dma_semaphore, #tpu.memory_space<semaphore_mem>>
        %dma_wait3A_365 = tpu.memref_squeeze %dma_wait3A_364 : memref<1x!tpu.dma_semaphore, #tpu.memory_space<semaphore_mem>> -> memref<!tpu.dma_semaphore, #tpu.memory_space<semaphore_mem>>
        tpu.wait_indirect_dma semaphore(%dma_wait3A_365 : memref<!tpu.dma_semaphore, #tpu.memory_space<semaphore_mem>>) src(%dma_wait3A_363 : memref<409600x8xf32, #tpu.memory_space<hbm>>) dst(%dma_wait3A_359 : memref<128x8xf32, #tpu.memory_space<vmem>>)
        %run_scoped3A = arith.constant 1 : i32
        "tpu.region"() ({
          %run_scoped3A_366 = tpu.sem_alloc : memref<!tpu.dma_semaphore, #tpu.memory_space<semaphore_mem>>
          %dma_start3A_367 = arith.constant 0 : i32
          %dma_start3A_368 = arith.constant 0 : i32
          %dma_start3A_369 = tpu.memref_slice %arg9[%run_scoped3A, %dma_start3A_367, %dma_start3A_368] : memref<4x128x8xf32, #tpu.memory_space<vmem>> -> memref<1x128x8xf32, #tpu.memory_space<vmem>>
          %dma_start3A_370 = tpu.memref_squeeze %dma_start3A_369 : memref<1x128x8xf32, #tpu.memory_space<vmem>> -> memref<128x8xf32, #tpu.memory_space<vmem>>
          %dma_start3A_371 = arith.constant 0 : i32
          %dma_start3A_372 = tpu.memref_slice %arg8[%add3A_307, %dma_start3A_371] : memref<391x128xi32, #tpu.memory_space<vmem>> -> memref<1x128xi32, #tpu.memory_space<vmem>>
          %dma_start3A_373 = tpu.memref_squeeze %dma_start3A_372 : memref<1x128xi32, #tpu.memory_space<vmem>> -> memref<128xi32, #tpu.memory_space<vmem>>
          %dma_start3A_374 = arith.constant 0 : i32
          %dma_start3A_375 = arith.constant 0 : i32
          %dma_start3A_376 = tpu.memref_slice %arg11[%dma_start3A_374, %dma_start3A_375] : memref<51200x8xf32, #tpu.memory_space<vmem_shared>> -> memref<51200x8xf32, #tpu.memory_space<vmem_shared>>
          tpu.enqueue_indirect_dma source(%dma_start3A_370 : memref<128x8xf32, #tpu.memory_space<vmem>>) target(%dma_start3A_376 : memref<51200x8xf32, #tpu.memory_space<vmem_shared>>) offsets(%dma_start3A_373 : memref<128xi32, #tpu.memory_space<vmem>>) semaphore(%run_scoped3A_366 : memref<!tpu.dma_semaphore, #tpu.memory_space<semaphore_mem>>) {add = true}
          %dma_wait3A_377 = arith.constant 0 : i32
          %dma_wait3A_378 = arith.constant 0 : i32
          %dma_wait3A_379 = tpu.memref_slice %arg9[%run_scoped3A, %dma_wait3A_377, %dma_wait3A_378] : memref<4x128x8xf32, #tpu.memory_space<vmem>> -> memref<1x128x8xf32, #tpu.memory_space<vmem>>
          %dma_wait3A_380 = tpu.memref_squeeze %dma_wait3A_379 : memref<1x128x8xf32, #tpu.memory_space<vmem>> -> memref<128x8xf32, #tpu.memory_space<vmem>>
          %dma_wait3A_381 = arith.constant 0 : i32
          %dma_wait3A_382 = tpu.memref_slice %arg8[%add3A_307, %dma_wait3A_381] : memref<391x128xi32, #tpu.memory_space<vmem>> -> memref<1x128xi32, #tpu.memory_space<vmem>>
          %dma_wait3A_383 = tpu.memref_squeeze %dma_wait3A_382 : memref<1x128xi32, #tpu.memory_space<vmem>> -> memref<128xi32, #tpu.memory_space<vmem>>
          %dma_wait3A_384 = arith.constant 0 : i32
          %dma_wait3A_385 = arith.constant 0 : i32
          %dma_wait3A_386 = tpu.memref_slice %arg11[%dma_wait3A_384, %dma_wait3A_385] : memref<51200x8xf32, #tpu.memory_space<vmem_shared>> -> memref<51200x8xf32, #tpu.memory_space<vmem_shared>>
          tpu.wait_indirect_dma semaphore(%run_scoped3A_366 : memref<!tpu.dma_semaphore, #tpu.memory_space<semaphore_mem>>) src(%dma_wait3A_380 : memref<128x8xf32, #tpu.memory_space<vmem>>) dst(%dma_wait3A_386 : memref<51200x8xf32, #tpu.memory_space<vmem_shared>>)
          tpu.yield
        }) : () -> ()
      } else {
      }
      %mul3A_320 = arith.constant 4 : i32
      %mul3A_321 = arith.muli %scan3A_289, %mul3A_320 : i32
      %add3A_322 = arith.constant 2 : i32
      %add3A_323 = arith.addi %mul3A_321, %add3A_322 : i32
      %add3A_324 = arith.constant 3 : i32
      %add3A_325 = arith.addi %add3A_323, %add3A_324 : i32
      %lt3A_326 = arith.constant 391 : i32
      %lt3A_327 = arith.cmpi slt, %add3A_325, %lt3A_326 : i32
      %convert_element_type3A_328 = arith.extui %lt3A_327 : i1 to i32
      %cond3A_329 = arith.constant 0 : i32
      %cond3A_330 = arith.cmpi ne, %convert_element_type3A_328, %cond3A_329 : i32
      scf.if %cond3A_330 {
        %add3A_353 = arith.constant 3 : i32
        %add3A_354 = arith.addi %add3A_323, %add3A_353 : i32
        %add3A_355 = arith.constant 3 : i32
        %add3A_356 = arith.addi %add3A_323, %add3A_355 : i32
        %jit3A = arith.constant 4 : i32
        %eq3A = arith.constant 0 : i32
        %eq3A_357 = arith.cmpi eq, %jit3A, %eq3A : i32
        %jit3A_358 = arith.constant 1 : i32
        %select_n3A = arith.select %eq3A_357, %jit3A_358, %jit3A : i32
        %rem3A = arith.remsi %add3A_356, %select_n3A : i32
        %ne3A = arith.constant 0 : i32
        %ne3A_359 = arith.cmpi ne, %rem3A, %ne3A : i32
        %lt3A_360 = arith.constant 0 : i32
        %lt3A_361 = arith.cmpi slt, %rem3A, %lt3A_360 : i32
        %lt3A_362 = arith.constant 0 : i32
        %lt3A_363 = arith.cmpi slt, %select_n3A, %lt3A_362 : i32
        %ne3A_364 = arith.xori %lt3A_361, %lt3A_363 : i1
        %and3A = arith.andi %ne3A_364, %ne3A_359 : i1
        %add3A_365 = arith.addi %rem3A, %select_n3A : i32
        %select_n3A_366 = arith.select %and3A, %add3A_365, %rem3A : i32
        %mul3A_367 = arith.constant 128 : i32
        %mul3A_368 = arith.muli %add3A_354, %mul3A_367 : i32
        %dma_start3A_369 = arith.constant 0 : i32
        %dma_start3A_370 = arith.constant 0 : i32
        %dma_start3A_371 = tpu.memref_slice %arg9[%select_n3A_366, %dma_start3A_369, %dma_start3A_370] : memref<4x128x8xf32, #tpu.memory_space<vmem>> -> memref<1x128x8xf32, #tpu.memory_space<vmem>>
        %dma_start3A_372 = tpu.memref_squeeze %dma_start3A_371 : memref<1x128x8xf32, #tpu.memory_space<vmem>> -> memref<128x8xf32, #tpu.memory_space<vmem>>
        %dma_start3A_373 = tpu.memref_slice %arg7[%mul3A_368] : memref<50048xi32, #tpu.memory_space<vmem>> -> memref<128xi32, #tpu.memory_space<vmem>>
        %dma_start3A_374 = arith.constant 0 : i32
        %dma_start3A_375 = arith.constant 0 : i32
        %dma_start3A_376 = tpu.memref_slice %arg2[%dma_start3A_374, %dma_start3A_375] : memref<409600x8xf32, #tpu.memory_space<hbm>> -> memref<409600x8xf32, #tpu.memory_space<hbm>>
        %dma_start3A_377 = tpu.memref_slice %arg12[%select_n3A_366] : memref<4x!tpu.dma_semaphore, #tpu.memory_space<semaphore_mem>> -> memref<1x!tpu.dma_semaphore, #tpu.memory_space<semaphore_mem>>
        %dma_start3A_378 = tpu.memref_squeeze %dma_start3A_377 : memref<1x!tpu.dma_semaphore, #tpu.memory_space<semaphore_mem>> -> memref<!tpu.dma_semaphore, #tpu.memory_space<semaphore_mem>>
        tpu.enqueue_indirect_dma source(%dma_start3A_376 : memref<409600x8xf32, #tpu.memory_space<hbm>>) target(%dma_start3A_372 : memref<128x8xf32, #tpu.memory_space<vmem>>) offsets(%dma_start3A_373 : memref<128xi32, #tpu.memory_space<vmem>>) semaphore(%dma_start3A_378 : memref<!tpu.dma_semaphore, #tpu.memory_space<semaphore_mem>>)
      } else {
      }
      %lt3A_331 = arith.constant 391 : i32
      %lt3A_332 = arith.cmpi slt, %add3A_323, %lt3A_331 : i32
      %convert_element_type3A_333 = arith.extui %lt3A_332 : i1 to i32
      %cond3A_334 = arith.constant 0 : i32
      %cond3A_335 = arith.cmpi ne, %convert_element_type3A_333, %cond3A_334 : i32
      scf.if %cond3A_335 {
        %mul3A_353 = arith.constant 128 : i32
        %mul3A_354 = arith.muli %add3A_323, %mul3A_353 : i32
        %dma_wait3A = arith.constant 2 : i32
        %dma_wait3A_355 = arith.constant 2 : i32
        %dma_wait3A_356 = arith.constant 0 : i32
        %dma_wait3A_357 = arith.constant 0 : i32
        %dma_wait3A_358 = tpu.memref_slice %arg9[%dma_wait3A, %dma_wait3A_356, %dma_wait3A_357] : memref<4x128x8xf32, #tpu.memory_space<vmem>> -> memref<1x128x8xf32, #tpu.memory_space<vmem>>
        %dma_wait3A_359 = tpu.memref_squeeze %dma_wait3A_358 : memref<1x128x8xf32, #tpu.memory_space<vmem>> -> memref<128x8xf32, #tpu.memory_space<vmem>>
        %dma_wait3A_360 = tpu.memref_slice %arg7[%mul3A_354] : memref<50048xi32, #tpu.memory_space<vmem>> -> memref<128xi32, #tpu.memory_space<vmem>>
        %dma_wait3A_361 = arith.constant 0 : i32
        %dma_wait3A_362 = arith.constant 0 : i32
        %dma_wait3A_363 = tpu.memref_slice %arg2[%dma_wait3A_361, %dma_wait3A_362] : memref<409600x8xf32, #tpu.memory_space<hbm>> -> memref<409600x8xf32, #tpu.memory_space<hbm>>
        %dma_wait3A_364 = tpu.memref_slice %arg12[%dma_wait3A_355] : memref<4x!tpu.dma_semaphore, #tpu.memory_space<semaphore_mem>> -> memref<1x!tpu.dma_semaphore, #tpu.memory_space<semaphore_mem>>
        %dma_wait3A_365 = tpu.memref_squeeze %dma_wait3A_364 : memref<1x!tpu.dma_semaphore, #tpu.memory_space<semaphore_mem>> -> memref<!tpu.dma_semaphore, #tpu.memory_space<semaphore_mem>>
        tpu.wait_indirect_dma semaphore(%dma_wait3A_365 : memref<!tpu.dma_semaphore, #tpu.memory_space<semaphore_mem>>) src(%dma_wait3A_363 : memref<409600x8xf32, #tpu.memory_space<hbm>>) dst(%dma_wait3A_359 : memref<128x8xf32, #tpu.memory_space<vmem>>)
        %run_scoped3A = arith.constant 2 : i32
        "tpu.region"() ({
          %run_scoped3A_366 = tpu.sem_alloc : memref<!tpu.dma_semaphore, #tpu.memory_space<semaphore_mem>>
          %dma_start3A_367 = arith.constant 0 : i32
          %dma_start3A_368 = arith.constant 0 : i32
          %dma_start3A_369 = tpu.memref_slice %arg9[%run_scoped3A, %dma_start3A_367, %dma_start3A_368] : memref<4x128x8xf32, #tpu.memory_space<vmem>> -> memref<1x128x8xf32, #tpu.memory_space<vmem>>
          %dma_start3A_370 = tpu.memref_squeeze %dma_start3A_369 : memref<1x128x8xf32, #tpu.memory_space<vmem>> -> memref<128x8xf32, #tpu.memory_space<vmem>>
          %dma_start3A_371 = arith.constant 0 : i32
          %dma_start3A_372 = tpu.memref_slice %arg8[%add3A_323, %dma_start3A_371] : memref<391x128xi32, #tpu.memory_space<vmem>> -> memref<1x128xi32, #tpu.memory_space<vmem>>
          %dma_start3A_373 = tpu.memref_squeeze %dma_start3A_372 : memref<1x128xi32, #tpu.memory_space<vmem>> -> memref<128xi32, #tpu.memory_space<vmem>>
          %dma_start3A_374 = arith.constant 0 : i32
          %dma_start3A_375 = arith.constant 0 : i32
          %dma_start3A_376 = tpu.memref_slice %arg11[%dma_start3A_374, %dma_start3A_375] : memref<51200x8xf32, #tpu.memory_space<vmem_shared>> -> memref<51200x8xf32, #tpu.memory_space<vmem_shared>>
          tpu.enqueue_indirect_dma source(%dma_start3A_370 : memref<128x8xf32, #tpu.memory_space<vmem>>) target(%dma_start3A_376 : memref<51200x8xf32, #tpu.memory_space<vmem_shared>>) offsets(%dma_start3A_373 : memref<128xi32, #tpu.memory_space<vmem>>) semaphore(%run_scoped3A_366 : memref<!tpu.dma_semaphore, #tpu.memory_space<semaphore_mem>>) {add = true}
          %dma_wait3A_377 = arith.constant 0 : i32
          %dma_wait3A_378 = arith.constant 0 : i32
          %dma_wait3A_379 = tpu.memref_slice %arg9[%run_scoped3A, %dma_wait3A_377, %dma_wait3A_378] : memref<4x128x8xf32, #tpu.memory_space<vmem>> -> memref<1x128x8xf32, #tpu.memory_space<vmem>>
          %dma_wait3A_380 = tpu.memref_squeeze %dma_wait3A_379 : memref<1x128x8xf32, #tpu.memory_space<vmem>> -> memref<128x8xf32, #tpu.memory_space<vmem>>
          %dma_wait3A_381 = arith.constant 0 : i32
          %dma_wait3A_382 = tpu.memref_slice %arg8[%add3A_323, %dma_wait3A_381] : memref<391x128xi32, #tpu.memory_space<vmem>> -> memref<1x128xi32, #tpu.memory_space<vmem>>
          %dma_wait3A_383 = tpu.memref_squeeze %dma_wait3A_382 : memref<1x128xi32, #tpu.memory_space<vmem>> -> memref<128xi32, #tpu.memory_space<vmem>>
          %dma_wait3A_384 = arith.constant 0 : i32
          %dma_wait3A_385 = arith.constant 0 : i32
          %dma_wait3A_386 = tpu.memref_slice %arg11[%dma_wait3A_384, %dma_wait3A_385] : memref<51200x8xf32, #tpu.memory_space<vmem_shared>> -> memref<51200x8xf32, #tpu.memory_space<vmem_shared>>
          tpu.wait_indirect_dma semaphore(%run_scoped3A_366 : memref<!tpu.dma_semaphore, #tpu.memory_space<semaphore_mem>>) src(%dma_wait3A_380 : memref<128x8xf32, #tpu.memory_space<vmem>>) dst(%dma_wait3A_386 : memref<51200x8xf32, #tpu.memory_space<vmem_shared>>)
          tpu.yield
        }) : () -> ()
      } else {
      }
      %mul3A_336 = arith.constant 4 : i32
      %mul3A_337 = arith.muli %scan3A_289, %mul3A_336 : i32
      %add3A_338 = arith.constant 3 : i32
      %add3A_339 = arith.addi %mul3A_337, %add3A_338 : i32
      %add3A_340 = arith.constant 3 : i32
      %add3A_341 = arith.addi %add3A_339, %add3A_340 : i32
      %lt3A_342 = arith.constant 391 : i32
      %lt3A_343 = arith.cmpi slt, %add3A_341, %lt3A_342 : i32
      %convert_element_type3A_344 = arith.extui %lt3A_343 : i1 to i32
      %cond3A_345 = arith.constant 0 : i32
      %cond3A_346 = arith.cmpi ne, %convert_element_type3A_344, %cond3A_345 : i32
      scf.if %cond3A_346 {
        %add3A_353 = arith.constant 3 : i32
        %add3A_354 = arith.addi %add3A_339, %add3A_353 : i32
        %add3A_355 = arith.constant 3 : i32
        %add3A_356 = arith.addi %add3A_339, %add3A_355 : i32
        %jit3A = arith.constant 4 : i32
        %eq3A = arith.constant 0 : i32
        %eq3A_357 = arith.cmpi eq, %jit3A, %eq3A : i32
        %jit3A_358 = arith.constant 1 : i32
        %select_n3A = arith.select %eq3A_357, %jit3A_358, %jit3A : i32
        %rem3A = arith.remsi %add3A_356, %select_n3A : i32
        %ne3A = arith.constant 0 : i32
        %ne3A_359 = arith.cmpi ne, %rem3A, %ne3A : i32
        %lt3A_360 = arith.constant 0 : i32
        %lt3A_361 = arith.cmpi slt, %rem3A, %lt3A_360 : i32
        %lt3A_362 = arith.constant 0 : i32
        %lt3A_363 = arith.cmpi slt, %select_n3A, %lt3A_362 : i32
        %ne3A_364 = arith.xori %lt3A_361, %lt3A_363 : i1
        %and3A = arith.andi %ne3A_364, %ne3A_359 : i1
        %add3A_365 = arith.addi %rem3A, %select_n3A : i32
        %select_n3A_366 = arith.select %and3A, %add3A_365, %rem3A : i32
        %mul3A_367 = arith.constant 128 : i32
        %mul3A_368 = arith.muli %add3A_354, %mul3A_367 : i32
        %dma_start3A_369 = arith.constant 0 : i32
        %dma_start3A_370 = arith.constant 0 : i32
        %dma_start3A_371 = tpu.memref_slice %arg9[%select_n3A_366, %dma_start3A_369, %dma_start3A_370] : memref<4x128x8xf32, #tpu.memory_space<vmem>> -> memref<1x128x8xf32, #tpu.memory_space<vmem>>
        %dma_start3A_372 = tpu.memref_squeeze %dma_start3A_371 : memref<1x128x8xf32, #tpu.memory_space<vmem>> -> memref<128x8xf32, #tpu.memory_space<vmem>>
        %dma_start3A_373 = tpu.memref_slice %arg7[%mul3A_368] : memref<50048xi32, #tpu.memory_space<vmem>> -> memref<128xi32, #tpu.memory_space<vmem>>
        %dma_start3A_374 = arith.constant 0 : i32
        %dma_start3A_375 = arith.constant 0 : i32
        %dma_start3A_376 = tpu.memref_slice %arg2[%dma_start3A_374, %dma_start3A_375] : memref<409600x8xf32, #tpu.memory_space<hbm>> -> memref<409600x8xf32, #tpu.memory_space<hbm>>
        %dma_start3A_377 = tpu.memref_slice %arg12[%select_n3A_366] : memref<4x!tpu.dma_semaphore, #tpu.memory_space<semaphore_mem>> -> memref<1x!tpu.dma_semaphore, #tpu.memory_space<semaphore_mem>>
        %dma_start3A_378 = tpu.memref_squeeze %dma_start3A_377 : memref<1x!tpu.dma_semaphore, #tpu.memory_space<semaphore_mem>> -> memref<!tpu.dma_semaphore, #tpu.memory_space<semaphore_mem>>
        tpu.enqueue_indirect_dma source(%dma_start3A_376 : memref<409600x8xf32, #tpu.memory_space<hbm>>) target(%dma_start3A_372 : memref<128x8xf32, #tpu.memory_space<vmem>>) offsets(%dma_start3A_373 : memref<128xi32, #tpu.memory_space<vmem>>) semaphore(%dma_start3A_378 : memref<!tpu.dma_semaphore, #tpu.memory_space<semaphore_mem>>)
      } else {
      }
      %lt3A_347 = arith.constant 391 : i32
      %lt3A_348 = arith.cmpi slt, %add3A_339, %lt3A_347 : i32
      %convert_element_type3A_349 = arith.extui %lt3A_348 : i1 to i32
      %cond3A_350 = arith.constant 0 : i32
      %cond3A_351 = arith.cmpi ne, %convert_element_type3A_349, %cond3A_350 : i32
      scf.if %cond3A_351 {
        %mul3A_353 = arith.constant 128 : i32
        %mul3A_354 = arith.muli %add3A_339, %mul3A_353 : i32
        %dma_wait3A = arith.constant 3 : i32
        %dma_wait3A_355 = arith.constant 3 : i32
        %dma_wait3A_356 = arith.constant 0 : i32
        %dma_wait3A_357 = arith.constant 0 : i32
        %dma_wait3A_358 = tpu.memref_slice %arg9[%dma_wait3A, %dma_wait3A_356, %dma_wait3A_357] : memref<4x128x8xf32, #tpu.memory_space<vmem>> -> memref<1x128x8xf32, #tpu.memory_space<vmem>>
        %dma_wait3A_359 = tpu.memref_squeeze %dma_wait3A_358 : memref<1x128x8xf32, #tpu.memory_space<vmem>> -> memref<128x8xf32, #tpu.memory_space<vmem>>
        %dma_wait3A_360 = tpu.memref_slice %arg7[%mul3A_354] : memref<50048xi32, #tpu.memory_space<vmem>> -> memref<128xi32, #tpu.memory_space<vmem>>
        %dma_wait3A_361 = arith.constant 0 : i32
        %dma_wait3A_362 = arith.constant 0 : i32
        %dma_wait3A_363 = tpu.memref_slice %arg2[%dma_wait3A_361, %dma_wait3A_362] : memref<409600x8xf32, #tpu.memory_space<hbm>> -> memref<409600x8xf32, #tpu.memory_space<hbm>>
        %dma_wait3A_364 = tpu.memref_slice %arg12[%dma_wait3A_355] : memref<4x!tpu.dma_semaphore, #tpu.memory_space<semaphore_mem>> -> memref<1x!tpu.dma_semaphore, #tpu.memory_space<semaphore_mem>>
        %dma_wait3A_365 = tpu.memref_squeeze %dma_wait3A_364 : memref<1x!tpu.dma_semaphore, #tpu.memory_space<semaphore_mem>> -> memref<!tpu.dma_semaphore, #tpu.memory_space<semaphore_mem>>
        tpu.wait_indirect_dma semaphore(%dma_wait3A_365 : memref<!tpu.dma_semaphore, #tpu.memory_space<semaphore_mem>>) src(%dma_wait3A_363 : memref<409600x8xf32, #tpu.memory_space<hbm>>) dst(%dma_wait3A_359 : memref<128x8xf32, #tpu.memory_space<vmem>>)
        %run_scoped3A = arith.constant 3 : i32
        "tpu.region"() ({
          %run_scoped3A_366 = tpu.sem_alloc : memref<!tpu.dma_semaphore, #tpu.memory_space<semaphore_mem>>
          %dma_start3A_367 = arith.constant 0 : i32
          %dma_start3A_368 = arith.constant 0 : i32
          %dma_start3A_369 = tpu.memref_slice %arg9[%run_scoped3A, %dma_start3A_367, %dma_start3A_368] : memref<4x128x8xf32, #tpu.memory_space<vmem>> -> memref<1x128x8xf32, #tpu.memory_space<vmem>>
          %dma_start3A_370 = tpu.memref_squeeze %dma_start3A_369 : memref<1x128x8xf32, #tpu.memory_space<vmem>> -> memref<128x8xf32, #tpu.memory_space<vmem>>
          %dma_start3A_371 = arith.constant 0 : i32
          %dma_start3A_372 = tpu.memref_slice %arg8[%add3A_339, %dma_start3A_371] : memref<391x128xi32, #tpu.memory_space<vmem>> -> memref<1x128xi32, #tpu.memory_space<vmem>>
          %dma_start3A_373 = tpu.memref_squeeze %dma_start3A_372 : memref<1x128xi32, #tpu.memory_space<vmem>> -> memref<128xi32, #tpu.memory_space<vmem>>
          %dma_start3A_374 = arith.constant 0 : i32
          %dma_start3A_375 = arith.constant 0 : i32
          %dma_start3A_376 = tpu.memref_slice %arg11[%dma_start3A_374, %dma_start3A_375] : memref<51200x8xf32, #tpu.memory_space<vmem_shared>> -> memref<51200x8xf32, #tpu.memory_space<vmem_shared>>
          tpu.enqueue_indirect_dma source(%dma_start3A_370 : memref<128x8xf32, #tpu.memory_space<vmem>>) target(%dma_start3A_376 : memref<51200x8xf32, #tpu.memory_space<vmem_shared>>) offsets(%dma_start3A_373 : memref<128xi32, #tpu.memory_space<vmem>>) semaphore(%run_scoped3A_366 : memref<!tpu.dma_semaphore, #tpu.memory_space<semaphore_mem>>) {add = true}
          %dma_wait3A_377 = arith.constant 0 : i32
          %dma_wait3A_378 = arith.constant 0 : i32
          %dma_wait3A_379 = tpu.memref_slice %arg9[%run_scoped3A, %dma_wait3A_377, %dma_wait3A_378] : memref<4x128x8xf32, #tpu.memory_space<vmem>> -> memref<1x128x8xf32, #tpu.memory_space<vmem>>
          %dma_wait3A_380 = tpu.memref_squeeze %dma_wait3A_379 : memref<1x128x8xf32, #tpu.memory_space<vmem>> -> memref<128x8xf32, #tpu.memory_space<vmem>>
          %dma_wait3A_381 = arith.constant 0 : i32
          %dma_wait3A_382 = tpu.memref_slice %arg8[%add3A_339, %dma_wait3A_381] : memref<391x128xi32, #tpu.memory_space<vmem>> -> memref<1x128xi32, #tpu.memory_space<vmem>>
          %dma_wait3A_383 = tpu.memref_squeeze %dma_wait3A_382 : memref<1x128xi32, #tpu.memory_space<vmem>> -> memref<128xi32, #tpu.memory_space<vmem>>
          %dma_wait3A_384 = arith.constant 0 : i32
          %dma_wait3A_385 = arith.constant 0 : i32
          %dma_wait3A_386 = tpu.memref_slice %arg11[%dma_wait3A_384, %dma_wait3A_385] : memref<51200x8xf32, #tpu.memory_space<vmem_shared>> -> memref<51200x8xf32, #tpu.memory_space<vmem_shared>>
          tpu.wait_indirect_dma semaphore(%run_scoped3A_366 : memref<!tpu.dma_semaphore, #tpu.memory_space<semaphore_mem>>) src(%dma_wait3A_380 : memref<128x8xf32, #tpu.memory_space<vmem>>) dst(%dma_wait3A_386 : memref<51200x8xf32, #tpu.memory_space<vmem_shared>>)
          tpu.yield
        }) : () -> ()
      } else {
      }
      %scan3A_352 = arith.constant 0 : i32
      scf.yield %scan3A_352 : i32
    }
    %scan3A_130 = arith.constant 98 : i32
    %barrier3A_131 = arith.constant 0 : index
    tpu.barrier barrier_id(%barrier3A_131)
    %mul3A_132 = arith.constant 3200 : i32
    %mul3A_133 = arith.muli %arg1, %mul3A_132 : i32
    %mul3A_134 = arith.constant 4 : i32
    %mul3A_135 = arith.muli %arg0, %mul3A_134 : i32
    %add3A_136 = arith.constant 1 : i32
    %add3A_137 = arith.addi %mul3A_135, %add3A_136 : i32
    %mul3A_138 = arith.constant 51200 : i32
    %mul3A_139 = arith.muli %add3A_137, %mul3A_138 : i32
    %mul3A_140 = arith.constant 3200 : i32
    %mul3A_141 = arith.muli %arg1, %mul3A_140 : i32
    %add3A_142 = arith.addi %mul3A_139, %mul3A_141 : i32
    "tpu.region"() ({
      %run_scoped3A = tpu.sem_alloc : memref<!tpu.dma_semaphore, #tpu.memory_space<semaphore_mem>>
      %dma_start3A_289 = arith.constant 0 : i32
      %dma_start3A_290 = tpu.memref_slice %arg6[%add3A_142, %dma_start3A_289] : memref<409600x8xf32, #tpu.memory_space<hbm>> -> memref<3200x8xf32, #tpu.memory_space<hbm>>
      %dma_start3A_291 = arith.constant 0 : i32
      %dma_start3A_292 = tpu.memref_slice %arg11[%mul3A_133, %dma_start3A_291] : memref<51200x8xf32, #tpu.memory_space<vmem_shared>> -> memref<3200x8xf32, #tpu.memory_space<vmem_shared>>
      tpu.enqueue_dma source(%dma_start3A_292 : memref<3200x8xf32, #tpu.memory_space<vmem_shared>>) target(%dma_start3A_290 : memref<3200x8xf32, #tpu.memory_space<hbm>>) target_semaphore(%run_scoped3A : memref<!tpu.dma_semaphore, #tpu.memory_space<semaphore_mem>>)
      %dma_wait3A = arith.constant 0 : i32
      %dma_wait3A_293 = tpu.memref_slice %arg6[%add3A_142, %dma_wait3A] : memref<409600x8xf32, #tpu.memory_space<hbm>> -> memref<3200x8xf32, #tpu.memory_space<hbm>>
      %dma_wait3A_294 = arith.constant 0 : i32
      %dma_wait3A_295 = tpu.memref_slice %arg11[%mul3A_133, %dma_wait3A_294] : memref<51200x8xf32, #tpu.memory_space<vmem_shared>> -> memref<3200x8xf32, #tpu.memory_space<vmem_shared>>
      tpu.wait_dma2 semaphore(%run_scoped3A : memref<!tpu.dma_semaphore, #tpu.memory_space<semaphore_mem>>) src(%dma_wait3A_295 : memref<3200x8xf32, #tpu.memory_space<vmem_shared>>) dst(%dma_wait3A_293 : memref<3200x8xf32, #tpu.memory_space<hbm>>)
      tpu.yield
    }) : () -> ()
    %scan3A_143 = arith.constant 0 : i32
    %scan3A_144 = arith.constant 0 : i32
    %scan3A_145 = arith.constant 3128 : i32
    %scan3A_146 = arith.addi %scan3A_144, %scan3A_145 : i32
    %scan3A_147 = arith.constant 1 : i32
    %scan3A_148 = scf.for %scan3A_289 = %scan3A_144 to %scan3A_146 step %scan3A_147 iter_args(%scan3A_290 = %scan3A_143) -> (i32)  : i32 {
      %mul3A_291 = arith.constant 16 : i32
      %mul3A_292 = arith.muli %scan3A_289, %mul3A_291 : i32
      %get3A = arith.index_cast %mul3A_292 : i32 to index
      %get3A_293 = tpu.vector_load %arg7[%get3A] {strides = array<i32>} : memref<50048xi32, #tpu.memory_space<vmem>>, vector<16xi32>,
      %add3A_294 = arith.constant 1 : i32
      %add3A_295 = vector.broadcast %add3A_294 : i32 to vector<16xi32>
      %add3A_296 = arith.addi %get3A_293, %add3A_295 : vector<16xi32>
      %mul3A_297 = arith.constant 16 : i32
      %mul3A_298 = arith.muli %scan3A_289, %mul3A_297 : i32
      %swap3A = arith.index_cast %mul3A_298 : i32 to index
      %swap3A_299 = tpu.vector_load %arg7[%swap3A] {strides = array<i32>} : memref<50048xi32, #tpu.memory_space<vmem>>, vector<16xi32>,
      tpu.vector_store %arg7[%swap3A], %add3A_296 {strides = array<i32>} : memref<50048xi32, #tpu.memory_space<vmem>>, vector<16xi32>,
      %scan3A_300 = arith.constant 0 : i32
      scf.yield %scan3A_300 : i32
    }
    %scan3A_149 = arith.constant 3128 : i32
    %scan3A_150 = arith.constant 0 : i32
    %scan3A_151 = arith.constant 0 : i32
    %scan3A_152 = arith.constant 25 : i32
    %scan3A_153 = arith.addi %scan3A_151, %scan3A_152 : i32
    %scan3A_154 = arith.constant 1 : i32
    %scan3A_155 = scf.for %scan3A_289 = %scan3A_151 to %scan3A_153 step %scan3A_154 iter_args(%scan3A_290 = %scan3A_150) -> (i32)  : i32 {
      %mul3A_291 = arith.constant 3200 : i32
      %mul3A_292 = arith.muli %arg1, %mul3A_291 : i32
      %mul3A_293 = arith.constant 128 : i32
      %mul3A_294 = arith.muli %scan3A_289, %mul3A_293 : i32
      %add3A_295 = arith.addi %mul3A_292, %mul3A_294 : i32
      "tpu.region"() ({
        %run_scoped3A = tpu.sem_alloc : memref<!tpu.dma_semaphore, #tpu.memory_space<semaphore_mem>>
        %dma_start3A_297 = arith.constant 0 : i32
        %dma_start3A_298 = tpu.memref_slice %arg11[%add3A_295, %dma_start3A_297] : memref<51200x8xf32, #tpu.memory_space<vmem_shared>> -> memref<128x8xf32, #tpu.memory_space<vmem_shared>>
        %dma_start3A_299 = arith.constant 0 : i32
        %dma_start3A_300 = tpu.memref_slice %arg11[%add3A_295, %dma_start3A_299] : memref<51200x8xf32, #tpu.memory_space<vmem_shared>> -> memref<128x8xf32, #tpu.memory_space<vmem_shared>>
        tpu.enqueue_dma source(%arg10 : memref<128x8xf32, #tpu.memory_space<vmem>>) target(%dma_start3A_300 : memref<128x8xf32, #tpu.memory_space<vmem_shared>>) target_semaphore(%run_scoped3A : memref<!tpu.dma_semaphore, #tpu.memory_space<semaphore_mem>>)
        %dma_wait3A = arith.constant 0 : i32
        %dma_wait3A_301 = tpu.memref_slice %arg11[%add3A_295, %dma_wait3A] : memref<51200x8xf32, #tpu.memory_space<vmem_shared>> -> memref<128x8xf32, #tpu.memory_space<vmem_shared>>
        %dma_wait3A_302 = arith.constant 0 : i32
        %dma_wait3A_303 = tpu.memref_slice %arg11[%add3A_295, %dma_wait3A_302] : memref<51200x8xf32, #tpu.memory_space<vmem_shared>> -> memref<128x8xf32, #tpu.memory_space<vmem_shared>>
        tpu.wait_dma2 semaphore(%run_scoped3A : memref<!tpu.dma_semaphore, #tpu.memory_space<semaphore_mem>>) src(%arg10 : memref<128x8xf32, #tpu.memory_space<vmem>>) dst(%dma_wait3A_303 : memref<128x8xf32, #tpu.memory_space<vmem_shared>>)
        tpu.yield
      }) : () -> ()
      %scan3A_296 = arith.constant 0 : i32
      scf.yield %scan3A_296 : i32
    }
    %scan3A_156 = arith.constant 25 : i32
    %barrier3A_157 = arith.constant 0 : index
    tpu.barrier barrier_id(%barrier3A_157)
    %dma_start3A_158 = arith.constant 0 : i32
    %dma_start3A_159 = arith.constant 0 : i32
    %dma_start3A_160 = arith.constant 0 : i32
    %dma_start3A_161 = arith.constant 0 : i32
    %dma_start3A_162 = tpu.memref_slice %arg9[%dma_start3A_158, %dma_start3A_160, %dma_start3A_161] : memref<4x128x8xf32, #tpu.memory_space<vmem>> -> memref<1x128x8xf32, #tpu.memory_space<vmem>>
    %dma_start3A_163 = tpu.memref_squeeze %dma_start3A_162 : memref<1x128x8xf32, #tpu.memory_space<vmem>> -> memref<128x8xf32, #tpu.memory_space<vmem>>
    %dma_start3A_164 = arith.constant 0 : i32
    %dma_start3A_165 = tpu.memref_slice %arg7[%dma_start3A_164] : memref<50048xi32, #tpu.memory_space<vmem>> -> memref<128xi32, #tpu.memory_space<vmem>>
    %dma_start3A_166 = arith.constant 0 : i32
    %dma_start3A_167 = arith.constant 0 : i32
    %dma_start3A_168 = tpu.memref_slice %arg2[%dma_start3A_166, %dma_start3A_167] : memref<409600x8xf32, #tpu.memory_space<hbm>> -> memref<409600x8xf32, #tpu.memory_space<hbm>>
    %dma_start3A_169 = tpu.memref_slice %arg12[%dma_start3A_159] : memref<4x!tpu.dma_semaphore, #tpu.memory_space<semaphore_mem>> -> memref<1x!tpu.dma_semaphore, #tpu.memory_space<semaphore_mem>>
    %dma_start3A_170 = tpu.memref_squeeze %dma_start3A_169 : memref<1x!tpu.dma_semaphore, #tpu.memory_space<semaphore_mem>> -> memref<!tpu.dma_semaphore, #tpu.memory_space<semaphore_mem>>
    tpu.enqueue_indirect_dma source(%dma_start3A_168 : memref<409600x8xf32, #tpu.memory_space<hbm>>) target(%dma_start3A_163 : memref<128x8xf32, #tpu.memory_space<vmem>>) offsets(%dma_start3A_165 : memref<128xi32, #tpu.memory_space<vmem>>) semaphore(%dma_start3A_170 : memref<!tpu.dma_semaphore, #tpu.memory_space<semaphore_mem>>)
    %dma_start3A_171 = arith.constant 1 : i32
    %dma_start3A_172 = arith.constant 1 : i32
    %dma_start3A_173 = arith.constant 0 : i32
    %dma_start3A_174 = arith.constant 0 : i32
    %dma_start3A_175 = tpu.memref_slice %arg9[%dma_start3A_171, %dma_start3A_173, %dma_start3A_174] : memref<4x128x8xf32, #tpu.memory_space<vmem>> -> memref<1x128x8xf32, #tpu.memory_space<vmem>>
    %dma_start3A_176 = tpu.memref_squeeze %dma_start3A_175 : memref<1x128x8xf32, #tpu.memory_space<vmem>> -> memref<128x8xf32, #tpu.memory_space<vmem>>
    %dma_start3A_177 = arith.constant 128 : i32
    %dma_start3A_178 = tpu.memref_slice %arg7[%dma_start3A_177] : memref<50048xi32, #tpu.memory_space<vmem>> -> memref<128xi32, #tpu.memory_space<vmem>>
    %dma_start3A_179 = arith.constant 0 : i32
    %dma_start3A_180 = arith.constant 0 : i32
    %dma_start3A_181 = tpu.memref_slice %arg2[%dma_start3A_179, %dma_start3A_180] : memref<409600x8xf32, #tpu.memory_space<hbm>> -> memref<409600x8xf32, #tpu.memory_space<hbm>>
    %dma_start3A_182 = tpu.memref_slice %arg12[%dma_start3A_172] : memref<4x!tpu.dma_semaphore, #tpu.memory_space<semaphore_mem>> -> memref<1x!tpu.dma_semaphore, #tpu.memory_space<semaphore_mem>>
    %dma_start3A_183 = tpu.memref_squeeze %dma_start3A_182 : memref<1x!tpu.dma_semaphore, #tpu.memory_space<semaphore_mem>> -> memref<!tpu.dma_semaphore, #tpu.memory_space<semaphore_mem>>
    tpu.enqueue_indirect_dma source(%dma_start3A_181 : memref<409600x8xf32, #tpu.memory_space<hbm>>) target(%dma_start3A_176 : memref<128x8xf32, #tpu.memory_space<vmem>>) offsets(%dma_start3A_178 : memref<128xi32, #tpu.memory_space<vmem>>) semaphore(%dma_start3A_183 : memref<!tpu.dma_semaphore, #tpu.memory_space<semaphore_mem>>)
    %dma_start3A_184 = arith.constant 2 : i32
    %dma_start3A_185 = arith.constant 2 : i32
    %dma_start3A_186 = arith.constant 0 : i32
    %dma_start3A_187 = arith.constant 0 : i32
    %dma_start3A_188 = tpu.memref_slice %arg9[%dma_start3A_184, %dma_start3A_186, %dma_start3A_187] : memref<4x128x8xf32, #tpu.memory_space<vmem>> -> memref<1x128x8xf32, #tpu.memory_space<vmem>>
    %dma_start3A_189 = tpu.memref_squeeze %dma_start3A_188 : memref<1x128x8xf32, #tpu.memory_space<vmem>> -> memref<128x8xf32, #tpu.memory_space<vmem>>
    %dma_start3A_190 = arith.constant 256 : i32
    %dma_start3A_191 = tpu.memref_slice %arg7[%dma_start3A_190] : memref<50048xi32, #tpu.memory_space<vmem>> -> memref<128xi32, #tpu.memory_space<vmem>>
    %dma_start3A_192 = arith.constant 0 : i32
    %dma_start3A_193 = arith.constant 0 : i32
    %dma_start3A_194 = tpu.memref_slice %arg2[%dma_start3A_192, %dma_start3A_193] : memref<409600x8xf32, #tpu.memory_space<hbm>> -> memref<409600x8xf32, #tpu.memory_space<hbm>>
    %dma_start3A_195 = tpu.memref_slice %arg12[%dma_start3A_185] : memref<4x!tpu.dma_semaphore, #tpu.memory_space<semaphore_mem>> -> memref<1x!tpu.dma_semaphore, #tpu.memory_space<semaphore_mem>>
    %dma_start3A_196 = tpu.memref_squeeze %dma_start3A_195 : memref<1x!tpu.dma_semaphore, #tpu.memory_space<semaphore_mem>> -> memref<!tpu.dma_semaphore, #tpu.memory_space<semaphore_mem>>
    tpu.enqueue_indirect_dma source(%dma_start3A_194 : memref<409600x8xf32, #tpu.memory_space<hbm>>) target(%dma_start3A_189 : memref<128x8xf32, #tpu.memory_space<vmem>>) offsets(%dma_start3A_191 : memref<128xi32, #tpu.memory_space<vmem>>) semaphore(%dma_start3A_196 : memref<!tpu.dma_semaphore, #tpu.memory_space<semaphore_mem>>)
    %scan3A_197 = arith.constant 0 : i32
    %scan3A_198 = arith.constant 0 : i32
    %scan3A_199 = arith.constant 98 : i32
    %scan3A_200 = arith.addi %scan3A_198, %scan3A_199 : i32
    %scan3A_201 = arith.constant 1 : i32
    %scan3A_202 = scf.for %scan3A_289 = %scan3A_198 to %scan3A_200 step %scan3A_201 iter_args(%scan3A_290 = %scan3A_197) -> (i32)  : i32 {
      %mul3A_291 = arith.constant 4 : i32
      %mul3A_292 = arith.muli %scan3A_289, %mul3A_291 : i32
      %add3A_293 = arith.constant 0 : i32
      %add3A_294 = arith.addi %mul3A_292, %add3A_293 : i32
      %add3A_295 = arith.constant 3 : i32
      %add3A_296 = arith.addi %add3A_294, %add3A_295 : i32
      %lt3A = arith.constant 391 : i32
      %lt3A_297 = arith.cmpi slt, %add3A_296, %lt3A : i32
      %convert_element_type3A = arith.extui %lt3A_297 : i1 to i32
      %cond3A = arith.constant 0 : i32
      %cond3A_298 = arith.cmpi ne, %convert_element_type3A, %cond3A : i32
      scf.if %cond3A_298 {
        %add3A_353 = arith.constant 3 : i32
        %add3A_354 = arith.addi %add3A_294, %add3A_353 : i32
        %add3A_355 = arith.constant 3 : i32
        %add3A_356 = arith.addi %add3A_294, %add3A_355 : i32
        %jit3A = arith.constant 4 : i32
        %eq3A = arith.constant 0 : i32
        %eq3A_357 = arith.cmpi eq, %jit3A, %eq3A : i32
        %jit3A_358 = arith.constant 1 : i32
        %select_n3A = arith.select %eq3A_357, %jit3A_358, %jit3A : i32
        %rem3A = arith.remsi %add3A_356, %select_n3A : i32
        %ne3A = arith.constant 0 : i32
        %ne3A_359 = arith.cmpi ne, %rem3A, %ne3A : i32
        %lt3A_360 = arith.constant 0 : i32
        %lt3A_361 = arith.cmpi slt, %rem3A, %lt3A_360 : i32
        %lt3A_362 = arith.constant 0 : i32
        %lt3A_363 = arith.cmpi slt, %select_n3A, %lt3A_362 : i32
        %ne3A_364 = arith.xori %lt3A_361, %lt3A_363 : i1
        %and3A = arith.andi %ne3A_364, %ne3A_359 : i1
        %add3A_365 = arith.addi %rem3A, %select_n3A : i32
        %select_n3A_366 = arith.select %and3A, %add3A_365, %rem3A : i32
        %mul3A_367 = arith.constant 128 : i32
        %mul3A_368 = arith.muli %add3A_354, %mul3A_367 : i32
        %dma_start3A_369 = arith.constant 0 : i32
        %dma_start3A_370 = arith.constant 0 : i32
        %dma_start3A_371 = tpu.memref_slice %arg9[%select_n3A_366, %dma_start3A_369, %dma_start3A_370] : memref<4x128x8xf32, #tpu.memory_space<vmem>> -> memref<1x128x8xf32, #tpu.memory_space<vmem>>
        %dma_start3A_372 = tpu.memref_squeeze %dma_start3A_371 : memref<1x128x8xf32, #tpu.memory_space<vmem>> -> memref<128x8xf32, #tpu.memory_space<vmem>>
        %dma_start3A_373 = tpu.memref_slice %arg7[%mul3A_368] : memref<50048xi32, #tpu.memory_space<vmem>> -> memref<128xi32, #tpu.memory_space<vmem>>
        %dma_start3A_374 = arith.constant 0 : i32
        %dma_start3A_375 = arith.constant 0 : i32
        %dma_start3A_376 = tpu.memref_slice %arg2[%dma_start3A_374, %dma_start3A_375] : memref<409600x8xf32, #tpu.memory_space<hbm>> -> memref<409600x8xf32, #tpu.memory_space<hbm>>
        %dma_start3A_377 = tpu.memref_slice %arg12[%select_n3A_366] : memref<4x!tpu.dma_semaphore, #tpu.memory_space<semaphore_mem>> -> memref<1x!tpu.dma_semaphore, #tpu.memory_space<semaphore_mem>>
        %dma_start3A_378 = tpu.memref_squeeze %dma_start3A_377 : memref<1x!tpu.dma_semaphore, #tpu.memory_space<semaphore_mem>> -> memref<!tpu.dma_semaphore, #tpu.memory_space<semaphore_mem>>
        tpu.enqueue_indirect_dma source(%dma_start3A_376 : memref<409600x8xf32, #tpu.memory_space<hbm>>) target(%dma_start3A_372 : memref<128x8xf32, #tpu.memory_space<vmem>>) offsets(%dma_start3A_373 : memref<128xi32, #tpu.memory_space<vmem>>) semaphore(%dma_start3A_378 : memref<!tpu.dma_semaphore, #tpu.memory_space<semaphore_mem>>)
      } else {
      }
      %lt3A_299 = arith.constant 391 : i32
      %lt3A_300 = arith.cmpi slt, %add3A_294, %lt3A_299 : i32
      %convert_element_type3A_301 = arith.extui %lt3A_300 : i1 to i32
      %cond3A_302 = arith.constant 0 : i32
      %cond3A_303 = arith.cmpi ne, %convert_element_type3A_301, %cond3A_302 : i32
      scf.if %cond3A_303 {
        %mul3A_353 = arith.constant 128 : i32
        %mul3A_354 = arith.muli %add3A_294, %mul3A_353 : i32
        %dma_wait3A = arith.constant 0 : i32
        %dma_wait3A_355 = arith.constant 0 : i32
        %dma_wait3A_356 = arith.constant 0 : i32
        %dma_wait3A_357 = arith.constant 0 : i32
        %dma_wait3A_358 = tpu.memref_slice %arg9[%dma_wait3A, %dma_wait3A_356, %dma_wait3A_357] : memref<4x128x8xf32, #tpu.memory_space<vmem>> -> memref<1x128x8xf32, #tpu.memory_space<vmem>>
        %dma_wait3A_359 = tpu.memref_squeeze %dma_wait3A_358 : memref<1x128x8xf32, #tpu.memory_space<vmem>> -> memref<128x8xf32, #tpu.memory_space<vmem>>
        %dma_wait3A_360 = tpu.memref_slice %arg7[%mul3A_354] : memref<50048xi32, #tpu.memory_space<vmem>> -> memref<128xi32, #tpu.memory_space<vmem>>
        %dma_wait3A_361 = arith.constant 0 : i32
        %dma_wait3A_362 = arith.constant 0 : i32
        %dma_wait3A_363 = tpu.memref_slice %arg2[%dma_wait3A_361, %dma_wait3A_362] : memref<409600x8xf32, #tpu.memory_space<hbm>> -> memref<409600x8xf32, #tpu.memory_space<hbm>>
        %dma_wait3A_364 = tpu.memref_slice %arg12[%dma_wait3A_355] : memref<4x!tpu.dma_semaphore, #tpu.memory_space<semaphore_mem>> -> memref<1x!tpu.dma_semaphore, #tpu.memory_space<semaphore_mem>>
        %dma_wait3A_365 = tpu.memref_squeeze %dma_wait3A_364 : memref<1x!tpu.dma_semaphore, #tpu.memory_space<semaphore_mem>> -> memref<!tpu.dma_semaphore, #tpu.memory_space<semaphore_mem>>
        tpu.wait_indirect_dma semaphore(%dma_wait3A_365 : memref<!tpu.dma_semaphore, #tpu.memory_space<semaphore_mem>>) src(%dma_wait3A_363 : memref<409600x8xf32, #tpu.memory_space<hbm>>) dst(%dma_wait3A_359 : memref<128x8xf32, #tpu.memory_space<vmem>>)
        %run_scoped3A = arith.constant 0 : i32
        "tpu.region"() ({
          %run_scoped3A_366 = tpu.sem_alloc : memref<!tpu.dma_semaphore, #tpu.memory_space<semaphore_mem>>
          %dma_start3A_367 = arith.constant 0 : i32
          %dma_start3A_368 = arith.constant 0 : i32
          %dma_start3A_369 = tpu.memref_slice %arg9[%run_scoped3A, %dma_start3A_367, %dma_start3A_368] : memref<4x128x8xf32, #tpu.memory_space<vmem>> -> memref<1x128x8xf32, #tpu.memory_space<vmem>>
          %dma_start3A_370 = tpu.memref_squeeze %dma_start3A_369 : memref<1x128x8xf32, #tpu.memory_space<vmem>> -> memref<128x8xf32, #tpu.memory_space<vmem>>
          %dma_start3A_371 = arith.constant 0 : i32
          %dma_start3A_372 = tpu.memref_slice %arg8[%add3A_294, %dma_start3A_371] : memref<391x128xi32, #tpu.memory_space<vmem>> -> memref<1x128xi32, #tpu.memory_space<vmem>>
          %dma_start3A_373 = tpu.memref_squeeze %dma_start3A_372 : memref<1x128xi32, #tpu.memory_space<vmem>> -> memref<128xi32, #tpu.memory_space<vmem>>
          %dma_start3A_374 = arith.constant 0 : i32
          %dma_start3A_375 = arith.constant 0 : i32
          %dma_start3A_376 = tpu.memref_slice %arg11[%dma_start3A_374, %dma_start3A_375] : memref<51200x8xf32, #tpu.memory_space<vmem_shared>> -> memref<51200x8xf32, #tpu.memory_space<vmem_shared>>
          tpu.enqueue_indirect_dma source(%dma_start3A_370 : memref<128x8xf32, #tpu.memory_space<vmem>>) target(%dma_start3A_376 : memref<51200x8xf32, #tpu.memory_space<vmem_shared>>) offsets(%dma_start3A_373 : memref<128xi32, #tpu.memory_space<vmem>>) semaphore(%run_scoped3A_366 : memref<!tpu.dma_semaphore, #tpu.memory_space<semaphore_mem>>) {add = true}
          %dma_wait3A_377 = arith.constant 0 : i32
          %dma_wait3A_378 = arith.constant 0 : i32
          %dma_wait3A_379 = tpu.memref_slice %arg9[%run_scoped3A, %dma_wait3A_377, %dma_wait3A_378] : memref<4x128x8xf32, #tpu.memory_space<vmem>> -> memref<1x128x8xf32, #tpu.memory_space<vmem>>
          %dma_wait3A_380 = tpu.memref_squeeze %dma_wait3A_379 : memref<1x128x8xf32, #tpu.memory_space<vmem>> -> memref<128x8xf32, #tpu.memory_space<vmem>>
          %dma_wait3A_381 = arith.constant 0 : i32
          %dma_wait3A_382 = tpu.memref_slice %arg8[%add3A_294, %dma_wait3A_381] : memref<391x128xi32, #tpu.memory_space<vmem>> -> memref<1x128xi32, #tpu.memory_space<vmem>>
          %dma_wait3A_383 = tpu.memref_squeeze %dma_wait3A_382 : memref<1x128xi32, #tpu.memory_space<vmem>> -> memref<128xi32, #tpu.memory_space<vmem>>
          %dma_wait3A_384 = arith.constant 0 : i32
          %dma_wait3A_385 = arith.constant 0 : i32
          %dma_wait3A_386 = tpu.memref_slice %arg11[%dma_wait3A_384, %dma_wait3A_385] : memref<51200x8xf32, #tpu.memory_space<vmem_shared>> -> memref<51200x8xf32, #tpu.memory_space<vmem_shared>>
          tpu.wait_indirect_dma semaphore(%run_scoped3A_366 : memref<!tpu.dma_semaphore, #tpu.memory_space<semaphore_mem>>) src(%dma_wait3A_380 : memref<128x8xf32, #tpu.memory_space<vmem>>) dst(%dma_wait3A_386 : memref<51200x8xf32, #tpu.memory_space<vmem_shared>>)
          tpu.yield
        }) : () -> ()
      } else {
      }
      %mul3A_304 = arith.constant 4 : i32
      %mul3A_305 = arith.muli %scan3A_289, %mul3A_304 : i32
      %add3A_306 = arith.constant 1 : i32
      %add3A_307 = arith.addi %mul3A_305, %add3A_306 : i32
      %add3A_308 = arith.constant 3 : i32
      %add3A_309 = arith.addi %add3A_307, %add3A_308 : i32
      %lt3A_310 = arith.constant 391 : i32
      %lt3A_311 = arith.cmpi slt, %add3A_309, %lt3A_310 : i32
      %convert_element_type3A_312 = arith.extui %lt3A_311 : i1 to i32
      %cond3A_313 = arith.constant 0 : i32
      %cond3A_314 = arith.cmpi ne, %convert_element_type3A_312, %cond3A_313 : i32
      scf.if %cond3A_314 {
        %add3A_353 = arith.constant 3 : i32
        %add3A_354 = arith.addi %add3A_307, %add3A_353 : i32
        %add3A_355 = arith.constant 3 : i32
        %add3A_356 = arith.addi %add3A_307, %add3A_355 : i32
        %jit3A = arith.constant 4 : i32
        %eq3A = arith.constant 0 : i32
        %eq3A_357 = arith.cmpi eq, %jit3A, %eq3A : i32
        %jit3A_358 = arith.constant 1 : i32
        %select_n3A = arith.select %eq3A_357, %jit3A_358, %jit3A : i32
        %rem3A = arith.remsi %add3A_356, %select_n3A : i32
        %ne3A = arith.constant 0 : i32
        %ne3A_359 = arith.cmpi ne, %rem3A, %ne3A : i32
        %lt3A_360 = arith.constant 0 : i32
        %lt3A_361 = arith.cmpi slt, %rem3A, %lt3A_360 : i32
        %lt3A_362 = arith.constant 0 : i32
        %lt3A_363 = arith.cmpi slt, %select_n3A, %lt3A_362 : i32
        %ne3A_364 = arith.xori %lt3A_361, %lt3A_363 : i1
        %and3A = arith.andi %ne3A_364, %ne3A_359 : i1
        %add3A_365 = arith.addi %rem3A, %select_n3A : i32
        %select_n3A_366 = arith.select %and3A, %add3A_365, %rem3A : i32
        %mul3A_367 = arith.constant 128 : i32
        %mul3A_368 = arith.muli %add3A_354, %mul3A_367 : i32
        %dma_start3A_369 = arith.constant 0 : i32
        %dma_start3A_370 = arith.constant 0 : i32
        %dma_start3A_371 = tpu.memref_slice %arg9[%select_n3A_366, %dma_start3A_369, %dma_start3A_370] : memref<4x128x8xf32, #tpu.memory_space<vmem>> -> memref<1x128x8xf32, #tpu.memory_space<vmem>>
        %dma_start3A_372 = tpu.memref_squeeze %dma_start3A_371 : memref<1x128x8xf32, #tpu.memory_space<vmem>> -> memref<128x8xf32, #tpu.memory_space<vmem>>
        %dma_start3A_373 = tpu.memref_slice %arg7[%mul3A_368] : memref<50048xi32, #tpu.memory_space<vmem>> -> memref<128xi32, #tpu.memory_space<vmem>>
        %dma_start3A_374 = arith.constant 0 : i32
        %dma_start3A_375 = arith.constant 0 : i32
        %dma_start3A_376 = tpu.memref_slice %arg2[%dma_start3A_374, %dma_start3A_375] : memref<409600x8xf32, #tpu.memory_space<hbm>> -> memref<409600x8xf32, #tpu.memory_space<hbm>>
        %dma_start3A_377 = tpu.memref_slice %arg12[%select_n3A_366] : memref<4x!tpu.dma_semaphore, #tpu.memory_space<semaphore_mem>> -> memref<1x!tpu.dma_semaphore, #tpu.memory_space<semaphore_mem>>
        %dma_start3A_378 = tpu.memref_squeeze %dma_start3A_377 : memref<1x!tpu.dma_semaphore, #tpu.memory_space<semaphore_mem>> -> memref<!tpu.dma_semaphore, #tpu.memory_space<semaphore_mem>>
        tpu.enqueue_indirect_dma source(%dma_start3A_376 : memref<409600x8xf32, #tpu.memory_space<hbm>>) target(%dma_start3A_372 : memref<128x8xf32, #tpu.memory_space<vmem>>) offsets(%dma_start3A_373 : memref<128xi32, #tpu.memory_space<vmem>>) semaphore(%dma_start3A_378 : memref<!tpu.dma_semaphore, #tpu.memory_space<semaphore_mem>>)
      } else {
      }
      %lt3A_315 = arith.constant 391 : i32
      %lt3A_316 = arith.cmpi slt, %add3A_307, %lt3A_315 : i32
      %convert_element_type3A_317 = arith.extui %lt3A_316 : i1 to i32
      %cond3A_318 = arith.constant 0 : i32
      %cond3A_319 = arith.cmpi ne, %convert_element_type3A_317, %cond3A_318 : i32
      scf.if %cond3A_319 {
        %mul3A_353 = arith.constant 128 : i32
        %mul3A_354 = arith.muli %add3A_307, %mul3A_353 : i32
        %dma_wait3A = arith.constant 1 : i32
        %dma_wait3A_355 = arith.constant 1 : i32
        %dma_wait3A_356 = arith.constant 0 : i32
        %dma_wait3A_357 = arith.constant 0 : i32
        %dma_wait3A_358 = tpu.memref_slice %arg9[%dma_wait3A, %dma_wait3A_356, %dma_wait3A_357] : memref<4x128x8xf32, #tpu.memory_space<vmem>> -> memref<1x128x8xf32, #tpu.memory_space<vmem>>
        %dma_wait3A_359 = tpu.memref_squeeze %dma_wait3A_358 : memref<1x128x8xf32, #tpu.memory_space<vmem>> -> memref<128x8xf32, #tpu.memory_space<vmem>>
        %dma_wait3A_360 = tpu.memref_slice %arg7[%mul3A_354] : memref<50048xi32, #tpu.memory_space<vmem>> -> memref<128xi32, #tpu.memory_space<vmem>>
        %dma_wait3A_361 = arith.constant 0 : i32
        %dma_wait3A_362 = arith.constant 0 : i32
        %dma_wait3A_363 = tpu.memref_slice %arg2[%dma_wait3A_361, %dma_wait3A_362] : memref<409600x8xf32, #tpu.memory_space<hbm>> -> memref<409600x8xf32, #tpu.memory_space<hbm>>
        %dma_wait3A_364 = tpu.memref_slice %arg12[%dma_wait3A_355] : memref<4x!tpu.dma_semaphore, #tpu.memory_space<semaphore_mem>> -> memref<1x!tpu.dma_semaphore, #tpu.memory_space<semaphore_mem>>
        %dma_wait3A_365 = tpu.memref_squeeze %dma_wait3A_364 : memref<1x!tpu.dma_semaphore, #tpu.memory_space<semaphore_mem>> -> memref<!tpu.dma_semaphore, #tpu.memory_space<semaphore_mem>>
        tpu.wait_indirect_dma semaphore(%dma_wait3A_365 : memref<!tpu.dma_semaphore, #tpu.memory_space<semaphore_mem>>) src(%dma_wait3A_363 : memref<409600x8xf32, #tpu.memory_space<hbm>>) dst(%dma_wait3A_359 : memref<128x8xf32, #tpu.memory_space<vmem>>)
        %run_scoped3A = arith.constant 1 : i32
        "tpu.region"() ({
          %run_scoped3A_366 = tpu.sem_alloc : memref<!tpu.dma_semaphore, #tpu.memory_space<semaphore_mem>>
          %dma_start3A_367 = arith.constant 0 : i32
          %dma_start3A_368 = arith.constant 0 : i32
          %dma_start3A_369 = tpu.memref_slice %arg9[%run_scoped3A, %dma_start3A_367, %dma_start3A_368] : memref<4x128x8xf32, #tpu.memory_space<vmem>> -> memref<1x128x8xf32, #tpu.memory_space<vmem>>
          %dma_start3A_370 = tpu.memref_squeeze %dma_start3A_369 : memref<1x128x8xf32, #tpu.memory_space<vmem>> -> memref<128x8xf32, #tpu.memory_space<vmem>>
          %dma_start3A_371 = arith.constant 0 : i32
          %dma_start3A_372 = tpu.memref_slice %arg8[%add3A_307, %dma_start3A_371] : memref<391x128xi32, #tpu.memory_space<vmem>> -> memref<1x128xi32, #tpu.memory_space<vmem>>
          %dma_start3A_373 = tpu.memref_squeeze %dma_start3A_372 : memref<1x128xi32, #tpu.memory_space<vmem>> -> memref<128xi32, #tpu.memory_space<vmem>>
          %dma_start3A_374 = arith.constant 0 : i32
          %dma_start3A_375 = arith.constant 0 : i32
          %dma_start3A_376 = tpu.memref_slice %arg11[%dma_start3A_374, %dma_start3A_375] : memref<51200x8xf32, #tpu.memory_space<vmem_shared>> -> memref<51200x8xf32, #tpu.memory_space<vmem_shared>>
          tpu.enqueue_indirect_dma source(%dma_start3A_370 : memref<128x8xf32, #tpu.memory_space<vmem>>) target(%dma_start3A_376 : memref<51200x8xf32, #tpu.memory_space<vmem_shared>>) offsets(%dma_start3A_373 : memref<128xi32, #tpu.memory_space<vmem>>) semaphore(%run_scoped3A_366 : memref<!tpu.dma_semaphore, #tpu.memory_space<semaphore_mem>>) {add = true}
          %dma_wait3A_377 = arith.constant 0 : i32
          %dma_wait3A_378 = arith.constant 0 : i32
          %dma_wait3A_379 = tpu.memref_slice %arg9[%run_scoped3A, %dma_wait3A_377, %dma_wait3A_378] : memref<4x128x8xf32, #tpu.memory_space<vmem>> -> memref<1x128x8xf32, #tpu.memory_space<vmem>>
          %dma_wait3A_380 = tpu.memref_squeeze %dma_wait3A_379 : memref<1x128x8xf32, #tpu.memory_space<vmem>> -> memref<128x8xf32, #tpu.memory_space<vmem>>
          %dma_wait3A_381 = arith.constant 0 : i32
          %dma_wait3A_382 = tpu.memref_slice %arg8[%add3A_307, %dma_wait3A_381] : memref<391x128xi32, #tpu.memory_space<vmem>> -> memref<1x128xi32, #tpu.memory_space<vmem>>
          %dma_wait3A_383 = tpu.memref_squeeze %dma_wait3A_382 : memref<1x128xi32, #tpu.memory_space<vmem>> -> memref<128xi32, #tpu.memory_space<vmem>>
          %dma_wait3A_384 = arith.constant 0 : i32
          %dma_wait3A_385 = arith.constant 0 : i32
          %dma_wait3A_386 = tpu.memref_slice %arg11[%dma_wait3A_384, %dma_wait3A_385] : memref<51200x8xf32, #tpu.memory_space<vmem_shared>> -> memref<51200x8xf32, #tpu.memory_space<vmem_shared>>
          tpu.wait_indirect_dma semaphore(%run_scoped3A_366 : memref<!tpu.dma_semaphore, #tpu.memory_space<semaphore_mem>>) src(%dma_wait3A_380 : memref<128x8xf32, #tpu.memory_space<vmem>>) dst(%dma_wait3A_386 : memref<51200x8xf32, #tpu.memory_space<vmem_shared>>)
          tpu.yield
        }) : () -> ()
      } else {
      }
      %mul3A_320 = arith.constant 4 : i32
      %mul3A_321 = arith.muli %scan3A_289, %mul3A_320 : i32
      %add3A_322 = arith.constant 2 : i32
      %add3A_323 = arith.addi %mul3A_321, %add3A_322 : i32
      %add3A_324 = arith.constant 3 : i32
      %add3A_325 = arith.addi %add3A_323, %add3A_324 : i32
      %lt3A_326 = arith.constant 391 : i32
      %lt3A_327 = arith.cmpi slt, %add3A_325, %lt3A_326 : i32
      %convert_element_type3A_328 = arith.extui %lt3A_327 : i1 to i32
      %cond3A_329 = arith.constant 0 : i32
      %cond3A_330 = arith.cmpi ne, %convert_element_type3A_328, %cond3A_329 : i32
      scf.if %cond3A_330 {
        %add3A_353 = arith.constant 3 : i32
        %add3A_354 = arith.addi %add3A_323, %add3A_353 : i32
        %add3A_355 = arith.constant 3 : i32
        %add3A_356 = arith.addi %add3A_323, %add3A_355 : i32
        %jit3A = arith.constant 4 : i32
        %eq3A = arith.constant 0 : i32
        %eq3A_357 = arith.cmpi eq, %jit3A, %eq3A : i32
        %jit3A_358 = arith.constant 1 : i32
        %select_n3A = arith.select %eq3A_357, %jit3A_358, %jit3A : i32
        %rem3A = arith.remsi %add3A_356, %select_n3A : i32
        %ne3A = arith.constant 0 : i32
        %ne3A_359 = arith.cmpi ne, %rem3A, %ne3A : i32
        %lt3A_360 = arith.constant 0 : i32
        %lt3A_361 = arith.cmpi slt, %rem3A, %lt3A_360 : i32
        %lt3A_362 = arith.constant 0 : i32
        %lt3A_363 = arith.cmpi slt, %select_n3A, %lt3A_362 : i32
        %ne3A_364 = arith.xori %lt3A_361, %lt3A_363 : i1
        %and3A = arith.andi %ne3A_364, %ne3A_359 : i1
        %add3A_365 = arith.addi %rem3A, %select_n3A : i32
        %select_n3A_366 = arith.select %and3A, %add3A_365, %rem3A : i32
        %mul3A_367 = arith.constant 128 : i32
        %mul3A_368 = arith.muli %add3A_354, %mul3A_367 : i32
        %dma_start3A_369 = arith.constant 0 : i32
        %dma_start3A_370 = arith.constant 0 : i32
        %dma_start3A_371 = tpu.memref_slice %arg9[%select_n3A_366, %dma_start3A_369, %dma_start3A_370] : memref<4x128x8xf32, #tpu.memory_space<vmem>> -> memref<1x128x8xf32, #tpu.memory_space<vmem>>
        %dma_start3A_372 = tpu.memref_squeeze %dma_start3A_371 : memref<1x128x8xf32, #tpu.memory_space<vmem>> -> memref<128x8xf32, #tpu.memory_space<vmem>>
        %dma_start3A_373 = tpu.memref_slice %arg7[%mul3A_368] : memref<50048xi32, #tpu.memory_space<vmem>> -> memref<128xi32, #tpu.memory_space<vmem>>
        %dma_start3A_374 = arith.constant 0 : i32
        %dma_start3A_375 = arith.constant 0 : i32
        %dma_start3A_376 = tpu.memref_slice %arg2[%dma_start3A_374, %dma_start3A_375] : memref<409600x8xf32, #tpu.memory_space<hbm>> -> memref<409600x8xf32, #tpu.memory_space<hbm>>
        %dma_start3A_377 = tpu.memref_slice %arg12[%select_n3A_366] : memref<4x!tpu.dma_semaphore, #tpu.memory_space<semaphore_mem>> -> memref<1x!tpu.dma_semaphore, #tpu.memory_space<semaphore_mem>>
        %dma_start3A_378 = tpu.memref_squeeze %dma_start3A_377 : memref<1x!tpu.dma_semaphore, #tpu.memory_space<semaphore_mem>> -> memref<!tpu.dma_semaphore, #tpu.memory_space<semaphore_mem>>
        tpu.enqueue_indirect_dma source(%dma_start3A_376 : memref<409600x8xf32, #tpu.memory_space<hbm>>) target(%dma_start3A_372 : memref<128x8xf32, #tpu.memory_space<vmem>>) offsets(%dma_start3A_373 : memref<128xi32, #tpu.memory_space<vmem>>) semaphore(%dma_start3A_378 : memref<!tpu.dma_semaphore, #tpu.memory_space<semaphore_mem>>)
      } else {
      }
      %lt3A_331 = arith.constant 391 : i32
      %lt3A_332 = arith.cmpi slt, %add3A_323, %lt3A_331 : i32
      %convert_element_type3A_333 = arith.extui %lt3A_332 : i1 to i32
      %cond3A_334 = arith.constant 0 : i32
      %cond3A_335 = arith.cmpi ne, %convert_element_type3A_333, %cond3A_334 : i32
      scf.if %cond3A_335 {
        %mul3A_353 = arith.constant 128 : i32
        %mul3A_354 = arith.muli %add3A_323, %mul3A_353 : i32
        %dma_wait3A = arith.constant 2 : i32
        %dma_wait3A_355 = arith.constant 2 : i32
        %dma_wait3A_356 = arith.constant 0 : i32
        %dma_wait3A_357 = arith.constant 0 : i32
        %dma_wait3A_358 = tpu.memref_slice %arg9[%dma_wait3A, %dma_wait3A_356, %dma_wait3A_357] : memref<4x128x8xf32, #tpu.memory_space<vmem>> -> memref<1x128x8xf32, #tpu.memory_space<vmem>>
        %dma_wait3A_359 = tpu.memref_squeeze %dma_wait3A_358 : memref<1x128x8xf32, #tpu.memory_space<vmem>> -> memref<128x8xf32, #tpu.memory_space<vmem>>
        %dma_wait3A_360 = tpu.memref_slice %arg7[%mul3A_354] : memref<50048xi32, #tpu.memory_space<vmem>> -> memref<128xi32, #tpu.memory_space<vmem>>
        %dma_wait3A_361 = arith.constant 0 : i32
        %dma_wait3A_362 = arith.constant 0 : i32
        %dma_wait3A_363 = tpu.memref_slice %arg2[%dma_wait3A_361, %dma_wait3A_362] : memref<409600x8xf32, #tpu.memory_space<hbm>> -> memref<409600x8xf32, #tpu.memory_space<hbm>>
        %dma_wait3A_364 = tpu.memref_slice %arg12[%dma_wait3A_355] : memref<4x!tpu.dma_semaphore, #tpu.memory_space<semaphore_mem>> -> memref<1x!tpu.dma_semaphore, #tpu.memory_space<semaphore_mem>>
        %dma_wait3A_365 = tpu.memref_squeeze %dma_wait3A_364 : memref<1x!tpu.dma_semaphore, #tpu.memory_space<semaphore_mem>> -> memref<!tpu.dma_semaphore, #tpu.memory_space<semaphore_mem>>
        tpu.wait_indirect_dma semaphore(%dma_wait3A_365 : memref<!tpu.dma_semaphore, #tpu.memory_space<semaphore_mem>>) src(%dma_wait3A_363 : memref<409600x8xf32, #tpu.memory_space<hbm>>) dst(%dma_wait3A_359 : memref<128x8xf32, #tpu.memory_space<vmem>>)
        %run_scoped3A = arith.constant 2 : i32
        "tpu.region"() ({
          %run_scoped3A_366 = tpu.sem_alloc : memref<!tpu.dma_semaphore, #tpu.memory_space<semaphore_mem>>
          %dma_start3A_367 = arith.constant 0 : i32
          %dma_start3A_368 = arith.constant 0 : i32
          %dma_start3A_369 = tpu.memref_slice %arg9[%run_scoped3A, %dma_start3A_367, %dma_start3A_368] : memref<4x128x8xf32, #tpu.memory_space<vmem>> -> memref<1x128x8xf32, #tpu.memory_space<vmem>>
          %dma_start3A_370 = tpu.memref_squeeze %dma_start3A_369 : memref<1x128x8xf32, #tpu.memory_space<vmem>> -> memref<128x8xf32, #tpu.memory_space<vmem>>
          %dma_start3A_371 = arith.constant 0 : i32
          %dma_start3A_372 = tpu.memref_slice %arg8[%add3A_323, %dma_start3A_371] : memref<391x128xi32, #tpu.memory_space<vmem>> -> memref<1x128xi32, #tpu.memory_space<vmem>>
          %dma_start3A_373 = tpu.memref_squeeze %dma_start3A_372 : memref<1x128xi32, #tpu.memory_space<vmem>> -> memref<128xi32, #tpu.memory_space<vmem>>
          %dma_start3A_374 = arith.constant 0 : i32
          %dma_start3A_375 = arith.constant 0 : i32
          %dma_start3A_376 = tpu.memref_slice %arg11[%dma_start3A_374, %dma_start3A_375] : memref<51200x8xf32, #tpu.memory_space<vmem_shared>> -> memref<51200x8xf32, #tpu.memory_space<vmem_shared>>
          tpu.enqueue_indirect_dma source(%dma_start3A_370 : memref<128x8xf32, #tpu.memory_space<vmem>>) target(%dma_start3A_376 : memref<51200x8xf32, #tpu.memory_space<vmem_shared>>) offsets(%dma_start3A_373 : memref<128xi32, #tpu.memory_space<vmem>>) semaphore(%run_scoped3A_366 : memref<!tpu.dma_semaphore, #tpu.memory_space<semaphore_mem>>) {add = true}
          %dma_wait3A_377 = arith.constant 0 : i32
          %dma_wait3A_378 = arith.constant 0 : i32
          %dma_wait3A_379 = tpu.memref_slice %arg9[%run_scoped3A, %dma_wait3A_377, %dma_wait3A_378] : memref<4x128x8xf32, #tpu.memory_space<vmem>> -> memref<1x128x8xf32, #tpu.memory_space<vmem>>
          %dma_wait3A_380 = tpu.memref_squeeze %dma_wait3A_379 : memref<1x128x8xf32, #tpu.memory_space<vmem>> -> memref<128x8xf32, #tpu.memory_space<vmem>>
          %dma_wait3A_381 = arith.constant 0 : i32
          %dma_wait3A_382 = tpu.memref_slice %arg8[%add3A_323, %dma_wait3A_381] : memref<391x128xi32, #tpu.memory_space<vmem>> -> memref<1x128xi32, #tpu.memory_space<vmem>>
          %dma_wait3A_383 = tpu.memref_squeeze %dma_wait3A_382 : memref<1x128xi32, #tpu.memory_space<vmem>> -> memref<128xi32, #tpu.memory_space<vmem>>
          %dma_wait3A_384 = arith.constant 0 : i32
          %dma_wait3A_385 = arith.constant 0 : i32
          %dma_wait3A_386 = tpu.memref_slice %arg11[%dma_wait3A_384, %dma_wait3A_385] : memref<51200x8xf32, #tpu.memory_space<vmem_shared>> -> memref<51200x8xf32, #tpu.memory_space<vmem_shared>>
          tpu.wait_indirect_dma semaphore(%run_scoped3A_366 : memref<!tpu.dma_semaphore, #tpu.memory_space<semaphore_mem>>) src(%dma_wait3A_380 : memref<128x8xf32, #tpu.memory_space<vmem>>) dst(%dma_wait3A_386 : memref<51200x8xf32, #tpu.memory_space<vmem_shared>>)
          tpu.yield
        }) : () -> ()
      } else {
      }
      %mul3A_336 = arith.constant 4 : i32
      %mul3A_337 = arith.muli %scan3A_289, %mul3A_336 : i32
      %add3A_338 = arith.constant 3 : i32
      %add3A_339 = arith.addi %mul3A_337, %add3A_338 : i32
      %add3A_340 = arith.constant 3 : i32
      %add3A_341 = arith.addi %add3A_339, %add3A_340 : i32
      %lt3A_342 = arith.constant 391 : i32
      %lt3A_343 = arith.cmpi slt, %add3A_341, %lt3A_342 : i32
      %convert_element_type3A_344 = arith.extui %lt3A_343 : i1 to i32
      %cond3A_345 = arith.constant 0 : i32
      %cond3A_346 = arith.cmpi ne, %convert_element_type3A_344, %cond3A_345 : i32
      scf.if %cond3A_346 {
        %add3A_353 = arith.constant 3 : i32
        %add3A_354 = arith.addi %add3A_339, %add3A_353 : i32
        %add3A_355 = arith.constant 3 : i32
        %add3A_356 = arith.addi %add3A_339, %add3A_355 : i32
        %jit3A = arith.constant 4 : i32
        %eq3A = arith.constant 0 : i32
        %eq3A_357 = arith.cmpi eq, %jit3A, %eq3A : i32
        %jit3A_358 = arith.constant 1 : i32
        %select_n3A = arith.select %eq3A_357, %jit3A_358, %jit3A : i32
        %rem3A = arith.remsi %add3A_356, %select_n3A : i32
        %ne3A = arith.constant 0 : i32
        %ne3A_359 = arith.cmpi ne, %rem3A, %ne3A : i32
        %lt3A_360 = arith.constant 0 : i32
        %lt3A_361 = arith.cmpi slt, %rem3A, %lt3A_360 : i32
        %lt3A_362 = arith.constant 0 : i32
        %lt3A_363 = arith.cmpi slt, %select_n3A, %lt3A_362 : i32
        %ne3A_364 = arith.xori %lt3A_361, %lt3A_363 : i1
        %and3A = arith.andi %ne3A_364, %ne3A_359 : i1
        %add3A_365 = arith.addi %rem3A, %select_n3A : i32
        %select_n3A_366 = arith.select %and3A, %add3A_365, %rem3A : i32
        %mul3A_367 = arith.constant 128 : i32
        %mul3A_368 = arith.muli %add3A_354, %mul3A_367 : i32
        %dma_start3A_369 = arith.constant 0 : i32
        %dma_start3A_370 = arith.constant 0 : i32
        %dma_start3A_371 = tpu.memref_slice %arg9[%select_n3A_366, %dma_start3A_369, %dma_start3A_370] : memref<4x128x8xf32, #tpu.memory_space<vmem>> -> memref<1x128x8xf32, #tpu.memory_space<vmem>>
        %dma_start3A_372 = tpu.memref_squeeze %dma_start3A_371 : memref<1x128x8xf32, #tpu.memory_space<vmem>> -> memref<128x8xf32, #tpu.memory_space<vmem>>
        %dma_start3A_373 = tpu.memref_slice %arg7[%mul3A_368] : memref<50048xi32, #tpu.memory_space<vmem>> -> memref<128xi32, #tpu.memory_space<vmem>>
        %dma_start3A_374 = arith.constant 0 : i32
        %dma_start3A_375 = arith.constant 0 : i32
        %dma_start3A_376 = tpu.memref_slice %arg2[%dma_start3A_374, %dma_start3A_375] : memref<409600x8xf32, #tpu.memory_space<hbm>> -> memref<409600x8xf32, #tpu.memory_space<hbm>>
        %dma_start3A_377 = tpu.memref_slice %arg12[%select_n3A_366] : memref<4x!tpu.dma_semaphore, #tpu.memory_space<semaphore_mem>> -> memref<1x!tpu.dma_semaphore, #tpu.memory_space<semaphore_mem>>
        %dma_start3A_378 = tpu.memref_squeeze %dma_start3A_377 : memref<1x!tpu.dma_semaphore, #tpu.memory_space<semaphore_mem>> -> memref<!tpu.dma_semaphore, #tpu.memory_space<semaphore_mem>>
        tpu.enqueue_indirect_dma source(%dma_start3A_376 : memref<409600x8xf32, #tpu.memory_space<hbm>>) target(%dma_start3A_372 : memref<128x8xf32, #tpu.memory_space<vmem>>) offsets(%dma_start3A_373 : memref<128xi32, #tpu.memory_space<vmem>>) semaphore(%dma_start3A_378 : memref<!tpu.dma_semaphore, #tpu.memory_space<semaphore_mem>>)
      } else {
      }
      %lt3A_347 = arith.constant 391 : i32
      %lt3A_348 = arith.cmpi slt, %add3A_339, %lt3A_347 : i32
      %convert_element_type3A_349 = arith.extui %lt3A_348 : i1 to i32
      %cond3A_350 = arith.constant 0 : i32
      %cond3A_351 = arith.cmpi ne, %convert_element_type3A_349, %cond3A_350 : i32
      scf.if %cond3A_351 {
        %mul3A_353 = arith.constant 128 : i32
        %mul3A_354 = arith.muli %add3A_339, %mul3A_353 : i32
        %dma_wait3A = arith.constant 3 : i32
        %dma_wait3A_355 = arith.constant 3 : i32
        %dma_wait3A_356 = arith.constant 0 : i32
        %dma_wait3A_357 = arith.constant 0 : i32
        %dma_wait3A_358 = tpu.memref_slice %arg9[%dma_wait3A, %dma_wait3A_356, %dma_wait3A_357] : memref<4x128x8xf32, #tpu.memory_space<vmem>> -> memref<1x128x8xf32, #tpu.memory_space<vmem>>
        %dma_wait3A_359 = tpu.memref_squeeze %dma_wait3A_358 : memref<1x128x8xf32, #tpu.memory_space<vmem>> -> memref<128x8xf32, #tpu.memory_space<vmem>>
        %dma_wait3A_360 = tpu.memref_slice %arg7[%mul3A_354] : memref<50048xi32, #tpu.memory_space<vmem>> -> memref<128xi32, #tpu.memory_space<vmem>>
        %dma_wait3A_361 = arith.constant 0 : i32
        %dma_wait3A_362 = arith.constant 0 : i32
        %dma_wait3A_363 = tpu.memref_slice %arg2[%dma_wait3A_361, %dma_wait3A_362] : memref<409600x8xf32, #tpu.memory_space<hbm>> -> memref<409600x8xf32, #tpu.memory_space<hbm>>
        %dma_wait3A_364 = tpu.memref_slice %arg12[%dma_wait3A_355] : memref<4x!tpu.dma_semaphore, #tpu.memory_space<semaphore_mem>> -> memref<1x!tpu.dma_semaphore, #tpu.memory_space<semaphore_mem>>
        %dma_wait3A_365 = tpu.memref_squeeze %dma_wait3A_364 : memref<1x!tpu.dma_semaphore, #tpu.memory_space<semaphore_mem>> -> memref<!tpu.dma_semaphore, #tpu.memory_space<semaphore_mem>>
        tpu.wait_indirect_dma semaphore(%dma_wait3A_365 : memref<!tpu.dma_semaphore, #tpu.memory_space<semaphore_mem>>) src(%dma_wait3A_363 : memref<409600x8xf32, #tpu.memory_space<hbm>>) dst(%dma_wait3A_359 : memref<128x8xf32, #tpu.memory_space<vmem>>)
        %run_scoped3A = arith.constant 3 : i32
        "tpu.region"() ({
          %run_scoped3A_366 = tpu.sem_alloc : memref<!tpu.dma_semaphore, #tpu.memory_space<semaphore_mem>>
          %dma_start3A_367 = arith.constant 0 : i32
          %dma_start3A_368 = arith.constant 0 : i32
          %dma_start3A_369 = tpu.memref_slice %arg9[%run_scoped3A, %dma_start3A_367, %dma_start3A_368] : memref<4x128x8xf32, #tpu.memory_space<vmem>> -> memref<1x128x8xf32, #tpu.memory_space<vmem>>
          %dma_start3A_370 = tpu.memref_squeeze %dma_start3A_369 : memref<1x128x8xf32, #tpu.memory_space<vmem>> -> memref<128x8xf32, #tpu.memory_space<vmem>>
          %dma_start3A_371 = arith.constant 0 : i32
          %dma_start3A_372 = tpu.memref_slice %arg8[%add3A_339, %dma_start3A_371] : memref<391x128xi32, #tpu.memory_space<vmem>> -> memref<1x128xi32, #tpu.memory_space<vmem>>
          %dma_start3A_373 = tpu.memref_squeeze %dma_start3A_372 : memref<1x128xi32, #tpu.memory_space<vmem>> -> memref<128xi32, #tpu.memory_space<vmem>>
          %dma_start3A_374 = arith.constant 0 : i32
          %dma_start3A_375 = arith.constant 0 : i32
          %dma_start3A_376 = tpu.memref_slice %arg11[%dma_start3A_374, %dma_start3A_375] : memref<51200x8xf32, #tpu.memory_space<vmem_shared>> -> memref<51200x8xf32, #tpu.memory_space<vmem_shared>>
          tpu.enqueue_indirect_dma source(%dma_start3A_370 : memref<128x8xf32, #tpu.memory_space<vmem>>) target(%dma_start3A_376 : memref<51200x8xf32, #tpu.memory_space<vmem_shared>>) offsets(%dma_start3A_373 : memref<128xi32, #tpu.memory_space<vmem>>) semaphore(%run_scoped3A_366 : memref<!tpu.dma_semaphore, #tpu.memory_space<semaphore_mem>>) {add = true}
          %dma_wait3A_377 = arith.constant 0 : i32
          %dma_wait3A_378 = arith.constant 0 : i32
          %dma_wait3A_379 = tpu.memref_slice %arg9[%run_scoped3A, %dma_wait3A_377, %dma_wait3A_378] : memref<4x128x8xf32, #tpu.memory_space<vmem>> -> memref<1x128x8xf32, #tpu.memory_space<vmem>>
          %dma_wait3A_380 = tpu.memref_squeeze %dma_wait3A_379 : memref<1x128x8xf32, #tpu.memory_space<vmem>> -> memref<128x8xf32, #tpu.memory_space<vmem>>
          %dma_wait3A_381 = arith.constant 0 : i32
          %dma_wait3A_382 = tpu.memref_slice %arg8[%add3A_339, %dma_wait3A_381] : memref<391x128xi32, #tpu.memory_space<vmem>> -> memref<1x128xi32, #tpu.memory_space<vmem>>
          %dma_wait3A_383 = tpu.memref_squeeze %dma_wait3A_382 : memref<1x128xi32, #tpu.memory_space<vmem>> -> memref<128xi32, #tpu.memory_space<vmem>>
          %dma_wait3A_384 = arith.constant 0 : i32
          %dma_wait3A_385 = arith.constant 0 : i32
          %dma_wait3A_386 = tpu.memref_slice %arg11[%dma_wait3A_384, %dma_wait3A_385] : memref<51200x8xf32, #tpu.memory_space<vmem_shared>> -> memref<51200x8xf32, #tpu.memory_space<vmem_shared>>
          tpu.wait_indirect_dma semaphore(%run_scoped3A_366 : memref<!tpu.dma_semaphore, #tpu.memory_space<semaphore_mem>>) src(%dma_wait3A_380 : memref<128x8xf32, #tpu.memory_space<vmem>>) dst(%dma_wait3A_386 : memref<51200x8xf32, #tpu.memory_space<vmem_shared>>)
          tpu.yield
        }) : () -> ()
      } else {
      }
      %scan3A_352 = arith.constant 0 : i32
      scf.yield %scan3A_352 : i32
    }
    %scan3A_203 = arith.constant 98 : i32
    %barrier3A_204 = arith.constant 0 : index
    tpu.barrier barrier_id(%barrier3A_204)
    %mul3A_205 = arith.constant 3200 : i32
    %mul3A_206 = arith.muli %arg1, %mul3A_205 : i32
    %mul3A_207 = arith.constant 4 : i32
    %mul3A_208 = arith.muli %arg0, %mul3A_207 : i32
    %add3A_209 = arith.constant 2 : i32
    %add3A_210 = arith.addi %mul3A_208, %add3A_209 : i32
    %mul3A_211 = arith.constant 51200 : i32
    %mul3A_212 = arith.muli %add3A_210, %mul3A_211 : i32
    %mul3A_213 = arith.constant 3200 : i32
    %mul3A_214 = arith.muli %arg1, %mul3A_213 : i32
    %add3A_215 = arith.addi %mul3A_212, %mul3A_214 : i32
    "tpu.region"() ({
      %run_scoped3A = tpu.sem_alloc : memref<!tpu.dma_semaphore, #tpu.memory_space<semaphore_mem>>
      %dma_start3A_289 = arith.constant 0 : i32
      %dma_start3A_290 = tpu.memref_slice %arg6[%add3A_215, %dma_start3A_289] : memref<409600x8xf32, #tpu.memory_space<hbm>> -> memref<3200x8xf32, #tpu.memory_space<hbm>>
      %dma_start3A_291 = arith.constant 0 : i32
      %dma_start3A_292 = tpu.memref_slice %arg11[%mul3A_206, %dma_start3A_291] : memref<51200x8xf32, #tpu.memory_space<vmem_shared>> -> memref<3200x8xf32, #tpu.memory_space<vmem_shared>>
      tpu.enqueue_dma source(%dma_start3A_292 : memref<3200x8xf32, #tpu.memory_space<vmem_shared>>) target(%dma_start3A_290 : memref<3200x8xf32, #tpu.memory_space<hbm>>) target_semaphore(%run_scoped3A : memref<!tpu.dma_semaphore, #tpu.memory_space<semaphore_mem>>)
      %dma_wait3A = arith.constant 0 : i32
      %dma_wait3A_293 = tpu.memref_slice %arg6[%add3A_215, %dma_wait3A] : memref<409600x8xf32, #tpu.memory_space<hbm>> -> memref<3200x8xf32, #tpu.memory_space<hbm>>
      %dma_wait3A_294 = arith.constant 0 : i32
      %dma_wait3A_295 = tpu.memref_slice %arg11[%mul3A_206, %dma_wait3A_294] : memref<51200x8xf32, #tpu.memory_space<vmem_shared>> -> memref<3200x8xf32, #tpu.memory_space<vmem_shared>>
      tpu.wait_dma2 semaphore(%run_scoped3A : memref<!tpu.dma_semaphore, #tpu.memory_space<semaphore_mem>>) src(%dma_wait3A_295 : memref<3200x8xf32, #tpu.memory_space<vmem_shared>>) dst(%dma_wait3A_293 : memref<3200x8xf32, #tpu.memory_space<hbm>>)
      tpu.yield
    }) : () -> ()
    %scan3A_216 = arith.constant 0 : i32
    %scan3A_217 = arith.constant 0 : i32
    %scan3A_218 = arith.constant 3128 : i32
    %scan3A_219 = arith.addi %scan3A_217, %scan3A_218 : i32
    %scan3A_220 = arith.constant 1 : i32
    %scan3A_221 = scf.for %scan3A_289 = %scan3A_217 to %scan3A_219 step %scan3A_220 iter_args(%scan3A_290 = %scan3A_216) -> (i32)  : i32 {
      %mul3A_291 = arith.constant 16 : i32
      %mul3A_292 = arith.muli %scan3A_289, %mul3A_291 : i32
      %get3A = arith.index_cast %mul3A_292 : i32 to index
      %get3A_293 = tpu.vector_load %arg7[%get3A] {strides = array<i32>} : memref<50048xi32, #tpu.memory_space<vmem>>, vector<16xi32>,
      %add3A_294 = arith.constant 1 : i32
      %add3A_295 = vector.broadcast %add3A_294 : i32 to vector<16xi32>
      %add3A_296 = arith.addi %get3A_293, %add3A_295 : vector<16xi32>
      %mul3A_297 = arith.constant 16 : i32
      %mul3A_298 = arith.muli %scan3A_289, %mul3A_297 : i32
      %swap3A = arith.index_cast %mul3A_298 : i32 to index
      %swap3A_299 = tpu.vector_load %arg7[%swap3A] {strides = array<i32>} : memref<50048xi32, #tpu.memory_space<vmem>>, vector<16xi32>,
      tpu.vector_store %arg7[%swap3A], %add3A_296 {strides = array<i32>} : memref<50048xi32, #tpu.memory_space<vmem>>, vector<16xi32>,
      %scan3A_300 = arith.constant 0 : i32
      scf.yield %scan3A_300 : i32
    }
    %scan3A_222 = arith.constant 3128 : i32
    %scan3A_223 = arith.constant 0 : i32
    %scan3A_224 = arith.constant 0 : i32
    %scan3A_225 = arith.constant 25 : i32
    %scan3A_226 = arith.addi %scan3A_224, %scan3A_225 : i32
    %scan3A_227 = arith.constant 1 : i32
    %scan3A_228 = scf.for %scan3A_289 = %scan3A_224 to %scan3A_226 step %scan3A_227 iter_args(%scan3A_290 = %scan3A_223) -> (i32)  : i32 {
      %mul3A_291 = arith.constant 3200 : i32
      %mul3A_292 = arith.muli %arg1, %mul3A_291 : i32
      %mul3A_293 = arith.constant 128 : i32
      %mul3A_294 = arith.muli %scan3A_289, %mul3A_293 : i32
      %add3A_295 = arith.addi %mul3A_292, %mul3A_294 : i32
      "tpu.region"() ({
        %run_scoped3A = tpu.sem_alloc : memref<!tpu.dma_semaphore, #tpu.memory_space<semaphore_mem>>
        %dma_start3A_297 = arith.constant 0 : i32
        %dma_start3A_298 = tpu.memref_slice %arg11[%add3A_295, %dma_start3A_297] : memref<51200x8xf32, #tpu.memory_space<vmem_shared>> -> memref<128x8xf32, #tpu.memory_space<vmem_shared>>
        %dma_start3A_299 = arith.constant 0 : i32
        %dma_start3A_300 = tpu.memref_slice %arg11[%add3A_295, %dma_start3A_299] : memref<51200x8xf32, #tpu.memory_space<vmem_shared>> -> memref<128x8xf32, #tpu.memory_space<vmem_shared>>
        tpu.enqueue_dma source(%arg10 : memref<128x8xf32, #tpu.memory_space<vmem>>) target(%dma_start3A_300 : memref<128x8xf32, #tpu.memory_space<vmem_shared>>) target_semaphore(%run_scoped3A : memref<!tpu.dma_semaphore, #tpu.memory_space<semaphore_mem>>)
        %dma_wait3A = arith.constant 0 : i32
        %dma_wait3A_301 = tpu.memref_slice %arg11[%add3A_295, %dma_wait3A] : memref<51200x8xf32, #tpu.memory_space<vmem_shared>> -> memref<128x8xf32, #tpu.memory_space<vmem_shared>>
        %dma_wait3A_302 = arith.constant 0 : i32
        %dma_wait3A_303 = tpu.memref_slice %arg11[%add3A_295, %dma_wait3A_302] : memref<51200x8xf32, #tpu.memory_space<vmem_shared>> -> memref<128x8xf32, #tpu.memory_space<vmem_shared>>
        tpu.wait_dma2 semaphore(%run_scoped3A : memref<!tpu.dma_semaphore, #tpu.memory_space<semaphore_mem>>) src(%arg10 : memref<128x8xf32, #tpu.memory_space<vmem>>) dst(%dma_wait3A_303 : memref<128x8xf32, #tpu.memory_space<vmem_shared>>)
        tpu.yield
      }) : () -> ()
      %scan3A_296 = arith.constant 0 : i32
      scf.yield %scan3A_296 : i32
    }
    %scan3A_229 = arith.constant 25 : i32
    %barrier3A_230 = arith.constant 0 : index
    tpu.barrier barrier_id(%barrier3A_230)
    %dma_start3A_231 = arith.constant 0 : i32
    %dma_start3A_232 = arith.constant 0 : i32
    %dma_start3A_233 = arith.constant 0 : i32
    %dma_start3A_234 = arith.constant 0 : i32
    %dma_start3A_235 = tpu.memref_slice %arg9[%dma_start3A_231, %dma_start3A_233, %dma_start3A_234] : memref<4x128x8xf32, #tpu.memory_space<vmem>> -> memref<1x128x8xf32, #tpu.memory_space<vmem>>
    %dma_start3A_236 = tpu.memref_squeeze %dma_start3A_235 : memref<1x128x8xf32, #tpu.memory_space<vmem>> -> memref<128x8xf32, #tpu.memory_space<vmem>>
    %dma_start3A_237 = arith.constant 0 : i32
    %dma_start3A_238 = tpu.memref_slice %arg7[%dma_start3A_237] : memref<50048xi32, #tpu.memory_space<vmem>> -> memref<128xi32, #tpu.memory_space<vmem>>
    %dma_start3A_239 = arith.constant 0 : i32
    %dma_start3A_240 = arith.constant 0 : i32
    %dma_start3A_241 = tpu.memref_slice %arg2[%dma_start3A_239, %dma_start3A_240] : memref<409600x8xf32, #tpu.memory_space<hbm>> -> memref<409600x8xf32, #tpu.memory_space<hbm>>
    %dma_start3A_242 = tpu.memref_slice %arg12[%dma_start3A_232] : memref<4x!tpu.dma_semaphore, #tpu.memory_space<semaphore_mem>> -> memref<1x!tpu.dma_semaphore, #tpu.memory_space<semaphore_mem>>
    %dma_start3A_243 = tpu.memref_squeeze %dma_start3A_242 : memref<1x!tpu.dma_semaphore, #tpu.memory_space<semaphore_mem>> -> memref<!tpu.dma_semaphore, #tpu.memory_space<semaphore_mem>>
    tpu.enqueue_indirect_dma source(%dma_start3A_241 : memref<409600x8xf32, #tpu.memory_space<hbm>>) target(%dma_start3A_236 : memref<128x8xf32, #tpu.memory_space<vmem>>) offsets(%dma_start3A_238 : memref<128xi32, #tpu.memory_space<vmem>>) semaphore(%dma_start3A_243 : memref<!tpu.dma_semaphore, #tpu.memory_space<semaphore_mem>>)
    %dma_start3A_244 = arith.constant 1 : i32
    %dma_start3A_245 = arith.constant 1 : i32
    %dma_start3A_246 = arith.constant 0 : i32
    %dma_start3A_247 = arith.constant 0 : i32
    %dma_start3A_248 = tpu.memref_slice %arg9[%dma_start3A_244, %dma_start3A_246, %dma_start3A_247] : memref<4x128x8xf32, #tpu.memory_space<vmem>> -> memref<1x128x8xf32, #tpu.memory_space<vmem>>
    %dma_start3A_249 = tpu.memref_squeeze %dma_start3A_248 : memref<1x128x8xf32, #tpu.memory_space<vmem>> -> memref<128x8xf32, #tpu.memory_space<vmem>>
    %dma_start3A_250 = arith.constant 128 : i32
    %dma_start3A_251 = tpu.memref_slice %arg7[%dma_start3A_250] : memref<50048xi32, #tpu.memory_space<vmem>> -> memref<128xi32, #tpu.memory_space<vmem>>
    %dma_start3A_252 = arith.constant 0 : i32
    %dma_start3A_253 = arith.constant 0 : i32
    %dma_start3A_254 = tpu.memref_slice %arg2[%dma_start3A_252, %dma_start3A_253] : memref<409600x8xf32, #tpu.memory_space<hbm>> -> memref<409600x8xf32, #tpu.memory_space<hbm>>
    %dma_start3A_255 = tpu.memref_slice %arg12[%dma_start3A_245] : memref<4x!tpu.dma_semaphore, #tpu.memory_space<semaphore_mem>> -> memref<1x!tpu.dma_semaphore, #tpu.memory_space<semaphore_mem>>
    %dma_start3A_256 = tpu.memref_squeeze %dma_start3A_255 : memref<1x!tpu.dma_semaphore, #tpu.memory_space<semaphore_mem>> -> memref<!tpu.dma_semaphore, #tpu.memory_space<semaphore_mem>>
    tpu.enqueue_indirect_dma source(%dma_start3A_254 : memref<409600x8xf32, #tpu.memory_space<hbm>>) target(%dma_start3A_249 : memref<128x8xf32, #tpu.memory_space<vmem>>) offsets(%dma_start3A_251 : memref<128xi32, #tpu.memory_space<vmem>>) semaphore(%dma_start3A_256 : memref<!tpu.dma_semaphore, #tpu.memory_space<semaphore_mem>>)
    %dma_start3A_257 = arith.constant 2 : i32
    %dma_start3A_258 = arith.constant 2 : i32
    %dma_start3A_259 = arith.constant 0 : i32
    %dma_start3A_260 = arith.constant 0 : i32
    %dma_start3A_261 = tpu.memref_slice %arg9[%dma_start3A_257, %dma_start3A_259, %dma_start3A_260] : memref<4x128x8xf32, #tpu.memory_space<vmem>> -> memref<1x128x8xf32, #tpu.memory_space<vmem>>
    %dma_start3A_262 = tpu.memref_squeeze %dma_start3A_261 : memref<1x128x8xf32, #tpu.memory_space<vmem>> -> memref<128x8xf32, #tpu.memory_space<vmem>>
    %dma_start3A_263 = arith.constant 256 : i32
    %dma_start3A_264 = tpu.memref_slice %arg7[%dma_start3A_263] : memref<50048xi32, #tpu.memory_space<vmem>> -> memref<128xi32, #tpu.memory_space<vmem>>
    %dma_start3A_265 = arith.constant 0 : i32
    %dma_start3A_266 = arith.constant 0 : i32
    %dma_start3A_267 = tpu.memref_slice %arg2[%dma_start3A_265, %dma_start3A_266] : memref<409600x8xf32, #tpu.memory_space<hbm>> -> memref<409600x8xf32, #tpu.memory_space<hbm>>
    %dma_start3A_268 = tpu.memref_slice %arg12[%dma_start3A_258] : memref<4x!tpu.dma_semaphore, #tpu.memory_space<semaphore_mem>> -> memref<1x!tpu.dma_semaphore, #tpu.memory_space<semaphore_mem>>
    %dma_start3A_269 = tpu.memref_squeeze %dma_start3A_268 : memref<1x!tpu.dma_semaphore, #tpu.memory_space<semaphore_mem>> -> memref<!tpu.dma_semaphore, #tpu.memory_space<semaphore_mem>>
    tpu.enqueue_indirect_dma source(%dma_start3A_267 : memref<409600x8xf32, #tpu.memory_space<hbm>>) target(%dma_start3A_262 : memref<128x8xf32, #tpu.memory_space<vmem>>) offsets(%dma_start3A_264 : memref<128xi32, #tpu.memory_space<vmem>>) semaphore(%dma_start3A_269 : memref<!tpu.dma_semaphore, #tpu.memory_space<semaphore_mem>>)
    %scan3A_270 = arith.constant 0 : i32
    %scan3A_271 = arith.constant 0 : i32
    %scan3A_272 = arith.constant 98 : i32
    %scan3A_273 = arith.addi %scan3A_271, %scan3A_272 : i32
    %scan3A_274 = arith.constant 1 : i32
    %scan3A_275 = scf.for %scan3A_289 = %scan3A_271 to %scan3A_273 step %scan3A_274 iter_args(%scan3A_290 = %scan3A_270) -> (i32)  : i32 {
      %mul3A_291 = arith.constant 4 : i32
      %mul3A_292 = arith.muli %scan3A_289, %mul3A_291 : i32
      %add3A_293 = arith.constant 0 : i32
      %add3A_294 = arith.addi %mul3A_292, %add3A_293 : i32
      %add3A_295 = arith.constant 3 : i32
      %add3A_296 = arith.addi %add3A_294, %add3A_295 : i32
      %lt3A = arith.constant 391 : i32
      %lt3A_297 = arith.cmpi slt, %add3A_296, %lt3A : i32
      %convert_element_type3A = arith.extui %lt3A_297 : i1 to i32
      %cond3A = arith.constant 0 : i32
      %cond3A_298 = arith.cmpi ne, %convert_element_type3A, %cond3A : i32
      scf.if %cond3A_298 {
        %add3A_353 = arith.constant 3 : i32
        %add3A_354 = arith.addi %add3A_294, %add3A_353 : i32
        %add3A_355 = arith.constant 3 : i32
        %add3A_356 = arith.addi %add3A_294, %add3A_355 : i32
        %jit3A = arith.constant 4 : i32
        %eq3A = arith.constant 0 : i32
        %eq3A_357 = arith.cmpi eq, %jit3A, %eq3A : i32
        %jit3A_358 = arith.constant 1 : i32
        %select_n3A = arith.select %eq3A_357, %jit3A_358, %jit3A : i32
        %rem3A = arith.remsi %add3A_356, %select_n3A : i32
        %ne3A = arith.constant 0 : i32
        %ne3A_359 = arith.cmpi ne, %rem3A, %ne3A : i32
        %lt3A_360 = arith.constant 0 : i32
        %lt3A_361 = arith.cmpi slt, %rem3A, %lt3A_360 : i32
        %lt3A_362 = arith.constant 0 : i32
        %lt3A_363 = arith.cmpi slt, %select_n3A, %lt3A_362 : i32
        %ne3A_364 = arith.xori %lt3A_361, %lt3A_363 : i1
        %and3A = arith.andi %ne3A_364, %ne3A_359 : i1
        %add3A_365 = arith.addi %rem3A, %select_n3A : i32
        %select_n3A_366 = arith.select %and3A, %add3A_365, %rem3A : i32
        %mul3A_367 = arith.constant 128 : i32
        %mul3A_368 = arith.muli %add3A_354, %mul3A_367 : i32
        %dma_start3A_369 = arith.constant 0 : i32
        %dma_start3A_370 = arith.constant 0 : i32
        %dma_start3A_371 = tpu.memref_slice %arg9[%select_n3A_366, %dma_start3A_369, %dma_start3A_370] : memref<4x128x8xf32, #tpu.memory_space<vmem>> -> memref<1x128x8xf32, #tpu.memory_space<vmem>>
        %dma_start3A_372 = tpu.memref_squeeze %dma_start3A_371 : memref<1x128x8xf32, #tpu.memory_space<vmem>> -> memref<128x8xf32, #tpu.memory_space<vmem>>
        %dma_start3A_373 = tpu.memref_slice %arg7[%mul3A_368] : memref<50048xi32, #tpu.memory_space<vmem>> -> memref<128xi32, #tpu.memory_space<vmem>>
        %dma_start3A_374 = arith.constant 0 : i32
        %dma_start3A_375 = arith.constant 0 : i32
        %dma_start3A_376 = tpu.memref_slice %arg2[%dma_start3A_374, %dma_start3A_375] : memref<409600x8xf32, #tpu.memory_space<hbm>> -> memref<409600x8xf32, #tpu.memory_space<hbm>>
        %dma_start3A_377 = tpu.memref_slice %arg12[%select_n3A_366] : memref<4x!tpu.dma_semaphore, #tpu.memory_space<semaphore_mem>> -> memref<1x!tpu.dma_semaphore, #tpu.memory_space<semaphore_mem>>
        %dma_start3A_378 = tpu.memref_squeeze %dma_start3A_377 : memref<1x!tpu.dma_semaphore, #tpu.memory_space<semaphore_mem>> -> memref<!tpu.dma_semaphore, #tpu.memory_space<semaphore_mem>>
        tpu.enqueue_indirect_dma source(%dma_start3A_376 : memref<409600x8xf32, #tpu.memory_space<hbm>>) target(%dma_start3A_372 : memref<128x8xf32, #tpu.memory_space<vmem>>) offsets(%dma_start3A_373 : memref<128xi32, #tpu.memory_space<vmem>>) semaphore(%dma_start3A_378 : memref<!tpu.dma_semaphore, #tpu.memory_space<semaphore_mem>>)
      } else {
      }
      %lt3A_299 = arith.constant 391 : i32
      %lt3A_300 = arith.cmpi slt, %add3A_294, %lt3A_299 : i32
      %convert_element_type3A_301 = arith.extui %lt3A_300 : i1 to i32
      %cond3A_302 = arith.constant 0 : i32
      %cond3A_303 = arith.cmpi ne, %convert_element_type3A_301, %cond3A_302 : i32
      scf.if %cond3A_303 {
        %mul3A_353 = arith.constant 128 : i32
        %mul3A_354 = arith.muli %add3A_294, %mul3A_353 : i32
        %dma_wait3A = arith.constant 0 : i32
        %dma_wait3A_355 = arith.constant 0 : i32
        %dma_wait3A_356 = arith.constant 0 : i32
        %dma_wait3A_357 = arith.constant 0 : i32
        %dma_wait3A_358 = tpu.memref_slice %arg9[%dma_wait3A, %dma_wait3A_356, %dma_wait3A_357] : memref<4x128x8xf32, #tpu.memory_space<vmem>> -> memref<1x128x8xf32, #tpu.memory_space<vmem>>
        %dma_wait3A_359 = tpu.memref_squeeze %dma_wait3A_358 : memref<1x128x8xf32, #tpu.memory_space<vmem>> -> memref<128x8xf32, #tpu.memory_space<vmem>>
        %dma_wait3A_360 = tpu.memref_slice %arg7[%mul3A_354] : memref<50048xi32, #tpu.memory_space<vmem>> -> memref<128xi32, #tpu.memory_space<vmem>>
        %dma_wait3A_361 = arith.constant 0 : i32
        %dma_wait3A_362 = arith.constant 0 : i32
        %dma_wait3A_363 = tpu.memref_slice %arg2[%dma_wait3A_361, %dma_wait3A_362] : memref<409600x8xf32, #tpu.memory_space<hbm>> -> memref<409600x8xf32, #tpu.memory_space<hbm>>
        %dma_wait3A_364 = tpu.memref_slice %arg12[%dma_wait3A_355] : memref<4x!tpu.dma_semaphore, #tpu.memory_space<semaphore_mem>> -> memref<1x!tpu.dma_semaphore, #tpu.memory_space<semaphore_mem>>
        %dma_wait3A_365 = tpu.memref_squeeze %dma_wait3A_364 : memref<1x!tpu.dma_semaphore, #tpu.memory_space<semaphore_mem>> -> memref<!tpu.dma_semaphore, #tpu.memory_space<semaphore_mem>>
        tpu.wait_indirect_dma semaphore(%dma_wait3A_365 : memref<!tpu.dma_semaphore, #tpu.memory_space<semaphore_mem>>) src(%dma_wait3A_363 : memref<409600x8xf32, #tpu.memory_space<hbm>>) dst(%dma_wait3A_359 : memref<128x8xf32, #tpu.memory_space<vmem>>)
        %run_scoped3A = arith.constant 0 : i32
        "tpu.region"() ({
          %run_scoped3A_366 = tpu.sem_alloc : memref<!tpu.dma_semaphore, #tpu.memory_space<semaphore_mem>>
          %dma_start3A_367 = arith.constant 0 : i32
          %dma_start3A_368 = arith.constant 0 : i32
          %dma_start3A_369 = tpu.memref_slice %arg9[%run_scoped3A, %dma_start3A_367, %dma_start3A_368] : memref<4x128x8xf32, #tpu.memory_space<vmem>> -> memref<1x128x8xf32, #tpu.memory_space<vmem>>
          %dma_start3A_370 = tpu.memref_squeeze %dma_start3A_369 : memref<1x128x8xf32, #tpu.memory_space<vmem>> -> memref<128x8xf32, #tpu.memory_space<vmem>>
          %dma_start3A_371 = arith.constant 0 : i32
          %dma_start3A_372 = tpu.memref_slice %arg8[%add3A_294, %dma_start3A_371] : memref<391x128xi32, #tpu.memory_space<vmem>> -> memref<1x128xi32, #tpu.memory_space<vmem>>
          %dma_start3A_373 = tpu.memref_squeeze %dma_start3A_372 : memref<1x128xi32, #tpu.memory_space<vmem>> -> memref<128xi32, #tpu.memory_space<vmem>>
          %dma_start3A_374 = arith.constant 0 : i32
          %dma_start3A_375 = arith.constant 0 : i32
          %dma_start3A_376 = tpu.memref_slice %arg11[%dma_start3A_374, %dma_start3A_375] : memref<51200x8xf32, #tpu.memory_space<vmem_shared>> -> memref<51200x8xf32, #tpu.memory_space<vmem_shared>>
          tpu.enqueue_indirect_dma source(%dma_start3A_370 : memref<128x8xf32, #tpu.memory_space<vmem>>) target(%dma_start3A_376 : memref<51200x8xf32, #tpu.memory_space<vmem_shared>>) offsets(%dma_start3A_373 : memref<128xi32, #tpu.memory_space<vmem>>) semaphore(%run_scoped3A_366 : memref<!tpu.dma_semaphore, #tpu.memory_space<semaphore_mem>>) {add = true}
          %dma_wait3A_377 = arith.constant 0 : i32
          %dma_wait3A_378 = arith.constant 0 : i32
          %dma_wait3A_379 = tpu.memref_slice %arg9[%run_scoped3A, %dma_wait3A_377, %dma_wait3A_378] : memref<4x128x8xf32, #tpu.memory_space<vmem>> -> memref<1x128x8xf32, #tpu.memory_space<vmem>>
          %dma_wait3A_380 = tpu.memref_squeeze %dma_wait3A_379 : memref<1x128x8xf32, #tpu.memory_space<vmem>> -> memref<128x8xf32, #tpu.memory_space<vmem>>
          %dma_wait3A_381 = arith.constant 0 : i32
          %dma_wait3A_382 = tpu.memref_slice %arg8[%add3A_294, %dma_wait3A_381] : memref<391x128xi32, #tpu.memory_space<vmem>> -> memref<1x128xi32, #tpu.memory_space<vmem>>
          %dma_wait3A_383 = tpu.memref_squeeze %dma_wait3A_382 : memref<1x128xi32, #tpu.memory_space<vmem>> -> memref<128xi32, #tpu.memory_space<vmem>>
          %dma_wait3A_384 = arith.constant 0 : i32
          %dma_wait3A_385 = arith.constant 0 : i32
          %dma_wait3A_386 = tpu.memref_slice %arg11[%dma_wait3A_384, %dma_wait3A_385] : memref<51200x8xf32, #tpu.memory_space<vmem_shared>> -> memref<51200x8xf32, #tpu.memory_space<vmem_shared>>
          tpu.wait_indirect_dma semaphore(%run_scoped3A_366 : memref<!tpu.dma_semaphore, #tpu.memory_space<semaphore_mem>>) src(%dma_wait3A_380 : memref<128x8xf32, #tpu.memory_space<vmem>>) dst(%dma_wait3A_386 : memref<51200x8xf32, #tpu.memory_space<vmem_shared>>)
          tpu.yield
        }) : () -> ()
      } else {
      }
      %mul3A_304 = arith.constant 4 : i32
      %mul3A_305 = arith.muli %scan3A_289, %mul3A_304 : i32
      %add3A_306 = arith.constant 1 : i32
      %add3A_307 = arith.addi %mul3A_305, %add3A_306 : i32
      %add3A_308 = arith.constant 3 : i32
      %add3A_309 = arith.addi %add3A_307, %add3A_308 : i32
      %lt3A_310 = arith.constant 391 : i32
      %lt3A_311 = arith.cmpi slt, %add3A_309, %lt3A_310 : i32
      %convert_element_type3A_312 = arith.extui %lt3A_311 : i1 to i32
      %cond3A_313 = arith.constant 0 : i32
      %cond3A_314 = arith.cmpi ne, %convert_element_type3A_312, %cond3A_313 : i32
      scf.if %cond3A_314 {
        %add3A_353 = arith.constant 3 : i32
        %add3A_354 = arith.addi %add3A_307, %add3A_353 : i32
        %add3A_355 = arith.constant 3 : i32
        %add3A_356 = arith.addi %add3A_307, %add3A_355 : i32
        %jit3A = arith.constant 4 : i32
        %eq3A = arith.constant 0 : i32
        %eq3A_357 = arith.cmpi eq, %jit3A, %eq3A : i32
        %jit3A_358 = arith.constant 1 : i32
        %select_n3A = arith.select %eq3A_357, %jit3A_358, %jit3A : i32
        %rem3A = arith.remsi %add3A_356, %select_n3A : i32
        %ne3A = arith.constant 0 : i32
        %ne3A_359 = arith.cmpi ne, %rem3A, %ne3A : i32
        %lt3A_360 = arith.constant 0 : i32
        %lt3A_361 = arith.cmpi slt, %rem3A, %lt3A_360 : i32
        %lt3A_362 = arith.constant 0 : i32
        %lt3A_363 = arith.cmpi slt, %select_n3A, %lt3A_362 : i32
        %ne3A_364 = arith.xori %lt3A_361, %lt3A_363 : i1
        %and3A = arith.andi %ne3A_364, %ne3A_359 : i1
        %add3A_365 = arith.addi %rem3A, %select_n3A : i32
        %select_n3A_366 = arith.select %and3A, %add3A_365, %rem3A : i32
        %mul3A_367 = arith.constant 128 : i32
        %mul3A_368 = arith.muli %add3A_354, %mul3A_367 : i32
        %dma_start3A_369 = arith.constant 0 : i32
        %dma_start3A_370 = arith.constant 0 : i32
        %dma_start3A_371 = tpu.memref_slice %arg9[%select_n3A_366, %dma_start3A_369, %dma_start3A_370] : memref<4x128x8xf32, #tpu.memory_space<vmem>> -> memref<1x128x8xf32, #tpu.memory_space<vmem>>
        %dma_start3A_372 = tpu.memref_squeeze %dma_start3A_371 : memref<1x128x8xf32, #tpu.memory_space<vmem>> -> memref<128x8xf32, #tpu.memory_space<vmem>>
        %dma_start3A_373 = tpu.memref_slice %arg7[%mul3A_368] : memref<50048xi32, #tpu.memory_space<vmem>> -> memref<128xi32, #tpu.memory_space<vmem>>
        %dma_start3A_374 = arith.constant 0 : i32
        %dma_start3A_375 = arith.constant 0 : i32
        %dma_start3A_376 = tpu.memref_slice %arg2[%dma_start3A_374, %dma_start3A_375] : memref<409600x8xf32, #tpu.memory_space<hbm>> -> memref<409600x8xf32, #tpu.memory_space<hbm>>
        %dma_start3A_377 = tpu.memref_slice %arg12[%select_n3A_366] : memref<4x!tpu.dma_semaphore, #tpu.memory_space<semaphore_mem>> -> memref<1x!tpu.dma_semaphore, #tpu.memory_space<semaphore_mem>>
        %dma_start3A_378 = tpu.memref_squeeze %dma_start3A_377 : memref<1x!tpu.dma_semaphore, #tpu.memory_space<semaphore_mem>> -> memref<!tpu.dma_semaphore, #tpu.memory_space<semaphore_mem>>
        tpu.enqueue_indirect_dma source(%dma_start3A_376 : memref<409600x8xf32, #tpu.memory_space<hbm>>) target(%dma_start3A_372 : memref<128x8xf32, #tpu.memory_space<vmem>>) offsets(%dma_start3A_373 : memref<128xi32, #tpu.memory_space<vmem>>) semaphore(%dma_start3A_378 : memref<!tpu.dma_semaphore, #tpu.memory_space<semaphore_mem>>)
      } else {
      }
      %lt3A_315 = arith.constant 391 : i32
      %lt3A_316 = arith.cmpi slt, %add3A_307, %lt3A_315 : i32
      %convert_element_type3A_317 = arith.extui %lt3A_316 : i1 to i32
      %cond3A_318 = arith.constant 0 : i32
      %cond3A_319 = arith.cmpi ne, %convert_element_type3A_317, %cond3A_318 : i32
      scf.if %cond3A_319 {
        %mul3A_353 = arith.constant 128 : i32
        %mul3A_354 = arith.muli %add3A_307, %mul3A_353 : i32
        %dma_wait3A = arith.constant 1 : i32
        %dma_wait3A_355 = arith.constant 1 : i32
        %dma_wait3A_356 = arith.constant 0 : i32
        %dma_wait3A_357 = arith.constant 0 : i32
        %dma_wait3A_358 = tpu.memref_slice %arg9[%dma_wait3A, %dma_wait3A_356, %dma_wait3A_357] : memref<4x128x8xf32, #tpu.memory_space<vmem>> -> memref<1x128x8xf32, #tpu.memory_space<vmem>>
        %dma_wait3A_359 = tpu.memref_squeeze %dma_wait3A_358 : memref<1x128x8xf32, #tpu.memory_space<vmem>> -> memref<128x8xf32, #tpu.memory_space<vmem>>
        %dma_wait3A_360 = tpu.memref_slice %arg7[%mul3A_354] : memref<50048xi32, #tpu.memory_space<vmem>> -> memref<128xi32, #tpu.memory_space<vmem>>
        %dma_wait3A_361 = arith.constant 0 : i32
        %dma_wait3A_362 = arith.constant 0 : i32
        %dma_wait3A_363 = tpu.memref_slice %arg2[%dma_wait3A_361, %dma_wait3A_362] : memref<409600x8xf32, #tpu.memory_space<hbm>> -> memref<409600x8xf32, #tpu.memory_space<hbm>>
        %dma_wait3A_364 = tpu.memref_slice %arg12[%dma_wait3A_355] : memref<4x!tpu.dma_semaphore, #tpu.memory_space<semaphore_mem>> -> memref<1x!tpu.dma_semaphore, #tpu.memory_space<semaphore_mem>>
        %dma_wait3A_365 = tpu.memref_squeeze %dma_wait3A_364 : memref<1x!tpu.dma_semaphore, #tpu.memory_space<semaphore_mem>> -> memref<!tpu.dma_semaphore, #tpu.memory_space<semaphore_mem>>
        tpu.wait_indirect_dma semaphore(%dma_wait3A_365 : memref<!tpu.dma_semaphore, #tpu.memory_space<semaphore_mem>>) src(%dma_wait3A_363 : memref<409600x8xf32, #tpu.memory_space<hbm>>) dst(%dma_wait3A_359 : memref<128x8xf32, #tpu.memory_space<vmem>>)
        %run_scoped3A = arith.constant 1 : i32
        "tpu.region"() ({
          %run_scoped3A_366 = tpu.sem_alloc : memref<!tpu.dma_semaphore, #tpu.memory_space<semaphore_mem>>
          %dma_start3A_367 = arith.constant 0 : i32
          %dma_start3A_368 = arith.constant 0 : i32
          %dma_start3A_369 = tpu.memref_slice %arg9[%run_scoped3A, %dma_start3A_367, %dma_start3A_368] : memref<4x128x8xf32, #tpu.memory_space<vmem>> -> memref<1x128x8xf32, #tpu.memory_space<vmem>>
          %dma_start3A_370 = tpu.memref_squeeze %dma_start3A_369 : memref<1x128x8xf32, #tpu.memory_space<vmem>> -> memref<128x8xf32, #tpu.memory_space<vmem>>
          %dma_start3A_371 = arith.constant 0 : i32
          %dma_start3A_372 = tpu.memref_slice %arg8[%add3A_307, %dma_start3A_371] : memref<391x128xi32, #tpu.memory_space<vmem>> -> memref<1x128xi32, #tpu.memory_space<vmem>>
          %dma_start3A_373 = tpu.memref_squeeze %dma_start3A_372 : memref<1x128xi32, #tpu.memory_space<vmem>> -> memref<128xi32, #tpu.memory_space<vmem>>
          %dma_start3A_374 = arith.constant 0 : i32
          %dma_start3A_375 = arith.constant 0 : i32
          %dma_start3A_376 = tpu.memref_slice %arg11[%dma_start3A_374, %dma_start3A_375] : memref<51200x8xf32, #tpu.memory_space<vmem_shared>> -> memref<51200x8xf32, #tpu.memory_space<vmem_shared>>
          tpu.enqueue_indirect_dma source(%dma_start3A_370 : memref<128x8xf32, #tpu.memory_space<vmem>>) target(%dma_start3A_376 : memref<51200x8xf32, #tpu.memory_space<vmem_shared>>) offsets(%dma_start3A_373 : memref<128xi32, #tpu.memory_space<vmem>>) semaphore(%run_scoped3A_366 : memref<!tpu.dma_semaphore, #tpu.memory_space<semaphore_mem>>) {add = true}
          %dma_wait3A_377 = arith.constant 0 : i32
          %dma_wait3A_378 = arith.constant 0 : i32
          %dma_wait3A_379 = tpu.memref_slice %arg9[%run_scoped3A, %dma_wait3A_377, %dma_wait3A_378] : memref<4x128x8xf32, #tpu.memory_space<vmem>> -> memref<1x128x8xf32, #tpu.memory_space<vmem>>
          %dma_wait3A_380 = tpu.memref_squeeze %dma_wait3A_379 : memref<1x128x8xf32, #tpu.memory_space<vmem>> -> memref<128x8xf32, #tpu.memory_space<vmem>>
          %dma_wait3A_381 = arith.constant 0 : i32
          %dma_wait3A_382 = tpu.memref_slice %arg8[%add3A_307, %dma_wait3A_381] : memref<391x128xi32, #tpu.memory_space<vmem>> -> memref<1x128xi32, #tpu.memory_space<vmem>>
          %dma_wait3A_383 = tpu.memref_squeeze %dma_wait3A_382 : memref<1x128xi32, #tpu.memory_space<vmem>> -> memref<128xi32, #tpu.memory_space<vmem>>
          %dma_wait3A_384 = arith.constant 0 : i32
          %dma_wait3A_385 = arith.constant 0 : i32
          %dma_wait3A_386 = tpu.memref_slice %arg11[%dma_wait3A_384, %dma_wait3A_385] : memref<51200x8xf32, #tpu.memory_space<vmem_shared>> -> memref<51200x8xf32, #tpu.memory_space<vmem_shared>>
          tpu.wait_indirect_dma semaphore(%run_scoped3A_366 : memref<!tpu.dma_semaphore, #tpu.memory_space<semaphore_mem>>) src(%dma_wait3A_380 : memref<128x8xf32, #tpu.memory_space<vmem>>) dst(%dma_wait3A_386 : memref<51200x8xf32, #tpu.memory_space<vmem_shared>>)
          tpu.yield
        }) : () -> ()
      } else {
      }
      %mul3A_320 = arith.constant 4 : i32
      %mul3A_321 = arith.muli %scan3A_289, %mul3A_320 : i32
      %add3A_322 = arith.constant 2 : i32
      %add3A_323 = arith.addi %mul3A_321, %add3A_322 : i32
      %add3A_324 = arith.constant 3 : i32
      %add3A_325 = arith.addi %add3A_323, %add3A_324 : i32
      %lt3A_326 = arith.constant 391 : i32
      %lt3A_327 = arith.cmpi slt, %add3A_325, %lt3A_326 : i32
      %convert_element_type3A_328 = arith.extui %lt3A_327 : i1 to i32
      %cond3A_329 = arith.constant 0 : i32
      %cond3A_330 = arith.cmpi ne, %convert_element_type3A_328, %cond3A_329 : i32
      scf.if %cond3A_330 {
        %add3A_353 = arith.constant 3 : i32
        %add3A_354 = arith.addi %add3A_323, %add3A_353 : i32
        %add3A_355 = arith.constant 3 : i32
        %add3A_356 = arith.addi %add3A_323, %add3A_355 : i32
        %jit3A = arith.constant 4 : i32
        %eq3A = arith.constant 0 : i32
        %eq3A_357 = arith.cmpi eq, %jit3A, %eq3A : i32
        %jit3A_358 = arith.constant 1 : i32
        %select_n3A = arith.select %eq3A_357, %jit3A_358, %jit3A : i32
        %rem3A = arith.remsi %add3A_356, %select_n3A : i32
        %ne3A = arith.constant 0 : i32
        %ne3A_359 = arith.cmpi ne, %rem3A, %ne3A : i32
        %lt3A_360 = arith.constant 0 : i32
        %lt3A_361 = arith.cmpi slt, %rem3A, %lt3A_360 : i32
        %lt3A_362 = arith.constant 0 : i32
        %lt3A_363 = arith.cmpi slt, %select_n3A, %lt3A_362 : i32
        %ne3A_364 = arith.xori %lt3A_361, %lt3A_363 : i1
        %and3A = arith.andi %ne3A_364, %ne3A_359 : i1
        %add3A_365 = arith.addi %rem3A, %select_n3A : i32
        %select_n3A_366 = arith.select %and3A, %add3A_365, %rem3A : i32
        %mul3A_367 = arith.constant 128 : i32
        %mul3A_368 = arith.muli %add3A_354, %mul3A_367 : i32
        %dma_start3A_369 = arith.constant 0 : i32
        %dma_start3A_370 = arith.constant 0 : i32
        %dma_start3A_371 = tpu.memref_slice %arg9[%select_n3A_366, %dma_start3A_369, %dma_start3A_370] : memref<4x128x8xf32, #tpu.memory_space<vmem>> -> memref<1x128x8xf32, #tpu.memory_space<vmem>>
        %dma_start3A_372 = tpu.memref_squeeze %dma_start3A_371 : memref<1x128x8xf32, #tpu.memory_space<vmem>> -> memref<128x8xf32, #tpu.memory_space<vmem>>
        %dma_start3A_373 = tpu.memref_slice %arg7[%mul3A_368] : memref<50048xi32, #tpu.memory_space<vmem>> -> memref<128xi32, #tpu.memory_space<vmem>>
        %dma_start3A_374 = arith.constant 0 : i32
        %dma_start3A_375 = arith.constant 0 : i32
        %dma_start3A_376 = tpu.memref_slice %arg2[%dma_start3A_374, %dma_start3A_375] : memref<409600x8xf32, #tpu.memory_space<hbm>> -> memref<409600x8xf32, #tpu.memory_space<hbm>>
        %dma_start3A_377 = tpu.memref_slice %arg12[%select_n3A_366] : memref<4x!tpu.dma_semaphore, #tpu.memory_space<semaphore_mem>> -> memref<1x!tpu.dma_semaphore, #tpu.memory_space<semaphore_mem>>
        %dma_start3A_378 = tpu.memref_squeeze %dma_start3A_377 : memref<1x!tpu.dma_semaphore, #tpu.memory_space<semaphore_mem>> -> memref<!tpu.dma_semaphore, #tpu.memory_space<semaphore_mem>>
        tpu.enqueue_indirect_dma source(%dma_start3A_376 : memref<409600x8xf32, #tpu.memory_space<hbm>>) target(%dma_start3A_372 : memref<128x8xf32, #tpu.memory_space<vmem>>) offsets(%dma_start3A_373 : memref<128xi32, #tpu.memory_space<vmem>>) semaphore(%dma_start3A_378 : memref<!tpu.dma_semaphore, #tpu.memory_space<semaphore_mem>>)
      } else {
      }
      %lt3A_331 = arith.constant 391 : i32
      %lt3A_332 = arith.cmpi slt, %add3A_323, %lt3A_331 : i32
      %convert_element_type3A_333 = arith.extui %lt3A_332 : i1 to i32
      %cond3A_334 = arith.constant 0 : i32
      %cond3A_335 = arith.cmpi ne, %convert_element_type3A_333, %cond3A_334 : i32
      scf.if %cond3A_335 {
        %mul3A_353 = arith.constant 128 : i32
        %mul3A_354 = arith.muli %add3A_323, %mul3A_353 : i32
        %dma_wait3A = arith.constant 2 : i32
        %dma_wait3A_355 = arith.constant 2 : i32
        %dma_wait3A_356 = arith.constant 0 : i32
        %dma_wait3A_357 = arith.constant 0 : i32
        %dma_wait3A_358 = tpu.memref_slice %arg9[%dma_wait3A, %dma_wait3A_356, %dma_wait3A_357] : memref<4x128x8xf32, #tpu.memory_space<vmem>> -> memref<1x128x8xf32, #tpu.memory_space<vmem>>
        %dma_wait3A_359 = tpu.memref_squeeze %dma_wait3A_358 : memref<1x128x8xf32, #tpu.memory_space<vmem>> -> memref<128x8xf32, #tpu.memory_space<vmem>>
        %dma_wait3A_360 = tpu.memref_slice %arg7[%mul3A_354] : memref<50048xi32, #tpu.memory_space<vmem>> -> memref<128xi32, #tpu.memory_space<vmem>>
        %dma_wait3A_361 = arith.constant 0 : i32
        %dma_wait3A_362 = arith.constant 0 : i32
        %dma_wait3A_363 = tpu.memref_slice %arg2[%dma_wait3A_361, %dma_wait3A_362] : memref<409600x8xf32, #tpu.memory_space<hbm>> -> memref<409600x8xf32, #tpu.memory_space<hbm>>
        %dma_wait3A_364 = tpu.memref_slice %arg12[%dma_wait3A_355] : memref<4x!tpu.dma_semaphore, #tpu.memory_space<semaphore_mem>> -> memref<1x!tpu.dma_semaphore, #tpu.memory_space<semaphore_mem>>
        %dma_wait3A_365 = tpu.memref_squeeze %dma_wait3A_364 : memref<1x!tpu.dma_semaphore, #tpu.memory_space<semaphore_mem>> -> memref<!tpu.dma_semaphore, #tpu.memory_space<semaphore_mem>>
        tpu.wait_indirect_dma semaphore(%dma_wait3A_365 : memref<!tpu.dma_semaphore, #tpu.memory_space<semaphore_mem>>) src(%dma_wait3A_363 : memref<409600x8xf32, #tpu.memory_space<hbm>>) dst(%dma_wait3A_359 : memref<128x8xf32, #tpu.memory_space<vmem>>)
        %run_scoped3A = arith.constant 2 : i32
        "tpu.region"() ({
          %run_scoped3A_366 = tpu.sem_alloc : memref<!tpu.dma_semaphore, #tpu.memory_space<semaphore_mem>>
          %dma_start3A_367 = arith.constant 0 : i32
          %dma_start3A_368 = arith.constant 0 : i32
          %dma_start3A_369 = tpu.memref_slice %arg9[%run_scoped3A, %dma_start3A_367, %dma_start3A_368] : memref<4x128x8xf32, #tpu.memory_space<vmem>> -> memref<1x128x8xf32, #tpu.memory_space<vmem>>
          %dma_start3A_370 = tpu.memref_squeeze %dma_start3A_369 : memref<1x128x8xf32, #tpu.memory_space<vmem>> -> memref<128x8xf32, #tpu.memory_space<vmem>>
          %dma_start3A_371 = arith.constant 0 : i32
          %dma_start3A_372 = tpu.memref_slice %arg8[%add3A_323, %dma_start3A_371] : memref<391x128xi32, #tpu.memory_space<vmem>> -> memref<1x128xi32, #tpu.memory_space<vmem>>
          %dma_start3A_373 = tpu.memref_squeeze %dma_start3A_372 : memref<1x128xi32, #tpu.memory_space<vmem>> -> memref<128xi32, #tpu.memory_space<vmem>>
          %dma_start3A_374 = arith.constant 0 : i32
          %dma_start3A_375 = arith.constant 0 : i32
          %dma_start3A_376 = tpu.memref_slice %arg11[%dma_start3A_374, %dma_start3A_375] : memref<51200x8xf32, #tpu.memory_space<vmem_shared>> -> memref<51200x8xf32, #tpu.memory_space<vmem_shared>>
          tpu.enqueue_indirect_dma source(%dma_start3A_370 : memref<128x8xf32, #tpu.memory_space<vmem>>) target(%dma_start3A_376 : memref<51200x8xf32, #tpu.memory_space<vmem_shared>>) offsets(%dma_start3A_373 : memref<128xi32, #tpu.memory_space<vmem>>) semaphore(%run_scoped3A_366 : memref<!tpu.dma_semaphore, #tpu.memory_space<semaphore_mem>>) {add = true}
          %dma_wait3A_377 = arith.constant 0 : i32
          %dma_wait3A_378 = arith.constant 0 : i32
          %dma_wait3A_379 = tpu.memref_slice %arg9[%run_scoped3A, %dma_wait3A_377, %dma_wait3A_378] : memref<4x128x8xf32, #tpu.memory_space<vmem>> -> memref<1x128x8xf32, #tpu.memory_space<vmem>>
          %dma_wait3A_380 = tpu.memref_squeeze %dma_wait3A_379 : memref<1x128x8xf32, #tpu.memory_space<vmem>> -> memref<128x8xf32, #tpu.memory_space<vmem>>
          %dma_wait3A_381 = arith.constant 0 : i32
          %dma_wait3A_382 = tpu.memref_slice %arg8[%add3A_323, %dma_wait3A_381] : memref<391x128xi32, #tpu.memory_space<vmem>> -> memref<1x128xi32, #tpu.memory_space<vmem>>
          %dma_wait3A_383 = tpu.memref_squeeze %dma_wait3A_382 : memref<1x128xi32, #tpu.memory_space<vmem>> -> memref<128xi32, #tpu.memory_space<vmem>>
          %dma_wait3A_384 = arith.constant 0 : i32
          %dma_wait3A_385 = arith.constant 0 : i32
          %dma_wait3A_386 = tpu.memref_slice %arg11[%dma_wait3A_384, %dma_wait3A_385] : memref<51200x8xf32, #tpu.memory_space<vmem_shared>> -> memref<51200x8xf32, #tpu.memory_space<vmem_shared>>
          tpu.wait_indirect_dma semaphore(%run_scoped3A_366 : memref<!tpu.dma_semaphore, #tpu.memory_space<semaphore_mem>>) src(%dma_wait3A_380 : memref<128x8xf32, #tpu.memory_space<vmem>>) dst(%dma_wait3A_386 : memref<51200x8xf32, #tpu.memory_space<vmem_shared>>)
          tpu.yield
        }) : () -> ()
      } else {
      }
      %mul3A_336 = arith.constant 4 : i32
      %mul3A_337 = arith.muli %scan3A_289, %mul3A_336 : i32
      %add3A_338 = arith.constant 3 : i32
      %add3A_339 = arith.addi %mul3A_337, %add3A_338 : i32
      %add3A_340 = arith.constant 3 : i32
      %add3A_341 = arith.addi %add3A_339, %add3A_340 : i32
      %lt3A_342 = arith.constant 391 : i32
      %lt3A_343 = arith.cmpi slt, %add3A_341, %lt3A_342 : i32
      %convert_element_type3A_344 = arith.extui %lt3A_343 : i1 to i32
      %cond3A_345 = arith.constant 0 : i32
      %cond3A_346 = arith.cmpi ne, %convert_element_type3A_344, %cond3A_345 : i32
      scf.if %cond3A_346 {
        %add3A_353 = arith.constant 3 : i32
        %add3A_354 = arith.addi %add3A_339, %add3A_353 : i32
        %add3A_355 = arith.constant 3 : i32
        %add3A_356 = arith.addi %add3A_339, %add3A_355 : i32
        %jit3A = arith.constant 4 : i32
        %eq3A = arith.constant 0 : i32
        %eq3A_357 = arith.cmpi eq, %jit3A, %eq3A : i32
        %jit3A_358 = arith.constant 1 : i32
        %select_n3A = arith.select %eq3A_357, %jit3A_358, %jit3A : i32
        %rem3A = arith.remsi %add3A_356, %select_n3A : i32
        %ne3A = arith.constant 0 : i32
        %ne3A_359 = arith.cmpi ne, %rem3A, %ne3A : i32
        %lt3A_360 = arith.constant 0 : i32
        %lt3A_361 = arith.cmpi slt, %rem3A, %lt3A_360 : i32
        %lt3A_362 = arith.constant 0 : i32
        %lt3A_363 = arith.cmpi slt, %select_n3A, %lt3A_362 : i32
        %ne3A_364 = arith.xori %lt3A_361, %lt3A_363 : i1
        %and3A = arith.andi %ne3A_364, %ne3A_359 : i1
        %add3A_365 = arith.addi %rem3A, %select_n3A : i32
        %select_n3A_366 = arith.select %and3A, %add3A_365, %rem3A : i32
        %mul3A_367 = arith.constant 128 : i32
        %mul3A_368 = arith.muli %add3A_354, %mul3A_367 : i32
        %dma_start3A_369 = arith.constant 0 : i32
        %dma_start3A_370 = arith.constant 0 : i32
        %dma_start3A_371 = tpu.memref_slice %arg9[%select_n3A_366, %dma_start3A_369, %dma_start3A_370] : memref<4x128x8xf32, #tpu.memory_space<vmem>> -> memref<1x128x8xf32, #tpu.memory_space<vmem>>
        %dma_start3A_372 = tpu.memref_squeeze %dma_start3A_371 : memref<1x128x8xf32, #tpu.memory_space<vmem>> -> memref<128x8xf32, #tpu.memory_space<vmem>>
        %dma_start3A_373 = tpu.memref_slice %arg7[%mul3A_368] : memref<50048xi32, #tpu.memory_space<vmem>> -> memref<128xi32, #tpu.memory_space<vmem>>
        %dma_start3A_374 = arith.constant 0 : i32
        %dma_start3A_375 = arith.constant 0 : i32
        %dma_start3A_376 = tpu.memref_slice %arg2[%dma_start3A_374, %dma_start3A_375] : memref<409600x8xf32, #tpu.memory_space<hbm>> -> memref<409600x8xf32, #tpu.memory_space<hbm>>
        %dma_start3A_377 = tpu.memref_slice %arg12[%select_n3A_366] : memref<4x!tpu.dma_semaphore, #tpu.memory_space<semaphore_mem>> -> memref<1x!tpu.dma_semaphore, #tpu.memory_space<semaphore_mem>>
        %dma_start3A_378 = tpu.memref_squeeze %dma_start3A_377 : memref<1x!tpu.dma_semaphore, #tpu.memory_space<semaphore_mem>> -> memref<!tpu.dma_semaphore, #tpu.memory_space<semaphore_mem>>
        tpu.enqueue_indirect_dma source(%dma_start3A_376 : memref<409600x8xf32, #tpu.memory_space<hbm>>) target(%dma_start3A_372 : memref<128x8xf32, #tpu.memory_space<vmem>>) offsets(%dma_start3A_373 : memref<128xi32, #tpu.memory_space<vmem>>) semaphore(%dma_start3A_378 : memref<!tpu.dma_semaphore, #tpu.memory_space<semaphore_mem>>)
      } else {
      }
      %lt3A_347 = arith.constant 391 : i32
      %lt3A_348 = arith.cmpi slt, %add3A_339, %lt3A_347 : i32
      %convert_element_type3A_349 = arith.extui %lt3A_348 : i1 to i32
      %cond3A_350 = arith.constant 0 : i32
      %cond3A_351 = arith.cmpi ne, %convert_element_type3A_349, %cond3A_350 : i32
      scf.if %cond3A_351 {
        %mul3A_353 = arith.constant 128 : i32
        %mul3A_354 = arith.muli %add3A_339, %mul3A_353 : i32
        %dma_wait3A = arith.constant 3 : i32
        %dma_wait3A_355 = arith.constant 3 : i32
        %dma_wait3A_356 = arith.constant 0 : i32
        %dma_wait3A_357 = arith.constant 0 : i32
        %dma_wait3A_358 = tpu.memref_slice %arg9[%dma_wait3A, %dma_wait3A_356, %dma_wait3A_357] : memref<4x128x8xf32, #tpu.memory_space<vmem>> -> memref<1x128x8xf32, #tpu.memory_space<vmem>>
        %dma_wait3A_359 = tpu.memref_squeeze %dma_wait3A_358 : memref<1x128x8xf32, #tpu.memory_space<vmem>> -> memref<128x8xf32, #tpu.memory_space<vmem>>
        %dma_wait3A_360 = tpu.memref_slice %arg7[%mul3A_354] : memref<50048xi32, #tpu.memory_space<vmem>> -> memref<128xi32, #tpu.memory_space<vmem>>
        %dma_wait3A_361 = arith.constant 0 : i32
        %dma_wait3A_362 = arith.constant 0 : i32
        %dma_wait3A_363 = tpu.memref_slice %arg2[%dma_wait3A_361, %dma_wait3A_362] : memref<409600x8xf32, #tpu.memory_space<hbm>> -> memref<409600x8xf32, #tpu.memory_space<hbm>>
        %dma_wait3A_364 = tpu.memref_slice %arg12[%dma_wait3A_355] : memref<4x!tpu.dma_semaphore, #tpu.memory_space<semaphore_mem>> -> memref<1x!tpu.dma_semaphore, #tpu.memory_space<semaphore_mem>>
        %dma_wait3A_365 = tpu.memref_squeeze %dma_wait3A_364 : memref<1x!tpu.dma_semaphore, #tpu.memory_space<semaphore_mem>> -> memref<!tpu.dma_semaphore, #tpu.memory_space<semaphore_mem>>
        tpu.wait_indirect_dma semaphore(%dma_wait3A_365 : memref<!tpu.dma_semaphore, #tpu.memory_space<semaphore_mem>>) src(%dma_wait3A_363 : memref<409600x8xf32, #tpu.memory_space<hbm>>) dst(%dma_wait3A_359 : memref<128x8xf32, #tpu.memory_space<vmem>>)
        %run_scoped3A = arith.constant 3 : i32
        "tpu.region"() ({
          %run_scoped3A_366 = tpu.sem_alloc : memref<!tpu.dma_semaphore, #tpu.memory_space<semaphore_mem>>
          %dma_start3A_367 = arith.constant 0 : i32
          %dma_start3A_368 = arith.constant 0 : i32
          %dma_start3A_369 = tpu.memref_slice %arg9[%run_scoped3A, %dma_start3A_367, %dma_start3A_368] : memref<4x128x8xf32, #tpu.memory_space<vmem>> -> memref<1x128x8xf32, #tpu.memory_space<vmem>>
          %dma_start3A_370 = tpu.memref_squeeze %dma_start3A_369 : memref<1x128x8xf32, #tpu.memory_space<vmem>> -> memref<128x8xf32, #tpu.memory_space<vmem>>
          %dma_start3A_371 = arith.constant 0 : i32
          %dma_start3A_372 = tpu.memref_slice %arg8[%add3A_339, %dma_start3A_371] : memref<391x128xi32, #tpu.memory_space<vmem>> -> memref<1x128xi32, #tpu.memory_space<vmem>>
          %dma_start3A_373 = tpu.memref_squeeze %dma_start3A_372 : memref<1x128xi32, #tpu.memory_space<vmem>> -> memref<128xi32, #tpu.memory_space<vmem>>
          %dma_start3A_374 = arith.constant 0 : i32
          %dma_start3A_375 = arith.constant 0 : i32
          %dma_start3A_376 = tpu.memref_slice %arg11[%dma_start3A_374, %dma_start3A_375] : memref<51200x8xf32, #tpu.memory_space<vmem_shared>> -> memref<51200x8xf32, #tpu.memory_space<vmem_shared>>
          tpu.enqueue_indirect_dma source(%dma_start3A_370 : memref<128x8xf32, #tpu.memory_space<vmem>>) target(%dma_start3A_376 : memref<51200x8xf32, #tpu.memory_space<vmem_shared>>) offsets(%dma_start3A_373 : memref<128xi32, #tpu.memory_space<vmem>>) semaphore(%run_scoped3A_366 : memref<!tpu.dma_semaphore, #tpu.memory_space<semaphore_mem>>) {add = true}
          %dma_wait3A_377 = arith.constant 0 : i32
          %dma_wait3A_378 = arith.constant 0 : i32
          %dma_wait3A_379 = tpu.memref_slice %arg9[%run_scoped3A, %dma_wait3A_377, %dma_wait3A_378] : memref<4x128x8xf32, #tpu.memory_space<vmem>> -> memref<1x128x8xf32, #tpu.memory_space<vmem>>
          %dma_wait3A_380 = tpu.memref_squeeze %dma_wait3A_379 : memref<1x128x8xf32, #tpu.memory_space<vmem>> -> memref<128x8xf32, #tpu.memory_space<vmem>>
          %dma_wait3A_381 = arith.constant 0 : i32
          %dma_wait3A_382 = tpu.memref_slice %arg8[%add3A_339, %dma_wait3A_381] : memref<391x128xi32, #tpu.memory_space<vmem>> -> memref<1x128xi32, #tpu.memory_space<vmem>>
          %dma_wait3A_383 = tpu.memref_squeeze %dma_wait3A_382 : memref<1x128xi32, #tpu.memory_space<vmem>> -> memref<128xi32, #tpu.memory_space<vmem>>
          %dma_wait3A_384 = arith.constant 0 : i32
          %dma_wait3A_385 = arith.constant 0 : i32
          %dma_wait3A_386 = tpu.memref_slice %arg11[%dma_wait3A_384, %dma_wait3A_385] : memref<51200x8xf32, #tpu.memory_space<vmem_shared>> -> memref<51200x8xf32, #tpu.memory_space<vmem_shared>>
          tpu.wait_indirect_dma semaphore(%run_scoped3A_366 : memref<!tpu.dma_semaphore, #tpu.memory_space<semaphore_mem>>) src(%dma_wait3A_380 : memref<128x8xf32, #tpu.memory_space<vmem>>) dst(%dma_wait3A_386 : memref<51200x8xf32, #tpu.memory_space<vmem_shared>>)
          tpu.yield
        }) : () -> ()
      } else {
      }
      %scan3A_352 = arith.constant 0 : i32
      scf.yield %scan3A_352 : i32
    }
    %scan3A_276 = arith.constant 98 : i32
    %barrier3A_277 = arith.constant 0 : index
    tpu.barrier barrier_id(%barrier3A_277)
    %mul3A_278 = arith.constant 3200 : i32
    %mul3A_279 = arith.muli %arg1, %mul3A_278 : i32
    %mul3A_280 = arith.constant 4 : i32
    %mul3A_281 = arith.muli %arg0, %mul3A_280 : i32
    %add3A_282 = arith.constant 3 : i32
    %add3A_283 = arith.addi %mul3A_281, %add3A_282 : i32
    %mul3A_284 = arith.constant 51200 : i32
    %mul3A_285 = arith.muli %add3A_283, %mul3A_284 : i32
    %mul3A_286 = arith.constant 3200 : i32
    %mul3A_287 = arith.muli %arg1, %mul3A_286 : i32
    %add3A_288 = arith.addi %mul3A_285, %mul3A_287 : i32
    "tpu.region"() ({
      %run_scoped3A = tpu.sem_alloc : memref<!tpu.dma_semaphore, #tpu.memory_space<semaphore_mem>>
      %dma_start3A_289 = arith.constant 0 : i32
      %dma_start3A_290 = tpu.memref_slice %arg6[%add3A_288, %dma_start3A_289] : memref<409600x8xf32, #tpu.memory_space<hbm>> -> memref<3200x8xf32, #tpu.memory_space<hbm>>
      %dma_start3A_291 = arith.constant 0 : i32
      %dma_start3A_292 = tpu.memref_slice %arg11[%mul3A_279, %dma_start3A_291] : memref<51200x8xf32, #tpu.memory_space<vmem_shared>> -> memref<3200x8xf32, #tpu.memory_space<vmem_shared>>
      tpu.enqueue_dma source(%dma_start3A_292 : memref<3200x8xf32, #tpu.memory_space<vmem_shared>>) target(%dma_start3A_290 : memref<3200x8xf32, #tpu.memory_space<hbm>>) target_semaphore(%run_scoped3A : memref<!tpu.dma_semaphore, #tpu.memory_space<semaphore_mem>>)
      %dma_wait3A = arith.constant 0 : i32
      %dma_wait3A_293 = tpu.memref_slice %arg6[%add3A_288, %dma_wait3A] : memref<409600x8xf32, #tpu.memory_space<hbm>> -> memref<3200x8xf32, #tpu.memory_space<hbm>>
      %dma_wait3A_294 = arith.constant 0 : i32
      %dma_wait3A_295 = tpu.memref_slice %arg11[%mul3A_279, %dma_wait3A_294] : memref<51200x8xf32, #tpu.memory_space<vmem_shared>> -> memref<3200x8xf32, #tpu.memory_space<vmem_shared>>
      tpu.wait_dma2 semaphore(%run_scoped3A : memref<!tpu.dma_semaphore, #tpu.memory_space<semaphore_mem>>) src(%dma_wait3A_295 : memref<3200x8xf32, #tpu.memory_space<vmem_shared>>) dst(%dma_wait3A_293 : memref<3200x8xf32, #tpu.memory_space<hbm>>)
      tpu.yield
    }) : () -> ()
    return
  }
}

module attributes {stable_mosaic.version = 14 : i64} {
  func.func @_a_body(%arg0: i32, %arg1: memref<1024x4xf32, #tpu.memory_space<vmem>>, %arg2: memref<32x1024xf32, #tpu.memory_space<vmem>>, %arg3: memref<4x64xf32, #tpu.memory_space<vmem>>, %arg4: memref<1x64xf32, #tpu.memory_space<vmem>>, %arg5: memref<64x64xf32, #tpu.memory_space<vmem>>, %arg6: memref<1024x1xf32, #tpu.memory_space<vmem>>, %arg7: memref<2x1024x32xf32, #tpu.memory_space<vmem>>) attributes {dimension_semantics = [#tpu.dimension_semantics<arbitrary>], iteration_bounds = array<i64: 50>, scalar_prefetch = 0 : i64, scratch_operands = 0 : i64, tpu.core_type = #tpu.core_type<tc>, window_params = [{transform_indices = @transform_0, window_bounds = array<i64: 1024, 4>}, {transform_indices = @transform_1, window_bounds = array<i64: 32, 1024>}, {pipeline_mode = #tpu.pipeline_mode<synchronous>, transform_indices = @transform_2, window_bounds = array<i64: 4, 64>}, {pipeline_mode = #tpu.pipeline_mode<synchronous>, transform_indices = @transform_3, window_bounds = array<i64: 1, 64>}, {pipeline_mode = #tpu.pipeline_mode<synchronous>, transform_indices = @transform_4, window_bounds = array<i64: 64, 64>}, {transform_indices = @transform_5, window_bounds = array<i64: 1024, 1>}, {transform_indices = @transform_6, window_bounds = array<i64: 2, 1024, 32>}]} {
    %get3A = arith.constant 0 : index
    %get3A_0 = arith.constant 0 : index
    %get3A_1 = vector.load %arg1[%get3A, %get3A_0] : memref<1024x4xf32, #tpu.memory_space<vmem>>, vector<1024x4xf32>
    %get3A_2 = arith.constant 0 : index
    %get3A_3 = arith.constant 0 : index
    %get3A_4 = vector.load %arg3[%get3A_2, %get3A_3] : memref<4x64xf32, #tpu.memory_space<vmem>>, vector<4x64xf32>
    %dot_general3A = arith.constant dense<0.000000e+00> : vector<1024x64xf32>
    %dot_general3A_5 = tpu.matmul %get3A_1, %get3A_4, %dot_general3A {dimension_numbers = #tpu.dot_dimension_numbers<[1], [0], [0], [1], [0, 0, 1, 1], [], []>, transpose_lhs_hint = false} : vector<1024x4xf32>, vector<4x64xf32>, vector<1024x64xf32> -> vector<1024x64xf32>
    %get3A_6 = arith.constant 0 : index
    %get3A_7 = arith.constant 0 : index
    %get3A_8 = vector.load %arg4[%get3A_6, %get3A_7] : memref<1x64xf32, #tpu.memory_space<vmem>>, vector<1x64xf32>
    %add3A = vector.broadcast %get3A_8 : vector<1x64xf32> to vector<1024x64xf32>
    %add3A_9 = arith.addf %dot_general3A_5, %add3A : vector<1024x64xf32>
    %get3A_10 = arith.constant 0 : index
    %get3A_11 = arith.constant 0 : index
    %get3A_12 = vector.load %arg2[%get3A_10, %get3A_11] : memref<32x1024xf32, #tpu.memory_space<vmem>>, vector<32x1024xf32>
    %broadcast_in_dim3A = arith.constant 1.000000e+00 : f32
    %broadcast_in_dim3A_13 = vector.broadcast %broadcast_in_dim3A : f32 to vector<32x1xf32>
    %dot_general3A_14 = arith.constant dense<0.000000e+00> : vector<1024x1xf32>
    %dot_general3A_15 = tpu.matmul %get3A_12, %broadcast_in_dim3A_13, %dot_general3A_14 {dimension_numbers = #tpu.dot_dimension_numbers<[0], [0], [1], [1], [0, 1, 1, 1], [], []>, transpose_lhs_hint = false} : vector<32x1024xf32>, vector<32x1xf32>, vector<1024x1xf32> -> vector<1024x1xf32>
    %add3A_16 = arith.constant 1.000000e+00 : f32
    %add3A_17 = vector.broadcast %add3A_16 : f32 to vector<1024x1xf32>
    %add3A_18 = arith.addf %dot_general3A_15, %add3A_17 : vector<1024x1xf32>
    %rsqrt3A = math.rsqrt %add3A_18 : vector<1024x1xf32>
    %swap3A = arith.constant 0 : index
    %swap3A_19 = arith.constant 0 : index
    %swap3A_20 = vector.load %arg6[%swap3A, %swap3A_19] : memref<1024x1xf32, #tpu.memory_space<vmem>>, vector<1024x1xf32>
    tpu.vector_store %arg6[%swap3A, %swap3A_19], %rsqrt3A {strides = array<i32>} : memref<1024x1xf32, #tpu.memory_space<vmem>>, vector<1024x1xf32>,
    %get3A_21 = arith.constant 0 : index
    %get3A_22 = arith.constant 0 : index
    %get3A_23 = vector.load %arg5[%get3A_21, %get3A_22] : memref<64x64xf32, #tpu.memory_space<vmem>>, vector<64x64xf32>
    %dot_general3A_24 = arith.constant dense<0.000000e+00> : vector<1024x64xf32>
    %dot_general3A_25 = tpu.matmul %add3A_9, %get3A_23, %dot_general3A_24 {dimension_numbers = #tpu.dot_dimension_numbers<[1], [0], [0], [1], [0, 0, 1, 1], [], []>, transpose_lhs_hint = false} : vector<1024x64xf32>, vector<64x64xf32>, vector<1024x64xf32> -> vector<1024x64xf32>
    %mul3A = vector.broadcast %rsqrt3A : vector<1024x1xf32> to vector<1024x64xf32>
    %mul3A_26 = arith.mulf %dot_general3A_25, %mul3A : vector<1024x64xf32>
    %mul3A_27 = arith.constant 1024 : i32
    %mul3A_28 = arith.muli %arg0, %mul3A_27 : i32
    %iota3A = tpu.iota {dimensions = array<i32: 0>} : vector<1024x1xi32>
    %add3A_29 = vector.broadcast %mul3A_28 : i32 to vector<1024x1xi32>
    %add3A_30 = arith.addi %add3A_29, %iota3A : vector<1024x1xi32>
    %lt3A = arith.constant 50000 : i32
    %lt3A_31 = vector.broadcast %lt3A : i32 to vector<1024x1xi32>
    %lt3A_32 = arith.cmpi slt, %add3A_30, %lt3A_31 : vector<1024x1xi32>
    %jit3A = arith.constant 0.000000e+00 : f32
    %broadcast_in_dim3A_33 = vector.shape_cast %lt3A_32 : vector<1024x1xi1> to vector<1024x1xi1>
    %broadcast_in_dim3A_34 = vector.broadcast %broadcast_in_dim3A_33 : vector<1024x1xi1> to vector<1024x64xi1>
    %broadcast_in_dim3A_35 = vector.broadcast %jit3A : f32 to vector<1024x64xf32>
    %select_n3A = arith.select %broadcast_in_dim3A_34, %mul3A_26, %broadcast_in_dim3A_35 : vector<1024x64xi1>, vector<1024x64xf32>
    %slice3A = vector.extract_strided_slice %select_n3A {offsets = [0, 0], sizes = [1024, 32], strides = [1, 1]} : vector<1024x64xf32> to vector<1024x32xf32>
    %swap3A_36 = arith.constant 0 : index
    %swap3A_37 = arith.constant 0 : index
    %swap3A_38 = arith.constant 0 : index
    %swap3A_39 = vector.load %arg7[%swap3A_36, %swap3A_37, %swap3A_38] : memref<2x1024x32xf32, #tpu.memory_space<vmem>>, vector<1x1024x32xf32>
    %swap3A_40 = vector.shape_cast %swap3A_39 : vector<1x1024x32xf32> to vector<1024x32xf32>
    %swap3A_41 = vector.shape_cast %slice3A : vector<1024x32xf32> to vector<1x1024x32xf32>
    tpu.vector_store %arg7[%swap3A_36, %swap3A_37, %swap3A_38], %swap3A_41 {strides = array<i32>} : memref<2x1024x32xf32, #tpu.memory_space<vmem>>, vector<1x1024x32xf32>,
    %slice3A_42 = vector.extract_strided_slice %select_n3A {offsets = [0, 32], sizes = [1024, 32], strides = [1, 1]} : vector<1024x64xf32> to vector<1024x32xf32>
    %swap3A_43 = arith.constant 1 : index
    %swap3A_44 = arith.constant 0 : index
    %swap3A_45 = arith.constant 0 : index
    %swap3A_46 = vector.load %arg7[%swap3A_43, %swap3A_44, %swap3A_45] : memref<2x1024x32xf32, #tpu.memory_space<vmem>>, vector<1x1024x32xf32>
    %swap3A_47 = vector.shape_cast %swap3A_46 : vector<1x1024x32xf32> to vector<1024x32xf32>
    %swap3A_48 = vector.shape_cast %slice3A_42 : vector<1024x32xf32> to vector<1x1024x32xf32>
    tpu.vector_store %arg7[%swap3A_43, %swap3A_44, %swap3A_45], %swap3A_48 {strides = array<i32>} : memref<2x1024x32xf32, #tpu.memory_space<vmem>>, vector<1x1024x32xf32>,
    return
  }
  func.func @transform_0(%arg0: i32) -> (i32, i32) {
    %c0_i32 = arith.constant 0 : i32
    %c0_i32_0 = arith.constant 0 : i32
    return %arg0, %c0_i32 : i32, i32
  }
  func.func @transform_1(%arg0: i32) -> (i32, i32) {
    %c0_i32 = arith.constant 0 : i32
    %c0_i32_0 = arith.constant 0 : i32
    return %c0_i32, %arg0 : i32, i32
  }
  func.func @transform_2(%arg0: i32) -> (i32, i32) {
    %c0_i32 = arith.constant 0 : i32
    %c0_i32_0 = arith.constant 0 : i32
    %c0_i32_1 = arith.constant 0 : i32
    return %c0_i32, %c0_i32_0 : i32, i32
  }
  func.func @transform_3(%arg0: i32) -> (i32, i32) {
    %c0_i32 = arith.constant 0 : i32
    %c0_i32_0 = arith.constant 0 : i32
    %c0_i32_1 = arith.constant 0 : i32
    return %c0_i32, %c0_i32_0 : i32, i32
  }
  func.func @transform_4(%arg0: i32) -> (i32, i32) {
    %c0_i32 = arith.constant 0 : i32
    %c0_i32_0 = arith.constant 0 : i32
    %c0_i32_1 = arith.constant 0 : i32
    return %c0_i32, %c0_i32_0 : i32, i32
  }
  func.func @transform_5(%arg0: i32) -> (i32, i32) {
    %c0_i32 = arith.constant 0 : i32
    %c0_i32_0 = arith.constant 0 : i32
    return %arg0, %c0_i32 : i32, i32
  }
  func.func @transform_6(%arg0: i32) -> (i32, i32, i32) {
    %c0_i32 = arith.constant 0 : i32
    %c0_i32_0 = arith.constant 0 : i32
    %c0_i32_1 = arith.constant 0 : i32
    return %c0_i32, %arg0, %c0_i32_0 : i32, i32, i32
  }
}

module attributes {stable_mosaic.version = 14 : i64} {
  func.func @_b_body(%arg0: i32, %arg1: memref<8x1024x8xf32, #tpu.memory_space<vmem>>, %arg2: memref<2x1024x32xf32, #tpu.memory_space<vmem>>, %arg3: memref<1024x1xf32, #tpu.memory_space<vmem>>, %arg4: memref<1x64xf32, #tpu.memory_space<vmem>>, %arg5: memref<64x64xf32, #tpu.memory_space<vmem>>, %arg6: memref<2x1024x32xf32, #tpu.memory_space<vmem>>) attributes {dimension_semantics = [#tpu.dimension_semantics<arbitrary>], iteration_bounds = array<i64: 50>, scalar_prefetch = 0 : i64, scratch_operands = 0 : i64, tpu.core_type = #tpu.core_type<tc>, window_params = [{transform_indices = @transform_0, window_bounds = array<i64: 8, 1024, 8>}, {transform_indices = @transform_1, window_bounds = array<i64: 2, 1024, 32>}, {transform_indices = @transform_2, window_bounds = array<i64: 1024, 1>}, {pipeline_mode = #tpu.pipeline_mode<synchronous>, transform_indices = @transform_3, window_bounds = array<i64: 1, 64>}, {pipeline_mode = #tpu.pipeline_mode<synchronous>, transform_indices = @transform_4, window_bounds = array<i64: 64, 64>}, {transform_indices = @transform_5, window_bounds = array<i64: 2, 1024, 32>}]} {
    %get3A = arith.constant 0 : index
    %get3A_0 = arith.constant 0 : index
    %get3A_1 = arith.constant 0 : index
    %get3A_2 = vector.load %arg1[%get3A, %get3A_0, %get3A_1] : memref<8x1024x8xf32, #tpu.memory_space<vmem>>, vector<1x1024x8xf32>
    %get3A_3 = vector.shape_cast %get3A_2 : vector<1x1024x8xf32> to vector<1024x8xf32>
    %get3A_4 = arith.constant 1 : index
    %get3A_5 = arith.constant 0 : index
    %get3A_6 = arith.constant 0 : index
    %get3A_7 = vector.load %arg1[%get3A_4, %get3A_5, %get3A_6] : memref<8x1024x8xf32, #tpu.memory_space<vmem>>, vector<1x1024x8xf32>
    %get3A_8 = vector.shape_cast %get3A_7 : vector<1x1024x8xf32> to vector<1024x8xf32>
    %get3A_9 = arith.constant 2 : index
    %get3A_10 = arith.constant 0 : index
    %get3A_11 = arith.constant 0 : index
    %get3A_12 = vector.load %arg1[%get3A_9, %get3A_10, %get3A_11] : memref<8x1024x8xf32, #tpu.memory_space<vmem>>, vector<1x1024x8xf32>
    %get3A_13 = vector.shape_cast %get3A_12 : vector<1x1024x8xf32> to vector<1024x8xf32>
    %get3A_14 = arith.constant 3 : index
    %get3A_15 = arith.constant 0 : index
    %get3A_16 = arith.constant 0 : index
    %get3A_17 = vector.load %arg1[%get3A_14, %get3A_15, %get3A_16] : memref<8x1024x8xf32, #tpu.memory_space<vmem>>, vector<1x1024x8xf32>
    %get3A_18 = vector.shape_cast %get3A_17 : vector<1x1024x8xf32> to vector<1024x8xf32>
    %get3A_19 = arith.constant 4 : index
    %get3A_20 = arith.constant 0 : index
    %get3A_21 = arith.constant 0 : index
    %get3A_22 = vector.load %arg1[%get3A_19, %get3A_20, %get3A_21] : memref<8x1024x8xf32, #tpu.memory_space<vmem>>, vector<1x1024x8xf32>
    %get3A_23 = vector.shape_cast %get3A_22 : vector<1x1024x8xf32> to vector<1024x8xf32>
    %get3A_24 = arith.constant 5 : index
    %get3A_25 = arith.constant 0 : index
    %get3A_26 = arith.constant 0 : index
    %get3A_27 = vector.load %arg1[%get3A_24, %get3A_25, %get3A_26] : memref<8x1024x8xf32, #tpu.memory_space<vmem>>, vector<1x1024x8xf32>
    %get3A_28 = vector.shape_cast %get3A_27 : vector<1x1024x8xf32> to vector<1024x8xf32>
    %get3A_29 = arith.constant 6 : index
    %get3A_30 = arith.constant 0 : index
    %get3A_31 = arith.constant 0 : index
    %get3A_32 = vector.load %arg1[%get3A_29, %get3A_30, %get3A_31] : memref<8x1024x8xf32, #tpu.memory_space<vmem>>, vector<1x1024x8xf32>
    %get3A_33 = vector.shape_cast %get3A_32 : vector<1x1024x8xf32> to vector<1024x8xf32>
    %get3A_34 = arith.constant 7 : index
    %get3A_35 = arith.constant 0 : index
    %get3A_36 = arith.constant 0 : index
    %get3A_37 = vector.load %arg1[%get3A_34, %get3A_35, %get3A_36] : memref<8x1024x8xf32, #tpu.memory_space<vmem>>, vector<1x1024x8xf32>
    %get3A_38 = vector.shape_cast %get3A_37 : vector<1x1024x8xf32> to vector<1024x8xf32>
    %concatenate3A = tpu.concatenate %get3A_3, %get3A_8, %get3A_13, %get3A_18, %get3A_23, %get3A_28, %get3A_33, %get3A_38 in 1 : vector<1024x8xf32>, vector<1024x8xf32>, vector<1024x8xf32>, vector<1024x8xf32>, vector<1024x8xf32>, vector<1024x8xf32>, vector<1024x8xf32>, vector<1024x8xf32> -> vector<1024x64xf32>
    %get3A_39 = arith.constant 0 : index
    %get3A_40 = arith.constant 0 : index
    %get3A_41 = arith.constant 0 : index
    %get3A_42 = vector.load %arg2[%get3A_39, %get3A_40, %get3A_41] : memref<2x1024x32xf32, #tpu.memory_space<vmem>>, vector<1x1024x32xf32>
    %get3A_43 = vector.shape_cast %get3A_42 : vector<1x1024x32xf32> to vector<1024x32xf32>
    %get3A_44 = arith.constant 1 : index
    %get3A_45 = arith.constant 0 : index
    %get3A_46 = arith.constant 0 : index
    %get3A_47 = vector.load %arg2[%get3A_44, %get3A_45, %get3A_46] : memref<2x1024x32xf32, #tpu.memory_space<vmem>>, vector<1x1024x32xf32>
    %get3A_48 = vector.shape_cast %get3A_47 : vector<1x1024x32xf32> to vector<1024x32xf32>
    %concatenate3A_49 = tpu.concatenate %get3A_43, %get3A_48 in 1 : vector<1024x32xf32>, vector<1024x32xf32> -> vector<1024x64xf32>
    %get3A_50 = arith.constant 0 : index
    %get3A_51 = arith.constant 0 : index
    %get3A_52 = vector.load %arg3[%get3A_50, %get3A_51] : memref<1024x1xf32, #tpu.memory_space<vmem>>, vector<1024x1xf32>
    %add3A = arith.addf %concatenate3A, %concatenate3A_49 : vector<1024x64xf32>
    %mul3A = vector.broadcast %get3A_52 : vector<1024x1xf32> to vector<1024x64xf32>
    %mul3A_53 = arith.mulf %mul3A, %add3A : vector<1024x64xf32>
    %get3A_54 = arith.constant 0 : index
    %get3A_55 = arith.constant 0 : index
    %get3A_56 = vector.load %arg4[%get3A_54, %get3A_55] : memref<1x64xf32, #tpu.memory_space<vmem>>, vector<1x64xf32>
    %add3A_57 = vector.broadcast %get3A_56 : vector<1x64xf32> to vector<1024x64xf32>
    %add3A_58 = arith.addf %mul3A_53, %add3A_57 : vector<1024x64xf32>
    %max3A = arith.constant 0.000000e+00 : f32
    %max3A_59 = vector.broadcast %max3A : f32 to vector<1024x64xf32>
    %max3A_60 = arith.maximumf %add3A_58, %max3A_59 : vector<1024x64xf32>
    %get3A_61 = arith.constant 0 : index
    %get3A_62 = arith.constant 0 : index
    %get3A_63 = vector.load %arg5[%get3A_61, %get3A_62] : memref<64x64xf32, #tpu.memory_space<vmem>>, vector<64x64xf32>
    %dot_general3A = arith.constant dense<0.000000e+00> : vector<1024x64xf32>
    %dot_general3A_64 = tpu.matmul %max3A_60, %get3A_63, %dot_general3A {dimension_numbers = #tpu.dot_dimension_numbers<[1], [0], [0], [1], [0, 0, 1, 1], [], []>, transpose_lhs_hint = false} : vector<1024x64xf32>, vector<64x64xf32>, vector<1024x64xf32> -> vector<1024x64xf32>
    %mul3A_65 = vector.broadcast %get3A_52 : vector<1024x1xf32> to vector<1024x64xf32>
    %mul3A_66 = arith.mulf %dot_general3A_64, %mul3A_65 : vector<1024x64xf32>
    %mul3A_67 = arith.constant 1024 : i32
    %mul3A_68 = arith.muli %arg0, %mul3A_67 : i32
    %iota3A = tpu.iota {dimensions = array<i32: 0>} : vector<1024x1xi32>
    %add3A_69 = vector.broadcast %mul3A_68 : i32 to vector<1024x1xi32>
    %add3A_70 = arith.addi %add3A_69, %iota3A : vector<1024x1xi32>
    %lt3A = arith.constant 50000 : i32
    %lt3A_71 = vector.broadcast %lt3A : i32 to vector<1024x1xi32>
    %lt3A_72 = arith.cmpi slt, %add3A_70, %lt3A_71 : vector<1024x1xi32>
    %jit3A = arith.constant 0.000000e+00 : f32
    %broadcast_in_dim3A = vector.shape_cast %lt3A_72 : vector<1024x1xi1> to vector<1024x1xi1>
    %broadcast_in_dim3A_73 = vector.broadcast %broadcast_in_dim3A : vector<1024x1xi1> to vector<1024x64xi1>
    %broadcast_in_dim3A_74 = vector.broadcast %jit3A : f32 to vector<1024x64xf32>
    %select_n3A = arith.select %broadcast_in_dim3A_73, %mul3A_66, %broadcast_in_dim3A_74 : vector<1024x64xi1>, vector<1024x64xf32>
    %slice3A = vector.extract_strided_slice %select_n3A {offsets = [0, 0], sizes = [1024, 32], strides = [1, 1]} : vector<1024x64xf32> to vector<1024x32xf32>
    %swap3A = arith.constant 0 : index
    %swap3A_75 = arith.constant 0 : index
    %swap3A_76 = arith.constant 0 : index
    %swap3A_77 = vector.load %arg6[%swap3A, %swap3A_75, %swap3A_76] : memref<2x1024x32xf32, #tpu.memory_space<vmem>>, vector<1x1024x32xf32>
    %swap3A_78 = vector.shape_cast %swap3A_77 : vector<1x1024x32xf32> to vector<1024x32xf32>
    %swap3A_79 = vector.shape_cast %slice3A : vector<1024x32xf32> to vector<1x1024x32xf32>
    tpu.vector_store %arg6[%swap3A, %swap3A_75, %swap3A_76], %swap3A_79 {strides = array<i32>} : memref<2x1024x32xf32, #tpu.memory_space<vmem>>, vector<1x1024x32xf32>,
    %slice3A_80 = vector.extract_strided_slice %select_n3A {offsets = [0, 32], sizes = [1024, 32], strides = [1, 1]} : vector<1024x64xf32> to vector<1024x32xf32>
    %swap3A_81 = arith.constant 1 : index
    %swap3A_82 = arith.constant 0 : index
    %swap3A_83 = arith.constant 0 : index
    %swap3A_84 = vector.load %arg6[%swap3A_81, %swap3A_82, %swap3A_83] : memref<2x1024x32xf32, #tpu.memory_space<vmem>>, vector<1x1024x32xf32>
    %swap3A_85 = vector.shape_cast %swap3A_84 : vector<1x1024x32xf32> to vector<1024x32xf32>
    %swap3A_86 = vector.shape_cast %slice3A_80 : vector<1024x32xf32> to vector<1x1024x32xf32>
    tpu.vector_store %arg6[%swap3A_81, %swap3A_82, %swap3A_83], %swap3A_86 {strides = array<i32>} : memref<2x1024x32xf32, #tpu.memory_space<vmem>>, vector<1x1024x32xf32>,
    return
  }
  func.func @transform_0(%arg0: i32) -> (i32, i32, i32) {
    %c0_i32 = arith.constant 0 : i32
    %c0_i32_0 = arith.constant 0 : i32
    %c0_i32_1 = arith.constant 0 : i32
    return %c0_i32, %arg0, %c0_i32_0 : i32, i32, i32
  }
  func.func @transform_1(%arg0: i32) -> (i32, i32, i32) {
    %c0_i32 = arith.constant 0 : i32
    %c0_i32_0 = arith.constant 0 : i32
    %c0_i32_1 = arith.constant 0 : i32
    return %c0_i32, %arg0, %c0_i32_0 : i32, i32, i32
  }
  func.func @transform_2(%arg0: i32) -> (i32, i32) {
    %c0_i32 = arith.constant 0 : i32
    %c0_i32_0 = arith.constant 0 : i32
    return %arg0, %c0_i32 : i32, i32
  }
  func.func @transform_3(%arg0: i32) -> (i32, i32) {
    %c0_i32 = arith.constant 0 : i32
    %c0_i32_0 = arith.constant 0 : i32
    %c0_i32_1 = arith.constant 0 : i32
    return %c0_i32, %c0_i32_0 : i32, i32
  }
  func.func @transform_4(%arg0: i32) -> (i32, i32) {
    %c0_i32 = arith.constant 0 : i32
    %c0_i32_0 = arith.constant 0 : i32
    %c0_i32_1 = arith.constant 0 : i32
    return %c0_i32, %c0_i32_0 : i32, i32
  }
  func.func @transform_5(%arg0: i32) -> (i32, i32, i32) {
    %c0_i32 = arith.constant 0 : i32
    %c0_i32_0 = arith.constant 0 : i32
    %c0_i32_1 = arith.constant 0 : i32
    return %c0_i32, %arg0, %c0_i32_0 : i32, i32, i32
  }
}

module attributes {stable_mosaic.version = 14 : i64} {
  func.func @_c_body(%arg0: i32, %arg1: memref<8x1024x8xf32, #tpu.memory_space<vmem>>, %arg2: memref<2x1024x32xf32, #tpu.memory_space<vmem>>, %arg3: memref<1024x1xf32, #tpu.memory_space<vmem>>, %arg4: memref<1x64xf32, #tpu.memory_space<vmem>>, %arg5: memref<1x1024x1xi32, #tpu.memory_space<vmem>>, %arg6: memref<64x64xf32, #tpu.memory_space<vmem>>, %arg7: memref<1x64xf32, #tpu.memory_space<vmem>>, %arg8: memref<64x3xf32, #tpu.memory_space<vmem>>, %arg9: memref<1x3xf32, #tpu.memory_space<vmem>>, %arg10: memref<128x3xf32, #tpu.memory_space<vmem>>, %arg11: memref<128x64xf32, #tpu.memory_space<vmem>>, %arg12: memref<128x8xf32, #tpu.memory_space<vmem>>) attributes {dimension_semantics = [#tpu.dimension_semantics<arbitrary>], iteration_bounds = array<i64: 50>, scalar_prefetch = 0 : i64, scratch_operands = 2 : i64, tpu.core_type = #tpu.core_type<tc>, window_params = [{transform_indices = @transform_0, window_bounds = array<i64: 8, 1024, 8>}, {transform_indices = @transform_1, window_bounds = array<i64: 2, 1024, 32>}, {transform_indices = @transform_2, window_bounds = array<i64: 1024, 1>}, {pipeline_mode = #tpu.pipeline_mode<synchronous>, transform_indices = @transform_3, window_bounds = array<i64: 1, 64>}, {transform_indices = @transform_4, window_bounds = array<i64: 1, 1024, 1>}, {pipeline_mode = #tpu.pipeline_mode<synchronous>, transform_indices = @transform_5, window_bounds = array<i64: 64, 64>}, {pipeline_mode = #tpu.pipeline_mode<synchronous>, transform_indices = @transform_6, window_bounds = array<i64: 1, 64>}, {pipeline_mode = #tpu.pipeline_mode<synchronous>, transform_indices = @transform_7, window_bounds = array<i64: 64, 3>}, {pipeline_mode = #tpu.pipeline_mode<synchronous>, transform_indices = @transform_8, window_bounds = array<i64: 1, 3>}, {pipeline_mode = #tpu.pipeline_mode<synchronous>, transform_indices = @transform_9, window_bounds = array<i64: 128, 3>}]} {
    %get3A = arith.constant 0 : index
    %get3A_0 = arith.constant 0 : index
    %get3A_1 = arith.constant 0 : index
    %get3A_2 = vector.load %arg1[%get3A, %get3A_0, %get3A_1] : memref<8x1024x8xf32, #tpu.memory_space<vmem>>, vector<1x1024x8xf32>
    %get3A_3 = vector.shape_cast %get3A_2 : vector<1x1024x8xf32> to vector<1024x8xf32>
    %get3A_4 = arith.constant 1 : index
    %get3A_5 = arith.constant 0 : index
    %get3A_6 = arith.constant 0 : index
    %get3A_7 = vector.load %arg1[%get3A_4, %get3A_5, %get3A_6] : memref<8x1024x8xf32, #tpu.memory_space<vmem>>, vector<1x1024x8xf32>
    %get3A_8 = vector.shape_cast %get3A_7 : vector<1x1024x8xf32> to vector<1024x8xf32>
    %get3A_9 = arith.constant 2 : index
    %get3A_10 = arith.constant 0 : index
    %get3A_11 = arith.constant 0 : index
    %get3A_12 = vector.load %arg1[%get3A_9, %get3A_10, %get3A_11] : memref<8x1024x8xf32, #tpu.memory_space<vmem>>, vector<1x1024x8xf32>
    %get3A_13 = vector.shape_cast %get3A_12 : vector<1x1024x8xf32> to vector<1024x8xf32>
    %get3A_14 = arith.constant 3 : index
    %get3A_15 = arith.constant 0 : index
    %get3A_16 = arith.constant 0 : index
    %get3A_17 = vector.load %arg1[%get3A_14, %get3A_15, %get3A_16] : memref<8x1024x8xf32, #tpu.memory_space<vmem>>, vector<1x1024x8xf32>
    %get3A_18 = vector.shape_cast %get3A_17 : vector<1x1024x8xf32> to vector<1024x8xf32>
    %get3A_19 = arith.constant 4 : index
    %get3A_20 = arith.constant 0 : index
    %get3A_21 = arith.constant 0 : index
    %get3A_22 = vector.load %arg1[%get3A_19, %get3A_20, %get3A_21] : memref<8x1024x8xf32, #tpu.memory_space<vmem>>, vector<1x1024x8xf32>
    %get3A_23 = vector.shape_cast %get3A_22 : vector<1x1024x8xf32> to vector<1024x8xf32>
    %get3A_24 = arith.constant 5 : index
    %get3A_25 = arith.constant 0 : index
    %get3A_26 = arith.constant 0 : index
    %get3A_27 = vector.load %arg1[%get3A_24, %get3A_25, %get3A_26] : memref<8x1024x8xf32, #tpu.memory_space<vmem>>, vector<1x1024x8xf32>
    %get3A_28 = vector.shape_cast %get3A_27 : vector<1x1024x8xf32> to vector<1024x8xf32>
    %get3A_29 = arith.constant 6 : index
    %get3A_30 = arith.constant 0 : index
    %get3A_31 = arith.constant 0 : index
    %get3A_32 = vector.load %arg1[%get3A_29, %get3A_30, %get3A_31] : memref<8x1024x8xf32, #tpu.memory_space<vmem>>, vector<1x1024x8xf32>
    %get3A_33 = vector.shape_cast %get3A_32 : vector<1x1024x8xf32> to vector<1024x8xf32>
    %get3A_34 = arith.constant 7 : index
    %get3A_35 = arith.constant 0 : index
    %get3A_36 = arith.constant 0 : index
    %get3A_37 = vector.load %arg1[%get3A_34, %get3A_35, %get3A_36] : memref<8x1024x8xf32, #tpu.memory_space<vmem>>, vector<1x1024x8xf32>
    %get3A_38 = vector.shape_cast %get3A_37 : vector<1x1024x8xf32> to vector<1024x8xf32>
    %concatenate3A = tpu.concatenate %get3A_3, %get3A_8, %get3A_13, %get3A_18, %get3A_23, %get3A_28, %get3A_33, %get3A_38 in 1 : vector<1024x8xf32>, vector<1024x8xf32>, vector<1024x8xf32>, vector<1024x8xf32>, vector<1024x8xf32>, vector<1024x8xf32>, vector<1024x8xf32>, vector<1024x8xf32> -> vector<1024x64xf32>
    %get3A_39 = arith.constant 0 : index
    %get3A_40 = arith.constant 0 : index
    %get3A_41 = arith.constant 0 : index
    %get3A_42 = vector.load %arg2[%get3A_39, %get3A_40, %get3A_41] : memref<2x1024x32xf32, #tpu.memory_space<vmem>>, vector<1x1024x32xf32>
    %get3A_43 = vector.shape_cast %get3A_42 : vector<1x1024x32xf32> to vector<1024x32xf32>
    %get3A_44 = arith.constant 1 : index
    %get3A_45 = arith.constant 0 : index
    %get3A_46 = arith.constant 0 : index
    %get3A_47 = vector.load %arg2[%get3A_44, %get3A_45, %get3A_46] : memref<2x1024x32xf32, #tpu.memory_space<vmem>>, vector<1x1024x32xf32>
    %get3A_48 = vector.shape_cast %get3A_47 : vector<1x1024x32xf32> to vector<1024x32xf32>
    %concatenate3A_49 = tpu.concatenate %get3A_43, %get3A_48 in 1 : vector<1024x32xf32>, vector<1024x32xf32> -> vector<1024x64xf32>
    %get3A_50 = arith.constant 0 : index
    %get3A_51 = arith.constant 0 : index
    %get3A_52 = vector.load %arg3[%get3A_50, %get3A_51] : memref<1024x1xf32, #tpu.memory_space<vmem>>, vector<1024x1xf32>
    %add3A = arith.addf %concatenate3A, %concatenate3A_49 : vector<1024x64xf32>
    %mul3A = vector.broadcast %get3A_52 : vector<1024x1xf32> to vector<1024x64xf32>
    %mul3A_53 = arith.mulf %mul3A, %add3A : vector<1024x64xf32>
    %get3A_54 = arith.constant 0 : index
    %get3A_55 = arith.constant 0 : index
    %get3A_56 = vector.load %arg4[%get3A_54, %get3A_55] : memref<1x64xf32, #tpu.memory_space<vmem>>, vector<1x64xf32>
    %add3A_57 = vector.broadcast %get3A_56 : vector<1x64xf32> to vector<1024x64xf32>
    %add3A_58 = arith.addf %mul3A_53, %add3A_57 : vector<1024x64xf32>
    %max3A = arith.constant 0.000000e+00 : f32
    %max3A_59 = vector.broadcast %max3A : f32 to vector<1024x64xf32>
    %max3A_60 = arith.maximumf %add3A_58, %max3A_59 : vector<1024x64xf32>
    %mul3A_61 = arith.constant 1024 : i32
    %mul3A_62 = arith.muli %arg0, %mul3A_61 : i32
    %iota3A = tpu.iota {dimensions = array<i32: 0>} : vector<1024x1xi32>
    %add3A_63 = vector.broadcast %mul3A_62 : i32 to vector<1024x1xi32>
    %add3A_64 = arith.addi %add3A_63, %iota3A : vector<1024x1xi32>
    %lt3A = arith.constant 50000 : i32
    %lt3A_65 = vector.broadcast %lt3A : i32 to vector<1024x1xi32>
    %lt3A_66 = arith.cmpi slt, %add3A_64, %lt3A_65 : vector<1024x1xi32>
    %jit3A = arith.constant 0.000000e+00 : f32
    %broadcast_in_dim3A = vector.shape_cast %lt3A_66 : vector<1024x1xi1> to vector<1024x1xi1>
    %broadcast_in_dim3A_67 = vector.broadcast %broadcast_in_dim3A : vector<1024x1xi1> to vector<1024x64xi1>
    %broadcast_in_dim3A_68 = vector.broadcast %jit3A : f32 to vector<1024x64xf32>
    %select_n3A = arith.select %broadcast_in_dim3A_67, %max3A_60, %broadcast_in_dim3A_68 : vector<1024x64xi1>, vector<1024x64xf32>
    %get3A_69 = arith.constant 0 : index
    %get3A_70 = arith.constant 0 : index
    %get3A_71 = arith.constant 0 : index
    %get3A_72 = vector.load %arg5[%get3A_69, %get3A_70, %get3A_71] : memref<1x1024x1xi32, #tpu.memory_space<vmem>>, vector<1x1024x1xi32>
    %get3A_73 = vector.shape_cast %get3A_72 : vector<1x1024x1xi32> to vector<1024x1xi32>
    %iota3A_74 = tpu.iota {dimensions = array<i32: 1>} : vector<1024x128xi32>
    %eq3A = vector.broadcast %get3A_73 : vector<1024x1xi32> to vector<1024x128xi32>
    %eq3A_75 = arith.cmpi eq, %eq3A, %iota3A_74 : vector<1024x128xi32>
    %and3A = vector.broadcast %lt3A_66 : vector<1024x1xi1> to vector<1024x128xi1>
    %and3A_76 = arith.andi %eq3A_75, %and3A : vector<1024x128xi1>
    %jit3A_77 = arith.constant 1.000000e+00 : f32
    %jit3A_78 = arith.constant 0.000000e+00 : f32
    %broadcast_in_dim3A_79 = vector.broadcast %jit3A_77 : f32 to vector<1024x128xf32>
    %broadcast_in_dim3A_80 = vector.broadcast %jit3A_78 : f32 to vector<1024x128xf32>
    %select_n3A_81 = arith.select %and3A_76, %broadcast_in_dim3A_79, %broadcast_in_dim3A_80 : vector<1024x128xi1>, vector<1024x128xf32>
    %eq3A_82 = arith.constant 0 : i32
    %eq3A_83 = arith.cmpi eq, %arg0, %eq3A_82 : i32
    %convert_element_type3A = arith.extui %eq3A_83 : i1 to i32
    %cond3A = arith.constant 0 : i32
    %cond3A_84 = arith.cmpi ne, %convert_element_type3A, %cond3A : i32
    scf.if %cond3A_84 {
      %broadcast_in_dim3A_139 = arith.constant 0.000000e+00 : f32
      %broadcast_in_dim3A_140 = vector.broadcast %broadcast_in_dim3A_139 : f32 to vector<128x64xf32>
      %swap3A_141 = arith.constant 0 : index
      %swap3A_142 = arith.constant 0 : index
      %swap3A_143 = vector.load %arg11[%swap3A_141, %swap3A_142] : memref<128x64xf32, #tpu.memory_space<vmem>>, vector<128x64xf32>
      tpu.vector_store %arg11[%swap3A_141, %swap3A_142], %broadcast_in_dim3A_140 {strides = array<i32>} : memref<128x64xf32, #tpu.memory_space<vmem>>, vector<128x64xf32>,
      %broadcast_in_dim3A_144 = arith.constant 0.000000e+00 : f32
      %broadcast_in_dim3A_145 = vector.broadcast %broadcast_in_dim3A_144 : f32 to vector<128x8xf32>
      %swap3A_146 = arith.constant 0 : index
      %swap3A_147 = arith.constant 0 : index
      %swap3A_148 = vector.load %arg12[%swap3A_146, %swap3A_147] : memref<128x8xf32, #tpu.memory_space<vmem>>, vector<128x8xf32>
      tpu.vector_store %arg12[%swap3A_146, %swap3A_147], %broadcast_in_dim3A_145 {strides = array<i32>} : memref<128x8xf32, #tpu.memory_space<vmem>>, vector<128x8xf32>,
    } else {
    }
    %get3A_85 = arith.constant 0 : index
    %get3A_86 = arith.constant 0 : index
    %get3A_87 = vector.load %arg11[%get3A_85, %get3A_86] : memref<128x64xf32, #tpu.memory_space<vmem>>, vector<128x64xf32>
    %dot_general3A = arith.constant dense<0.000000e+00> : vector<128x64xf32>
    %dot_general3A_88 = tpu.matmul %select_n3A_81, %select_n3A, %dot_general3A {dimension_numbers = #tpu.dot_dimension_numbers<[0], [0], [1], [1], [0, 1, 1, 1], [], []>, transpose_lhs_hint = false} : vector<1024x128xf32>, vector<1024x64xf32>, vector<128x64xf32> -> vector<128x64xf32>
    %add3A_89 = arith.addf %get3A_87, %dot_general3A_88 : vector<128x64xf32>
    %swap3A = arith.constant 0 : index
    %swap3A_90 = arith.constant 0 : index
    %swap3A_91 = vector.load %arg11[%swap3A, %swap3A_90] : memref<128x64xf32, #tpu.memory_space<vmem>>, vector<128x64xf32>
    tpu.vector_store %arg11[%swap3A, %swap3A_90], %add3A_89 {strides = array<i32>} : memref<128x64xf32, #tpu.memory_space<vmem>>, vector<128x64xf32>,
    %get3A_92 = arith.constant 0 : index
    %get3A_93 = arith.constant 0 : index
    %get3A_94 = vector.load %arg12[%get3A_92, %get3A_93] : memref<128x8xf32, #tpu.memory_space<vmem>>, vector<128x8xf32>
    %broadcast_in_dim3A_95 = arith.constant 1.000000e+00 : f32
    %broadcast_in_dim3A_96 = vector.broadcast %broadcast_in_dim3A_95 : f32 to vector<1024x8xf32>
    %dot_general3A_97 = arith.constant dense<0.000000e+00> : vector<128x8xf32>
    %dot_general3A_98 = tpu.matmul %select_n3A_81, %broadcast_in_dim3A_96, %dot_general3A_97 {dimension_numbers = #tpu.dot_dimension_numbers<[0], [0], [1], [1], [0, 1, 1, 1], [], []>, transpose_lhs_hint = false} : vector<1024x128xf32>, vector<1024x8xf32>, vector<128x8xf32> -> vector<128x8xf32>
    %add3A_99 = arith.addf %get3A_94, %dot_general3A_98 : vector<128x8xf32>
    %swap3A_100 = arith.constant 0 : index
    %swap3A_101 = arith.constant 0 : index
    %swap3A_102 = vector.load %arg12[%swap3A_100, %swap3A_101] : memref<128x8xf32, #tpu.memory_space<vmem>>, vector<128x8xf32>
    tpu.vector_store %arg12[%swap3A_100, %swap3A_101], %add3A_99 {strides = array<i32>} : memref<128x8xf32, #tpu.memory_space<vmem>>, vector<128x8xf32>,
    %get3A_103 = arith.constant 0 : index
    %get3A_104 = arith.constant 0 : index
    %get3A_105 = vector.load %arg11[%get3A_103, %get3A_104] : memref<128x64xf32, #tpu.memory_space<vmem>>, vector<128x64xf32>
    %get3A_106 = arith.constant 0 : index
    %get3A_107 = arith.constant 0 : index
    %get3A_108 = vector.load %arg12[%get3A_106, %get3A_107] : memref<128x8xf32, #tpu.memory_space<vmem>>, vector<128x8xf32>
    %slice3A = vector.extract_strided_slice %get3A_108 {offsets = [0, 0], sizes = [128, 1], strides = [1, 1]} : vector<128x8xf32> to vector<128x1xf32>
    %max3A_109 = arith.constant 1.000000e+00 : f32
    %max3A_110 = vector.broadcast %max3A_109 : f32 to vector<128x1xf32>
    %max3A_111 = arith.maximumf %slice3A, %max3A_110 : vector<128x1xf32>
    %div3A = vector.broadcast %max3A_111 : vector<128x1xf32> to vector<128x64xf32>
    %div3A_112 = arith.divf %get3A_105, %div3A : vector<128x64xf32>
    %get3A_113 = arith.constant 0 : index
    %get3A_114 = arith.constant 0 : index
    %get3A_115 = vector.load %arg6[%get3A_113, %get3A_114] : memref<64x64xf32, #tpu.memory_space<vmem>>, vector<64x64xf32>
    %dot_general3A_116 = arith.constant dense<0.000000e+00> : vector<128x64xf32>
    %dot_general3A_117 = tpu.matmul %div3A_112, %get3A_115, %dot_general3A_116 {dimension_numbers = #tpu.dot_dimension_numbers<[1], [0], [0], [1], [0, 0, 1, 1], [], []>, transpose_lhs_hint = false} : vector<128x64xf32>, vector<64x64xf32>, vector<128x64xf32> -> vector<128x64xf32>
    %get3A_118 = arith.constant 0 : index
    %get3A_119 = arith.constant 0 : index
    %get3A_120 = vector.load %arg7[%get3A_118, %get3A_119] : memref<1x64xf32, #tpu.memory_space<vmem>>, vector<1x64xf32>
    %add3A_121 = vector.broadcast %get3A_120 : vector<1x64xf32> to vector<128x64xf32>
    %add3A_122 = arith.addf %dot_general3A_117, %add3A_121 : vector<128x64xf32>
    %max3A_123 = arith.constant 0.000000e+00 : f32
    %max3A_124 = vector.broadcast %max3A_123 : f32 to vector<128x64xf32>
    %max3A_125 = arith.maximumf %add3A_122, %max3A_124 : vector<128x64xf32>
    %get3A_126 = arith.constant 0 : index
    %get3A_127 = arith.constant 0 : index
    %get3A_128 = vector.load %arg8[%get3A_126, %get3A_127] : memref<64x3xf32, #tpu.memory_space<vmem>>, vector<64x3xf32>
    %dot_general3A_129 = arith.constant dense<0.000000e+00> : vector<128x3xf32>
    %dot_general3A_130 = tpu.matmul %max3A_125, %get3A_128, %dot_general3A_129 {dimension_numbers = #tpu.dot_dimension_numbers<[1], [0], [0], [1], [0, 0, 1, 1], [], []>, transpose_lhs_hint = false} : vector<128x64xf32>, vector<64x3xf32>, vector<128x3xf32> -> vector<128x3xf32>
    %get3A_131 = arith.constant 0 : index
    %get3A_132 = arith.constant 0 : index
    %get3A_133 = vector.load %arg9[%get3A_131, %get3A_132] : memref<1x3xf32, #tpu.memory_space<vmem>>, vector<1x3xf32>
    %add3A_134 = vector.broadcast %get3A_133 : vector<1x3xf32> to vector<128x3xf32>
    %add3A_135 = arith.addf %dot_general3A_130, %add3A_134 : vector<128x3xf32>
    %swap3A_136 = arith.constant 0 : index
    %swap3A_137 = arith.constant 0 : index
    %swap3A_138 = vector.load %arg10[%swap3A_136, %swap3A_137] : memref<128x3xf32, #tpu.memory_space<vmem>>, vector<128x3xf32>
    tpu.vector_store %arg10[%swap3A_136, %swap3A_137], %add3A_135 {strides = array<i32>} : memref<128x3xf32, #tpu.memory_space<vmem>>, vector<128x3xf32>,
    return
  }
  func.func @transform_0(%arg0: i32) -> (i32, i32, i32) {
    %c0_i32 = arith.constant 0 : i32
    %c0_i32_0 = arith.constant 0 : i32
    %c0_i32_1 = arith.constant 0 : i32
    return %c0_i32, %arg0, %c0_i32_0 : i32, i32, i32
  }
  func.func @transform_1(%arg0: i32) -> (i32, i32, i32) {
    %c0_i32 = arith.constant 0 : i32
    %c0_i32_0 = arith.constant 0 : i32
    %c0_i32_1 = arith.constant 0 : i32
    return %c0_i32, %arg0, %c0_i32_0 : i32, i32, i32
  }
  func.func @transform_2(%arg0: i32) -> (i32, i32) {
    %c0_i32 = arith.constant 0 : i32
    %c0_i32_0 = arith.constant 0 : i32
    return %arg0, %c0_i32 : i32, i32
  }
  func.func @transform_3(%arg0: i32) -> (i32, i32) {
    %c0_i32 = arith.constant 0 : i32
    %c0_i32_0 = arith.constant 0 : i32
    %c0_i32_1 = arith.constant 0 : i32
    return %c0_i32, %c0_i32_0 : i32, i32
  }
  func.func @transform_4(%arg0: i32) -> (i32, i32, i32) {
    %c0_i32 = arith.constant 0 : i32
    %c0_i32_0 = arith.constant 0 : i32
    %c0_i32_1 = arith.constant 0 : i32
    return %arg0, %c0_i32, %c0_i32_0 : i32, i32, i32
  }
  func.func @transform_5(%arg0: i32) -> (i32, i32) {
    %c0_i32 = arith.constant 0 : i32
    %c0_i32_0 = arith.constant 0 : i32
    %c0_i32_1 = arith.constant 0 : i32
    return %c0_i32, %c0_i32_0 : i32, i32
  }
  func.func @transform_6(%arg0: i32) -> (i32, i32) {
    %c0_i32 = arith.constant 0 : i32
    %c0_i32_0 = arith.constant 0 : i32
    %c0_i32_1 = arith.constant 0 : i32
    return %c0_i32, %c0_i32_0 : i32, i32
  }
  func.func @transform_7(%arg0: i32) -> (i32, i32) {
    %c0_i32 = arith.constant 0 : i32
    %c0_i32_0 = arith.constant 0 : i32
    %c0_i32_1 = arith.constant 0 : i32
    return %c0_i32, %c0_i32_0 : i32, i32
  }
  func.func @transform_8(%arg0: i32) -> (i32, i32) {
    %c0_i32 = arith.constant 0 : i32
    %c0_i32_0 = arith.constant 0 : i32
    %c0_i32_1 = arith.constant 0 : i32
    return %c0_i32, %c0_i32_0 : i32, i32
  }
  func.func @transform_9(%arg0: i32) -> (i32, i32) {
    %c0_i32 = arith.constant 0 : i32
    %c0_i32_0 = arith.constant 0 : i32
    %c0_i32_1 = arith.constant 0 : i32
    return %c0_i32, %c0_i32_0 : i32, i32
  }
}

</mosaic_0001>

<sc_bundles>
// kernel: body.10.cloned.1.call-start
scs
__scs_entry_jumppad:
0x0: {  	(pc) =	sbr.rel $0x88, $3  }
0x1: {  	(tag) =	ssettag $0x0;
	lr =	simm.s32 $0x1  }
0x2: {  	[smem:$0x3F96] =	sst lr;
	_ =	strace $0xD0000000  }
0x3: {  	_ = 	snop  }
0x4: {  	_ = 	snop  }
0x5: {  	_ = 	snop  }
0x6: {  	_ = 	snop  }
0x7: {  	_ = 	snop  }
__scs_overlays_trampoline_lowered:
0x8: {  	[smem:$0x3FA5] =	sst s0  }
0x9: {  	[smem:$0x3FA6] =	sst s1  }
0xa: {  	[smem:$0x3FA7] =	sst s2  }
0xb: {  	[smem:$0x3FA8] =	sst s3  }
0xc: {  	[smem:$0x3FA9] =	sst s4  }
0xd: {  	[smem:$0x3FAA] =	sst s5  }
0xe: {  	[smem:$0x3FAB] =	sst s6  }
0xf: {  	[smem:$0x3FAC] =	sst s7  }
0x10: {  	[smem:$0x3FAD] =	sst s8  }
0x11: {  	[smem:$0x3FAE] =	sst s9;
	s0 =	simm.s32 @!p0 $0x0  }
0x12: {  	s1 =	sld [smem:$0x3F94];
	s0 =	simm.s32 @p0 $0x1  }
0x13: {  	[smem:$0x3FAF] =	sst s0;
	s0 =	simm.s32 @!p1 $0x0  }
0x14: {  	s2 =	sld [smem:$0x3F93];
	s0 =	simm.s32 @p1 $0x1  }
0x15: {  	[smem:$0x3FB0] =	sst s0;
	s0 =	simm.s32 @!p2 $0x0  }
0x16: {  	s3 =	sld [smem:$0x3FDB];
	s0 =	simm.s32 @p2 $0x1  }
0x17: {  	s4 =	simm.s32 $0x1BF5;
	[smem:$0x3FB2] =	sst s0  }
0x18: {  	s0 =	sld [smem:$0x3F95];
	_ =	swait.ge [sflag:s4], $0x0  }
0x19: {  	s7 =	sld [smem:$0x3F96]  }
0x1a: {  	s8 =	sadd.s32 $0xFFFFE003, lr  }
0x1b: {  	s9 =	sadd.s32 $0xFFFFFEF7, lr;
	s5 =	simm.s32 $0xFFFFFFFF;
	p2 =	slt.u32 s8, $0xFFFFF086  }
0x1c: {  	p1 =	slt.u32 s9, $0xF7A;
	s5 =	simm.s32 @!p2 $0x0  }
0x1d: {  	s5 =	simm.s32 @p1 $0x1;
	p0 =	seq.s32 s7, s2  }
0x1e: {  	s7 =	smul.u32 @!p0 $0xF7A, s2;
	p2 =	seq.s32 @!p0 s5, $0x0  }
0x1f: {  	s9 =	smul.u32 $0xF7A, s1;
	s8 =	simm.s32 @!p0 $0x1BF5;
	p2 =	por !p2, p0  }
0x20: {  	[sflag:s8] =	ssyncset.s32 @!p0 $0xFFFFF086;
	s6 =	sadd.s32 @!p0 s3, s7;
	s7 =	simm.s32 @!p0 $0x108  }
0x21: {  	s3 =	sadd.s32 s3, s9;
	s6 =	sadd.s32 @!p0 $0x88, s6;
	s7 =	simm.s32 @p2 $0x1082  }
0x22: {  	[simem:s7], [sflag:s8] =	dma.local @!p0 [hbm:s6], $0xF7A  }
0x23: {  	s9 =	sor.u32 $0xD0000000, s2;
	s6 =	simm.s32 $0x108;
	_ =	swait.ge @!p0 [sflag:s8], $0x0  }
0x24: {  	s3 =	sadd.s32 $0x88, s3;
	s6 =	simm.s32 @!p1 $0x1082;
	[sflag:s4] =	ssyncset.s32 $0xFFFFF086  }
0x25: {  	[simem:s6], [sflag:s4] =	dma.local [hbm:s3], $0xF7A  }
0x26: {  	[smem:$0x3F96] =	sst s1;
	(tag) =	ssettag s2;
	_ =	strace s9  }
0x27: {  	s1 =	sld [smem:$0x3FA6]  }
0x28: {  	s2 =	sld [smem:$0x3FA7]  }
0x29: {  	s4 =	sld [smem:$0x3FA9]  }
0x2a: {  	p0 =	seq.s32 s5, $0x0;
	s5 =	sld [smem:$0x3FAA]  }
0x2b: {  	s6 =	sld [smem:$0x3FAB]  }
0x2c: {  	s7 =	sld [smem:$0x3FAC]  }
0x2d: {  	s3 =	simm.s32 $0x108;
	s8 =	sld [smem:$0x3FAD]  }
0x2e: {  	s3 =	simm.s32 @!p0 $0x1082;
	s9 =	sld [smem:$0x3FAE]  }
0x2f: {  	lr =	sadd.s32 s0, s3;
	s0 =	sld [smem:$0x3FA5]  }
0x30: {  	s3 =	sld [smem:$0x3FA8]  }
0x31: {  	[smem:$0x3FB1] =	sst s10  }
0x32: {  	s10 =	sld [smem:$0x3FAF];
	_ =	sdelay $0x3  }
0x33: {  	p0 =	seq.s32 s10, $0x1;
	s10 =	sld [smem:$0x3FB1];
	_ =	sdelay $0x3  }
0x34: {  	[smem:$0x3FB1] =	sst s10  }
0x35: {  	s10 =	sld [smem:$0x3FB0];
	_ =	sdelay $0x3  }
0x36: {  	p1 =	seq.s32 s10, $0x1;
	s10 =	sld [smem:$0x3FB1];
	_ =	sdelay $0x3  }
0x37: {  	[smem:$0x3FB1] =	sst s10  }
0x38: {  	s10 =	sld [smem:$0x3FB2]  }
0x39: {  	_ = 	snop;
	(pc) =	sbr.ind lr, $3  }
0x3a: {  	_ = 	snop  }
0x3b: {  	_ = 	snop  }
0x3c: {  	p2 =	seq.s32 s10, $0x1;
	s10 =	sld [smem:$0x3FB1]  }
0x3d: {  	_ =	shalt  }
0x3e: {  	_ =	shalt  }
0x3f: {  	_ =	shalt  }
0x40: {  	_ =	shalt  }
0x41: {  	_ =	shalt  }
0x42: {  	_ =	shalt  }
0x43: {  	_ =	shalt  }
0x44: {  	_ =	shalt  }
0x45: {  	_ =	shalt  }
0x46: {  	_ =	shalt  }
0x47: {  	_ =	shalt  }
0x48: {  	_ =	shalt  }
0x49: {  	_ =	shalt  }
0x4a: {  	_ =	shalt  }
0x4b: {  	_ =	shalt  }
0x4c: {  	_ =	shalt  }
0x4d: {  	_ =	shalt  }
0x4e: {  	_ =	shalt  }
0x4f: {  	_ =	shalt  }
0x50: {  	_ =	shalt  }
0x51: {  	_ =	shalt  }
0x52: {  	_ =	shalt  }
0x53: {  	_ =	shalt  }
0x54: {  	_ =	shalt  }
0x55: {  	_ =	shalt  }
0x56: {  	_ =	shalt  }
0x57: {  	_ =	shalt  }
0x58: {  	_ =	shalt  }
0x59: {  	_ =	shalt  }
0x5a: {  	_ =	shalt  }
0x5b: {  	_ =	shalt  }
0x5c: {  	_ =	shalt  }
0x5d: {  	_ =	shalt  }
0x5e: {  	_ =	shalt  }
0x5f: {  	_ =	shalt  }
0x60: {  	_ =	shalt  }
0x61: {  	_ =	shalt  }
0x62: {  	_ =	shalt  }
0x63: {  	_ =	shalt  }
0x64: {  	_ =	shalt  }
0x65: {  	_ =	shalt  }
0x66: {  	_ =	shalt  }
0x67: {  	_ =	shalt  }
0x68: {  	_ =	shalt  }
0x69: {  	_ =	shalt  }
0x6a: {  	_ =	shalt  }
0x6b: {  	_ =	shalt  }
0x6c: {  	_ =	shalt  }
0x6d: {  	_ =	shalt  }
0x6e: {  	_ =	shalt  }
0x6f: {  	_ =	shalt  }
0x70: {  	_ =	shalt  }
0x71: {  	_ =	shalt  }
0x72: {  	_ =	shalt  }
0x73: {  	_ =	shalt  }
0x74: {  	_ =	shalt  }
0x75: {  	_ =	shalt  }
0x76: {  	_ =	shalt  }
0x77: {  	_ =	shalt  }
0x78: {  	_ =	shalt  }
0x79: {  	_ =	shalt  }
0x7a: {  	_ =	shalt  }
0x7b: {  	_ =	shalt  }
0x7c: {  	_ =	shalt  }
0x7d: {  	_ =	shalt  }
0x7e: {  	_ =	shalt  }
0x7f: {  	_ =	shalt  }
0x80: {  	_ =	shalt  }
0x81: {  	_ =	shalt  }
0x82: {  	_ =	shalt  }
0x83: {  	_ =	shalt  }
0x84: {  	_ =	shalt  }
0x85: {  	_ =	shalt  }
0x86: {  	_ =	shalt  }
0x87: {  	_ =	shalt  }
.Lfunc_end0:
.L_simem_size_0:
called_computation_lowered:
.L_overlay_start_0:
0x88: {  	s2 =	sld [smem:$0x3FD9]  }
0x89: {  	s3 =	sld [smem:$0x3FFE];
	_ =	sdelay $0x1  }
0x8a: {  	s1 =	srdreg.scid  }
0x8b: {  	s0 =	sand.u32 $0x1, s1  }
0x8c: {  	s16 =	sshll.u32 s0, $0xA;
	s2 =	sadd.s32 s3, s2  }
0x8d: {  	s2 =	sadd.s32 s2, s16  }
0x8e: {  	[smem:$0x3FBD] =	sst s2  }
0x8f: {  	_ = 	snop  }
0x90: {  	(tm) =	ssettm $0x1  }
0x91: {  	s17 =	sld [smem:$0x3FFB];
	_ =	sdelay $0x3  }
0x92: {  	_ =	strace s17  }
0x93: {  	s2 =	sld [smem:$0x3FFC];
	_ =	sdelay $0x3  }
0x94: {  	_ =	strace s2  }
0x95: {  	s2 =	sld [smem:$0x3FFD];
	_ =	sdelay $0x3  }
0x96: {  	_ =	strace s2  }
0x97: {  	_ =	strace $0x8FFFFFFF  }
0x98: {  	s18 =	sld [smem:$0x3FDB];
	_ =	sdelay $0x1  }
0x99: {  	s19 =	simm.s32 $_scs_section_size  }
0x9a: {  	s4 =	simm.s32 $_size__tile_overlayer_lowered;
	s5 =	simm.s32 $_tile_overlayer_lowered  }
0x9b: {  	s22 =	simm.s32 $0x1BFF;
	s21 =	sshll.u32 s5, $0x1;
	s2 =	sadd.s32 s19, s18  }
0x9c: {  	s6 =	simm.s32 $0x0;
	s20 =	sshll.u32 s4, $0x1;
	s4 =	sadd.s32 s21, s2  }
0x9d: {  	[timem:s6], [sflag:s22] =	dma.local [hbm:s4], s20  }
0x9e: {  	_ =	swait.ge [sflag:s22], s20  }
0x9f: {  	s3 =	ssub.s32 $0x0, s20;
	[sflag:s22] =	ssyncset.done $0x0  }
0xa0: {  	[sflag:s22] =	ssyncadd.s32 s3;
	_ =	sdelay $0x1  }
0xa1: {  	s23 =	simm.s32 $0x1B8B  }
0xa2: {  	_ =	swait.ge [sflag:s23], $0x1  }
0xa3: {  	[sflag:s23] =	ssyncset.done $0x0  }
0xa4: {  	s25 =	simm.s32 $0x1B8E;
	s24 =	sld [smem:$0x3FFE];
	[sflag:s23] =	ssyncadd.s32 $0xFFFFFFFF  }
0xa5: {  	s26 =	simm.s32 $execute0_lowered;
	[smem:$0x3FD2] =	sst s25  }
0xa6: {  	s4 =	sshll.u32 s26, $0x1;
	_ =	strace $0x80000049;
	[dreg:$0x1] =	wrdreg $0xFFFFFFFF  }
0xa7: {  	s28 =	simm.s32 $_size_execute0_lowered;
	s2 =	sadd.s32 s2, s4;
	[dreg:$0x0] =	wrdreg $0x0  }
0xa8: {  	s4 =	sshll.u32 s28, $0x1;
	[dreg:$0x2] =	wrdreg s2  }
0xa9: {  	[dreg:$0x3] =	wrdreg s4  }
0xaa: {  	[dreg:$0x4] =	wrdreg $0xC0  }
0xab: {  	_ =	task [dreg:s6], $0x5FFFF  }
0xac: {  	[dreg:$0x1] =	wrdreg $0xFFFFFFFF  }
0xad: {  	[dreg:$0x0] =	wrdreg $0x60  }
0xae: {  	[dreg:$0x2] =	wrdreg s24  }
0xaf: {  	[dreg:$0x3] =	wrdreg $0x19B000  }
0xb0: {  	[dreg:$0x4] =	wrdreg $0x9  }
0xb1: {  	_ =	task.clear_ibuf [dreg:s6], $0x5FFFF;
	_ =	strace $0x90000049  }
0xb2: {  	s29 =	simm.s32 $0x9;
	_ =	strace $0x8000004B  }
0xb3: {  	_ =	swait.ge [sflag:s29], $0x1  }
0xb4: {  	[sflag:s29] =	ssyncadd.s32 $0xFFFFFFFF  }
0xb5: {  	_ =	strace $0x9000004B  }
0xb6: {  	_ =	sfence  }
0xb7: {  	s30 =	sld [smem:$0x0];
	_ =	sdelay $0x2  }
0xb8: {  	s31 =	sshll.u32 s1, $0xD;
	s1 =	sshrl.u32 s1, $0x2  }
0xb9: {  	s3 =	sand.u32 $0x4000, s31;
	s1 =	sadd.s32 s1, s30  }
0xba: {  	s0 =	sor.u32 s3, s0;
	s1 =	sshll.u32 s1, $0x11  }
0xbb: {  	s0 =	sor.u32 s1, s0  }
0xbc: {  	s0 =	sadd.s32 $0x8F2B, s0  }
0xbd: {  	[sflag:s0] =	ssyncadd.remote.s32 $0x1  }
0xbe: {  	_ =	sfence.sel $0xFFFF  }
0xbf: {  	[dreg:$0x0] =	wrdreg $0xFFFFFFFF;
	(pc) =	sbr.abs _section_cstart, $3  }
0xc0: {  	[dreg:$0x1] =	wrdreg $0xFFFFFFFF  }
0xc1: {  	_ =	task.clear_ibuf [dreg:s6], $0x2FFFF;
	_ =	strace $0x9FFFFFFF  }
0xc2: {  	(tm) =	ssettm $0x7FFFFFFF  }
0xc3: {  	_ =	shalt  }
tec
execute0_lowered:
.L_overlay_start_1:
0x0: {  	(tag) =	ssettag $0x1  }
0x1: {  	s0 =	rddreg [dreg:$0x0]  }
0x2: {  	s2 =	rddreg [dreg:$0x1]  }
0x3: {  	s3 =	simm.s32 $0x0;
	s9 =	stileid.u32;
	s5 =	srdreg.scid  }
0x4: {  	s14 =	simm.s32 $0x5;
	s16 =	simm.s32 $0x19700;
	s17 =	simm.s32 $0x80  }
0x5: {  	s18 =	simm.s32 $0x18700;
	s19 =	simm.s32 $0x18B00;
	s20 =	simm.s32 $0x100  }
0x6: {  	s21 =	simm.s32 $0x18F00;
	s28 =	simm.s32 $0x4;
	s29 =	simm.s32 $0x18580  }
0x7: {  	s30 =	simm.s32 $0x18600;
	s31 =	simm.s32 $0x18680;
	s1 =	smul.u32 $0x1870, s9  }
0x8: {  	[smem:$0x7FF] =	sst s3;
	s4 =	sadd.s32 $0x177800, s0;
	s8 =	smul.u32 $0x19000, s9  }
0x9: {  	s5 =	sand.u32 $0x1, s5;
	s7 =	sadd.s32 $0x1C200, s0;
	s23 =	smul.u32 $0xC80, s9  }
0xa: {  	_ =	strace $0x8000004A;
	s6 =	ssub.s32 $0x2, s5;
	s5 =	smul.u32 $0x32000, s5  }
0xb: {  	[dreg:$0x3] =	wrdreg s7;
	s1 =	sadd.s32 s1, s0;
	s22 =	sshrl.u32 s6, $0x1  }
0xc: {  	s0 =	sadd.s32 $0x1DB800, s0;
	s8 =	sshrl.u32 s8, $0x2;
	s6 =	ssub.s32 s6, s22  }
0xd: {  	s24 =	sadd.s32 $0x96C00, s1;
	s1 =	sadd.s32 $0x7E400, s1;
	s25 =	sadd.s32 s5, s0  }
0xe: {  	s0 =	sadd.s32 s0, s23;
	s8 =	sadd.s32 s8, s2;
	[dreg:$0x4] =	wrdreg s24  }
0xf: {  	s22 =	simm.s32 $0x19300;
	[dreg:$0x5] =	wrdreg s1;
	s1 =	sadd.s32 s23, s25  }
0x10: {  	s0 =	sadd.s32 s5, s0;
	s13 =	smax.u32 s6, $0x1;
	s23 =	simm.s32 $0x1  }
0x11: {  	s24 =	simm.s32 $0x6;
	s25 =	simm.s32 $0x2;
	[dreg:$0x6] =	wrdreg s0  }
0x12: {  	s26 =	sadd.s32 $0xC800, s1;
	s11 =	sadd.s32 $0x19000, s1;
	s12 =	sadd.s32 $0x25800, s1  }
0x13: {  	v0 =	vmov s5;
	s0 =	simm.s32 $0x0;
	[dreg:$0x7] =	wrdreg s26;
	s26 =	simm.s32 $0x3  }
.LBB2_1:
0x14: {  	s1 =	rddreg [dreg:$0x4]  }
0x15: {  	[tilespmem:s3], [sflag:$0x5] =	stream.linear.gather [hbm4b:s1+s3], $0xC380, $0x38;
	[tilespmem:$0x1FF00] =	vst v63  }
0x16: {  	_ =	swait.ge [sflag:s14], $0xC380  }
0x17: {  	[sflag:s14] =	ssyncset.done $0x0  }
0x18: {  	s5 =	simm.s32 $0xC380;
	s10 =	rddreg [dreg:$0x5];
	[sflag:s14] =	ssyncadd.s32 $0xFFFF3C80  }
0x19: {  	[tilespmem:s5], [sflag:$0x5] =	stream.linear.gather [hbm4b:s10+s3], $0xC380, $0x38;
	[tilespmem:$0x1FF00] =	vst v63  }
0x1a: {  	_ =	swait.ge [sflag:s14], $0xC380  }
0x1b: {  	[sflag:s14] =	ssyncset.done $0x0  }
0x1c: {  	s15 =	rddreg [dreg:$0x3];
	[sflag:s14] =	ssyncadd.s32 $0xFFFF3C80  }
0x1d: {  	[tilespmem:s16], [sflag:$0x5] =	stream.linear.gather [hbm4b:s15+s3], $0x400, $0x38;
	[tilespmem:$0x1FF00] =	vst v63  }
0x1e: {  	_ =	swait.ge [sflag:s14], $0x400  }
0x1f: {  	[sflag:s14] =	ssyncset.done $0x0  }
0x20: {  	s1 =	simm.s32 $0x0;
	s5 =	simm.s32 $0x40;
	[sflag:s14] =	ssyncadd.s32 $0xFFFFFC00  }
.LBB2_2:
0x21: {  	p0 =	sne.s32 s5, $0x30DC0;
	v1 =	vld [tilespmem:s1+$0x0];
	_ =	sdelay $0x2  }
.Ltmp0:
0x22: {  	(pc) =	sbr.rel @p0 .LBB2_2-.Ltmp0, $4  }
0x23: {  	_ = 	snop  }
0x24: {  	v1 =	vshll.u32 v1, $0x2  }
0x25: {  	v1 =	vadd.s32 v0, v1  }
0x26: {  	[tilespmem:s1+$0x0] =	vst v1;
	s1 =	sshra.s32 s5, $0x2;
	s5 =	sadd.s32 $0x40, s5  }
0x27: {  	v1 =	vld [tilespmem:s1+$0x0];
	_ =	sdelay $0x4  }
0x28: {  	v1 =	vshll.u32 v1, $0x2  }
0x29: {  	v1 =	vadd.s32 v0, v1  }
0x2a: {  	s15 =	sadd.s32 $0x0, s8;
	[tilespmem:s1+$0x0] =	vst v1  }
0x2b: {  	[spmem:s15] =	stream.linear.scatter [tilespmem:s16], [sflag:$0x5], $0x400, $0x38;
	[tilespmem:$0x1FF00] =	vst v63  }
0x2c: {  	s1 =	simm.s32 $0x1000;
	_ =	swait.ge [sflag:s14], $0x400  }
.LBB2_4:
0x2d: {  	s5 =	sshra.s32 s1, $0x2;
	[sflag:s14] =	ssyncset.done $0x0;
	p0 =	sne.s32 s1, $0x18000  }
.Ltmp1:
0x2e: {  	s5 =	sadd.s32 s5, s8;
	[sflag:s14] =	ssyncadd.s32 $0xFFFFFC00;
	(pc) =	sbr.rel @p0 .LBB2_4-.Ltmp1, $3  }
0x2f: {  	[spmem:s5] =	stream.linear.scatter [tilespmem:s16], [sflag:$0x5], $0x400, $0x38;
	[tilespmem:$0x1FF00] =	vst v63  }
0x30: {  	s1 =	sadd.s32 $0x1000, s1;
	_ =	sdelay $0x1  }
0x31: {  	_ =	swait.ge [sflag:s14], $0x400  }
0x32: {  	[sflag:s14] =	ssyncset.done $0x0  }
0x33: {  	[sflag:s14] =	ssyncadd.s32 $0xFFFFFC00  }
0x34: {  	s1 =	simm.s32 $0x0;
	[bflag:$0x0] =	sbarrier.arrive $0xFFFF  }
0x35: {  	[tilespmem:s18], [sflag:$0x1] =	stream.indirect.gather [hbm4b:s4+s17], $0x8, s1, s17, $0xb8;
	[tilespmem:$0x1FF00] =	vst v63  }
0x36: {  	_ = 	snop  }
0x37: {  	[tilespmem:s19], [sflag:$0x2] =	stream.indirect.gather [hbm4b:s4+s17], $0x8, s17, s17, $0xb8;
	[tilespmem:$0x1FF00] =	vst v63  }
0x38: {  	_ = 	snop  }
0x39: {  	[tilespmem:s21], [sflag:$0x3] =	stream.indirect.gather [hbm4b:s4+s17], $0x8, s20, s17, $0xb8;
	[tilespmem:$0x1FF00] =	vst v63  }
0x3a: {  	s10 =	simm.s32 $0x180  }
0x3b: {  	[tilespmem:s22], [sflag:$0x4] =	stream.indirect.gather [hbm4b:s4+s17], $0x8, s10, s17, $0xb8;
	[tilespmem:$0x1FF00] =	vst v63  }
0x3c: {  	_ =	swait.ge [sflag:s23], $0x400  }
0x3d: {  	[sflag:s23] =	ssyncset.done $0x0  }
0x3e: {  	s15 =	simm.s32 $0xC380;
	[sflag:s23] =	ssyncadd.s32 $0xFFFFFC00  }
0x3f: {  	[spmem:s2] =	stream.indirect.scatter.add.f32 [tilespmem:s18], [sflag:$0x6], $0x8, s15, s17, $0xb8;
	[tilespmem:$0x1FF00] =	vst v63  }
0x40: {  	_ =	swait.ge [sflag:s24], $0x400  }
0x41: {  	[sflag:s24] =	ssyncset.done $0x0  }
0x42: {  	s5 =	simm.s32 $0x200;
	[sflag:s24] =	ssyncadd.s32 $0xFFFFFC00  }
0x43: {  	[tilespmem:s18], [sflag:$0x1] =	stream.indirect.gather [hbm4b:s4+s17], $0x8, s5, s17, $0xb8;
	[tilespmem:$0x1FF00] =	vst v63  }
0x44: {  	_ =	swait.ge [sflag:s25], $0x400  }
0x45: {  	[sflag:s25] =	ssyncset.done $0x0  }
0x46: {  	s6 =	simm.s32 $0xC400;
	[sflag:s25] =	ssyncadd.s32 $0xFFFFFC00  }
0x47: {  	[spmem:s2] =	stream.indirect.scatter.add.f32 [tilespmem:s19], [sflag:$0x6], $0x8, s6, s17, $0xb8;
	[tilespmem:$0x1FF00] =	vst v63  }
0x48: {  	_ =	swait.ge [sflag:s24], $0x400  }
0x49: {  	[sflag:s24] =	ssyncset.done $0x0  }
0x4a: {  	s7 =	simm.s32 $0x280;
	[sflag:s24] =	ssyncadd.s32 $0xFFFFFC00  }
0x4b: {  	[tilespmem:s19], [sflag:$0x2] =	stream.indirect.gather [hbm4b:s4+s17], $0x8, s7, s17, $0xb8;
	[tilespmem:$0x1FF00] =	vst v63  }
0x4c: {  	_ =	swait.ge [sflag:s26], $0x400  }
0x4d: {  	[sflag:s26] =	ssyncset.done $0x0  }
0x4e: {  	s9 =	simm.s32 $0xC480;
	[sflag:s26] =	ssyncadd.s32 $0xFFFFFC00  }
0x4f: {  	[spmem:s2] =	stream.indirect.scatter.add.f32 [tilespmem:s21], [sflag:$0x6], $0x8, s9, s17, $0xb8;
	[tilespmem:$0x1FF00] =	vst v63  }
0x50: {  	_ =	swait.ge [sflag:s24], $0x400  }
0x51: {  	[sflag:s24] =	ssyncset.done $0x0  }
0x52: {  	s10 =	simm.s32 $0x300;
	[sflag:s24] =	ssyncadd.s32 $0xFFFFFC00  }
0x53: {  	[tilespmem:s21], [sflag:$0x3] =	stream.indirect.gather [hbm4b:s4+s17], $0x8, s10, s17, $0xb8;
	[tilespmem:$0x1FF00] =	vst v63  }
0x54: {  	_ =	swait.ge [sflag:s28], $0x400  }
0x55: {  	[sflag:s28] =	ssyncset.done $0x0  }
0x56: {  	s15 =	simm.s32 $0xC500;
	[sflag:s28] =	ssyncadd.s32 $0xFFFFFC00  }
0x57: {  	[spmem:s2] =	stream.indirect.scatter.add.f32 [tilespmem:s22], [sflag:$0x5], $0x8, s15, s17, $0xb8;
	[tilespmem:$0x1FF00] =	vst v63  }
0x58: {  	_ =	swait.ge [sflag:s14], $0x400  }
0x59: {  	s1 =	simm.s32 $0x200;
	s7 =	simm.s32 $0x1000;
	[sflag:s14] =	ssyncset.done $0x0  }
.LBB2_6:
0x5a: {  	s9 =	sadd.s32 $0x180, s1  }
0x5b: {  	[sflag:s14] =	ssyncadd.s32 $0xFFFFFC00;
	s6 =	smov.u32 s7;
	s5 =	sadd.s32 $0x800, s7  }
0x5c: {  	[tilespmem:s22], [sflag:$0x4] =	stream.indirect.gather [hbm4b:s4+s17], $0x8, s9, s17, $0xb8;
	[tilespmem:$0x1FF00] =	vst v63  }
0x5d: {  	p0 =	sne.s32 s7, $0x30000;
	_ =	swait.ge [sflag:s23], $0x400  }
0x5e: {  	[sflag:s23] =	ssyncset.done $0x0  }
0x5f: {  	s7 =	sadd.s32 $0xC380, s1;
	[sflag:s23] =	ssyncadd.s32 $0xFFFFFC00  }
0x60: {  	[spmem:s2] =	stream.indirect.scatter.add.f32 [tilespmem:s18], [sflag:$0x6], $0x8, s7, s17, $0xb8;
	[tilespmem:$0x1FF00] =	vst v63  }
0x61: {  	_ =	swait.ge [sflag:s24], $0x400  }
0x62: {  	[sflag:s24] =	ssyncset.done $0x0  }
0x63: {  	s7 =	sadd.s32 $0x200, s1;
	[sflag:s24] =	ssyncadd.s32 $0xFFFFFC00  }
0x64: {  	[tilespmem:s18], [sflag:$0x1] =	stream.indirect.gather [hbm4b:s4+s17], $0x8, s7, s17, $0xb8;
	[tilespmem:$0x1FF00] =	vst v63  }
0x65: {  	_ =	swait.ge [sflag:s25], $0x400  }
0x66: {  	[sflag:s25] =	ssyncset.done $0x0  }
0x67: {  	s7 =	sadd.s32 $0xC400, s1;
	[sflag:s25] =	ssyncadd.s32 $0xFFFFFC00  }
0x68: {  	[spmem:s2] =	stream.indirect.scatter.add.f32 [tilespmem:s19], [sflag:$0x6], $0x8, s7, s17, $0xb8;
	[tilespmem:$0x1FF00] =	vst v63  }
0x69: {  	_ =	swait.ge [sflag:s24], $0x400  }
0x6a: {  	[sflag:s24] =	ssyncset.done $0x0  }
0x6b: {  	s7 =	sadd.s32 $0x280, s1;
	[sflag:s24] =	ssyncadd.s32 $0xFFFFFC00  }
0x6c: {  	[tilespmem:s19], [sflag:$0x2] =	stream.indirect.gather [hbm4b:s4+s17], $0x8, s7, s17, $0xb8;
	[tilespmem:$0x1FF00] =	vst v63  }
0x6d: {  	_ =	swait.ge [sflag:s26], $0x400  }
0x6e: {  	[sflag:s26] =	ssyncset.done $0x0  }
0x6f: {  	s7 =	sadd.s32 $0xC480, s1;
	[sflag:s26] =	ssyncadd.s32 $0xFFFFFC00  }
0x70: {  	[spmem:s2] =	stream.indirect.scatter.add.f32 [tilespmem:s21], [sflag:$0x6], $0x8, s7, s17, $0xb8;
	[tilespmem:$0x1FF00] =	vst v63  }
0x71: {  	_ =	swait.ge [sflag:s24], $0x400  }
0x72: {  	[sflag:s24] =	ssyncset.done $0x0  }
0x73: {  	s7 =	sadd.s32 $0x300, s1;
	[sflag:s24] =	ssyncadd.s32 $0xFFFFFC00  }
0x74: {  	[tilespmem:s21], [sflag:$0x3] =	stream.indirect.gather [hbm4b:s4+s17], $0x8, s7, s17, $0xb8;
	[tilespmem:$0x1FF00] =	vst v63  }
0x75: {  	_ =	swait.ge [sflag:s28], $0x400  }
.Ltmp2:
0x76: {  	[sflag:s28] =	ssyncset.done $0x0;
	(pc) =	sbr.rel @p0 .LBB2_6-.Ltmp2, $4  }
0x77: {  	s1 =	sadd.s32 $0xC500, s1;
	[sflag:s28] =	ssyncadd.s32 $0xFFFFFC00  }
0x78: {  	[spmem:s2] =	stream.indirect.scatter.add.f32 [tilespmem:s22], [sflag:$0x5], $0x8, s1, s17, $0xb8;
	[tilespmem:$0x1FF00] =	vst v63  }
0x79: {  	_ =	swait.ge [sflag:s14], $0x400  }
0x7a: {  	s7 =	smov.u32 s5;
	s1 =	sshra.s32 s6, $0x2;
	[sflag:s14] =	ssyncset.done $0x0  }
0x7b: {  	s5 =	sadd.s32 $0x180, s1;
	[sflag:s14] =	ssyncadd.s32 $0xFFFFFC00  }
0x7c: {  	[tilespmem:s22], [sflag:$0x4] =	stream.indirect.gather [hbm4b:s4+s17], $0x8, s5, s17, $0xb8;
	[tilespmem:$0x1FF00] =	vst v63  }
0x7d: {  	_ =	swait.ge [sflag:s23], $0x400  }
0x7e: {  	[sflag:s23] =	ssyncset.done $0x0  }
0x7f: {  	s6 =	sadd.s32 $0xC380, s1;
	[sflag:s23] =	ssyncadd.s32 $0xFFFFFC00  }
0x80: {  	[spmem:s2] =	stream.indirect.scatter.add.f32 [tilespmem:s18], [sflag:$0x6], $0x8, s6, s17, $0xb8;
	[tilespmem:$0x1FF00] =	vst v63  }
0x81: {  	_ =	swait.ge [sflag:s24], $0x400  }
0x82: {  	[sflag:s24] =	ssyncset.done $0x0  }
0x83: {  	s7 =	sadd.s32 $0x200, s1;
	[sflag:s24] =	ssyncadd.s32 $0xFFFFFC00  }
0x84: {  	[tilespmem:s18], [sflag:$0x1] =	stream.indirect.gather [hbm4b:s4+s17], $0x8, s7, s17, $0xb8;
	[tilespmem:$0x1FF00] =	vst v63  }
0x85: {  	_ =	swait.ge [sflag:s25], $0x400  }
0x86: {  	[sflag:s25] =	ssyncset.done $0x0  }
0x87: {  	s9 =	sadd.s32 $0xC400, s1;
	[sflag:s25] =	ssyncadd.s32 $0xFFFFFC00  }
0x88: {  	[spmem:s2] =	stream.indirect.scatter.add.f32 [tilespmem:s19], [sflag:$0x6], $0x8, s9, s17, $0xb8;
	[tilespmem:$0x1FF00] =	vst v63  }
0x89: {  	_ =	swait.ge [sflag:s24], $0x400  }
0x8a: {  	[sflag:s24] =	ssyncset.done $0x0  }
0x8b: {  	s10 =	sadd.s32 $0x280, s1;
	[sflag:s24] =	ssyncadd.s32 $0xFFFFFC00  }
0x8c: {  	[tilespmem:s19], [sflag:$0x2] =	stream.indirect.gather [hbm4b:s4+s17], $0x8, s10, s17, $0xb8;
	[tilespmem:$0x1FF00] =	vst v63  }
0x8d: {  	_ =	swait.ge [sflag:s26], $0x400  }
0x8e: {  	[sflag:s26] =	ssyncset.done $0x0  }
0x8f: {  	s15 =	sadd.s32 $0xC480, s1;
	[sflag:s26] =	ssyncadd.s32 $0xFFFFFC00  }
0x90: {  	[spmem:s2] =	stream.indirect.scatter.add.f32 [tilespmem:s21], [sflag:$0x6], $0x8, s15, s17, $0xb8;
	[tilespmem:$0x1FF00] =	vst v63  }
0x91: {  	_ =	swait.ge [sflag:s24], $0x400  }
0x92: {  	[sflag:s24] =	ssyncset.done $0x0  }
0x93: {  	s6 =	sadd.s32 $0x300, s1;
	[sflag:s24] =	ssyncadd.s32 $0xFFFFFC00  }
0x94: {  	[tilespmem:s21], [sflag:$0x3] =	stream.indirect.gather [hbm4b:s4+s17], $0x8, s6, s17, $0xb8;
	[tilespmem:$0x1FF00] =	vst v63  }
0x95: {  	_ =	swait.ge [sflag:s28], $0x400  }
0x96: {  	[sflag:s28] =	ssyncset.done $0x0  }
0x97: {  	s7 =	sadd.s32 $0xC500, s1;
	[sflag:s28] =	ssyncadd.s32 $0xFFFFFC00  }
0x98: {  	[spmem:s2] =	stream.indirect.scatter.add.f32 [tilespmem:s22], [sflag:$0x5], $0x8, s7, s17, $0xb8;
	[tilespmem:$0x1FF00] =	vst v63  }
0x99: {  	_ =	swait.ge [sflag:s14], $0x400  }
0x9a: {  	[sflag:s14] =	ssyncset.done $0x0  }
0x9b: {  	[sflag:s14] =	ssyncadd.s32 $0xFFFFFC00  }
0x9c: {  	_ =	swait.ge [sflag:s23], $0x400  }
0x9d: {  	[sflag:s23] =	ssyncset.done $0x0  }
0x9e: {  	[sflag:s23] =	ssyncadd.s32 $0xFFFFFC00  }
0x9f: {  	[spmem:s2] =	stream.indirect.scatter.add.f32 [tilespmem:s18], [sflag:$0x6], $0x8, s29, s17, $0xb8;
	[tilespmem:$0x1FF00] =	vst v63  }
0xa0: {  	_ =	swait.ge [sflag:s24], $0x400  }
0xa1: {  	[sflag:s24] =	ssyncset.done $0x0  }
0xa2: {  	[sflag:s24] =	ssyncadd.s32 $0xFFFFFC00  }
0xa3: {  	_ =	swait.ge [sflag:s25], $0x400  }
0xa4: {  	[sflag:s25] =	ssyncset.done $0x0  }
0xa5: {  	[sflag:s25] =	ssyncadd.s32 $0xFFFFFC00  }
0xa6: {  	[spmem:s2] =	stream.indirect.scatter.add.f32 [tilespmem:s19], [sflag:$0x6], $0x8, s30, s17, $0xb8;
	[tilespmem:$0x1FF00] =	vst v63  }
0xa7: {  	_ =	swait.ge [sflag:s24], $0x400  }
0xa8: {  	[sflag:s24] =	ssyncset.done $0x0  }
0xa9: {  	[sflag:s24] =	ssyncadd.s32 $0xFFFFFC00  }
0xaa: {  	_ =	swait.ge [sflag:s26], $0x400  }
0xab: {  	[sflag:s26] =	ssyncset.done $0x0  }
0xac: {  	[sflag:s26] =	ssyncadd.s32 $0xFFFFFC00  }
0xad: {  	[spmem:s2] =	stream.indirect.scatter.add.f32 [tilespmem:s21], [sflag:$0x6], $0x8, s31, s17, $0xb8;
	[tilespmem:$0x1FF00] =	vst v63  }
0xae: {  	_ =	swait.ge [sflag:s24], $0x400  }
0xaf: {  	[sflag:s24] =	ssyncset.done $0x0  }
0xb0: {  	s9 =	stileid.u32;
	[sflag:s24] =	ssyncadd.s32 $0xFFFFFC00  }
0xb1: {  	s1 =	sshll.u32 s9, $0x6;
	[bflag:$0x0] =	sbarrier.arrive $0xFFFF  }
0xb2: {  	s15 =	sor.u32 $0x1C05, s1;
	s1 =	sshrl.u32 s8, $0x3;
	s10 =	rddreg [dreg:$0x6]  }
0xb3: {  	[hbm:s10], [sflag:s15] =	dma.local [spmem:s1], $0xC80  }
0xb4: {  	_ =	swait.ge [sflag:s14], $0xC80  }
0xb5: {  	[sflag:s14] =	ssyncset.done $0x0  }
0xb6: {  	s5 =	simm.s32 $0x0;
	s6 =	simm.s32 $0x40;
	[sflag:s14] =	ssyncadd.s32 $0xFFFFF380  }
.LBB2_8:
0xb7: {  	p0 =	sne.s32 s6, $0x30DC0;
	v1 =	vld [tilespmem:s5+$0x0];
	_ =	sdelay $0x1  }
.Ltmp3:
0xb8: {  	(pc) =	sbr.rel @p0 .LBB2_8-.Ltmp3, $3  }
0xb9: {  	_ =	sdelay $0x1  }
0xba: {  	v1 =	vadd.s32 $0x1, v1  }
0xbb: {  	[tilespmem:s5+$0x0] =	vst v1;
	s5 =	sshra.s32 s6, $0x2;
	s6 =	sadd.s32 $0x40, s6  }
0xbc: {  	v1 =	vld [tilespmem:s5+$0x0];
	_ =	sdelay $0x4  }
0xbd: {  	v1 =	vadd.s32 $0x1, v1  }
0xbe: {  	s10 =	sadd.s32 $0x0, s8;
	[tilespmem:s5+$0x0] =	vst v1  }
0xbf: {  	[spmem:s10] =	stream.linear.scatter [tilespmem:s16], [sflag:$0x5], $0x400, $0x38;
	[tilespmem:$0x1FF00] =	vst v63  }
0xc0: {  	s5 =	simm.s32 $0x1000;
	_ =	swait.ge [sflag:s14], $0x400  }
.LBB2_10:
0xc1: {  	s6 =	sshra.s32 s5, $0x2;
	[sflag:s14] =	ssyncset.done $0x0;
	p0 =	sne.s32 s5, $0x18000  }
.Ltmp4:
0xc2: {  	s6 =	sadd.s32 s6, s8;
	[sflag:s14] =	ssyncadd.s32 $0xFFFFFC00;
	(pc) =	sbr.rel @p0 .LBB2_10-.Ltmp4, $3  }
0xc3: {  	[spmem:s6] =	stream.linear.scatter [tilespmem:s16], [sflag:$0x5], $0x400, $0x38;
	[tilespmem:$0x1FF00] =	vst v63  }
0xc4: {  	s5 =	sadd.s32 $0x1000, s5;
	_ =	sdelay $0x1  }
0xc5: {  	_ =	swait.ge [sflag:s14], $0x400  }
0xc6: {  	[sflag:s14] =	ssyncset.done $0x0  }
0xc7: {  	[sflag:s14] =	ssyncadd.s32 $0xFFFFFC00  }
0xc8: {  	s5 =	simm.s32 $0x0;
	[bflag:$0x0] =	sbarrier.arrive $0xFFFF  }
0xc9: {  	[tilespmem:s18], [sflag:$0x1] =	stream.indirect.gather [hbm4b:s4+s17], $0x8, s5, s17, $0xb8;
	[tilespmem:$0x1FF00] =	vst v63  }
0xca: {  	_ = 	snop  }
0xcb: {  	[tilespmem:s19], [sflag:$0x2] =	stream.indirect.gather [hbm4b:s4+s17], $0x8, s17, s17, $0xb8;
	[tilespmem:$0x1FF00] =	vst v63  }
0xcc: {  	_ = 	snop  }
0xcd: {  	[tilespmem:s21], [sflag:$0x3] =	stream.indirect.gather [hbm4b:s4+s17], $0x8, s20, s17, $0xb8;
	[tilespmem:$0x1FF00] =	vst v63  }
0xce: {  	s6 =	simm.s32 $0x180  }
0xcf: {  	[tilespmem:s22], [sflag:$0x4] =	stream.indirect.gather [hbm4b:s4+s17], $0x8, s6, s17, $0xb8;
	[tilespmem:$0x1FF00] =	vst v63  }
0xd0: {  	_ =	swait.ge [sflag:s23], $0x400  }
0xd1: {  	[sflag:s23] =	ssyncset.done $0x0  }
0xd2: {  	s7 =	simm.s32 $0xC380;
	[sflag:s23] =	ssyncadd.s32 $0xFFFFFC00  }
0xd3: {  	[spmem:s2] =	stream.indirect.scatter.add.f32 [tilespmem:s18], [sflag:$0x6], $0x8, s7, s17, $0xb8;
	[tilespmem:$0x1FF00] =	vst v63  }
0xd4: {  	_ =	swait.ge [sflag:s24], $0x400  }
0xd5: {  	[sflag:s24] =	ssyncset.done $0x0  }
0xd6: {  	s9 =	simm.s32 $0x200;
	[sflag:s24] =	ssyncadd.s32 $0xFFFFFC00  }
0xd7: {  	[tilespmem:s18], [sflag:$0x1] =	stream.indirect.gather [hbm4b:s4+s17], $0x8, s9, s17, $0xb8;
	[tilespmem:$0x1FF00] =	vst v63  }
0xd8: {  	_ =	swait.ge [sflag:s25], $0x400  }
0xd9: {  	[sflag:s25] =	ssyncset.done $0x0  }
0xda: {  	s10 =	simm.s32 $0xC400;
	[sflag:s25] =	ssyncadd.s32 $0xFFFFFC00  }
0xdb: {  	[spmem:s2] =	stream.indirect.scatter.add.f32 [tilespmem:s19], [sflag:$0x6], $0x8, s10, s17, $0xb8;
	[tilespmem:$0x1FF00] =	vst v63  }
0xdc: {  	_ =	swait.ge [sflag:s24], $0x400  }
0xdd: {  	[sflag:s24] =	ssyncset.done $0x0  }
0xde: {  	s6 =	simm.s32 $0x280;
	[sflag:s24] =	ssyncadd.s32 $0xFFFFFC00  }
0xdf: {  	[tilespmem:s19], [sflag:$0x2] =	stream.indirect.gather [hbm4b:s4+s17], $0x8, s6, s17, $0xb8;
	[tilespmem:$0x1FF00] =	vst v63  }
0xe0: {  	_ =	swait.ge [sflag:s26], $0x400  }
0xe1: {  	[sflag:s26] =	ssyncset.done $0x0  }
0xe2: {  	s7 =	simm.s32 $0xC480;
	[sflag:s26] =	ssyncadd.s32 $0xFFFFFC00  }
0xe3: {  	[spmem:s2] =	stream.indirect.scatter.add.f32 [tilespmem:s21], [sflag:$0x6], $0x8, s7, s17, $0xb8;
	[tilespmem:$0x1FF00] =	vst v63  }
0xe4: {  	_ =	swait.ge [sflag:s24], $0x400  }
0xe5: {  	[sflag:s24] =	ssyncset.done $0x0  }
0xe6: {  	s9 =	simm.s32 $0x300;
	[sflag:s24] =	ssyncadd.s32 $0xFFFFFC00  }
0xe7: {  	[tilespmem:s21], [sflag:$0x3] =	stream.indirect.gather [hbm4b:s4+s17], $0x8, s9, s17, $0xb8;
	[tilespmem:$0x1FF00] =	vst v63  }
0xe8: {  	_ =	swait.ge [sflag:s28], $0x400  }
0xe9: {  	[sflag:s28] =	ssyncset.done $0x0  }
0xea: {  	s10 =	simm.s32 $0xC500;
	[sflag:s28] =	ssyncadd.s32 $0xFFFFFC00  }
0xeb: {  	[spmem:s2] =	stream.indirect.scatter.add.f32 [tilespmem:s22], [sflag:$0x5], $0x8, s10, s17, $0xb8;
	[tilespmem:$0x1FF00] =	vst v63  }
0xec: {  	_ =	swait.ge [sflag:s14], $0x400  }
0xed: {  	s5 =	simm.s32 $0x200;
	s6 =	simm.s32 $0x1000;
	[sflag:s14] =	ssyncset.done $0x0  }
.LBB2_12:
0xee: {  	s10 =	sadd.s32 $0x180, s5  }
0xef: {  	[sflag:s14] =	ssyncadd.s32 $0xFFFFFC00;
	s7 =	smov.u32 s6;
	s9 =	sadd.s32 $0x800, s6  }
0xf0: {  	[tilespmem:s22], [sflag:$0x4] =	stream.indirect.gather [hbm4b:s4+s17], $0x8, s10, s17, $0xb8;
	[tilespmem:$0x1FF00] =	vst v63  }
0xf1: {  	p0 =	sne.s32 s6, $0x30000;
	_ =	swait.ge [sflag:s23], $0x400  }
0xf2: {  	[sflag:s23] =	ssyncset.done $0x0  }
0xf3: {  	s6 =	sadd.s32 $0xC380, s5;
	[sflag:s23] =	ssyncadd.s32 $0xFFFFFC00  }
0xf4: {  	[spmem:s2] =	stream.indirect.scatter.add.f32 [tilespmem:s18], [sflag:$0x6], $0x8, s6, s17, $0xb8;
	[tilespmem:$0x1FF00] =	vst v63  }
0xf5: {  	_ =	swait.ge [sflag:s24], $0x400  }
0xf6: {  	[sflag:s24] =	ssyncset.done $0x0  }
0xf7: {  	s6 =	sadd.s32 $0x200, s5;
	[sflag:s24] =	ssyncadd.s32 $0xFFFFFC00  }
0xf8: {  	[tilespmem:s18], [sflag:$0x1] =	stream.indirect.gather [hbm4b:s4+s17], $0x8, s6, s17, $0xb8;
	[tilespmem:$0x1FF00] =	vst v63  }
0xf9: {  	_ =	swait.ge [sflag:s25], $0x400  }
0xfa: {  	[sflag:s25] =	ssyncset.done $0x0  }
0xfb: {  	s6 =	sadd.s32 $0xC400, s5;
	[sflag:s25] =	ssyncadd.s32 $0xFFFFFC00  }
0xfc: {  	[spmem:s2] =	stream.indirect.scatter.add.f32 [tilespmem:s19], [sflag:$0x6], $0x8, s6, s17, $0xb8;
	[tilespmem:$0x1FF00] =	vst v63  }
0xfd: {  	_ =	swait.ge [sflag:s24], $0x400  }
0xfe: {  	[sflag:s24] =	ssyncset.done $0x0  }
0xff: {  	s6 =	sadd.s32 $0x280, s5;
	[sflag:s24] =	ssyncadd.s32 $0xFFFFFC00  }
0x100: {  	[tilespmem:s19], [sflag:$0x2] =	stream.indirect.gather [hbm4b:s4+s17], $0x8, s6, s17, $0xb8;
	[tilespmem:$0x1FF00] =	vst v63  }
0x101: {  	_ =	swait.ge [sflag:s26], $0x400  }
0x102: {  	[sflag:s26] =	ssyncset.done $0x0  }
0x103: {  	s6 =	sadd.s32 $0xC480, s5;
	[sflag:s26] =	ssyncadd.s32 $0xFFFFFC00  }
0x104: {  	[spmem:s2] =	stream.indirect.scatter.add.f32 [tilespmem:s21], [sflag:$0x6], $0x8, s6, s17, $0xb8;
	[tilespmem:$0x1FF00] =	vst v63  }
0x105: {  	_ =	swait.ge [sflag:s24], $0x400  }
0x106: {  	[sflag:s24] =	ssyncset.done $0x0  }
0x107: {  	s6 =	sadd.s32 $0x300, s5;
	[sflag:s24] =	ssyncadd.s32 $0xFFFFFC00  }
0x108: {  	[tilespmem:s21], [sflag:$0x3] =	stream.indirect.gather [hbm4b:s4+s17], $0x8, s6, s17, $0xb8;
	[tilespmem:$0x1FF00] =	vst v63  }
0x109: {  	_ =	swait.ge [sflag:s28], $0x400  }
.Ltmp5:
0x10a: {  	[sflag:s28] =	ssyncset.done $0x0;
	(pc) =	sbr.rel @p0 .LBB2_12-.Ltmp5, $4  }
0x10b: {  	s5 =	sadd.s32 $0xC500, s5;
	[sflag:s28] =	ssyncadd.s32 $0xFFFFFC00  }
0x10c: {  	[spmem:s2] =	stream.indirect.scatter.add.f32 [tilespmem:s22], [sflag:$0x5], $0x8, s5, s17, $0xb8;
	[tilespmem:$0x1FF00] =	vst v63  }
0x10d: {  	_ =	swait.ge [sflag:s14], $0x400  }
0x10e: {  	s6 =	smov.u32 s9;
	s5 =	sshra.s32 s7, $0x2;
	[sflag:s14] =	ssyncset.done $0x0  }
0x10f: {  	s6 =	sadd.s32 $0x180, s5;
	[sflag:s14] =	ssyncadd.s32 $0xFFFFFC00  }
0x110: {  	[tilespmem:s22], [sflag:$0x4] =	stream.indirect.gather [hbm4b:s4+s17], $0x8, s6, s17, $0xb8;
	[tilespmem:$0x1FF00] =	vst v63  }
0x111: {  	_ =	swait.ge [sflag:s23], $0x400  }
0x112: {  	[sflag:s23] =	ssyncset.done $0x0  }
0x113: {  	s9 =	sadd.s32 $0xC380, s5;
	[sflag:s23] =	ssyncadd.s32 $0xFFFFFC00  }
0x114: {  	[spmem:s2] =	stream.indirect.scatter.add.f32 [tilespmem:s18], [sflag:$0x6], $0x8, s9, s17, $0xb8;
	[tilespmem:$0x1FF00] =	vst v63  }
0x115: {  	_ =	swait.ge [sflag:s24], $0x400  }
0x116: {  	[sflag:s24] =	ssyncset.done $0x0  }
0x117: {  	s10 =	sadd.s32 $0x200, s5;
	[sflag:s24] =	ssyncadd.s32 $0xFFFFFC00  }
0x118: {  	[tilespmem:s18], [sflag:$0x1] =	stream.indirect.gather [hbm4b:s4+s17], $0x8, s10, s17, $0xb8;
	[tilespmem:$0x1FF00] =	vst v63  }
0x119: {  	_ =	swait.ge [sflag:s25], $0x400  }
0x11a: {  	[sflag:s25] =	ssyncset.done $0x0  }
0x11b: {  	s7 =	sadd.s32 $0xC400, s5;
	[sflag:s25] =	ssyncadd.s32 $0xFFFFFC00  }
0x11c: {  	[spmem:s2] =	stream.indirect.scatter.add.f32 [tilespmem:s19], [sflag:$0x6], $0x8, s7, s17, $0xb8;
	[tilespmem:$0x1FF00] =	vst v63  }
0x11d: {  	_ =	swait.ge [sflag:s24], $0x400  }
0x11e: {  	[sflag:s24] =	ssyncset.done $0x0  }
0x11f: {  	s9 =	sadd.s32 $0x280, s5;
	[sflag:s24] =	ssyncadd.s32 $0xFFFFFC00  }
0x120: {  	[tilespmem:s19], [sflag:$0x2] =	stream.indirect.gather [hbm4b:s4+s17], $0x8, s9, s17, $0xb8;
	[tilespmem:$0x1FF00] =	vst v63  }
0x121: {  	_ =	swait.ge [sflag:s26], $0x400  }
0x122: {  	[sflag:s26] =	ssyncset.done $0x0  }
0x123: {  	s10 =	sadd.s32 $0xC480, s5;
	[sflag:s26] =	ssyncadd.s32 $0xFFFFFC00  }
0x124: {  	[spmem:s2] =	stream.indirect.scatter.add.f32 [tilespmem:s21], [sflag:$0x6], $0x8, s10, s17, $0xb8;
	[tilespmem:$0x1FF00] =	vst v63  }
0x125: {  	_ =	swait.ge [sflag:s24], $0x400  }
0x126: {  	[sflag:s24] =	ssyncset.done $0x0  }
0x127: {  	s7 =	sadd.s32 $0x300, s5;
	[sflag:s24] =	ssyncadd.s32 $0xFFFFFC00  }
0x128: {  	[tilespmem:s21], [sflag:$0x3] =	stream.indirect.gather [hbm4b:s4+s17], $0x8, s7, s17, $0xb8;
	[tilespmem:$0x1FF00] =	vst v63  }
0x129: {  	_ =	swait.ge [sflag:s28], $0x400  }
0x12a: {  	[sflag:s28] =	ssyncset.done $0x0  }
0x12b: {  	s9 =	sadd.s32 $0xC500, s5;
	[sflag:s28] =	ssyncadd.s32 $0xFFFFFC00  }
0x12c: {  	[spmem:s2] =	stream.indirect.scatter.add.f32 [tilespmem:s22], [sflag:$0x5], $0x8, s9, s17, $0xb8;
	[tilespmem:$0x1FF00] =	vst v63  }
0x12d: {  	_ =	swait.ge [sflag:s14], $0x400  }
0x12e: {  	[sflag:s14] =	ssyncset.done $0x0  }
0x12f: {  	[sflag:s14] =	ssyncadd.s32 $0xFFFFFC00  }
0x130: {  	_ =	swait.ge [sflag:s23], $0x400  }
0x131: {  	[sflag:s23] =	ssyncset.done $0x0  }
0x132: {  	[sflag:s23] =	ssyncadd.s32 $0xFFFFFC00  }
0x133: {  	[spmem:s2] =	stream.indirect.scatter.add.f32 [tilespmem:s18], [sflag:$0x6], $0x8, s29, s17, $0xb8;
	[tilespmem:$0x1FF00] =	vst v63  }
0x134: {  	_ =	swait.ge [sflag:s24], $0x400  }
0x135: {  	[sflag:s24] =	ssyncset.done $0x0  }
0x136: {  	[sflag:s24] =	ssyncadd.s32 $0xFFFFFC00  }
0x137: {  	_ =	swait.ge [sflag:s25], $0x400  }
0x138: {  	[sflag:s25] =	ssyncset.done $0x0  }
0x139: {  	[sflag:s25] =	ssyncadd.s32 $0xFFFFFC00  }
0x13a: {  	[spmem:s2] =	stream.indirect.scatter.add.f32 [tilespmem:s19], [sflag:$0x6], $0x8, s30, s17, $0xb8;
	[tilespmem:$0x1FF00] =	vst v63  }
0x13b: {  	_ =	swait.ge [sflag:s24], $0x400  }
0x13c: {  	[sflag:s24] =	ssyncset.done $0x0  }
0x13d: {  	[sflag:s24] =	ssyncadd.s32 $0xFFFFFC00  }
0x13e: {  	_ =	swait.ge [sflag:s26], $0x400  }
0x13f: {  	[sflag:s26] =	ssyncset.done $0x0  }
0x140: {  	[sflag:s26] =	ssyncadd.s32 $0xFFFFFC00  }
0x141: {  	[spmem:s2] =	stream.indirect.scatter.add.f32 [tilespmem:s21], [sflag:$0x6], $0x8, s31, s17, $0xb8;
	[tilespmem:$0x1FF00] =	vst v63  }
0x142: {  	_ =	swait.ge [sflag:s24], $0x400  }
0x143: {  	[sflag:s24] =	ssyncset.done $0x0  }
0x144: {  	[sflag:s24] =	ssyncadd.s32 $0xFFFFFC00  }
0x145: {  	[bflag:$0x0] =	sbarrier.arrive $0xFFFF  }
0x146: {  	s10 =	rddreg [dreg:$0x7]  }
0x147: {  	[hbm:s10], [sflag:s15] =	dma.local [spmem:s1], $0xC80  }
0x148: {  	_ =	swait.ge [sflag:s14], $0xC80  }
0x149: {  	[sflag:s14] =	ssyncset.done $0x0  }
0x14a: {  	s6 =	simm.s32 $0x40;
	s5 =	simm.s32 $0x0;
	[sflag:s14] =	ssyncadd.s32 $0xFFFFF380  }
.LBB2_14:
0x14b: {  	p0 =	sne.s32 s6, $0x30DC0;
	v1 =	vld [tilespmem:s5+$0x0];
	_ =	sdelay $0x1  }
.Ltmp6:
0x14c: {  	(pc) =	sbr.rel @p0 .LBB2_14-.Ltmp6, $3  }
0x14d: {  	_ =	sdelay $0x1  }
0x14e: {  	v1 =	vadd.s32 $0x1, v1  }
0x14f: {  	[tilespmem:s5+$0x0] =	vst v1;
	s5 =	sshra.s32 s6, $0x2;
	s6 =	sadd.s32 $0x40, s6  }
0x150: {  	v1 =	vld [tilespmem:s5+$0x0];
	_ =	sdelay $0x4  }
0x151: {  	v1 =	vadd.s32 $0x1, v1  }
0x152: {  	s10 =	sadd.s32 $0x0, s8;
	[tilespmem:s5+$0x0] =	vst v1  }
0x153: {  	[spmem:s10] =	stream.linear.scatter [tilespmem:s16], [sflag:$0x5], $0x400, $0x38;
	[tilespmem:$0x1FF00] =	vst v63  }
0x154: {  	s5 =	simm.s32 $0x1000;
	_ =	swait.ge [sflag:s14], $0x400  }
.LBB2_16:
0x155: {  	s6 =	sshra.s32 s5, $0x2;
	[sflag:s14] =	ssyncset.done $0x0;
	p0 =	sne.s32 s5, $0x18000  }
.Ltmp7:
0x156: {  	s6 =	sadd.s32 s6, s8;
	[sflag:s14] =	ssyncadd.s32 $0xFFFFFC00;
	(pc) =	sbr.rel @p0 .LBB2_16-.Ltmp7, $3  }
0x157: {  	[spmem:s6] =	stream.linear.scatter [tilespmem:s16], [sflag:$0x5], $0x400, $0x38;
	[tilespmem:$0x1FF00] =	vst v63  }
0x158: {  	s5 =	sadd.s32 $0x1000, s5;
	_ =	sdelay $0x1  }
0x159: {  	_ =	swait.ge [sflag:s14], $0x400  }
0x15a: {  	[sflag:s14] =	ssyncset.done $0x0  }
0x15b: {  	[sflag:s14] =	ssyncadd.s32 $0xFFFFFC00  }
0x15c: {  	s5 =	simm.s32 $0x0;
	[bflag:$0x0] =	sbarrier.arrive $0xFFFF  }
0x15d: {  	[tilespmem:s18], [sflag:$0x1] =	stream.indirect.gather [hbm4b:s4+s17], $0x8, s5, s17, $0xb8;
	[tilespmem:$0x1FF00] =	vst v63  }
0x15e: {  	_ = 	snop  }
0x15f: {  	[tilespmem:s19], [sflag:$0x2] =	stream.indirect.gather [hbm4b:s4+s17], $0x8, s17, s17, $0xb8;
	[tilespmem:$0x1FF00] =	vst v63  }
0x160: {  	_ = 	snop  }
0x161: {  	[tilespmem:s21], [sflag:$0x3] =	stream.indirect.gather [hbm4b:s4+s17], $0x8, s20, s17, $0xb8;
	[tilespmem:$0x1FF00] =	vst v63  }
0x162: {  	s6 =	simm.s32 $0x180  }
0x163: {  	[tilespmem:s22], [sflag:$0x4] =	stream.indirect.gather [hbm4b:s4+s17], $0x8, s6, s17, $0xb8;
	[tilespmem:$0x1FF00] =	vst v63  }
0x164: {  	_ =	swait.ge [sflag:s23], $0x400  }
0x165: {  	[sflag:s23] =	ssyncset.done $0x0  }
0x166: {  	s7 =	simm.s32 $0xC380;
	[sflag:s23] =	ssyncadd.s32 $0xFFFFFC00  }
0x167: {  	[spmem:s2] =	stream.indirect.scatter.add.f32 [tilespmem:s18], [sflag:$0x6], $0x8, s7, s17, $0xb8;
	[tilespmem:$0x1FF00] =	vst v63  }
0x168: {  	_ =	swait.ge [sflag:s24], $0x400  }
0x169: {  	[sflag:s24] =	ssyncset.done $0x0  }
0x16a: {  	s9 =	simm.s32 $0x200;
	[sflag:s24] =	ssyncadd.s32 $0xFFFFFC00  }
0x16b: {  	[tilespmem:s18], [sflag:$0x1] =	stream.indirect.gather [hbm4b:s4+s17], $0x8, s9, s17, $0xb8;
	[tilespmem:$0x1FF00] =	vst v63  }
0x16c: {  	_ =	swait.ge [sflag:s25], $0x400  }
0x16d: {  	[sflag:s25] =	ssyncset.done $0x0  }
0x16e: {  	s10 =	simm.s32 $0xC400;
	[sflag:s25] =	ssyncadd.s32 $0xFFFFFC00  }
0x16f: {  	[spmem:s2] =	stream.indirect.scatter.add.f32 [tilespmem:s19], [sflag:$0x6], $0x8, s10, s17, $0xb8;
	[tilespmem:$0x1FF00] =	vst v63  }
0x170: {  	_ =	swait.ge [sflag:s24], $0x400  }
0x171: {  	[sflag:s24] =	ssyncset.done $0x0  }
0x172: {  	s6 =	simm.s32 $0x280;
	[sflag:s24] =	ssyncadd.s32 $0xFFFFFC00  }
0x173: {  	[tilespmem:s19], [sflag:$0x2] =	stream.indirect.gather [hbm4b:s4+s17], $0x8, s6, s17, $0xb8;
	[tilespmem:$0x1FF00] =	vst v63  }
0x174: {  	_ =	swait.ge [sflag:s26], $0x400  }
0x175: {  	[sflag:s26] =	ssyncset.done $0x0  }
0x176: {  	s7 =	simm.s32 $0xC480;
	[sflag:s26] =	ssyncadd.s32 $0xFFFFFC00  }
0x177: {  	[spmem:s2] =	stream.indirect.scatter.add.f32 [tilespmem:s21], [sflag:$0x6], $0x8, s7, s17, $0xb8;
	[tilespmem:$0x1FF00] =	vst v63  }
0x178: {  	_ =	swait.ge [sflag:s24], $0x400  }
0x179: {  	[sflag:s24] =	ssyncset.done $0x0  }
0x17a: {  	s9 =	simm.s32 $0x300;
	[sflag:s24] =	ssyncadd.s32 $0xFFFFFC00  }
0x17b: {  	[tilespmem:s21], [sflag:$0x3] =	stream.indirect.gather [hbm4b:s4+s17], $0x8, s9, s17, $0xb8;
	[tilespmem:$0x1FF00] =	vst v63  }
0x17c: {  	_ =	swait.ge [sflag:s28], $0x400  }
0x17d: {  	[sflag:s28] =	ssyncset.done $0x0  }
0x17e: {  	s10 =	simm.s32 $0xC500;
	[sflag:s28] =	ssyncadd.s32 $0xFFFFFC00  }
0x17f: {  	[spmem:s2] =	stream.indirect.scatter.add.f32 [tilespmem:s22], [sflag:$0x5], $0x8, s10, s17, $0xb8;
	[tilespmem:$0x1FF00] =	vst v63  }
0x180: {  	_ =	swait.ge [sflag:s14], $0x400  }
0x181: {  	s5 =	simm.s32 $0x200;
	s9 =	simm.s32 $0x1000;
	[sflag:s14] =	ssyncset.done $0x0  }
.LBB2_18:
0x182: {  	s10 =	sadd.s32 $0x180, s5  }
0x183: {  	[sflag:s14] =	ssyncadd.s32 $0xFFFFFC00;
	s7 =	smov.u32 s9;
	s6 =	sadd.s32 $0x800, s9  }
0x184: {  	[tilespmem:s22], [sflag:$0x4] =	stream.indirect.gather [hbm4b:s4+s17], $0x8, s10, s17, $0xb8;
	[tilespmem:$0x1FF00] =	vst v63  }
0x185: {  	p0 =	sne.s32 s9, $0x30000;
	_ =	swait.ge [sflag:s23], $0x400  }
0x186: {  	[sflag:s23] =	ssyncset.done $0x0  }
0x187: {  	s9 =	sadd.s32 $0xC380, s5;
	[sflag:s23] =	ssyncadd.s32 $0xFFFFFC00  }
0x188: {  	[spmem:s2] =	stream.indirect.scatter.add.f32 [tilespmem:s18], [sflag:$0x6], $0x8, s9, s17, $0xb8;
	[tilespmem:$0x1FF00] =	vst v63  }
0x189: {  	_ =	swait.ge [sflag:s24], $0x400  }
0x18a: {  	[sflag:s24] =	ssyncset.done $0x0  }
0x18b: {  	s9 =	sadd.s32 $0x200, s5;
	[sflag:s24] =	ssyncadd.s32 $0xFFFFFC00  }
0x18c: {  	[tilespmem:s18], [sflag:$0x1] =	stream.indirect.gather [hbm4b:s4+s17], $0x8, s9, s17, $0xb8;
	[tilespmem:$0x1FF00] =	vst v63  }
0x18d: {  	_ =	swait.ge [sflag:s25], $0x400  }
0x18e: {  	[sflag:s25] =	ssyncset.done $0x0  }
0x18f: {  	s9 =	sadd.s32 $0xC400, s5;
	[sflag:s25] =	ssyncadd.s32 $0xFFFFFC00  }
0x190: {  	[spmem:s2] =	stream.indirect.scatter.add.f32 [tilespmem:s19], [sflag:$0x6], $0x8, s9, s17, $0xb8;
	[tilespmem:$0x1FF00] =	vst v63  }
0x191: {  	_ =	swait.ge [sflag:s24], $0x400  }
0x192: {  	[sflag:s24] =	ssyncset.done $0x0  }
0x193: {  	s9 =	sadd.s32 $0x280, s5;
	[sflag:s24] =	ssyncadd.s32 $0xFFFFFC00  }
0x194: {  	[tilespmem:s19], [sflag:$0x2] =	stream.indirect.gather [hbm4b:s4+s17], $0x8, s9, s17, $0xb8;
	[tilespmem:$0x1FF00] =	vst v63  }
0x195: {  	_ =	swait.ge [sflag:s26], $0x400  }
0x196: {  	[sflag:s26] =	ssyncset.done $0x0  }
0x197: {  	s9 =	sadd.s32 $0xC480, s5;
	[sflag:s26] =	ssyncadd.s32 $0xFFFFFC00  }
0x198: {  	[spmem:s2] =	stream.indirect.scatter.add.f32 [tilespmem:s21], [sflag:$0x6], $0x8, s9, s17, $0xb8;
	[tilespmem:$0x1FF00] =	vst v63  }
0x199: {  	_ =	swait.ge [sflag:s24], $0x400  }
0x19a: {  	[sflag:s24] =	ssyncset.done $0x0  }
0x19b: {  	s9 =	sadd.s32 $0x300, s5;
	[sflag:s24] =	ssyncadd.s32 $0xFFFFFC00  }
0x19c: {  	[tilespmem:s21], [sflag:$0x3] =	stream.indirect.gather [hbm4b:s4+s17], $0x8, s9, s17, $0xb8;
	[tilespmem:$0x1FF00] =	vst v63  }
0x19d: {  	_ =	swait.ge [sflag:s28], $0x400  }
.Ltmp8:
0x19e: {  	[sflag:s28] =	ssyncset.done $0x0;
	(pc) =	sbr.rel @p0 .LBB2_18-.Ltmp8, $4  }
0x19f: {  	s5 =	sadd.s32 $0xC500, s5;
	[sflag:s28] =	ssyncadd.s32 $0xFFFFFC00  }
0x1a0: {  	[spmem:s2] =	stream.indirect.scatter.add.f32 [tilespmem:s22], [sflag:$0x5], $0x8, s5, s17, $0xb8;
	[tilespmem:$0x1FF00] =	vst v63  }
0x1a1: {  	_ =	swait.ge [sflag:s14], $0x400  }
0x1a2: {  	s9 =	smov.u32 s6;
	s5 =	sshra.s32 s7, $0x2;
	[sflag:s14] =	ssyncset.done $0x0  }
0x1a3: {  	s6 =	sadd.s32 $0x180, s5;
	[sflag:s14] =	ssyncadd.s32 $0xFFFFFC00  }
0x1a4: {  	[tilespmem:s22], [sflag:$0x4] =	stream.indirect.gather [hbm4b:s4+s17], $0x8, s6, s17, $0xb8;
	[tilespmem:$0x1FF00] =	vst v63  }
0x1a5: {  	_ =	swait.ge [sflag:s23], $0x400  }
0x1a6: {  	[sflag:s23] =	ssyncset.done $0x0  }
0x1a7: {  	s10 =	sadd.s32 $0xC380, s5;
	[sflag:s23] =	ssyncadd.s32 $0xFFFFFC00  }
0x1a8: {  	[spmem:s2] =	stream.indirect.scatter.add.f32 [tilespmem:s18], [sflag:$0x6], $0x8, s10, s17, $0xb8;
	[tilespmem:$0x1FF00] =	vst v63  }
0x1a9: {  	_ =	swait.ge [sflag:s24], $0x400  }
0x1aa: {  	[sflag:s24] =	ssyncset.done $0x0  }
0x1ab: {  	s7 =	sadd.s32 $0x200, s5;
	[sflag:s24] =	ssyncadd.s32 $0xFFFFFC00  }
0x1ac: {  	[tilespmem:s18], [sflag:$0x1] =	stream.indirect.gather [hbm4b:s4+s17], $0x8, s7, s17, $0xb8;
	[tilespmem:$0x1FF00] =	vst v63  }
0x1ad: {  	_ =	swait.ge [sflag:s25], $0x400  }
0x1ae: {  	[sflag:s25] =	ssyncset.done $0x0  }
0x1af: {  	s9 =	sadd.s32 $0xC400, s5;
	[sflag:s25] =	ssyncadd.s32 $0xFFFFFC00  }
0x1b0: {  	[spmem:s2] =	stream.indirect.scatter.add.f32 [tilespmem:s19], [sflag:$0x6], $0x8, s9, s17, $0xb8;
	[tilespmem:$0x1FF00] =	vst v63  }
0x1b1: {  	_ =	swait.ge [sflag:s24], $0x400  }
0x1b2: {  	[sflag:s24] =	ssyncset.done $0x0  }
0x1b3: {  	s10 =	sadd.s32 $0x280, s5;
	[sflag:s24] =	ssyncadd.s32 $0xFFFFFC00  }
0x1b4: {  	[tilespmem:s19], [sflag:$0x2] =	stream.indirect.gather [hbm4b:s4+s17], $0x8, s10, s17, $0xb8;
	[tilespmem:$0x1FF00] =	vst v63  }
0x1b5: {  	_ =	swait.ge [sflag:s26], $0x400  }
0x1b6: {  	[sflag:s26] =	ssyncset.done $0x0  }
0x1b7: {  	s7 =	sadd.s32 $0xC480, s5;
	[sflag:s26] =	ssyncadd.s32 $0xFFFFFC00  }
0x1b8: {  	[spmem:s2] =	stream.indirect.scatter.add.f32 [tilespmem:s21], [sflag:$0x6], $0x8, s7, s17, $0xb8;
	[tilespmem:$0x1FF00] =	vst v63  }
0x1b9: {  	_ =	swait.ge [sflag:s24], $0x400  }
0x1ba: {  	[sflag:s24] =	ssyncset.done $0x0  }
0x1bb: {  	s9 =	sadd.s32 $0x300, s5;
	[sflag:s24] =	ssyncadd.s32 $0xFFFFFC00  }
0x1bc: {  	[tilespmem:s21], [sflag:$0x3] =	stream.indirect.gather [hbm4b:s4+s17], $0x8, s9, s17, $0xb8;
	[tilespmem:$0x1FF00] =	vst v63  }
0x1bd: {  	_ =	swait.ge [sflag:s28], $0x400  }
0x1be: {  	[sflag:s28] =	ssyncset.done $0x0  }
0x1bf: {  	s10 =	sadd.s32 $0xC500, s5;
	[sflag:s28] =	ssyncadd.s32 $0xFFFFFC00  }
0x1c0: {  	[spmem:s2] =	stream.indirect.scatter.add.f32 [tilespmem:s22], [sflag:$0x5], $0x8, s10, s17, $0xb8;
	[tilespmem:$0x1FF00] =	vst v63  }
0x1c1: {  	_ =	swait.ge [sflag:s14], $0x400  }
0x1c2: {  	[sflag:s14] =	ssyncset.done $0x0  }
0x1c3: {  	[sflag:s14] =	ssyncadd.s32 $0xFFFFFC00  }
0x1c4: {  	_ =	swait.ge [sflag:s23], $0x400  }
0x1c5: {  	[sflag:s23] =	ssyncset.done $0x0  }
0x1c6: {  	[sflag:s23] =	ssyncadd.s32 $0xFFFFFC00  }
0x1c7: {  	[spmem:s2] =	stream.indirect.scatter.add.f32 [tilespmem:s18], [sflag:$0x6], $0x8, s29, s17, $0xb8;
	[tilespmem:$0x1FF00] =	vst v63  }
0x1c8: {  	_ =	swait.ge [sflag:s24], $0x400  }
0x1c9: {  	[sflag:s24] =	ssyncset.done $0x0  }
0x1ca: {  	[sflag:s24] =	ssyncadd.s32 $0xFFFFFC00  }
0x1cb: {  	_ =	swait.ge [sflag:s25], $0x400  }
0x1cc: {  	[sflag:s25] =	ssyncset.done $0x0  }
0x1cd: {  	[sflag:s25] =	ssyncadd.s32 $0xFFFFFC00  }
0x1ce: {  	[spmem:s2] =	stream.indirect.scatter.add.f32 [tilespmem:s19], [sflag:$0x6], $0x8, s30, s17, $0xb8;
	[tilespmem:$0x1FF00] =	vst v63  }
0x1cf: {  	_ =	swait.ge [sflag:s24], $0x400  }
0x1d0: {  	[sflag:s24] =	ssyncset.done $0x0  }
0x1d1: {  	[sflag:s24] =	ssyncadd.s32 $0xFFFFFC00  }
0x1d2: {  	_ =	swait.ge [sflag:s26], $0x400  }
0x1d3: {  	[sflag:s26] =	ssyncset.done $0x0  }
0x1d4: {  	[sflag:s26] =	ssyncadd.s32 $0xFFFFFC00  }
0x1d5: {  	[spmem:s2] =	stream.indirect.scatter.add.f32 [tilespmem:s21], [sflag:$0x6], $0x8, s31, s17, $0xb8;
	[tilespmem:$0x1FF00] =	vst v63  }
0x1d6: {  	_ =	swait.ge [sflag:s24], $0x400  }
0x1d7: {  	[sflag:s24] =	ssyncset.done $0x0  }
0x1d8: {  	[sflag:s24] =	ssyncadd.s32 $0xFFFFFC00  }
0x1d9: {  	[bflag:$0x0] =	sbarrier.arrive $0xFFFF  }
0x1da: {  	[hbm:s11], [sflag:s15] =	dma.local [spmem:s1], $0xC80  }
0x1db: {  	_ =	swait.ge [sflag:s14], $0xC80  }
0x1dc: {  	[sflag:s14] =	ssyncset.done $0x0  }
0x1dd: {  	s6 =	simm.s32 $0x40;
	s5 =	simm.s32 $0x0;
	[sflag:s14] =	ssyncadd.s32 $0xFFFFF380  }
.LBB2_20:
0x1de: {  	p0 =	sne.s32 s6, $0x30DC0;
	v1 =	vld [tilespmem:s5+$0x0];
	_ =	sdelay $0x1  }
.Ltmp9:
0x1df: {  	(pc) =	sbr.rel @p0 .LBB2_20-.Ltmp9, $3  }
0x1e0: {  	_ =	sdelay $0x1  }
0x1e1: {  	v1 =	vadd.s32 $0x1, v1  }
0x1e2: {  	[tilespmem:s5+$0x0] =	vst v1;
	s5 =	sshra.s32 s6, $0x2;
	s6 =	sadd.s32 $0x40, s6  }
0x1e3: {  	v1 =	vld [tilespmem:s5+$0x0];
	_ =	sdelay $0x4  }
0x1e4: {  	v1 =	vadd.s32 $0x1, v1  }
0x1e5: {  	s10 =	sadd.s32 $0x0, s8;
	[tilespmem:s5+$0x0] =	vst v1  }
0x1e6: {  	[spmem:s10] =	stream.linear.scatter [tilespmem:s16], [sflag:$0x5], $0x400, $0x38;
	[tilespmem:$0x1FF00] =	vst v63  }
0x1e7: {  	s5 =	simm.s32 $0x1000;
	_ =	swait.ge [sflag:s14], $0x400  }
.LBB2_22:
0x1e8: {  	s6 =	sshra.s32 s5, $0x2;
	[sflag:s14] =	ssyncset.done $0x0;
	p0 =	sne.s32 s5, $0x18000  }
.Ltmp10:
0x1e9: {  	s6 =	sadd.s32 s6, s8;
	[sflag:s14] =	ssyncadd.s32 $0xFFFFFC00;
	(pc) =	sbr.rel @p0 .LBB2_22-.Ltmp10, $3  }
0x1ea: {  	[spmem:s6] =	stream.linear.scatter [tilespmem:s16], [sflag:$0x5], $0x400, $0x38;
	[tilespmem:$0x1FF00] =	vst v63  }
0x1eb: {  	s5 =	sadd.s32 $0x1000, s5;
	_ =	sdelay $0x1  }
0x1ec: {  	_ =	swait.ge [sflag:s14], $0x400  }
0x1ed: {  	[sflag:s14] =	ssyncset.done $0x0  }
0x1ee: {  	[sflag:s14] =	ssyncadd.s32 $0xFFFFFC00  }
0x1ef: {  	s5 =	simm.s32 $0x0;
	[bflag:$0x0] =	sbarrier.arrive $0xFFFF  }
0x1f0: {  	[tilespmem:s18], [sflag:$0x1] =	stream.indirect.gather [hbm4b:s4+s17], $0x8, s5, s17, $0xb8;
	[tilespmem:$0x1FF00] =	vst v63  }
0x1f1: {  	_ = 	snop  }
0x1f2: {  	[tilespmem:s19], [sflag:$0x2] =	stream.indirect.gather [hbm4b:s4+s17], $0x8, s17, s17, $0xb8;
	[tilespmem:$0x1FF00] =	vst v63  }
0x1f3: {  	_ = 	snop  }
0x1f4: {  	[tilespmem:s21], [sflag:$0x3] =	stream.indirect.gather [hbm4b:s4+s17], $0x8, s20, s17, $0xb8;
	[tilespmem:$0x1FF00] =	vst v63  }
0x1f5: {  	s6 =	simm.s32 $0x180  }
0x1f6: {  	[tilespmem:s22], [sflag:$0x4] =	stream.indirect.gather [hbm4b:s4+s17], $0x8, s6, s17, $0xb8;
	[tilespmem:$0x1FF00] =	vst v63  }
0x1f7: {  	_ =	swait.ge [sflag:s23], $0x400  }
0x1f8: {  	[sflag:s23] =	ssyncset.done $0x0  }
0x1f9: {  	s7 =	simm.s32 $0xC380;
	[sflag:s23] =	ssyncadd.s32 $0xFFFFFC00  }
0x1fa: {  	[spmem:s2] =	stream.indirect.scatter.add.f32 [tilespmem:s18], [sflag:$0x6], $0x8, s7, s17, $0xb8;
	[tilespmem:$0x1FF00] =	vst v63  }
0x1fb: {  	_ =	swait.ge [sflag:s24], $0x400  }
0x1fc: {  	[sflag:s24] =	ssyncset.done $0x0  }
0x1fd: {  	s9 =	simm.s32 $0x200;
	[sflag:s24] =	ssyncadd.s32 $0xFFFFFC00  }
0x1fe: {  	[tilespmem:s18], [sflag:$0x1] =	stream.indirect.gather [hbm4b:s4+s17], $0x8, s9, s17, $0xb8;
	[tilespmem:$0x1FF00] =	vst v63  }
0x1ff: {  	_ =	swait.ge [sflag:s25], $0x400  }
0x200: {  	[sflag:s25] =	ssyncset.done $0x0  }
0x201: {  	s10 =	simm.s32 $0xC400;
	[sflag:s25] =	ssyncadd.s32 $0xFFFFFC00  }
0x202: {  	[spmem:s2] =	stream.indirect.scatter.add.f32 [tilespmem:s19], [sflag:$0x6], $0x8, s10, s17, $0xb8;
	[tilespmem:$0x1FF00] =	vst v63  }
0x203: {  	_ =	swait.ge [sflag:s24], $0x400  }
0x204: {  	[sflag:s24] =	ssyncset.done $0x0  }
0x205: {  	s6 =	simm.s32 $0x280;
	[sflag:s24] =	ssyncadd.s32 $0xFFFFFC00  }
0x206: {  	[tilespmem:s19], [sflag:$0x2] =	stream.indirect.gather [hbm4b:s4+s17], $0x8, s6, s17, $0xb8;
	[tilespmem:$0x1FF00] =	vst v63  }
0x207: {  	_ =	swait.ge [sflag:s26], $0x400  }
0x208: {  	[sflag:s26] =	ssyncset.done $0x0  }
0x209: {  	s7 =	simm.s32 $0xC480;
	[sflag:s26] =	ssyncadd.s32 $0xFFFFFC00  }
0x20a: {  	[spmem:s2] =	stream.indirect.scatter.add.f32 [tilespmem:s21], [sflag:$0x6], $0x8, s7, s17, $0xb8;
	[tilespmem:$0x1FF00] =	vst v63  }
0x20b: {  	_ =	swait.ge [sflag:s24], $0x400  }
0x20c: {  	[sflag:s24] =	ssyncset.done $0x0  }
0x20d: {  	s9 =	simm.s32 $0x300;
	[sflag:s24] =	ssyncadd.s32 $0xFFFFFC00  }
0x20e: {  	[tilespmem:s21], [sflag:$0x3] =	stream.indirect.gather [hbm4b:s4+s17], $0x8, s9, s17, $0xb8;
	[tilespmem:$0x1FF00] =	vst v63  }
0x20f: {  	_ =	swait.ge [sflag:s28], $0x400  }
0x210: {  	[sflag:s28] =	ssyncset.done $0x0  }
0x211: {  	s10 =	simm.s32 $0xC500;
	[sflag:s28] =	ssyncadd.s32 $0xFFFFFC00  }
0x212: {  	[spmem:s2] =	stream.indirect.scatter.add.f32 [tilespmem:s22], [sflag:$0x5], $0x8, s10, s17, $0xb8;
	[tilespmem:$0x1FF00] =	vst v63  }
0x213: {  	_ =	swait.ge [sflag:s14], $0x400  }
0x214: {  	s5 =	simm.s32 $0x200;
	s9 =	simm.s32 $0x1000;
	[sflag:s14] =	ssyncset.done $0x0  }
.LBB2_24:
0x215: {  	s10 =	sadd.s32 $0x180, s5  }
0x216: {  	[sflag:s14] =	ssyncadd.s32 $0xFFFFFC00;
	s7 =	smov.u32 s9;
	s6 =	sadd.s32 $0x800, s9  }
0x217: {  	[tilespmem:s22], [sflag:$0x4] =	stream.indirect.gather [hbm4b:s4+s17], $0x8, s10, s17, $0xb8;
	[tilespmem:$0x1FF00] =	vst v63  }
0x218: {  	p0 =	sne.s32 s9, $0x30000;
	_ =	swait.ge [sflag:s23], $0x400  }
0x219: {  	[sflag:s23] =	ssyncset.done $0x0  }
0x21a: {  	s9 =	sadd.s32 $0xC380, s5;
	[sflag:s23] =	ssyncadd.s32 $0xFFFFFC00  }
0x21b: {  	[spmem:s2] =	stream.indirect.scatter.add.f32 [tilespmem:s18], [sflag:$0x6], $0x8, s9, s17, $0xb8;
	[tilespmem:$0x1FF00] =	vst v63  }
0x21c: {  	_ =	swait.ge [sflag:s24], $0x400  }
0x21d: {  	[sflag:s24] =	ssyncset.done $0x0  }
0x21e: {  	s9 =	sadd.s32 $0x200, s5;
	[sflag:s24] =	ssyncadd.s32 $0xFFFFFC00  }
0x21f: {  	[tilespmem:s18], [sflag:$0x1] =	stream.indirect.gather [hbm4b:s4+s17], $0x8, s9, s17, $0xb8;
	[tilespmem:$0x1FF00] =	vst v63  }
0x220: {  	_ =	swait.ge [sflag:s25], $0x400  }
0x221: {  	[sflag:s25] =	ssyncset.done $0x0  }
0x222: {  	s9 =	sadd.s32 $0xC400, s5;
	[sflag:s25] =	ssyncadd.s32 $0xFFFFFC00  }
0x223: {  	[spmem:s2] =	stream.indirect.scatter.add.f32 [tilespmem:s19], [sflag:$0x6], $0x8, s9, s17, $0xb8;
	[tilespmem:$0x1FF00] =	vst v63  }
0x224: {  	_ =	swait.ge [sflag:s24], $0x400  }
0x225: {  	[sflag:s24] =	ssyncset.done $0x0  }
0x226: {  	s9 =	sadd.s32 $0x280, s5;
	[sflag:s24] =	ssyncadd.s32 $0xFFFFFC00  }
0x227: {  	[tilespmem:s19], [sflag:$0x2] =	stream.indirect.gather [hbm4b:s4+s17], $0x8, s9, s17, $0xb8;
	[tilespmem:$0x1FF00] =	vst v63  }
0x228: {  	_ =	swait.ge [sflag:s26], $0x400  }
0x229: {  	[sflag:s26] =	ssyncset.done $0x0  }
0x22a: {  	s9 =	sadd.s32 $0xC480, s5;
	[sflag:s26] =	ssyncadd.s32 $0xFFFFFC00  }
0x22b: {  	[spmem:s2] =	stream.indirect.scatter.add.f32 [tilespmem:s21], [sflag:$0x6], $0x8, s9, s17, $0xb8;
	[tilespmem:$0x1FF00] =	vst v63  }
0x22c: {  	_ =	swait.ge [sflag:s24], $0x400  }
0x22d: {  	[sflag:s24] =	ssyncset.done $0x0  }
0x22e: {  	s9 =	sadd.s32 $0x300, s5;
	[sflag:s24] =	ssyncadd.s32 $0xFFFFFC00  }
0x22f: {  	[tilespmem:s21], [sflag:$0x3] =	stream.indirect.gather [hbm4b:s4+s17], $0x8, s9, s17, $0xb8;
	[tilespmem:$0x1FF00] =	vst v63  }
0x230: {  	_ =	swait.ge [sflag:s28], $0x400  }
.Ltmp11:
0x231: {  	[sflag:s28] =	ssyncset.done $0x0;
	(pc) =	sbr.rel @p0 .LBB2_24-.Ltmp11, $4  }
0x232: {  	s5 =	sadd.s32 $0xC500, s5;
	[sflag:s28] =	ssyncadd.s32 $0xFFFFFC00  }
0x233: {  	[spmem:s2] =	stream.indirect.scatter.add.f32 [tilespmem:s22], [sflag:$0x5], $0x8, s5, s17, $0xb8;
	[tilespmem:$0x1FF00] =	vst v63  }
0x234: {  	_ =	swait.ge [sflag:s14], $0x400  }
0x235: {  	s9 =	smov.u32 s6;
	s5 =	sshra.s32 s7, $0x2;
	[sflag:s14] =	ssyncset.done $0x0  }
0x236: {  	s6 =	sadd.s32 $0x180, s5;
	[sflag:s14] =	ssyncadd.s32 $0xFFFFFC00  }
0x237: {  	[tilespmem:s22], [sflag:$0x4] =	stream.indirect.gather [hbm4b:s4+s17], $0x8, s6, s17, $0xb8;
	[tilespmem:$0x1FF00] =	vst v63  }
0x238: {  	_ =	swait.ge [sflag:s23], $0x400  }
0x239: {  	[sflag:s23] =	ssyncset.done $0x0  }
0x23a: {  	s10 =	sadd.s32 $0xC380, s5;
	[sflag:s23] =	ssyncadd.s32 $0xFFFFFC00  }
0x23b: {  	[spmem:s2] =	stream.indirect.scatter.add.f32 [tilespmem:s18], [sflag:$0x6], $0x8, s10, s17, $0xb8;
	[tilespmem:$0x1FF00] =	vst v63  }
0x23c: {  	_ =	swait.ge [sflag:s24], $0x400  }
0x23d: {  	[sflag:s24] =	ssyncset.done $0x0  }
0x23e: {  	s7 =	sadd.s32 $0x200, s5;
	[sflag:s24] =	ssyncadd.s32 $0xFFFFFC00  }
0x23f: {  	[tilespmem:s18], [sflag:$0x1] =	stream.indirect.gather [hbm4b:s4+s17], $0x8, s7, s17, $0xb8;
	[tilespmem:$0x1FF00] =	vst v63  }
0x240: {  	_ =	swait.ge [sflag:s25], $0x400  }
0x241: {  	[sflag:s25] =	ssyncset.done $0x0  }
0x242: {  	s9 =	sadd.s32 $0xC400, s5;
	[sflag:s25] =	ssyncadd.s32 $0xFFFFFC00  }
0x243: {  	[spmem:s2] =	stream.indirect.scatter.add.f32 [tilespmem:s19], [sflag:$0x6], $0x8, s9, s17, $0xb8;
	[tilespmem:$0x1FF00] =	vst v63  }
0x244: {  	_ =	swait.ge [sflag:s24], $0x400  }
0x245: {  	[sflag:s24] =	ssyncset.done $0x0  }
0x246: {  	s10 =	sadd.s32 $0x280, s5;
	[sflag:s24] =	ssyncadd.s32 $0xFFFFFC00  }
0x247: {  	[tilespmem:s19], [sflag:$0x2] =	stream.indirect.gather [hbm4b:s4+s17], $0x8, s10, s17, $0xb8;
	[tilespmem:$0x1FF00] =	vst v63  }
0x248: {  	_ =	swait.ge [sflag:s26], $0x400  }
0x249: {  	[sflag:s26] =	ssyncset.done $0x0  }
0x24a: {  	s7 =	sadd.s32 $0xC480, s5;
	[sflag:s26] =	ssyncadd.s32 $0xFFFFFC00  }
0x24b: {  	[spmem:s2] =	stream.indirect.scatter.add.f32 [tilespmem:s21], [sflag:$0x6], $0x8, s7, s17, $0xb8;
	[tilespmem:$0x1FF00] =	vst v63  }
0x24c: {  	_ =	swait.ge [sflag:s24], $0x400  }
0x24d: {  	[sflag:s24] =	ssyncset.done $0x0  }
0x24e: {  	s9 =	sadd.s32 $0x300, s5;
	[sflag:s24] =	ssyncadd.s32 $0xFFFFFC00  }
0x24f: {  	[tilespmem:s21], [sflag:$0x3] =	stream.indirect.gather [hbm4b:s4+s17], $0x8, s9, s17, $0xb8;
	[tilespmem:$0x1FF00] =	vst v63  }
0x250: {  	_ =	swait.ge [sflag:s28], $0x400  }
0x251: {  	[sflag:s28] =	ssyncset.done $0x0  }
0x252: {  	s10 =	sadd.s32 $0xC500, s5;
	[sflag:s28] =	ssyncadd.s32 $0xFFFFFC00  }
0x253: {  	[spmem:s2] =	stream.indirect.scatter.add.f32 [tilespmem:s22], [sflag:$0x5], $0x8, s10, s17, $0xb8;
	[tilespmem:$0x1FF00] =	vst v63  }
0x254: {  	_ =	swait.ge [sflag:s14], $0x400  }
0x255: {  	[sflag:s14] =	ssyncset.done $0x0  }
0x256: {  	[sflag:s14] =	ssyncadd.s32 $0xFFFFFC00  }
0x257: {  	_ =	swait.ge [sflag:s23], $0x400  }
0x258: {  	[sflag:s23] =	ssyncset.done $0x0  }
0x259: {  	[sflag:s23] =	ssyncadd.s32 $0xFFFFFC00  }
0x25a: {  	[spmem:s2] =	stream.indirect.scatter.add.f32 [tilespmem:s18], [sflag:$0x6], $0x8, s29, s17, $0xb8;
	[tilespmem:$0x1FF00] =	vst v63  }
0x25b: {  	_ =	swait.ge [sflag:s24], $0x400  }
0x25c: {  	[sflag:s24] =	ssyncset.done $0x0  }
0x25d: {  	[sflag:s24] =	ssyncadd.s32 $0xFFFFFC00  }
0x25e: {  	_ =	swait.ge [sflag:s25], $0x400  }
0x25f: {  	[sflag:s25] =	ssyncset.done $0x0  }
0x260: {  	[sflag:s25] =	ssyncadd.s32 $0xFFFFFC00  }
0x261: {  	[spmem:s2] =	stream.indirect.scatter.add.f32 [tilespmem:s19], [sflag:$0x6], $0x8, s30, s17, $0xb8;
	[tilespmem:$0x1FF00] =	vst v63  }
0x262: {  	_ =	swait.ge [sflag:s24], $0x400  }
0x263: {  	[sflag:s24] =	ssyncset.done $0x0  }
0x264: {  	[sflag:s24] =	ssyncadd.s32 $0xFFFFFC00  }
0x265: {  	_ =	swait.ge [sflag:s26], $0x400  }
0x266: {  	[sflag:s26] =	ssyncset.done $0x0  }
0x267: {  	[sflag:s26] =	ssyncadd.s32 $0xFFFFFC00  }
0x268: {  	[spmem:s2] =	stream.indirect.scatter.add.f32 [tilespmem:s21], [sflag:$0x6], $0x8, s31, s17, $0xb8;
	[tilespmem:$0x1FF00] =	vst v63  }
0x269: {  	_ =	swait.ge [sflag:s24], $0x400  }
0x26a: {  	s0 =	sadd.s32 $0x1, s0;
	[sflag:s24] =	ssyncset.done $0x0  }
0x26b: {  	p0 =	sne.s32 s0, s13;
	[sflag:s24] =	ssyncadd.s32 $0xFFFFFC00  }
.Ltmp12:
0x26c: {  	[bflag:$0x0] =	sbarrier.arrive $0xFFFF;
	(pc) =	sbr.rel @p0 .LBB2_1-.Ltmp12, $4  }
0x26d: {  	[hbm:s12], [sflag:s15] =	dma.local [spmem:s1], $0xC80  }
0x26e: {  	_ =	swait.ge [sflag:s14], $0xC80  }
0x26f: {  	[sflag:s14] =	ssyncset.done $0x0  }
0x270: {  	[sflag:s14] =	ssyncadd.s32 $0xFFFFF380  }
0x271: {  	_ =	sfence.sel $0x180000  }
0x272: {  	[bflag:$0x0] =	sbarrier.arrive $0xFFFF  }
0x273: {  	_ =	strace $0x9000004A  }
0x274: {  	s0 =	stileid.u32;
	[bflag:$0x2] =	sbarrier.arrive $0xFFFF  }
0x275: {  	p0 =	sne.s32 s0, $0x0;
	s0 =	rddreg [dreg:$0x2]  }
0x276: {  	s0 =	sadd.s32 @!p0 $0x100000, s0  }
0x277: {  	[sflag:s0] =	ssyncadd.tile.s32 @!p0 $0x1;
	_ =	shalt  }
.Lfunc_end2:
_tile_overlayer_lowered:
.L_overlay_start_2:
0x278: {  	(tag) =	ssettag $0x2  }
0x279: {  	s0 =	rddreg [dreg:$0x0];
	s2 =	stileid.u32  }
0x27a: {  	s1 =	rddreg [dreg:$0x1];
	p0 =	sne.s32 s2, $0x0  }
0x27b: {  	s3 =	rddreg [dreg:$0x2];
	[bflag:$0x3] =	sbarrier.arrive $0xFFFF;
	s2 =	simm.s32 @!p0 $0x1C05  }
0x27c: {  	[timem:s3], [sflag:s2] =	dma.local @!p0 [hbm:s0], s1  }
0x27d: {  	s0 =	simm.s32 @!p0 $0x5  }
0x27e: {  	_ =	swait.ge @!p0 [sflag:s0], s1  }
0x27f: {  	s1 =	ssub.s32 @!p0 $0x0, s1;
	[sflag:s0] =	ssyncset.done @!p0 $0x0  }
0x280: {  	[sflag:s0] =	ssyncadd.s32 @!p0 s1  }
0x281: {  	[bflag:$0x3] =	sbarrier.arrive $0xFFFF  }
0x282: {  	_ =	shalt  }

// kernel: kernel.5.cloned.1.call-start
scs
__scs_entry_jumppad:
0x0: {  	(pc) =	sbr.rel $0x88, $3  }
0x1: {  	(tag) =	ssettag $0x0;
	lr =	simm.s32 $0x1  }
0x2: {  	[smem:$0x3F96] =	sst lr;
	_ =	strace $0xD0000000  }
0x3: {  	_ = 	snop  }
0x4: {  	_ = 	snop  }
0x5: {  	_ = 	snop  }
0x6: {  	_ = 	snop  }
0x7: {  	_ = 	snop  }
__scs_overlays_trampoline_lowered:
0x8: {  	[smem:$0x3FA5] =	sst s0  }
0x9: {  	[smem:$0x3FA6] =	sst s1  }
0xa: {  	[smem:$0x3FA7] =	sst s2  }
0xb: {  	[smem:$0x3FA8] =	sst s3  }
0xc: {  	[smem:$0x3FA9] =	sst s4  }
0xd: {  	[smem:$0x3FAA] =	sst s5  }
0xe: {  	[smem:$0x3FAB] =	sst s6  }
0xf: {  	[smem:$0x3FAC] =	sst s7  }
0x10: {  	[smem:$0x3FAD] =	sst s8  }
0x11: {  	[smem:$0x3FAE] =	sst s9;
	s0 =	simm.s32 @!p0 $0x0  }
0x12: {  	s1 =	sld [smem:$0x3F94];
	s0 =	simm.s32 @p0 $0x1  }
0x13: {  	[smem:$0x3FAF] =	sst s0;
	s0 =	simm.s32 @!p1 $0x0  }
0x14: {  	s2 =	sld [smem:$0x3F93];
	s0 =	simm.s32 @p1 $0x1  }
0x15: {  	[smem:$0x3FB0] =	sst s0;
	s0 =	simm.s32 @!p2 $0x0  }
0x16: {  	s3 =	sld [smem:$0x3FDB];
	s0 =	simm.s32 @p2 $0x1  }
0x17: {  	s4 =	simm.s32 $0x1BF5;
	[smem:$0x3FB2] =	sst s0  }
0x18: {  	s0 =	sld [smem:$0x3F95];
	_ =	swait.ge [sflag:s4], $0x0  }
0x19: {  	s7 =	sld [smem:$0x3F96]  }
0x1a: {  	s8 =	sadd.s32 $0xFFFFE003, lr  }
0x1b: {  	s9 =	sadd.s32 $0xFFFFFEF7, lr;
	s5 =	simm.s32 $0xFFFFFFFF;
	p2 =	slt.u32 s8, $0xFFFFF086  }
0x1c: {  	p1 =	slt.u32 s9, $0xF7A;
	s5 =	simm.s32 @!p2 $0x0  }
0x1d: {  	s5 =	simm.s32 @p1 $0x1;
	p0 =	seq.s32 s7, s2  }
0x1e: {  	s7 =	smul.u32 @!p0 $0xF7A, s2;
	p2 =	seq.s32 @!p0 s5, $0x0  }
0x1f: {  	s9 =	smul.u32 $0xF7A, s1;
	s8 =	simm.s32 @!p0 $0x1BF5;
	p2 =	por !p2, p0  }
0x20: {  	[sflag:s8] =	ssyncset.s32 @!p0 $0xFFFFF086;
	s6 =	sadd.s32 @!p0 s3, s7;
	s7 =	simm.s32 @!p0 $0x108  }
0x21: {  	s3 =	sadd.s32 s3, s9;
	s6 =	sadd.s32 @!p0 $0x88, s6;
	s7 =	simm.s32 @p2 $0x1082  }
0x22: {  	[simem:s7], [sflag:s8] =	dma.local @!p0 [hbm:s6], $0xF7A  }
0x23: {  	s9 =	sor.u32 $0xD0000000, s2;
	s6 =	simm.s32 $0x108;
	_ =	swait.ge @!p0 [sflag:s8], $0x0  }
0x24: {  	s3 =	sadd.s32 $0x88, s3;
	s6 =	simm.s32 @!p1 $0x1082;
	[sflag:s4] =	ssyncset.s32 $0xFFFFF086  }
0x25: {  	[simem:s6], [sflag:s4] =	dma.local [hbm:s3], $0xF7A  }
0x26: {  	[smem:$0x3F96] =	sst s1;
	(tag) =	ssettag s2;
	_ =	strace s9  }
0x27: {  	s1 =	sld [smem:$0x3FA6]  }
0x28: {  	s2 =	sld [smem:$0x3FA7]  }
0x29: {  	s4 =	sld [smem:$0x3FA9]  }
0x2a: {  	p0 =	seq.s32 s5, $0x0;
	s5 =	sld [smem:$0x3FAA]  }
0x2b: {  	s6 =	sld [smem:$0x3FAB]  }
0x2c: {  	s7 =	sld [smem:$0x3FAC]  }
0x2d: {  	s3 =	simm.s32 $0x108;
	s8 =	sld [smem:$0x3FAD]  }
0x2e: {  	s3 =	simm.s32 @!p0 $0x1082;
	s9 =	sld [smem:$0x3FAE]  }
0x2f: {  	lr =	sadd.s32 s0, s3;
	s0 =	sld [smem:$0x3FA5]  }
0x30: {  	s3 =	sld [smem:$0x3FA8]  }
0x31: {  	[smem:$0x3FB1] =	sst s10  }
0x32: {  	s10 =	sld [smem:$0x3FAF];
	_ =	sdelay $0x3  }
0x33: {  	p0 =	seq.s32 s10, $0x1;
	s10 =	sld [smem:$0x3FB1];
	_ =	sdelay $0x3  }
0x34: {  	[smem:$0x3FB1] =	sst s10  }
0x35: {  	s10 =	sld [smem:$0x3FB0];
	_ =	sdelay $0x3  }
0x36: {  	p1 =	seq.s32 s10, $0x1;
	s10 =	sld [smem:$0x3FB1];
	_ =	sdelay $0x3  }
0x37: {  	[smem:$0x3FB1] =	sst s10  }
0x38: {  	s10 =	sld [smem:$0x3FB2]  }
0x39: {  	_ = 	snop;
	(pc) =	sbr.ind lr, $3  }
0x3a: {  	_ = 	snop  }
0x3b: {  	_ = 	snop  }
0x3c: {  	p2 =	seq.s32 s10, $0x1;
	s10 =	sld [smem:$0x3FB1]  }
0x3d: {  	_ =	shalt  }
0x3e: {  	_ =	shalt  }
0x3f: {  	_ =	shalt  }
0x40: {  	_ =	shalt  }
0x41: {  	_ =	shalt  }
0x42: {  	_ =	shalt  }
0x43: {  	_ =	shalt  }
0x44: {  	_ =	shalt  }
0x45: {  	_ =	shalt  }
0x46: {  	_ =	shalt  }
0x47: {  	_ =	shalt  }
0x48: {  	_ =	shalt  }
0x49: {  	_ =	shalt  }
0x4a: {  	_ =	shalt  }
0x4b: {  	_ =	shalt  }
0x4c: {  	_ =	shalt  }
0x4d: {  	_ =	shalt  }
0x4e: {  	_ =	shalt  }
0x4f: {  	_ =	shalt  }
0x50: {  	_ =	shalt  }
0x51: {  	_ =	shalt  }
0x52: {  	_ =	shalt  }
0x53: {  	_ =	shalt  }
0x54: {  	_ =	shalt  }
0x55: {  	_ =	shalt  }
0x56: {  	_ =	shalt  }
0x57: {  	_ =	shalt  }
0x58: {  	_ =	shalt  }
0x59: {  	_ =	shalt  }
0x5a: {  	_ =	shalt  }
0x5b: {  	_ =	shalt  }
0x5c: {  	_ =	shalt  }
0x5d: {  	_ =	shalt  }
0x5e: {  	_ =	shalt  }
0x5f: {  	_ =	shalt  }
0x60: {  	_ =	shalt  }
0x61: {  	_ =	shalt  }
0x62: {  	_ =	shalt  }
0x63: {  	_ =	shalt  }
0x64: {  	_ =	shalt  }
0x65: {  	_ =	shalt  }
0x66: {  	_ =	shalt  }
0x67: {  	_ =	shalt  }
0x68: {  	_ =	shalt  }
0x69: {  	_ =	shalt  }
0x6a: {  	_ =	shalt  }
0x6b: {  	_ =	shalt  }
0x6c: {  	_ =	shalt  }
0x6d: {  	_ =	shalt  }
0x6e: {  	_ =	shalt  }
0x6f: {  	_ =	shalt  }
0x70: {  	_ =	shalt  }
0x71: {  	_ =	shalt  }
0x72: {  	_ =	shalt  }
0x73: {  	_ =	shalt  }
0x74: {  	_ =	shalt  }
0x75: {  	_ =	shalt  }
0x76: {  	_ =	shalt  }
0x77: {  	_ =	shalt  }
0x78: {  	_ =	shalt  }
0x79: {  	_ =	shalt  }
0x7a: {  	_ =	shalt  }
0x7b: {  	_ =	shalt  }
0x7c: {  	_ =	shalt  }
0x7d: {  	_ =	shalt  }
0x7e: {  	_ =	shalt  }
0x7f: {  	_ =	shalt  }
0x80: {  	_ =	shalt  }
0x81: {  	_ =	shalt  }
0x82: {  	_ =	shalt  }
0x83: {  	_ =	shalt  }
0x84: {  	_ =	shalt  }
0x85: {  	_ =	shalt  }
0x86: {  	_ =	shalt  }
0x87: {  	_ =	shalt  }
.Lfunc_end0:
.L_simem_size_0:
called_computation.1_lowered:
.L_overlay_start_0:
0x88: {  	s2 =	sld [smem:$0x3FD9]  }
0x89: {  	s3 =	sld [smem:$0x3FFE];
	_ =	sdelay $0x1  }
0x8a: {  	s1 =	srdreg.scid  }
0x8b: {  	s0 =	sand.u32 $0x1, s1  }
0x8c: {  	s16 =	sshll.u32 s0, $0xA;
	s2 =	sadd.s32 s3, s2  }
0x8d: {  	s2 =	sadd.s32 s2, s16  }
0x8e: {  	[smem:$0x3FBD] =	sst s2  }
0x8f: {  	_ = 	snop  }
0x90: {  	(tm) =	ssettm $0x1  }
0x91: {  	s17 =	sld [smem:$0x3FFB];
	_ =	sdelay $0x3  }
0x92: {  	_ =	strace s17  }
0x93: {  	s2 =	sld [smem:$0x3FFC];
	_ =	sdelay $0x3  }
0x94: {  	_ =	strace s2  }
0x95: {  	s2 =	sld [smem:$0x3FFD];
	_ =	sdelay $0x3  }
0x96: {  	_ =	strace s2  }
0x97: {  	_ =	strace $0x8FFFFFFF  }
0x98: {  	s18 =	sld [smem:$0x3FDB];
	_ =	sdelay $0x1  }
0x99: {  	s19 =	simm.s32 $_scs_section_size  }
0x9a: {  	s4 =	simm.s32 $_size__tile_overlayer_lowered;
	s5 =	simm.s32 $_tile_overlayer_lowered  }
0x9b: {  	s22 =	simm.s32 $0x1BFF;
	s21 =	sshll.u32 s5, $0x1;
	s2 =	sadd.s32 s19, s18  }
0x9c: {  	s6 =	simm.s32 $0x0;
	s20 =	sshll.u32 s4, $0x1;
	s4 =	sadd.s32 s21, s2  }
0x9d: {  	[timem:s6], [sflag:s22] =	dma.local [hbm:s4], s20  }
0x9e: {  	_ =	swait.ge [sflag:s22], s20  }
0x9f: {  	s3 =	ssub.s32 $0x0, s20;
	[sflag:s22] =	ssyncset.done $0x0  }
0xa0: {  	[sflag:s22] =	ssyncadd.s32 s3;
	_ =	sdelay $0x1  }
0xa1: {  	s23 =	simm.s32 $0x1B8B  }
0xa2: {  	_ =	swait.ge [sflag:s23], $0x1  }
0xa3: {  	[sflag:s23] =	ssyncset.done $0x0  }
0xa4: {  	s25 =	simm.s32 $0x1B8E;
	s24 =	sld [smem:$0x3FFE];
	[sflag:s23] =	ssyncadd.s32 $0xFFFFFFFF  }
0xa5: {  	s26 =	simm.s32 $execute0_lowered;
	[smem:$0x3FD2] =	sst s25  }
0xa6: {  	s4 =	sshll.u32 s26, $0x1;
	_ =	strace $0x80000046;
	[dreg:$0x1] =	wrdreg $0xFFFFFFFF  }
0xa7: {  	s28 =	simm.s32 $_size_execute0_lowered;
	s2 =	sadd.s32 s2, s4;
	[dreg:$0x0] =	wrdreg $0x0  }
0xa8: {  	s4 =	sshll.u32 s28, $0x1;
	[dreg:$0x2] =	wrdreg s2  }
0xa9: {  	[dreg:$0x3] =	wrdreg s4  }
0xaa: {  	[dreg:$0x4] =	wrdreg $0xC0  }
0xab: {  	_ =	task [dreg:s6], $0x5FFFF  }
0xac: {  	[dreg:$0x1] =	wrdreg $0xFFFFFFFF  }
0xad: {  	[dreg:$0x0] =	wrdreg $0x60  }
0xae: {  	[dreg:$0x2] =	wrdreg s24  }
0xaf: {  	[dreg:$0x3] =	wrdreg $0x9  }
0xb0: {  	_ =	task.clear_ibuf [dreg:s6], $0x4FFFF;
	_ =	strace $0x90000046  }
0xb1: {  	s29 =	simm.s32 $0x9;
	_ =	strace $0x80000048  }
0xb2: {  	_ =	swait.ge [sflag:s29], $0x1  }
0xb3: {  	[sflag:s29] =	ssyncadd.s32 $0xFFFFFFFF  }
0xb4: {  	_ =	strace $0x90000048  }
0xb5: {  	_ =	sfence  }
0xb6: {  	s30 =	sld [smem:$0x0];
	_ =	sdelay $0x2  }
0xb7: {  	s31 =	sshll.u32 s1, $0xD;
	s1 =	sshrl.u32 s1, $0x2  }
0xb8: {  	s3 =	sand.u32 $0x4000, s31;
	s1 =	sadd.s32 s1, s30  }
0xb9: {  	s0 =	sor.u32 s3, s0;
	s1 =	sshll.u32 s1, $0x11  }
0xba: {  	s0 =	sor.u32 s1, s0  }
0xbb: {  	s0 =	sadd.s32 $0x8F2B, s0  }
0xbc: {  	[sflag:s0] =	ssyncadd.remote.s32 $0x1  }
0xbd: {  	_ =	sfence.sel $0xFFFF  }
0xbe: {  	[dreg:$0x0] =	wrdreg $0xFFFFFFFF;
	(pc) =	sbr.abs _section_cstart, $3  }
0xbf: {  	[dreg:$0x1] =	wrdreg $0xFFFFFFFF  }
0xc0: {  	_ =	task.clear_ibuf [dreg:s6], $0x2FFFF;
	_ =	strace $0x9FFFFFFF  }
0xc1: {  	(tm) =	ssettm $0x7FFFFFFF  }
tec
execute0_lowered:
.L_overlay_start_1:
0x0: {  	(tag) =	ssettag $0x1  }
0x1: {  	s1 =	srdreg.scid;
	s0 =	stileid.u32  }
0x2: {  	s4 =	rddreg [dreg:$0x0];
	s3 =	sand.u32 $0x1, s1;
	s30 =	sshll.u32 s0, $0x1  }
0x3: {  	s2 =	simm.s32 $0x0;
	s8 =	simm.s32 $0x0;
	s5 =	sor.u32 s3, s30  }
0x4: {  	s1 =	rddreg [dreg:$0x1];
	s3 =	ssub.s32 $0x2, s3;
	s6 =	smul.u32 $0xC38, s5  }
0x5: {  	[smem:$0x7FF] =	sst s2;
	s5 =	smul.u32 $0x1900, s5;
	s7 =	sshrl.u32 s3, $0x1  }
0x6: {  	_ =	strace $0x80000047;
	s31 =	ssub.s32 s3, s7;
	s7 =	simm.s32 $0x61C0  }
0x7: {  	s6 =	sadd.s32 s6, s4;
	s4 =	sadd.s32 s5, s4;
	s5 =	smax.u32 s31, $0x1  }
0x8: {  	v0 =	vimm.f32 $0.0e+00;
	v1 =	vimm.f32 $1.000000000e+00;
	s3 =	sadd.s32 $0x1B200, s6;
	s4 =	sadd.s32 $0x33A00, s4;
	s6 =	simm.s32 $0x1  }
.LBB2_1:
0x9: {  	[tilespmem:s2], [sflag:$0x1] =	stream.linear.gather [hbm4b:s3+s2], $0x61C0, $0x38;
	[tilespmem:$0x129C0] =	vst v63  }
0xa: {  	_ =	swait.ge [sflag:s6], $0x61C0  }
0xb: {  	[sflag:s6] =	ssyncset.done $0x0  }
0xc: {  	s9 =	simm.s32 $0x0;
	[sflag:s6] =	ssyncadd.s32 $0xFFFF9E40  }
.LBB2_2:
0xd: {  	p0 =	sne.s32 s9, $0x31FC0  }
.Ltmp0:
0xe: {  	_ = 	snop;
	(pc) =	sbr.rel @p0 .LBB2_2-.Ltmp0, $3  }
0xf: {  	_ =	sdelay $0x1  }
0x10: {  	s10 =	sshra.s32 s9, $0x2  }
0x11: {  	s9 =	sadd.s32 $0x40, s9;
	[tilespmem:s10+$0x61C0] =	vst v0  }
0x12: {  	s10 =	simm.s32 $0x0;
	s9 =	simm.s32 $0x40  }
.LBB2_4:
0x13: {  	p0 =	sne.s32 s9, $0x186C0;
	v2 =	vld [tilespmem:s10+$0x0];
	_ =	sdelay $0x3  }
.Ltmp1:
0x14: {  	(pc) =	sbr.rel @p0 .LBB2_4-.Ltmp1, $2  }
0x15: {  	_ =	sdelay $0x2  }
0x16: {  	s10 =	sshra.s32 s9, $0x2;
	s9 =	sadd.s32 $0x40, s9;
	[tilespmem:v2+s7+$0x0] =	vst.idx.add.f32.msk $0xffff, v1  }
0x17: {  	v2 =	vld [tilespmem:s10+$0x0];
	_ =	sdelay $0x5  }
0x18: {  	s8 =	sadd.s32 $0x1, s8  }
0x19: {  	p0 =	sne.s32 s8, s5  }
.Ltmp2:
0x1a: {  	[tilespmem:v2+s7+$0x0] =	vst.idx.add.f32.msk $0xffff, v1;
	(pc) =	sbr.rel @p0 .LBB2_1-.Ltmp2, $4  }
0x1b: {  	[hbm4b:s4+s2] =	stream.linear.scatter [tilespmem:s7], [sflag:$0x1], $0xC800, $0x38;
	[tilespmem:$0x129C0] =	vst v63  }
0x1c: {  	_ =	swait.ge [sflag:s6], $0xC800  }
0x1d: {  	[sflag:s6] =	ssyncset.done $0x0  }
0x1e: {  	[sflag:s6] =	ssyncadd.s32 $0xFFFF3800  }
0x1f: {  	_ =	sfence.sel $0x180000  }
0x20: {  	[bflag:$0x0] =	sbarrier.arrive $0xFFFF  }
0x21: {  	p0 =	sne.s32 s0, $0x0;
	_ =	strace $0x90000047  }
0x22: {  	s0 =	sadd.s32 @!p0 $0x100000, s1;
	[bflag:$0x2] =	sbarrier.arrive $0xFFFF  }
0x23: {  	[sflag:s0] =	ssyncadd.tile.s32 @!p0 $0x1;
	_ =	shalt  }
.Lfunc_end2:
_tile_overlayer_lowered:
.L_overlay_start_2:
0x24: {  	(tag) =	ssettag $0x2  }
0x25: {  	s0 =	rddreg [dreg:$0x0];
	s2 =	stileid.u32  }
0x26: {  	s1 =	rddreg [dreg:$0x1];
	p0 =	sne.s32 s2, $0x0  }
0x27: {  	s3 =	rddreg [dreg:$0x2];
	[bflag:$0x3] =	sbarrier.arrive $0xFFFF;
	s2 =	simm.s32 @!p0 $0x1C01  }
0x28: {  	[timem:s3], [sflag:s2] =	dma.local @!p0 [hbm:s0], s1  }
0x29: {  	s0 =	simm.s32 @!p0 $0x1  }
0x2a: {  	_ =	swait.ge @!p0 [sflag:s0], s1  }
0x2b: {  	s1 =	ssub.s32 @!p0 $0x0, s1;
	[sflag:s0] =	ssyncset.done @!p0 $0x0  }
0x2c: {  	[sflag:s0] =	ssyncadd.s32 @!p0 s1  }
0x2d: {  	[bflag:$0x3] =	sbarrier.arrive $0xFFFF  }
0x2e: {  	_ =	shalt  }

</sc_bundles>
